<compile_context>
chip_gen: v7x
topology: tpu7x:2x2x1
jax: 0.10.2.dev20260603
libtpu: 0.0.44.dev20260713+nightly
codegen_flags: <defaults>
</compile_context>

<pallas_src>
import functools
import jax
import jax.numpy as jnp
from jax import lax
from jax.experimental import pallas as pl
from jax.experimental.pallas import tpu as pltpu
from jax.experimental.pallas import tpu_sc as plsc

_NC, _NF, _DX, _DS, _B = 4096, 16384, 64, 64, 16
_DIN, _DOUT, _K = 128, 128, 3
_T = 512
_NT = _NF // _T
_W = 256
_INF = float("inf")

_NW = 32
_PW = _NF // _NW
_PC = 256
_NCH_SC = _PW // _PC
_G = 16


def _knn_body(cbase_ref, nch_ref, pos_t_ref, batch_row_ref,
              pos_skip_ref, batch_col_ref,
              i1_ref, i2_ref, i3_ref, w1_ref, w2_ref, w3_ref):
    t = pl.program_id(0)
    if True:
        ps = pos_skip_ref[...]
        bs = batch_col_ref[...]
        psn = jnp.sum(ps * ps, axis=1, keepdims=True)
        ps_bf = ps.astype(jnp.bfloat16)
        base0 = cbase_ref[t]
        nch = nch_ref[t]

        def p1(c, carry):
            v1, i1, v2, i2, v3, i3 = carry
            cb = pl.multiple_of(base0 + c * _W, _W)
            pt = pos_t_ref[:, pl.ds(cb, _W)]
            br = batch_row_ref[:, pl.ds(cb, _W)]
            cross = jnp.dot(ps_bf, pt.astype(jnp.bfloat16),
                            preferred_element_type=jnp.float32)
            pn = jnp.sum(pt * pt, axis=0, keepdims=True)
            d2 = jnp.maximum((psn + pn) - 2.0 * cross, 0.0)
            d2 = jnp.where(bs != br, _INF, d2)
            giota = cb + lax.broadcasted_iota(jnp.int32, (1, _W), 1)
            cand = [v1, i1, v2, i2, v3, i3]
            for _j in range(_K):
                m = jnp.min(d2, axis=1, keepdims=True)
                g = jnp.min(jnp.where(d2 <= m, giota, _NC),
                            axis=1, keepdims=True)
                d2 = jnp.where(giota == g, _INF, d2)
                cand.extend([m, g])
            vs = cand[0::2]
            gs = cand[1::2]
            out = []
            for _j in range(_K):
                mv = vs[0]
                for v in vs[1:]:
                    mv = jnp.minimum(mv, v)
                mi = jnp.full((_T, 1), _NC, jnp.int32)
                for v, g in zip(vs, gs):
                    mi = jnp.minimum(mi, jnp.where(v <= mv, g, _NC))
                out.extend([mv, mi])
                vs = [jnp.where((v <= mv) & (g == mi), _INF, v)
                      for v, g in zip(vs, gs)]
            return tuple(out)

        ful = jnp.full((_T, 1), _INF, jnp.float32)
        zi = jnp.zeros((_T, 1), jnp.int32)
        v1, i1, v2, i2, v3, i3 = lax.fori_loop(
            0, nch, p1, (ful, zi, ful, zi, ful, zi))
        w1 = 1.0 / jnp.maximum(v1, 1e-16)
        w2 = 1.0 / jnp.maximum(v2, 1e-16)
        w3 = 1.0 / jnp.maximum(v3, 1e-16)
        inv = 1.0 / (w1 + w2 + w3)
        i1_ref[...] = i1
        i2_ref[...] = i2
        i3_ref[...] = i3
        w1_ref[...] = w1 * inv
        w2_ref[...] = w2 * inv
        w3_ref[...] = w3 * inv


def _sc_interp(x_hbm, i1_hbm, i2_hbm, i3_hbm, w1_hbm, w2_hbm, w3_hbm,
               y_hbm, i1_v, i2_v, i3_v, w1_v, w2_v, w3_v,
               r1_v, r2_v, r3_v, y_v, sem):
    wid = lax.axis_index("s") * 2 + lax.axis_index("c")

    def chunk(ch, _):
        pbase = wid * _PW + ch * _PC
        for ih, iv in ((i1_hbm, i1_v), (i2_hbm, i2_v), (i3_hbm, i3_v)):
            pltpu.sync_copy(ih.at[pl.ds(pbase, _PC)], iv)
        for wh, wv in ((w1_hbm, w1_v), (w2_hbm, w2_v), (w3_hbm, w3_v)):
            pltpu.sync_copy(wh.at[pl.ds(pbase, _PC)], wv)
        for iv, rv in ((i1_v, r1_v), (i2_v, r2_v), (i3_v, r3_v)):
            pltpu.async_copy(x_hbm.at[iv], rv, sem).wait()

        def group(gi, _):
            gb = pl.multiple_of(gi * _G, _G)
            w1g = w1_v[pl.ds(gb, _G)]
            w2g = w2_v[pl.ds(gb, _G)]
            w3g = w3_v[pl.ds(gb, _G)]
            for l in range(_G):
                p = gb + l
                for cblk in range(_DX // 16):
                    sl = pl.ds(cblk * 16, 16)
                    y_v[pl.ds(p * _DX + cblk * 16, 16)] = (
                        w1g[l] * r1_v[p, sl]
                        + w2g[l] * r2_v[p, sl]
                        + w3g[l] * r3_v[p, sl])
            return 0

        lax.fori_loop(0, _PC // _G, group, 0)
        pltpu.sync_copy(y_v, y_hbm.at[pl.ds(pbase * _DX, _PC * _DX)])
        return 0

    lax.fori_loop(0, _NCH_SC, chunk, 0)


def _mlp_body(y_ref, x_skip_ref, w1a_ref, w1b_ref, p1_ref, w2_ref, p2_ref,
              out_ref, h1_ref):
    def tile_mlp1(t, carry):
        s1, q1 = carry
        o = pl.multiple_of(t * _T, _T)
        y = y_ref[pl.ds(o, _T), :]
        xs = x_skip_ref[pl.ds(o, _T), :]
        h1 = (jnp.dot(y, w1a_ref[...], preferred_element_type=jnp.float32)
              + jnp.dot(xs, w1b_ref[...], preferred_element_type=jnp.float32)
              + p1_ref[0:1, :])
        h1_ref[pl.ds(o, _T), :] = h1
        return (s1 + jnp.sum(h1, axis=0, keepdims=True),
                q1 + jnp.sum(h1 * h1, axis=0, keepdims=True))

    z = jnp.zeros((1, _DOUT), jnp.float32)
    s1, q1 = lax.fori_loop(0, _NT, tile_mlp1, (z, z))
    mu1 = s1 / _NF
    var1 = q1 / _NF - mu1 * mu1
    sc1 = p1_ref[1:2, :] * lax.rsqrt(var1 + 1e-5)
    sh1 = p1_ref[2:3, :] - mu1 * sc1

    def tile_mlp2(t, carry):
        s2, q2 = carry
        o = pl.multiple_of(t * _T, _T)
        h1 = h1_ref[pl.ds(o, _T), :]
        zrel = jnp.maximum(h1 * sc1 + sh1, 0.0)
        h2 = (jnp.dot(zrel, w2_ref[...], preferred_element_type=jnp.float32)
              + p2_ref[0:1, :])
        out_ref[pl.ds(o, _T), :] = h2
        return (s2 + jnp.sum(h2, axis=0, keepdims=True),
                q2 + jnp.sum(h2 * h2, axis=0, keepdims=True))

    s2, q2 = lax.fori_loop(0, _NT, tile_mlp2, (z, z))
    mu2 = s2 / _NF
    var2 = q2 / _NF - mu2 * mu2
    sc2 = p2_ref[1:2, :] * lax.rsqrt(var2 + 1e-5)
    sh2 = p2_ref[2:3, :] - mu2 * sc2

    def tile_bn2(t, _):
        o = pl.multiple_of(t * _T, _T)
        h2 = out_ref[pl.ds(o, _T), :]
        out_ref[pl.ds(o, _T), :] = jnp.maximum(h2 * sc2 + sh2, 0.0)
        return 0

    lax.fori_loop(0, _NT, tile_bn2, 0)


def kernel(x, pos, batch, x_skip, pos_skip, batch_skip,
           W1, b1, g1, be1, W2, b2, g2, be2):
    pos_t = pos.T
    batch_i = batch.astype(jnp.int32)
    batch_row = batch_i.reshape(1, _NC)
    batch_col = batch_skip.astype(jnp.int32).reshape(_NF, 1)
    w1a, w1b = W1[:_DX], W1[_DX:]
    p1 = jnp.stack([b1, g1, be1])
    p2 = jnp.stack([b2, g2, be2])

    tids = jnp.arange(_NT)
    blo = batch_skip[tids * _T]
    bhi = batch_skip[tids * _T + (_T - 1)]
    clo = jnp.searchsorted(batch_i, blo.astype(jnp.int32), side="left")
    chi = jnp.searchsorted(batch_i, bhi.astype(jnp.int32), side="right")
    cbase = ((clo // _W) * _W).astype(jnp.int32)
    nch = ((chi.astype(jnp.int32) - cbase + _W - 1) // _W)

    grid_spec = pltpu.PrefetchScalarGridSpec(
        num_scalar_prefetch=2,
        grid=(_NT,),
        in_specs=[
            pl.BlockSpec((3, _NC), lambda t, cb, nc: (0, 0)),
            pl.BlockSpec((1, _NC), lambda t, cb, nc: (0, 0)),
            pl.BlockSpec((_T, 3), lambda t, cb, nc: (t, 0)),
            pl.BlockSpec((_T, 1), lambda t, cb, nc: (t, 0)),
        ],
        out_specs=[pl.BlockSpec((_T, 1), lambda t, cb, nc: (t, 0))] * 6,
    )
    cols = pl.pallas_call(
        _knn_body,
        grid_spec=grid_spec,
        out_shape=[jax.ShapeDtypeStruct((_NF, 1), jnp.int32)] * 3
        + [jax.ShapeDtypeStruct((_NF, 1), jnp.float32)] * 3,
    )(cbase, nch, pos_t, batch_row, pos_skip, batch_col)
    i1, i2, i3, wn1, wn2, wn3 = [c.reshape(_NF) for c in cols]

    mesh = plsc.VectorSubcoreMesh(core_axis_name="c", subcore_axis_name="s")
    sc = functools.partial(
        pl.kernel, mesh=mesh,
        out_type=jax.ShapeDtypeStruct((_NF * _DX,), jnp.float32),
        scratch_types=[
            pltpu.VMEM((_PC,), jnp.int32),
            pltpu.VMEM((_PC,), jnp.int32),
            pltpu.VMEM((_PC,), jnp.int32),
            pltpu.VMEM((_PC,), jnp.float32),
            pltpu.VMEM((_PC,), jnp.float32),
            pltpu.VMEM((_PC,), jnp.float32),
            pltpu.VMEM((_PC, 2 * _DX), jnp.float32),
            pltpu.VMEM((_PC, 2 * _DX), jnp.float32),
            pltpu.VMEM((_PC, 2 * _DX), jnp.float32),
            pltpu.VMEM((_PC * _DX,), jnp.float32),
            pltpu.SemaphoreType.DMA,
        ],
    )(_sc_interp)
    x_pad = jnp.concatenate([x, jnp.zeros_like(x)], axis=1)
    y = sc(x_pad, i1, i2, i3, wn1, wn2, wn3).reshape(_NF, _DX)

    h = pl.pallas_call(
        _mlp_body,
        out_shape=jax.ShapeDtypeStruct((_NF, _DOUT), jnp.float32),
        scratch_shapes=[pltpu.VMEM((_NF, _DOUT), jnp.float32)],
    )(y, x_skip, w1a, w1b, p1, W2, p2)
    return (h, pos_skip, batch_skip)

# --- scband reference (transcript-rebuilt; emitter-appended) ---
"""Pipeline reference for scband-feature-propagation-module-56916906606963 (READ-ONLY COPY).

The authoritative reference and input builder live on the scoring server;
editing this copy changes nothing except your own understanding.
"""

import jax, jax.numpy as jnp
import numpy as np

NC, NF, DX, DS, B = 4096, 16384, 64, 64, 16
DIN, DOUT, K = 128, 128, 3


def setup_inputs(seed: int = 0) -> dict:
    key = jax.random.key(seed)
    ks = jax.random.split(key, 10)
    x = jax.random.normal(ks[0], (NC, DX), dtype=jnp.float32)
    pos = jax.random.normal(ks[1], (NC, 3), dtype=jnp.float32)
    batch = jnp.sort(jax.random.randint(ks[2], (NC,), 0, B))
    x_skip = jax.random.normal(ks[3], (NF, DS), dtype=jnp.float32)
    pos_skip = jax.random.normal(ks[4], (NF, 3), dtype=jnp.float32)
    batch_skip = jnp.sort(jax.random.randint(ks[5], (NF,), 0, B))
    W1 = jax.random.normal(ks[6], (DIN, DOUT), dtype=jnp.float32) / np.sqrt(DIN)
    b1 = jnp.zeros((DOUT,), dtype=jnp.float32)
    g1 = jnp.ones((DOUT,), dtype=jnp.float32)
    be1 = jnp.zeros((DOUT,), dtype=jnp.float32)
    W2 = jax.random.normal(ks[7], (DOUT, DOUT), dtype=jnp.float32) / np.sqrt(DOUT)
    b2 = jnp.zeros((DOUT,), dtype=jnp.float32)
    g2 = jnp.ones((DOUT,), dtype=jnp.float32)
    be2 = jnp.zeros((DOUT,), dtype=jnp.float32)
    return {"x": x, "pos": pos, "batch": batch, "x_skip": x_skip,
            "pos_skip": pos_skip, "batch_skip": batch_skip,
            "W1": W1, "b1": b1, "g1": g1, "be1": be1,
            "W2": W2, "b2": b2, "g2": g2, "be2": be2}


def _knn_interpolate(x, pos, pos_skip, batch, batch_skip, k):
    # squared pairwise distances [NF, NC], masked across batch boundaries
    d2 = (jnp.sum(pos_skip * pos_skip, axis=1, keepdims=True)
          + jnp.sum(pos * pos, axis=1)[None, :]
          - 2.0 * (pos_skip @ pos.T))
    d2 = jnp.maximum(d2, 0.0)
    mask = batch_skip[:, None] != batch[None, :]
    d2 = jnp.where(mask, jnp.inf, d2)
    neg_d, idx = jax.lax.top_k(-d2, k)  # k nearest per fine point
    sqd = -neg_d
    w = 1.0 / jnp.maximum(sqd, 1e-16)  # inverse-distance weights
    w = jax.lax.stop_gradient(w)  # torch_geometric computes weights under no_grad
    num = jnp.sum(jnp.take(x, idx, axis=0) * w[..., None], axis=1)
    den = jnp.sum(w, axis=1, keepdims=True)
    return num / den


def _lin_bn_act(h, W, b, g, be):
    h = h @ W + b
    mu = jnp.mean(h, axis=0)
    var = jnp.var(h, axis=0)  # biased, matches torch BN training normalization
    h = (h - mu) / jnp.sqrt(var + 1e-5) * g + be
    return jax.nn.relu(h)


def reference(x, pos, batch, x_skip, pos_skip, batch_skip,
              W1, b1, g1, be1, W2, b2, g2, be2):
    y = _knn_interpolate(x, pos, pos_skip, batch, batch_skip, K)
    h = jnp.concatenate([y, x_skip], axis=1)
    h = _lin_bn_act(h, W1, b1, g1, be1)
    h = _lin_bn_act(h, W2, b2, g2, be2)
    return (h, pos_skip, batch_skip)

if __name__ == "__main__":
    import jax
    _d = setup_inputs()
    print(jax.jit(kernel)(*tuple(_d.values())))

</pallas_src>

<mosaic_0001>
#map = affine_map<(d0, d1) -> (0, 0)>
#map1 = affine_map<(d0, d1) -> (0)>
module attributes {stable_mosaic.version = 14 : i64} {
  func.func @_sc_interp(%arg0: i32, %arg1: i32, %arg2: memref<4096x128xf32, #tpu.memory_space<hbm>>, %arg3: memref<16384xi32, #tpu.memory_space<hbm>>, %arg4: memref<16384xi32, #tpu.memory_space<hbm>>, %arg5: memref<16384xi32, #tpu.memory_space<hbm>>, %arg6: memref<16384xf32, #tpu.memory_space<hbm>>, %arg7: memref<16384xf32, #tpu.memory_space<hbm>>, %arg8: memref<16384xf32, #tpu.memory_space<hbm>>, %arg9: memref<1048576xf32, #tpu.memory_space<hbm>>, %arg10: memref<256xi32, #tpu.memory_space<vmem>>, %arg11: memref<256xi32, #tpu.memory_space<vmem>>, %arg12: memref<256xi32, #tpu.memory_space<vmem>>, %arg13: memref<256xf32, #tpu.memory_space<vmem>>, %arg14: memref<256xf32, #tpu.memory_space<vmem>>, %arg15: memref<256xf32, #tpu.memory_space<vmem>>, %arg16: memref<256x128xf32, #tpu.memory_space<vmem>>, %arg17: memref<256x128xf32, #tpu.memory_space<vmem>>, %arg18: memref<256x128xf32, #tpu.memory_space<vmem>>, %arg19: memref<16384xf32, #tpu.memory_space<vmem>>, %arg20: memref<!tpu.dma_semaphore, #tpu.memory_space<semaphore_mem>>) attributes {dimension_semantics = [#tpu.dimension_semantics<core_parallel>, #tpu.dimension_semantics<subcore_parallel>], iteration_bounds = array<i64: 2, 16>, scalar_prefetch = 0 : i64, scratch_operands = 11 : i64, tpu.core_type = #tpu.core_type<sc_vector_subcore>, window_params = [{transform_indices = #map}, {transform_indices = #map1}, {transform_indices = #map1}, {transform_indices = #map1}, {transform_indices = #map1}, {transform_indices = #map1}, {transform_indices = #map1}, {transform_indices = #map1}]} {
    %mul3A = arith.constant 2 : i32
    %mul3A_0 = arith.muli %arg1, %mul3A : i32
    %add3A = arith.addi %mul3A_0, %arg0 : i32
    %scan3A = arith.constant 0 : i32
    %scan3A_1 = arith.constant 0 : i32
    %scan3A_2 = arith.constant 2 : i32
    %scan3A_3 = arith.addi %scan3A_1, %scan3A_2 : i32
    %scan3A_4 = arith.constant 1 : i32
    %scan3A_5 = scf.for %scan3A_7 = %scan3A_1 to %scan3A_3 step %scan3A_4 iter_args(%scan3A_8 = %scan3A) -> (i32)  : i32 {
      %mul3A_9 = arith.constant 512 : i32
      %mul3A_10 = arith.muli %add3A, %mul3A_9 : i32
      %mul3A_11 = arith.constant 256 : i32
      %mul3A_12 = arith.muli %scan3A_7, %mul3A_11 : i32
      %add3A_13 = arith.addi %mul3A_10, %mul3A_12 : i32
      "tpu.region"() ({
        %run_scoped3A = tpu.sem_alloc : memref<!tpu.dma_semaphore, #tpu.memory_space<semaphore_mem>>
        %dma_start3A_40 = tpu.memref_slice %arg3[%add3A_13] : memref<16384xi32, #tpu.memory_space<hbm>> -> memref<256xi32, #tpu.memory_space<hbm>>
        %dma_start3A_41 = tpu.memref_slice %arg3[%add3A_13] : memref<16384xi32, #tpu.memory_space<hbm>> -> memref<256xi32, #tpu.memory_space<hbm>>
        tpu.enqueue_dma source(%dma_start3A_41 : memref<256xi32, #tpu.memory_space<hbm>>) target(%arg10 : memref<256xi32, #tpu.memory_space<vmem>>) target_semaphore(%run_scoped3A : memref<!tpu.dma_semaphore, #tpu.memory_space<semaphore_mem>>)
        %dma_wait3A_42 = tpu.memref_slice %arg3[%add3A_13] : memref<16384xi32, #tpu.memory_space<hbm>> -> memref<256xi32, #tpu.memory_space<hbm>>
        %dma_wait3A_43 = tpu.memref_slice %arg3[%add3A_13] : memref<16384xi32, #tpu.memory_space<hbm>> -> memref<256xi32, #tpu.memory_space<hbm>>
        tpu.wait_dma2 semaphore(%run_scoped3A : memref<!tpu.dma_semaphore, #tpu.memory_space<semaphore_mem>>) src(%dma_wait3A_43 : memref<256xi32, #tpu.memory_space<hbm>>) dst(%arg10 : memref<256xi32, #tpu.memory_space<vmem>>)
        tpu.yield
      }) : () -> ()
      "tpu.region"() ({
        %run_scoped3A = tpu.sem_alloc : memref<!tpu.dma_semaphore, #tpu.memory_space<semaphore_mem>>
        %dma_start3A_40 = tpu.memref_slice %arg4[%add3A_13] : memref<16384xi32, #tpu.memory_space<hbm>> -> memref<256xi32, #tpu.memory_space<hbm>>
        %dma_start3A_41 = tpu.memref_slice %arg4[%add3A_13] : memref<16384xi32, #tpu.memory_space<hbm>> -> memref<256xi32, #tpu.memory_space<hbm>>
        tpu.enqueue_dma source(%dma_start3A_41 : memref<256xi32, #tpu.memory_space<hbm>>) target(%arg11 : memref<256xi32, #tpu.memory_space<vmem>>) target_semaphore(%run_scoped3A : memref<!tpu.dma_semaphore, #tpu.memory_space<semaphore_mem>>)
        %dma_wait3A_42 = tpu.memref_slice %arg4[%add3A_13] : memref<16384xi32, #tpu.memory_space<hbm>> -> memref<256xi32, #tpu.memory_space<hbm>>
        %dma_wait3A_43 = tpu.memref_slice %arg4[%add3A_13] : memref<16384xi32, #tpu.memory_space<hbm>> -> memref<256xi32, #tpu.memory_space<hbm>>
        tpu.wait_dma2 semaphore(%run_scoped3A : memref<!tpu.dma_semaphore, #tpu.memory_space<semaphore_mem>>) src(%dma_wait3A_43 : memref<256xi32, #tpu.memory_space<hbm>>) dst(%arg11 : memref<256xi32, #tpu.memory_space<vmem>>)
        tpu.yield
      }) : () -> ()
      "tpu.region"() ({
        %run_scoped3A = tpu.sem_alloc : memref<!tpu.dma_semaphore, #tpu.memory_space<semaphore_mem>>
        %dma_start3A_40 = tpu.memref_slice %arg5[%add3A_13] : memref<16384xi32, #tpu.memory_space<hbm>> -> memref<256xi32, #tpu.memory_space<hbm>>
        %dma_start3A_41 = tpu.memref_slice %arg5[%add3A_13] : memref<16384xi32, #tpu.memory_space<hbm>> -> memref<256xi32, #tpu.memory_space<hbm>>
        tpu.enqueue_dma source(%dma_start3A_41 : memref<256xi32, #tpu.memory_space<hbm>>) target(%arg12 : memref<256xi32, #tpu.memory_space<vmem>>) target_semaphore(%run_scoped3A : memref<!tpu.dma_semaphore, #tpu.memory_space<semaphore_mem>>)
        %dma_wait3A_42 = tpu.memref_slice %arg5[%add3A_13] : memref<16384xi32, #tpu.memory_space<hbm>> -> memref<256xi32, #tpu.memory_space<hbm>>
        %dma_wait3A_43 = tpu.memref_slice %arg5[%add3A_13] : memref<16384xi32, #tpu.memory_space<hbm>> -> memref<256xi32, #tpu.memory_space<hbm>>
        tpu.wait_dma2 semaphore(%run_scoped3A : memref<!tpu.dma_semaphore, #tpu.memory_space<semaphore_mem>>) src(%dma_wait3A_43 : memref<256xi32, #tpu.memory_space<hbm>>) dst(%arg12 : memref<256xi32, #tpu.memory_space<vmem>>)
        tpu.yield
      }) : () -> ()
      "tpu.region"() ({
        %run_scoped3A = tpu.sem_alloc : memref<!tpu.dma_semaphore, #tpu.memory_space<semaphore_mem>>
        %dma_start3A_40 = tpu.memref_slice %arg6[%add3A_13] : memref<16384xf32, #tpu.memory_space<hbm>> -> memref<256xf32, #tpu.memory_space<hbm>>
        %dma_start3A_41 = tpu.memref_slice %arg6[%add3A_13] : memref<16384xf32, #tpu.memory_space<hbm>> -> memref<256xf32, #tpu.memory_space<hbm>>
        tpu.enqueue_dma source(%dma_start3A_41 : memref<256xf32, #tpu.memory_space<hbm>>) target(%arg13 : memref<256xf32, #tpu.memory_space<vmem>>) target_semaphore(%run_scoped3A : memref<!tpu.dma_semaphore, #tpu.memory_space<semaphore_mem>>)
        %dma_wait3A_42 = tpu.memref_slice %arg6[%add3A_13] : memref<16384xf32, #tpu.memory_space<hbm>> -> memref<256xf32, #tpu.memory_space<hbm>>
        %dma_wait3A_43 = tpu.memref_slice %arg6[%add3A_13] : memref<16384xf32, #tpu.memory_space<hbm>> -> memref<256xf32, #tpu.memory_space<hbm>>
        tpu.wait_dma2 semaphore(%run_scoped3A : memref<!tpu.dma_semaphore, #tpu.memory_space<semaphore_mem>>) src(%dma_wait3A_43 : memref<256xf32, #tpu.memory_space<hbm>>) dst(%arg13 : memref<256xf32, #tpu.memory_space<vmem>>)
        tpu.yield
      }) : () -> ()
      "tpu.region"() ({
        %run_scoped3A = tpu.sem_alloc : memref<!tpu.dma_semaphore, #tpu.memory_space<semaphore_mem>>
        %dma_start3A_40 = tpu.memref_slice %arg7[%add3A_13] : memref<16384xf32, #tpu.memory_space<hbm>> -> memref<256xf32, #tpu.memory_space<hbm>>
        %dma_start3A_41 = tpu.memref_slice %arg7[%add3A_13] : memref<16384xf32, #tpu.memory_space<hbm>> -> memref<256xf32, #tpu.memory_space<hbm>>
        tpu.enqueue_dma source(%dma_start3A_41 : memref<256xf32, #tpu.memory_space<hbm>>) target(%arg14 : memref<256xf32, #tpu.memory_space<vmem>>) target_semaphore(%run_scoped3A : memref<!tpu.dma_semaphore, #tpu.memory_space<semaphore_mem>>)
        %dma_wait3A_42 = tpu.memref_slice %arg7[%add3A_13] : memref<16384xf32, #tpu.memory_space<hbm>> -> memref<256xf32, #tpu.memory_space<hbm>>
        %dma_wait3A_43 = tpu.memref_slice %arg7[%add3A_13] : memref<16384xf32, #tpu.memory_space<hbm>> -> memref<256xf32, #tpu.memory_space<hbm>>
        tpu.wait_dma2 semaphore(%run_scoped3A : memref<!tpu.dma_semaphore, #tpu.memory_space<semaphore_mem>>) src(%dma_wait3A_43 : memref<256xf32, #tpu.memory_space<hbm>>) dst(%arg14 : memref<256xf32, #tpu.memory_space<vmem>>)
        tpu.yield
      }) : () -> ()
      "tpu.region"() ({
        %run_scoped3A = tpu.sem_alloc : memref<!tpu.dma_semaphore, #tpu.memory_space<semaphore_mem>>
        %dma_start3A_40 = tpu.memref_slice %arg8[%add3A_13] : memref<16384xf32, #tpu.memory_space<hbm>> -> memref<256xf32, #tpu.memory_space<hbm>>
        %dma_start3A_41 = tpu.memref_slice %arg8[%add3A_13] : memref<16384xf32, #tpu.memory_space<hbm>> -> memref<256xf32, #tpu.memory_space<hbm>>
        tpu.enqueue_dma source(%dma_start3A_41 : memref<256xf32, #tpu.memory_space<hbm>>) target(%arg15 : memref<256xf32, #tpu.memory_space<vmem>>) target_semaphore(%run_scoped3A : memref<!tpu.dma_semaphore, #tpu.memory_space<semaphore_mem>>)
        %dma_wait3A_42 = tpu.memref_slice %arg8[%add3A_13] : memref<16384xf32, #tpu.memory_space<hbm>> -> memref<256xf32, #tpu.memory_space<hbm>>
        %dma_wait3A_43 = tpu.memref_slice %arg8[%add3A_13] : memref<16384xf32, #tpu.memory_space<hbm>> -> memref<256xf32, #tpu.memory_space<hbm>>
        tpu.wait_dma2 semaphore(%run_scoped3A : memref<!tpu.dma_semaphore, #tpu.memory_space<semaphore_mem>>) src(%dma_wait3A_43 : memref<256xf32, #tpu.memory_space<hbm>>) dst(%arg15 : memref<256xf32, #tpu.memory_space<vmem>>)
        tpu.yield
      }) : () -> ()
      %dma_start3A = arith.constant 0 : i32
      %dma_start3A_14 = arith.constant 0 : i32
      %dma_start3A_15 = tpu.memref_slice %arg2[%dma_start3A, %dma_start3A_14] : memref<4096x128xf32, #tpu.memory_space<hbm>> -> memref<4096x128xf32, #tpu.memory_space<hbm>>
      tpu.enqueue_indirect_dma source(%dma_start3A_15 : memref<4096x128xf32, #tpu.memory_space<hbm>>) target(%arg16 : memref<256x128xf32, #tpu.memory_space<vmem>>) offsets(%arg10 : memref<256xi32, #tpu.memory_space<vmem>>) semaphore(%arg20 : memref<!tpu.dma_semaphore, #tpu.memory_space<semaphore_mem>>)
      %dma_wait3A = arith.constant 0 : i32
      %dma_wait3A_16 = arith.constant 0 : i32
      %dma_wait3A_17 = tpu.memref_slice %arg2[%dma_wait3A, %dma_wait3A_16] : memref<4096x128xf32, #tpu.memory_space<hbm>> -> memref<4096x128xf32, #tpu.memory_space<hbm>>
      tpu.wait_indirect_dma semaphore(%arg20 : memref<!tpu.dma_semaphore, #tpu.memory_space<semaphore_mem>>) src(%dma_wait3A_17 : memref<4096x128xf32, #tpu.memory_space<hbm>>) dst(%arg16 : memref<256x128xf32, #tpu.memory_space<vmem>>)
      %dma_start3A_18 = arith.constant 0 : i32
      %dma_start3A_19 = arith.constant 0 : i32
      %dma_start3A_20 = tpu.memref_slice %arg2[%dma_start3A_18, %dma_start3A_19] : memref<4096x128xf32, #tpu.memory_space<hbm>> -> memref<4096x128xf32, #tpu.memory_space<hbm>>
      tpu.enqueue_indirect_dma source(%dma_start3A_20 : memref<4096x128xf32, #tpu.memory_space<hbm>>) target(%arg17 : memref<256x128xf32, #tpu.memory_space<vmem>>) offsets(%arg11 : memref<256xi32, #tpu.memory_space<vmem>>) semaphore(%arg20 : memref<!tpu.dma_semaphore, #tpu.memory_space<semaphore_mem>>)
      %dma_wait3A_21 = arith.constant 0 : i32
      %dma_wait3A_22 = arith.constant 0 : i32
      %dma_wait3A_23 = tpu.memref_slice %arg2[%dma_wait3A_21, %dma_wait3A_22] : memref<4096x128xf32, #tpu.memory_space<hbm>> -> memref<4096x128xf32, #tpu.memory_space<hbm>>
      tpu.wait_indirect_dma semaphore(%arg20 : memref<!tpu.dma_semaphore, #tpu.memory_space<semaphore_mem>>) src(%dma_wait3A_23 : memref<4096x128xf32, #tpu.memory_space<hbm>>) dst(%arg17 : memref<256x128xf32, #tpu.memory_space<vmem>>)
      %dma_start3A_24 = arith.constant 0 : i32
      %dma_start3A_25 = arith.constant 0 : i32
      %dma_start3A_26 = tpu.memref_slice %arg2[%dma_start3A_24, %dma_start3A_25] : memref<4096x128xf32, #tpu.memory_space<hbm>> -> memref<4096x128xf32, #tpu.memory_space<hbm>>
      tpu.enqueue_indirect_dma source(%dma_start3A_26 : memref<4096x128xf32, #tpu.memory_space<hbm>>) target(%arg18 : memref<256x128xf32, #tpu.memory_space<vmem>>) offsets(%arg12 : memref<256xi32, #tpu.memory_space<vmem>>) semaphore(%arg20 : memref<!tpu.dma_semaphore, #tpu.memory_space<semaphore_mem>>)
      %dma_wait3A_27 = arith.constant 0 : i32
      %dma_wait3A_28 = arith.constant 0 : i32
      %dma_wait3A_29 = tpu.memref_slice %arg2[%dma_wait3A_27, %dma_wait3A_28] : memref<4096x128xf32, #tpu.memory_space<hbm>> -> memref<4096x128xf32, #tpu.memory_space<hbm>>
      tpu.wait_indirect_dma semaphore(%arg20 : memref<!tpu.dma_semaphore, #tpu.memory_space<semaphore_mem>>) src(%dma_wait3A_29 : memref<4096x128xf32, #tpu.memory_space<hbm>>) dst(%arg18 : memref<256x128xf32, #tpu.memory_space<vmem>>)
      %scan3A_30 = arith.constant 0 : i32
      %scan3A_31 = arith.constant 0 : i32
      %scan3A_32 = arith.constant 16 : i32
      %scan3A_33 = arith.addi %scan3A_31, %scan3A_32 : i32
      %scan3A_34 = arith.constant 1 : i32
      %scan3A_35 = scf.for %scan3A_40 = %scan3A_31 to %scan3A_33 step %scan3A_34 iter_args(%scan3A_41 = %scan3A_30) -> (i32)  : i32 {
        %mul3A_42 = arith.constant 16 : i32
        %mul3A_43 = arith.muli %scan3A_40, %mul3A_42 : i32
        %multiple_of3A = tpu.assume_multiple %mul3A_43, 16 : i32
        %get3A = arith.index_cast %multiple_of3A : i32 to index
        %get3A_44 = tpu.vector_load %arg13[%get3A] {strides = array<i32>} : memref<256xf32, #tpu.memory_space<vmem>>, vector<16xf32>,
        %get3A_45 = vector.shape_cast %get3A_44 : vector<16xf32> to vector<16xf32>
        %get3A_46 = arith.index_cast %multiple_of3A : i32 to index
        %get3A_47 = tpu.vector_load %arg14[%get3A_46] {strides = array<i32>} : memref<256xf32, #tpu.memory_space<vmem>>, vector<16xf32>,
        %get3A_48 = vector.shape_cast %get3A_47 : vector<16xf32> to vector<16xf32>
        %get3A_49 = arith.index_cast %multiple_of3A : i32 to index
        %get3A_50 = tpu.vector_load %arg15[%get3A_49] {strides = array<i32>} : memref<256xf32, #tpu.memory_space<vmem>>, vector<16xf32>,
        %get3A_51 = vector.shape_cast %get3A_50 : vector<16xf32> to vector<16xf32>
        %add3A_52 = arith.constant 0 : i32
        %add3A_53 = arith.addi %multiple_of3A, %add3A_52 : i32
        %slice3A = vector.extract_strided_slice %get3A_45 {offsets = [0], sizes = [1], strides = [1]} : vector<16xf32> to vector<1xf32>
        %squeeze3A = vector.extract %slice3A[0] : f32 from vector<1xf32>
        %get3A_54 = arith.index_cast %add3A_53 : i32 to index
        %get3A_55 = arith.constant 0 : index
        %get3A_56 = tpu.vector_load %arg16[%get3A_54, %get3A_55] {strides = array<i32>} : memref<256x128xf32, #tpu.memory_space<vmem>>, vector<1x16xf32>,
        %get3A_57 = vector.shape_cast %get3A_56 : vector<1x16xf32> to vector<16xf32>
        %mul3A_58 = vector.broadcast %squeeze3A : f32 to vector<16xf32>
        %mul3A_59 = arith.mulf %mul3A_58, %get3A_57 : vector<16xf32>
        %slice3A_60 = vector.extract_strided_slice %get3A_48 {offsets = [0], sizes = [1], strides = [1]} : vector<16xf32> to vector<1xf32>
        %squeeze3A_61 = vector.extract %slice3A_60[0] : f32 from vector<1xf32>
        %get3A_62 = arith.index_cast %add3A_53 : i32 to index
        %get3A_63 = arith.constant 0 : index
        %get3A_64 = tpu.vector_load %arg17[%get3A_62, %get3A_63] {strides = array<i32>} : memref<256x128xf32, #tpu.memory_space<vmem>>, vector<1x16xf32>,
        %get3A_65 = vector.shape_cast %get3A_64 : vector<1x16xf32> to vector<16xf32>
        %mul3A_66 = vector.broadcast %squeeze3A_61 : f32 to vector<16xf32>
        %mul3A_67 = arith.mulf %mul3A_66, %get3A_65 : vector<16xf32>
        %add3A_68 = arith.addf %mul3A_59, %mul3A_67 : vector<16xf32>
        %slice3A_69 = vector.extract_strided_slice %get3A_51 {offsets = [0], sizes = [1], strides = [1]} : vector<16xf32> to vector<1xf32>
        %squeeze3A_70 = vector.extract %slice3A_69[0] : f32 from vector<1xf32>
        %get3A_71 = arith.index_cast %add3A_53 : i32 to index
        %get3A_72 = arith.constant 0 : index
        %get3A_73 = tpu.vector_load %arg18[%get3A_71, %get3A_72] {strides = array<i32>} : memref<256x128xf32, #tpu.memory_space<vmem>>, vector<1x16xf32>,
        %get3A_74 = vector.shape_cast %get3A_73 : vector<1x16xf32> to vector<16xf32>
        %mul3A_75 = vector.broadcast %squeeze3A_70 : f32 to vector<16xf32>
        %mul3A_76 = arith.mulf %mul3A_75, %get3A_74 : vector<16xf32>
        %add3A_77 = arith.addf %add3A_68, %mul3A_76 : vector<16xf32>
        %mul3A_78 = arith.constant 64 : i32
        %mul3A_79 = arith.muli %add3A_53, %mul3A_78 : i32
        %add3A_80 = arith.constant 0 : i32
        %add3A_81 = arith.addi %mul3A_79, %add3A_80 : i32
        %swap3A = arith.index_cast %add3A_81 : i32 to index
        %swap3A_82 = tpu.vector_load %arg19[%swap3A] {strides = array<i32>} : memref<16384xf32, #tpu.memory_space<vmem>>, vector<16xf32>,
        %swap3A_83 = vector.shape_cast %swap3A_82 : vector<16xf32> to vector<16xf32>
        %swap3A_84 = vector.shape_cast %add3A_77 : vector<16xf32> to vector<16xf32>
        tpu.vector_store %arg19[%swap3A], %swap3A_84 {strides = array<i32>} : memref<16384xf32, #tpu.memory_space<vmem>>, vector<16xf32>,
        %slice3A_85 = vector.extract_strided_slice %get3A_45 {offsets = [0], sizes = [1], strides = [1]} : vector<16xf32> to vector<1xf32>
        %squeeze3A_86 = vector.extract %slice3A_85[0] : f32 from vector<1xf32>
        %get3A_87 = arith.index_cast %add3A_53 : i32 to index
        %get3A_88 = arith.constant 16 : index
        %get3A_89 = tpu.vector_load %arg16[%get3A_87, %get3A_88] {strides = array<i32>} : memref<256x128xf32, #tpu.memory_space<vmem>>, vector<1x16xf32>,
        %get3A_90 = vector.shape_cast %get3A_89 : vector<1x16xf32> to vector<16xf32>
        %mul3A_91 = vector.broadcast %squeeze3A_86 : f32 to vector<16xf32>
        %mul3A_92 = arith.mulf %mul3A_91, %get3A_90 : vector<16xf32>
        %slice3A_93 = vector.extract_strided_slice %get3A_48 {offsets = [0], sizes = [1], strides = [1]} : vector<16xf32> to vector<1xf32>
        %squeeze3A_94 = vector.extract %slice3A_93[0] : f32 from vector<1xf32>
        %get3A_95 = arith.index_cast %add3A_53 : i32 to index
        %get3A_96 = arith.constant 16 : index
        %get3A_97 = tpu.vector_load %arg17[%get3A_95, %get3A_96] {strides = array<i32>} : memref<256x128xf32, #tpu.memory_space<vmem>>, vector<1x16xf32>,
        %get3A_98 = vector.shape_cast %get3A_97 : vector<1x16xf32> to vector<16xf32>
        %mul3A_99 = vector.broadcast %squeeze3A_94 : f32 to vector<16xf32>
        %mul3A_100 = arith.mulf %mul3A_99, %get3A_98 : vector<16xf32>
        %add3A_101 = arith.addf %mul3A_92, %mul3A_100 : vector<16xf32>
        %slice3A_102 = vector.extract_strided_slice %get3A_51 {offsets = [0], sizes = [1], strides = [1]} : vector<16xf32> to vector<1xf32>
        %squeeze3A_103 = vector.extract %slice3A_102[0] : f32 from vector<1xf32>
        %get3A_104 = arith.index_cast %add3A_53 : i32 to index
        %get3A_105 = arith.constant 16 : index
        %get3A_106 = tpu.vector_load %arg18[%get3A_104, %get3A_105] {strides = array<i32>} : memref<256x128xf32, #tpu.memory_space<vmem>>, vector<1x16xf32>,
        %get3A_107 = vector.shape_cast %get3A_106 : vector<1x16xf32> to vector<16xf32>
        %mul3A_108 = vector.broadcast %squeeze3A_103 : f32 to vector<16xf32>
        %mul3A_109 = arith.mulf %mul3A_108, %get3A_107 : vector<16xf32>
        %add3A_110 = arith.addf %add3A_101, %mul3A_109 : vector<16xf32>
        %mul3A_111 = arith.constant 64 : i32
        %mul3A_112 = arith.muli %add3A_53, %mul3A_111 : i32
        %add3A_113 = arith.constant 16 : i32
        %add3A_114 = arith.addi %mul3A_112, %add3A_113 : i32
        %swap3A_115 = arith.index_cast %add3A_114 : i32 to index
        %swap3A_116 = tpu.vector_load %arg19[%swap3A_115] {strides = array<i32>} : memref<16384xf32, #tpu.memory_space<vmem>>, vector<16xf32>,
        %swap3A_117 = vector.shape_cast %swap3A_116 : vector<16xf32> to vector<16xf32>
        %swap3A_118 = vector.shape_cast %add3A_110 : vector<16xf32> to vector<16xf32>
        tpu.vector_store %arg19[%swap3A_115], %swap3A_118 {strides = array<i32>} : memref<16384xf32, #tpu.memory_space<vmem>>, vector<16xf32>,
        %slice3A_119 = vector.extract_strided_slice %get3A_45 {offsets = [0], sizes = [1], strides = [1]} : vector<16xf32> to vector<1xf32>
        %squeeze3A_120 = vector.extract %slice3A_119[0] : f32 from vector<1xf32>
        %get3A_121 = arith.index_cast %add3A_53 : i32 to index
        %get3A_122 = arith.constant 32 : index
        %get3A_123 = tpu.vector_load %arg16[%get3A_121, %get3A_122] {strides = array<i32>} : memref<256x128xf32, #tpu.memory_space<vmem>>, vector<1x16xf32>,
        %get3A_124 = vector.shape_cast %get3A_123 : vector<1x16xf32> to vector<16xf32>
        %mul3A_125 = vector.broadcast %squeeze3A_120 : f32 to vector<16xf32>
        %mul3A_126 = arith.mulf %mul3A_125, %get3A_124 : vector<16xf32>
        %slice3A_127 = vector.extract_strided_slice %get3A_48 {offsets = [0], sizes = [1], strides = [1]} : vector<16xf32> to vector<1xf32>
        %squeeze3A_128 = vector.extract %slice3A_127[0] : f32 from vector<1xf32>
        %get3A_129 = arith.index_cast %add3A_53 : i32 to index
        %get3A_130 = arith.constant 32 : index
        %get3A_131 = tpu.vector_load %arg17[%get3A_129, %get3A_130] {strides = array<i32>} : memref<256x128xf32, #tpu.memory_space<vmem>>, vector<1x16xf32>,
        %get3A_132 = vector.shape_cast %get3A_131 : vector<1x16xf32> to vector<16xf32>
        %mul3A_133 = vector.broadcast %squeeze3A_128 : f32 to vector<16xf32>
        %mul3A_134 = arith.mulf %mul3A_133, %get3A_132 : vector<16xf32>
        %add3A_135 = arith.addf %mul3A_126, %mul3A_134 : vector<16xf32>
        %slice3A_136 = vector.extract_strided_slice %get3A_51 {offsets = [0], sizes = [1], strides = [1]} : vector<16xf32> to vector<1xf32>
        %squeeze3A_137 = vector.extract %slice3A_136[0] : f32 from vector<1xf32>
        %get3A_138 = arith.index_cast %add3A_53 : i32 to index
        %get3A_139 = arith.constant 32 : index
        %get3A_140 = tpu.vector_load %arg18[%get3A_138, %get3A_139] {strides = array<i32>} : memref<256x128xf32, #tpu.memory_space<vmem>>, vector<1x16xf32>,
        %get3A_141 = vector.shape_cast %get3A_140 : vector<1x16xf32> to vector<16xf32>
        %mul3A_142 = vector.broadcast %squeeze3A_137 : f32 to vector<16xf32>
        %mul3A_143 = arith.mulf %mul3A_142, %get3A_141 : vector<16xf32>
        %add3A_144 = arith.addf %add3A_135, %mul3A_143 : vector<16xf32>
        %mul3A_145 = arith.constant 64 : i32
        %mul3A_146 = arith.muli %add3A_53, %mul3A_145 : i32
        %add3A_147 = arith.constant 32 : i32
        %add3A_148 = arith.addi %mul3A_146, %add3A_147 : i32
        %swap3A_149 = arith.index_cast %add3A_148 : i32 to index
        %swap3A_150 = tpu.vector_load %arg19[%swap3A_149] {strides = array<i32>} : memref<16384xf32, #tpu.memory_space<vmem>>, vector<16xf32>,
        %swap3A_151 = vector.shape_cast %swap3A_150 : vector<16xf32> to vector<16xf32>
        %swap3A_152 = vector.shape_cast %add3A_144 : vector<16xf32> to vector<16xf32>
        tpu.vector_store %arg19[%swap3A_149], %swap3A_152 {strides = array<i32>} : memref<16384xf32, #tpu.memory_space<vmem>>, vector<16xf32>,
        %slice3A_153 = vector.extract_strided_slice %get3A_45 {offsets = [0], sizes = [1], strides = [1]} : vector<16xf32> to vector<1xf32>
        %squeeze3A_154 = vector.extract %slice3A_153[0] : f32 from vector<1xf32>
        %get3A_155 = arith.index_cast %add3A_53 : i32 to index
        %get3A_156 = arith.constant 48 : index
        %get3A_157 = tpu.vector_load %arg16[%get3A_155, %get3A_156] {strides = array<i32>} : memref<256x128xf32, #tpu.memory_space<vmem>>, vector<1x16xf32>,
        %get3A_158 = vector.shape_cast %get3A_157 : vector<1x16xf32> to vector<16xf32>
        %mul3A_159 = vector.broadcast %squeeze3A_154 : f32 to vector<16xf32>
        %mul3A_160 = arith.mulf %mul3A_159, %get3A_158 : vector<16xf32>
        %slice3A_161 = vector.extract_strided_slice %get3A_48 {offsets = [0], sizes = [1], strides = [1]} : vector<16xf32> to vector<1xf32>
        %squeeze3A_162 = vector.extract %slice3A_161[0] : f32 from vector<1xf32>
        %get3A_163 = arith.index_cast %add3A_53 : i32 to index
        %get3A_164 = arith.constant 48 : index
        %get3A_165 = tpu.vector_load %arg17[%get3A_163, %get3A_164] {strides = array<i32>} : memref<256x128xf32, #tpu.memory_space<vmem>>, vector<1x16xf32>,
        %get3A_166 = vector.shape_cast %get3A_165 : vector<1x16xf32> to vector<16xf32>
        %mul3A_167 = vector.broadcast %squeeze3A_162 : f32 to vector<16xf32>
        %mul3A_168 = arith.mulf %mul3A_167, %get3A_166 : vector<16xf32>
        %add3A_169 = arith.addf %mul3A_160, %mul3A_168 : vector<16xf32>
        %slice3A_170 = vector.extract_strided_slice %get3A_51 {offsets = [0], sizes = [1], strides = [1]} : vector<16xf32> to vector<1xf32>
        %squeeze3A_171 = vector.extract %slice3A_170[0] : f32 from vector<1xf32>
        %get3A_172 = arith.index_cast %add3A_53 : i32 to index
        %get3A_173 = arith.constant 48 : index
        %get3A_174 = tpu.vector_load %arg18[%get3A_172, %get3A_173] {strides = array<i32>} : memref<256x128xf32, #tpu.memory_space<vmem>>, vector<1x16xf32>,
        %get3A_175 = vector.shape_cast %get3A_174 : vector<1x16xf32> to vector<16xf32>
        %mul3A_176 = vector.broadcast %squeeze3A_171 : f32 to vector<16xf32>
        %mul3A_177 = arith.mulf %mul3A_176, %get3A_175 : vector<16xf32>
        %add3A_178 = arith.addf %add3A_169, %mul3A_177 : vector<16xf32>
        %mul3A_179 = arith.constant 64 : i32
        %mul3A_180 = arith.muli %add3A_53, %mul3A_179 : i32
        %add3A_181 = arith.constant 48 : i32
        %add3A_182 = arith.addi %mul3A_180, %add3A_181 : i32
        %swap3A_183 = arith.index_cast %add3A_182 : i32 to index
        %swap3A_184 = tpu.vector_load %arg19[%swap3A_183] {strides = array<i32>} : memref<16384xf32, #tpu.memory_space<vmem>>, vector<16xf32>,
        %swap3A_185 = vector.shape_cast %swap3A_184 : vector<16xf32> to vector<16xf32>
        %swap3A_186 = vector.shape_cast %add3A_178 : vector<16xf32> to vector<16xf32>
        tpu.vector_store %arg19[%swap3A_183], %swap3A_186 {strides = array<i32>} : memref<16384xf32, #tpu.memory_space<vmem>>, vector<16xf32>,
        %add3A_187 = arith.constant 1 : i32
        %add3A_188 = arith.addi %multiple_of3A, %add3A_187 : i32
        %slice3A_189 = vector.extract_strided_slice %get3A_45 {offsets = [1], sizes = [1], strides = [1]} : vector<16xf32> to vector<1xf32>
        %squeeze3A_190 = vector.extract %slice3A_189[0] : f32 from vector<1xf32>
        %get3A_191 = arith.index_cast %add3A_188 : i32 to index
        %get3A_192 = arith.constant 0 : index
        %get3A_193 = tpu.vector_load %arg16[%get3A_191, %get3A_192] {strides = array<i32>} : memref<256x128xf32, #tpu.memory_space<vmem>>, vector<1x16xf32>,
        %get3A_194 = vector.shape_cast %get3A_193 : vector<1x16xf32> to vector<16xf32>
        %mul3A_195 = vector.broadcast %squeeze3A_190 : f32 to vector<16xf32>
        %mul3A_196 = arith.mulf %mul3A_195, %get3A_194 : vector<16xf32>
        %slice3A_197 = vector.extract_strided_slice %get3A_48 {offsets = [1], sizes = [1], strides = [1]} : vector<16xf32> to vector<1xf32>
        %squeeze3A_198 = vector.extract %slice3A_197[0] : f32 from vector<1xf32>
        %get3A_199 = arith.index_cast %add3A_188 : i32 to index
        %get3A_200 = arith.constant 0 : index
        %get3A_201 = tpu.vector_load %arg17[%get3A_199, %get3A_200] {strides = array<i32>} : memref<256x128xf32, #tpu.memory_space<vmem>>, vector<1x16xf32>,
        %get3A_202 = vector.shape_cast %get3A_201 : vector<1x16xf32> to vector<16xf32>
        %mul3A_203 = vector.broadcast %squeeze3A_198 : f32 to vector<16xf32>
        %mul3A_204 = arith.mulf %mul3A_203, %get3A_202 : vector<16xf32>
        %add3A_205 = arith.addf %mul3A_196, %mul3A_204 : vector<16xf32>
        %slice3A_206 = vector.extract_strided_slice %get3A_51 {offsets = [1], sizes = [1], strides = [1]} : vector<16xf32> to vector<1xf32>
        %squeeze3A_207 = vector.extract %slice3A_206[0] : f32 from vector<1xf32>
        %get3A_208 = arith.index_cast %add3A_188 : i32 to index
        %get3A_209 = arith.constant 0 : index
        %get3A_210 = tpu.vector_load %arg18[%get3A_208, %get3A_209] {strides = array<i32>} : memref<256x128xf32, #tpu.memory_space<vmem>>, vector<1x16xf32>,
        %get3A_211 = vector.shape_cast %get3A_210 : vector<1x16xf32> to vector<16xf32>
        %mul3A_212 = vector.broadcast %squeeze3A_207 : f32 to vector<16xf32>
        %mul3A_213 = arith.mulf %mul3A_212, %get3A_211 : vector<16xf32>
        %add3A_214 = arith.addf %add3A_205, %mul3A_213 : vector<16xf32>
        %mul3A_215 = arith.constant 64 : i32
        %mul3A_216 = arith.muli %add3A_188, %mul3A_215 : i32
        %add3A_217 = arith.constant 0 : i32
        %add3A_218 = arith.addi %mul3A_216, %add3A_217 : i32
        %swap3A_219 = arith.index_cast %add3A_218 : i32 to index
        %swap3A_220 = tpu.vector_load %arg19[%swap3A_219] {strides = array<i32>} : memref<16384xf32, #tpu.memory_space<vmem>>, vector<16xf32>,
        %swap3A_221 = vector.shape_cast %swap3A_220 : vector<16xf32> to vector<16xf32>
        %swap3A_222 = vector.shape_cast %add3A_214 : vector<16xf32> to vector<16xf32>
        tpu.vector_store %arg19[%swap3A_219], %swap3A_222 {strides = array<i32>} : memref<16384xf32, #tpu.memory_space<vmem>>, vector<16xf32>,
        %slice3A_223 = vector.extract_strided_slice %get3A_45 {offsets = [1], sizes = [1], strides = [1]} : vector<16xf32> to vector<1xf32>
        %squeeze3A_224 = vector.extract %slice3A_223[0] : f32 from vector<1xf32>
        %get3A_225 = arith.index_cast %add3A_188 : i32 to index
        %get3A_226 = arith.constant 16 : index
        %get3A_227 = tpu.vector_load %arg16[%get3A_225, %get3A_226] {strides = array<i32>} : memref<256x128xf32, #tpu.memory_space<vmem>>, vector<1x16xf32>,
        %get3A_228 = vector.shape_cast %get3A_227 : vector<1x16xf32> to vector<16xf32>
        %mul3A_229 = vector.broadcast %squeeze3A_224 : f32 to vector<16xf32>
        %mul3A_230 = arith.mulf %mul3A_229, %get3A_228 : vector<16xf32>
        %slice3A_231 = vector.extract_strided_slice %get3A_48 {offsets = [1], sizes = [1], strides = [1]} : vector<16xf32> to vector<1xf32>
        %squeeze3A_232 = vector.extract %slice3A_231[0] : f32 from vector<1xf32>
        %get3A_233 = arith.index_cast %add3A_188 : i32 to index
        %get3A_234 = arith.constant 16 : index
        %get3A_235 = tpu.vector_load %arg17[%get3A_233, %get3A_234] {strides = array<i32>} : memref<256x128xf32, #tpu.memory_space<vmem>>, vector<1x16xf32>,
        %get3A_236 = vector.shape_cast %get3A_235 : vector<1x16xf32> to vector<16xf32>
        %mul3A_237 = vector.broadcast %squeeze3A_232 : f32 to vector<16xf32>
        %mul3A_238 = arith.mulf %mul3A_237, %get3A_236 : vector<16xf32>
        %add3A_239 = arith.addf %mul3A_230, %mul3A_238 : vector<16xf32>
        %slice3A_240 = vector.extract_strided_slice %get3A_51 {offsets = [1], sizes = [1], strides = [1]} : vector<16xf32> to vector<1xf32>
        %squeeze3A_241 = vector.extract %slice3A_240[0] : f32 from vector<1xf32>
        %get3A_242 = arith.index_cast %add3A_188 : i32 to index
        %get3A_243 = arith.constant 16 : index
        %get3A_244 = tpu.vector_load %arg18[%get3A_242, %get3A_243] {strides = array<i32>} : memref<256x128xf32, #tpu.memory_space<vmem>>, vector<1x16xf32>,
        %get3A_245 = vector.shape_cast %get3A_244 : vector<1x16xf32> to vector<16xf32>
        %mul3A_246 = vector.broadcast %squeeze3A_241 : f32 to vector<16xf32>
        %mul3A_247 = arith.mulf %mul3A_246, %get3A_245 : vector<16xf32>
        %add3A_248 = arith.addf %add3A_239, %mul3A_247 : vector<16xf32>
        %mul3A_249 = arith.constant 64 : i32
        %mul3A_250 = arith.muli %add3A_188, %mul3A_249 : i32
        %add3A_251 = arith.constant 16 : i32
        %add3A_252 = arith.addi %mul3A_250, %add3A_251 : i32
        %swap3A_253 = arith.index_cast %add3A_252 : i32 to index
        %swap3A_254 = tpu.vector_load %arg19[%swap3A_253] {strides = array<i32>} : memref<16384xf32, #tpu.memory_space<vmem>>, vector<16xf32>,
        %swap3A_255 = vector.shape_cast %swap3A_254 : vector<16xf32> to vector<16xf32>
        %swap3A_256 = vector.shape_cast %add3A_248 : vector<16xf32> to vector<16xf32>
        tpu.vector_store %arg19[%swap3A_253], %swap3A_256 {strides = array<i32>} : memref<16384xf32, #tpu.memory_space<vmem>>, vector<16xf32>,
        %slice3A_257 = vector.extract_strided_slice %get3A_45 {offsets = [1], sizes = [1], strides = [1]} : vector<16xf32> to vector<1xf32>
        %squeeze3A_258 = vector.extract %slice3A_257[0] : f32 from vector<1xf32>
        %get3A_259 = arith.index_cast %add3A_188 : i32 to index
        %get3A_260 = arith.constant 32 : index
        %get3A_261 = tpu.vector_load %arg16[%get3A_259, %get3A_260] {strides = array<i32>} : memref<256x128xf32, #tpu.memory_space<vmem>>, vector<1x16xf32>,
        %get3A_262 = vector.shape_cast %get3A_261 : vector<1x16xf32> to vector<16xf32>
        %mul3A_263 = vector.broadcast %squeeze3A_258 : f32 to vector<16xf32>
        %mul3A_264 = arith.mulf %mul3A_263, %get3A_262 : vector<16xf32>
        %slice3A_265 = vector.extract_strided_slice %get3A_48 {offsets = [1], sizes = [1], strides = [1]} : vector<16xf32> to vector<1xf32>
        %squeeze3A_266 = vector.extract %slice3A_265[0] : f32 from vector<1xf32>
        %get3A_267 = arith.index_cast %add3A_188 : i32 to index
        %get3A_268 = arith.constant 32 : index
        %get3A_269 = tpu.vector_load %arg17[%get3A_267, %get3A_268] {strides = array<i32>} : memref<256x128xf32, #tpu.memory_space<vmem>>, vector<1x16xf32>,
        %get3A_270 = vector.shape_cast %get3A_269 : vector<1x16xf32> to vector<16xf32>
        %mul3A_271 = vector.broadcast %squeeze3A_266 : f32 to vector<16xf32>
        %mul3A_272 = arith.mulf %mul3A_271, %get3A_270 : vector<16xf32>
        %add3A_273 = arith.addf %mul3A_264, %mul3A_272 : vector<16xf32>
        %slice3A_274 = vector.extract_strided_slice %get3A_51 {offsets = [1], sizes = [1], strides = [1]} : vector<16xf32> to vector<1xf32>
        %squeeze3A_275 = vector.extract %slice3A_274[0] : f32 from vector<1xf32>
        %get3A_276 = arith.index_cast %add3A_188 : i32 to index
        %get3A_277 = arith.constant 32 : index
        %get3A_278 = tpu.vector_load %arg18[%get3A_276, %get3A_277] {strides = array<i32>} : memref<256x128xf32, #tpu.memory_space<vmem>>, vector<1x16xf32>,
        %get3A_279 = vector.shape_cast %get3A_278 : vector<1x16xf32> to vector<16xf32>
        %mul3A_280 = vector.broadcast %squeeze3A_275 : f32 to vector<16xf32>
        %mul3A_281 = arith.mulf %mul3A_280, %get3A_279 : vector<16xf32>
        %add3A_282 = arith.addf %add3A_273, %mul3A_281 : vector<16xf32>
        %mul3A_283 = arith.constant 64 : i32
        %mul3A_284 = arith.muli %add3A_188, %mul3A_283 : i32
        %add3A_285 = arith.constant 32 : i32
        %add3A_286 = arith.addi %mul3A_284, %add3A_285 : i32
        %swap3A_287 = arith.index_cast %add3A_286 : i32 to index
        %swap3A_288 = tpu.vector_load %arg19[%swap3A_287] {strides = array<i32>} : memref<16384xf32, #tpu.memory_space<vmem>>, vector<16xf32>,
        %swap3A_289 = vector.shape_cast %swap3A_288 : vector<16xf32> to vector<16xf32>
        %swap3A_290 = vector.shape_cast %add3A_282 : vector<16xf32> to vector<16xf32>
        tpu.vector_store %arg19[%swap3A_287], %swap3A_290 {strides = array<i32>} : memref<16384xf32, #tpu.memory_space<vmem>>, vector<16xf32>,
        %slice3A_291 = vector.extract_strided_slice %get3A_45 {offsets = [1], sizes = [1], strides = [1]} : vector<16xf32> to vector<1xf32>
        %squeeze3A_292 = vector.extract %slice3A_291[0] : f32 from vector<1xf32>
        %get3A_293 = arith.index_cast %add3A_188 : i32 to index
        %get3A_294 = arith.constant 48 : index
        %get3A_295 = tpu.vector_load %arg16[%get3A_293, %get3A_294] {strides = array<i32>} : memref<256x128xf32, #tpu.memory_space<vmem>>, vector<1x16xf32>,
        %get3A_296 = vector.shape_cast %get3A_295 : vector<1x16xf32> to vector<16xf32>
        %mul3A_297 = vector.broadcast %squeeze3A_292 : f32 to vector<16xf32>
        %mul3A_298 = arith.mulf %mul3A_297, %get3A_296 : vector<16xf32>
        %slice3A_299 = vector.extract_strided_slice %get3A_48 {offsets = [1], sizes = [1], strides = [1]} : vector<16xf32> to vector<1xf32>
        %squeeze3A_300 = vector.extract %slice3A_299[0] : f32 from vector<1xf32>
        %get3A_301 = arith.index_cast %add3A_188 : i32 to index
        %get3A_302 = arith.constant 48 : index
        %get3A_303 = tpu.vector_load %arg17[%get3A_301, %get3A_302] {strides = array<i32>} : memref<256x128xf32, #tpu.memory_space<vmem>>, vector<1x16xf32>,
        %get3A_304 = vector.shape_cast %get3A_303 : vector<1x16xf32> to vector<16xf32>
        %mul3A_305 = vector.broadcast %squeeze3A_300 : f32 to vector<16xf32>
        %mul3A_306 = arith.mulf %mul3A_305, %get3A_304 : vector<16xf32>
        %add3A_307 = arith.addf %mul3A_298, %mul3A_306 : vector<16xf32>
        %slice3A_308 = vector.extract_strided_slice %get3A_51 {offsets = [1], sizes = [1], strides = [1]} : vector<16xf32> to vector<1xf32>
        %squeeze3A_309 = vector.extract %slice3A_308[0] : f32 from vector<1xf32>
        %get3A_310 = arith.index_cast %add3A_188 : i32 to index
        %get3A_311 = arith.constant 48 : index
        %get3A_312 = tpu.vector_load %arg18[%get3A_310, %get3A_311] {strides = array<i32>} : memref<256x128xf32, #tpu.memory_space<vmem>>, vector<1x16xf32>,
        %get3A_313 = vector.shape_cast %get3A_312 : vector<1x16xf32> to vector<16xf32>
        %mul3A_314 = vector.broadcast %squeeze3A_309 : f32 to vector<16xf32>
        %mul3A_315 = arith.mulf %mul3A_314, %get3A_313 : vector<16xf32>
        %add3A_316 = arith.addf %add3A_307, %mul3A_315 : vector<16xf32>
        %mul3A_317 = arith.constant 64 : i32
        %mul3A_318 = arith.muli %add3A_188, %mul3A_317 : i32
        %add3A_319 = arith.constant 48 : i32
        %add3A_320 = arith.addi %mul3A_318, %add3A_319 : i32
        %swap3A_321 = arith.index_cast %add3A_320 : i32 to index
        %swap3A_322 = tpu.vector_load %arg19[%swap3A_321] {strides = array<i32>} : memref<16384xf32, #tpu.memory_space<vmem>>, vector<16xf32>,
        %swap3A_323 = vector.shape_cast %swap3A_322 : vector<16xf32> to vector<16xf32>
        %swap3A_324 = vector.shape_cast %add3A_316 : vector<16xf32> to vector<16xf32>
        tpu.vector_store %arg19[%swap3A_321], %swap3A_324 {strides = array<i32>} : memref<16384xf32, #tpu.memory_space<vmem>>, vector<16xf32>,
        %add3A_325 = arith.constant 2 : i32
        %add3A_326 = arith.addi %multiple_of3A, %add3A_325 : i32
        %slice3A_327 = vector.extract_strided_slice %get3A_45 {offsets = [2], sizes = [1], strides = [1]} : vector<16xf32> to vector<1xf32>
        %squeeze3A_328 = vector.extract %slice3A_327[0] : f32 from vector<1xf32>
        %get3A_329 = arith.index_cast %add3A_326 : i32 to index
        %get3A_330 = arith.constant 0 : index
        %get3A_331 = tpu.vector_load %arg16[%get3A_329, %get3A_330] {strides = array<i32>} : memref<256x128xf32, #tpu.memory_space<vmem>>, vector<1x16xf32>,
        %get3A_332 = vector.shape_cast %get3A_331 : vector<1x16xf32> to vector<16xf32>
        %mul3A_333 = vector.broadcast %squeeze3A_328 : f32 to vector<16xf32>
        %mul3A_334 = arith.mulf %mul3A_333, %get3A_332 : vector<16xf32>
        %slice3A_335 = vector.extract_strided_slice %get3A_48 {offsets = [2], sizes = [1], strides = [1]} : vector<16xf32> to vector<1xf32>
        %squeeze3A_336 = vector.extract %slice3A_335[0] : f32 from vector<1xf32>
        %get3A_337 = arith.index_cast %add3A_326 : i32 to index
        %get3A_338 = arith.constant 0 : index
        %get3A_339 = tpu.vector_load %arg17[%get3A_337, %get3A_338] {strides = array<i32>} : memref<256x128xf32, #tpu.memory_space<vmem>>, vector<1x16xf32>,
        %get3A_340 = vector.shape_cast %get3A_339 : vector<1x16xf32> to vector<16xf32>
        %mul3A_341 = vector.broadcast %squeeze3A_336 : f32 to vector<16xf32>
        %mul3A_342 = arith.mulf %mul3A_341, %get3A_340 : vector<16xf32>
        %add3A_343 = arith.addf %mul3A_334, %mul3A_342 : vector<16xf32>
        %slice3A_344 = vector.extract_strided_slice %get3A_51 {offsets = [2], sizes = [1], strides = [1]} : vector<16xf32> to vector<1xf32>
        %squeeze3A_345 = vector.extract %slice3A_344[0] : f32 from vector<1xf32>
        %get3A_346 = arith.index_cast %add3A_326 : i32 to index
        %get3A_347 = arith.constant 0 : index
        %get3A_348 = tpu.vector_load %arg18[%get3A_346, %get3A_347] {strides = array<i32>} : memref<256x128xf32, #tpu.memory_space<vmem>>, vector<1x16xf32>,
        %get3A_349 = vector.shape_cast %get3A_348 : vector<1x16xf32> to vector<16xf32>
        %mul3A_350 = vector.broadcast %squeeze3A_345 : f32 to vector<16xf32>
        %mul3A_351 = arith.mulf %mul3A_350, %get3A_349 : vector<16xf32>
        %add3A_352 = arith.addf %add3A_343, %mul3A_351 : vector<16xf32>
        %mul3A_353 = arith.constant 64 : i32
        %mul3A_354 = arith.muli %add3A_326, %mul3A_353 : i32
        %add3A_355 = arith.constant 0 : i32
        %add3A_356 = arith.addi %mul3A_354, %add3A_355 : i32
        %swap3A_357 = arith.index_cast %add3A_356 : i32 to index
        %swap3A_358 = tpu.vector_load %arg19[%swap3A_357] {strides = array<i32>} : memref<16384xf32, #tpu.memory_space<vmem>>, vector<16xf32>,
        %swap3A_359 = vector.shape_cast %swap3A_358 : vector<16xf32> to vector<16xf32>
        %swap3A_360 = vector.shape_cast %add3A_352 : vector<16xf32> to vector<16xf32>
        tpu.vector_store %arg19[%swap3A_357], %swap3A_360 {strides = array<i32>} : memref<16384xf32, #tpu.memory_space<vmem>>, vector<16xf32>,
        %slice3A_361 = vector.extract_strided_slice %get3A_45 {offsets = [2], sizes = [1], strides = [1]} : vector<16xf32> to vector<1xf32>
        %squeeze3A_362 = vector.extract %slice3A_361[0] : f32 from vector<1xf32>
        %get3A_363 = arith.index_cast %add3A_326 : i32 to index
        %get3A_364 = arith.constant 16 : index
        %get3A_365 = tpu.vector_load %arg16[%get3A_363, %get3A_364] {strides = array<i32>} : memref<256x128xf32, #tpu.memory_space<vmem>>, vector<1x16xf32>,
        %get3A_366 = vector.shape_cast %get3A_365 : vector<1x16xf32> to vector<16xf32>
        %mul3A_367 = vector.broadcast %squeeze3A_362 : f32 to vector<16xf32>
        %mul3A_368 = arith.mulf %mul3A_367, %get3A_366 : vector<16xf32>
        %slice3A_369 = vector.extract_strided_slice %get3A_48 {offsets = [2], sizes = [1], strides = [1]} : vector<16xf32> to vector<1xf32>
        %squeeze3A_370 = vector.extract %slice3A_369[0] : f32 from vector<1xf32>
        %get3A_371 = arith.index_cast %add3A_326 : i32 to index
        %get3A_372 = arith.constant 16 : index
        %get3A_373 = tpu.vector_load %arg17[%get3A_371, %get3A_372] {strides = array<i32>} : memref<256x128xf32, #tpu.memory_space<vmem>>, vector<1x16xf32>,
        %get3A_374 = vector.shape_cast %get3A_373 : vector<1x16xf32> to vector<16xf32>
        %mul3A_375 = vector.broadcast %squeeze3A_370 : f32 to vector<16xf32>
        %mul3A_376 = arith.mulf %mul3A_375, %get3A_374 : vector<16xf32>
        %add3A_377 = arith.addf %mul3A_368, %mul3A_376 : vector<16xf32>
        %slice3A_378 = vector.extract_strided_slice %get3A_51 {offsets = [2], sizes = [1], strides = [1]} : vector<16xf32> to vector<1xf32>
        %squeeze3A_379 = vector.extract %slice3A_378[0] : f32 from vector<1xf32>
        %get3A_380 = arith.index_cast %add3A_326 : i32 to index
        %get3A_381 = arith.constant 16 : index
        %get3A_382 = tpu.vector_load %arg18[%get3A_380, %get3A_381] {strides = array<i32>} : memref<256x128xf32, #tpu.memory_space<vmem>>, vector<1x16xf32>,
        %get3A_383 = vector.shape_cast %get3A_382 : vector<1x16xf32> to vector<16xf32>
        %mul3A_384 = vector.broadcast %squeeze3A_379 : f32 to vector<16xf32>
        %mul3A_385 = arith.mulf %mul3A_384, %get3A_383 : vector<16xf32>
        %add3A_386 = arith.addf %add3A_377, %mul3A_385 : vector<16xf32>
        %mul3A_387 = arith.constant 64 : i32
        %mul3A_388 = arith.muli %add3A_326, %mul3A_387 : i32
        %add3A_389 = arith.constant 16 : i32
        %add3A_390 = arith.addi %mul3A_388, %add3A_389 : i32
        %swap3A_391 = arith.index_cast %add3A_390 : i32 to index
        %swap3A_392 = tpu.vector_load %arg19[%swap3A_391] {strides = array<i32>} : memref<16384xf32, #tpu.memory_space<vmem>>, vector<16xf32>,
        %swap3A_393 = vector.shape_cast %swap3A_392 : vector<16xf32> to vector<16xf32>
        %swap3A_394 = vector.shape_cast %add3A_386 : vector<16xf32> to vector<16xf32>
        tpu.vector_store %arg19[%swap3A_391], %swap3A_394 {strides = array<i32>} : memref<16384xf32, #tpu.memory_space<vmem>>, vector<16xf32>,
        %slice3A_395 = vector.extract_strided_slice %get3A_45 {offsets = [2], sizes = [1], strides = [1]} : vector<16xf32> to vector<1xf32>
        %squeeze3A_396 = vector.extract %slice3A_395[0] : f32 from vector<1xf32>
        %get3A_397 = arith.index_cast %add3A_326 : i32 to index
        %get3A_398 = arith.constant 32 : index
        %get3A_399 = tpu.vector_load %arg16[%get3A_397, %get3A_398] {strides = array<i32>} : memref<256x128xf32, #tpu.memory_space<vmem>>, vector<1x16xf32>,
        %get3A_400 = vector.shape_cast %get3A_399 : vector<1x16xf32> to vector<16xf32>
        %mul3A_401 = vector.broadcast %squeeze3A_396 : f32 to vector<16xf32>
        %mul3A_402 = arith.mulf %mul3A_401, %get3A_400 : vector<16xf32>
        %slice3A_403 = vector.extract_strided_slice %get3A_48 {offsets = [2], sizes = [1], strides = [1]} : vector<16xf32> to vector<1xf32>
        %squeeze3A_404 = vector.extract %slice3A_403[0] : f32 from vector<1xf32>
        %get3A_405 = arith.index_cast %add3A_326 : i32 to index
        %get3A_406 = arith.constant 32 : index
        %get3A_407 = tpu.vector_load %arg17[%get3A_405, %get3A_406] {strides = array<i32>} : memref<256x128xf32, #tpu.memory_space<vmem>>, vector<1x16xf32>,
        %get3A_408 = vector.shape_cast %get3A_407 : vector<1x16xf32> to vector<16xf32>
        %mul3A_409 = vector.broadcast %squeeze3A_404 : f32 to vector<16xf32>
        %mul3A_410 = arith.mulf %mul3A_409, %get3A_408 : vector<16xf32>
        %add3A_411 = arith.addf %mul3A_402, %mul3A_410 : vector<16xf32>
        %slice3A_412 = vector.extract_strided_slice %get3A_51 {offsets = [2], sizes = [1], strides = [1]} : vector<16xf32> to vector<1xf32>
        %squeeze3A_413 = vector.extract %slice3A_412[0] : f32 from vector<1xf32>
        %get3A_414 = arith.index_cast %add3A_326 : i32 to index
        %get3A_415 = arith.constant 32 : index
        %get3A_416 = tpu.vector_load %arg18[%get3A_414, %get3A_415] {strides = array<i32>} : memref<256x128xf32, #tpu.memory_space<vmem>>, vector<1x16xf32>,
        %get3A_417 = vector.shape_cast %get3A_416 : vector<1x16xf32> to vector<16xf32>
        %mul3A_418 = vector.broadcast %squeeze3A_413 : f32 to vector<16xf32>
        %mul3A_419 = arith.mulf %mul3A_418, %get3A_417 : vector<16xf32>
        %add3A_420 = arith.addf %add3A_411, %mul3A_419 : vector<16xf32>
        %mul3A_421 = arith.constant 64 : i32
        %mul3A_422 = arith.muli %add3A_326, %mul3A_421 : i32
        %add3A_423 = arith.constant 32 : i32
        %add3A_424 = arith.addi %mul3A_422, %add3A_423 : i32
        %swap3A_425 = arith.index_cast %add3A_424 : i32 to index
        %swap3A_426 = tpu.vector_load %arg19[%swap3A_425] {strides = array<i32>} : memref<16384xf32, #tpu.memory_space<vmem>>, vector<16xf32>,
        %swap3A_427 = vector.shape_cast %swap3A_426 : vector<16xf32> to vector<16xf32>
        %swap3A_428 = vector.shape_cast %add3A_420 : vector<16xf32> to vector<16xf32>
        tpu.vector_store %arg19[%swap3A_425], %swap3A_428 {strides = array<i32>} : memref<16384xf32, #tpu.memory_space<vmem>>, vector<16xf32>,
        %slice3A_429 = vector.extract_strided_slice %get3A_45 {offsets = [2], sizes = [1], strides = [1]} : vector<16xf32> to vector<1xf32>
        %squeeze3A_430 = vector.extract %slice3A_429[0] : f32 from vector<1xf32>
        %get3A_431 = arith.index_cast %add3A_326 : i32 to index
        %get3A_432 = arith.constant 48 : index
        %get3A_433 = tpu.vector_load %arg16[%get3A_431, %get3A_432] {strides = array<i32>} : memref<256x128xf32, #tpu.memory_space<vmem>>, vector<1x16xf32>,
        %get3A_434 = vector.shape_cast %get3A_433 : vector<1x16xf32> to vector<16xf32>
        %mul3A_435 = vector.broadcast %squeeze3A_430 : f32 to vector<16xf32>
        %mul3A_436 = arith.mulf %mul3A_435, %get3A_434 : vector<16xf32>
        %slice3A_437 = vector.extract_strided_slice %get3A_48 {offsets = [2], sizes = [1], strides = [1]} : vector<16xf32> to vector<1xf32>
        %squeeze3A_438 = vector.extract %slice3A_437[0] : f32 from vector<1xf32>
        %get3A_439 = arith.index_cast %add3A_326 : i32 to index
        %get3A_440 = arith.constant 48 : index
        %get3A_441 = tpu.vector_load %arg17[%get3A_439, %get3A_440] {strides = array<i32>} : memref<256x128xf32, #tpu.memory_space<vmem>>, vector<1x16xf32>,
        %get3A_442 = vector.shape_cast %get3A_441 : vector<1x16xf32> to vector<16xf32>
        %mul3A_443 = vector.broadcast %squeeze3A_438 : f32 to vector<16xf32>
        %mul3A_444 = arith.mulf %mul3A_443, %get3A_442 : vector<16xf32>
        %add3A_445 = arith.addf %mul3A_436, %mul3A_444 : vector<16xf32>
        %slice3A_446 = vector.extract_strided_slice %get3A_51 {offsets = [2], sizes = [1], strides = [1]} : vector<16xf32> to vector<1xf32>
        %squeeze3A_447 = vector.extract %slice3A_446[0] : f32 from vector<1xf32>
        %get3A_448 = arith.index_cast %add3A_326 : i32 to index
        %get3A_449 = arith.constant 48 : index
        %get3A_450 = tpu.vector_load %arg18[%get3A_448, %get3A_449] {strides = array<i32>} : memref<256x128xf32, #tpu.memory_space<vmem>>, vector<1x16xf32>,
        %get3A_451 = vector.shape_cast %get3A_450 : vector<1x16xf32> to vector<16xf32>
        %mul3A_452 = vector.broadcast %squeeze3A_447 : f32 to vector<16xf32>
        %mul3A_453 = arith.mulf %mul3A_452, %get3A_451 : vector<16xf32>
        %add3A_454 = arith.addf %add3A_445, %mul3A_453 : vector<16xf32>
        %mul3A_455 = arith.constant 64 : i32
        %mul3A_456 = arith.muli %add3A_326, %mul3A_455 : i32
        %add3A_457 = arith.constant 48 : i32
        %add3A_458 = arith.addi %mul3A_456, %add3A_457 : i32
        %swap3A_459 = arith.index_cast %add3A_458 : i32 to index
        %swap3A_460 = tpu.vector_load %arg19[%swap3A_459] {strides = array<i32>} : memref<16384xf32, #tpu.memory_space<vmem>>, vector<16xf32>,
        %swap3A_461 = vector.shape_cast %swap3A_460 : vector<16xf32> to vector<16xf32>
        %swap3A_462 = vector.shape_cast %add3A_454 : vector<16xf32> to vector<16xf32>
        tpu.vector_store %arg19[%swap3A_459], %swap3A_462 {strides = array<i32>} : memref<16384xf32, #tpu.memory_space<vmem>>, vector<16xf32>,
        %add3A_463 = arith.constant 3 : i32
        %add3A_464 = arith.addi %multiple_of3A, %add3A_463 : i32
        %slice3A_465 = vector.extract_strided_slice %get3A_45 {offsets = [3], sizes = [1], strides = [1]} : vector<16xf32> to vector<1xf32>
        %squeeze3A_466 = vector.extract %slice3A_465[0] : f32 from vector<1xf32>
        %get3A_467 = arith.index_cast %add3A_464 : i32 to index
        %get3A_468 = arith.constant 0 : index
        %get3A_469 = tpu.vector_load %arg16[%get3A_467, %get3A_468] {strides = array<i32>} : memref<256x128xf32, #tpu.memory_space<vmem>>, vector<1x16xf32>,
        %get3A_470 = vector.shape_cast %get3A_469 : vector<1x16xf32> to vector<16xf32>
        %mul3A_471 = vector.broadcast %squeeze3A_466 : f32 to vector<16xf32>
        %mul3A_472 = arith.mulf %mul3A_471, %get3A_470 : vector<16xf32>
        %slice3A_473 = vector.extract_strided_slice %get3A_48 {offsets = [3], sizes = [1], strides = [1]} : vector<16xf32> to vector<1xf32>
        %squeeze3A_474 = vector.extract %slice3A_473[0] : f32 from vector<1xf32>
        %get3A_475 = arith.index_cast %add3A_464 : i32 to index
        %get3A_476 = arith.constant 0 : index
        %get3A_477 = tpu.vector_load %arg17[%get3A_475, %get3A_476] {strides = array<i32>} : memref<256x128xf32, #tpu.memory_space<vmem>>, vector<1x16xf32>,
        %get3A_478 = vector.shape_cast %get3A_477 : vector<1x16xf32> to vector<16xf32>
        %mul3A_479 = vector.broadcast %squeeze3A_474 : f32 to vector<16xf32>
        %mul3A_480 = arith.mulf %mul3A_479, %get3A_478 : vector<16xf32>
        %add3A_481 = arith.addf %mul3A_472, %mul3A_480 : vector<16xf32>
        %slice3A_482 = vector.extract_strided_slice %get3A_51 {offsets = [3], sizes = [1], strides = [1]} : vector<16xf32> to vector<1xf32>
        %squeeze3A_483 = vector.extract %slice3A_482[0] : f32 from vector<1xf32>
        %get3A_484 = arith.index_cast %add3A_464 : i32 to index
        %get3A_485 = arith.constant 0 : index
        %get3A_486 = tpu.vector_load %arg18[%get3A_484, %get3A_485] {strides = array<i32>} : memref<256x128xf32, #tpu.memory_space<vmem>>, vector<1x16xf32>,
        %get3A_487 = vector.shape_cast %get3A_486 : vector<1x16xf32> to vector<16xf32>
        %mul3A_488 = vector.broadcast %squeeze3A_483 : f32 to vector<16xf32>
        %mul3A_489 = arith.mulf %mul3A_488, %get3A_487 : vector<16xf32>
        %add3A_490 = arith.addf %add3A_481, %mul3A_489 : vector<16xf32>
        %mul3A_491 = arith.constant 64 : i32
        %mul3A_492 = arith.muli %add3A_464, %mul3A_491 : i32
        %add3A_493 = arith.constant 0 : i32
        %add3A_494 = arith.addi %mul3A_492, %add3A_493 : i32
        %swap3A_495 = arith.index_cast %add3A_494 : i32 to index
        %swap3A_496 = tpu.vector_load %arg19[%swap3A_495] {strides = array<i32>} : memref<16384xf32, #tpu.memory_space<vmem>>, vector<16xf32>,
        %swap3A_497 = vector.shape_cast %swap3A_496 : vector<16xf32> to vector<16xf32>
        %swap3A_498 = vector.shape_cast %add3A_490 : vector<16xf32> to vector<16xf32>
        tpu.vector_store %arg19[%swap3A_495], %swap3A_498 {strides = array<i32>} : memref<16384xf32, #tpu.memory_space<vmem>>, vector<16xf32>,
        %slice3A_499 = vector.extract_strided_slice %get3A_45 {offsets = [3], sizes = [1], strides = [1]} : vector<16xf32> to vector<1xf32>
        %squeeze3A_500 = vector.extract %slice3A_499[0] : f32 from vector<1xf32>
        %get3A_501 = arith.index_cast %add3A_464 : i32 to index
        %get3A_502 = arith.constant 16 : index
        %get3A_503 = tpu.vector_load %arg16[%get3A_501, %get3A_502] {strides = array<i32>} : memref<256x128xf32, #tpu.memory_space<vmem>>, vector<1x16xf32>,
        %get3A_504 = vector.shape_cast %get3A_503 : vector<1x16xf32> to vector<16xf32>
        %mul3A_505 = vector.broadcast %squeeze3A_500 : f32 to vector<16xf32>
        %mul3A_506 = arith.mulf %mul3A_505, %get3A_504 : vector<16xf32>
        %slice3A_507 = vector.extract_strided_slice %get3A_48 {offsets = [3], sizes = [1], strides = [1]} : vector<16xf32> to vector<1xf32>
        %squeeze3A_508 = vector.extract %slice3A_507[0] : f32 from vector<1xf32>
        %get3A_509 = arith.index_cast %add3A_464 : i32 to index
        %get3A_510 = arith.constant 16 : index
        %get3A_511 = tpu.vector_load %arg17[%get3A_509, %get3A_510] {strides = array<i32>} : memref<256x128xf32, #tpu.memory_space<vmem>>, vector<1x16xf32>,
        %get3A_512 = vector.shape_cast %get3A_511 : vector<1x16xf32> to vector<16xf32>
        %mul3A_513 = vector.broadcast %squeeze3A_508 : f32 to vector<16xf32>
        %mul3A_514 = arith.mulf %mul3A_513, %get3A_512 : vector<16xf32>
        %add3A_515 = arith.addf %mul3A_506, %mul3A_514 : vector<16xf32>
        %slice3A_516 = vector.extract_strided_slice %get3A_51 {offsets = [3], sizes = [1], strides = [1]} : vector<16xf32> to vector<1xf32>
        %squeeze3A_517 = vector.extract %slice3A_516[0] : f32 from vector<1xf32>
        %get3A_518 = arith.index_cast %add3A_464 : i32 to index
        %get3A_519 = arith.constant 16 : index
        %get3A_520 = tpu.vector_load %arg18[%get3A_518, %get3A_519] {strides = array<i32>} : memref<256x128xf32, #tpu.memory_space<vmem>>, vector<1x16xf32>,
        %get3A_521 = vector.shape_cast %get3A_520 : vector<1x16xf32> to vector<16xf32>
        %mul3A_522 = vector.broadcast %squeeze3A_517 : f32 to vector<16xf32>
        %mul3A_523 = arith.mulf %mul3A_522, %get3A_521 : vector<16xf32>
        %add3A_524 = arith.addf %add3A_515, %mul3A_523 : vector<16xf32>
        %mul3A_525 = arith.constant 64 : i32
        %mul3A_526 = arith.muli %add3A_464, %mul3A_525 : i32
        %add3A_527 = arith.constant 16 : i32
        %add3A_528 = arith.addi %mul3A_526, %add3A_527 : i32
        %swap3A_529 = arith.index_cast %add3A_528 : i32 to index
        %swap3A_530 = tpu.vector_load %arg19[%swap3A_529] {strides = array<i32>} : memref<16384xf32, #tpu.memory_space<vmem>>, vector<16xf32>,
        %swap3A_531 = vector.shape_cast %swap3A_530 : vector<16xf32> to vector<16xf32>
        %swap3A_532 = vector.shape_cast %add3A_524 : vector<16xf32> to vector<16xf32>
        tpu.vector_store %arg19[%swap3A_529], %swap3A_532 {strides = array<i32>} : memref<16384xf32, #tpu.memory_space<vmem>>, vector<16xf32>,
        %slice3A_533 = vector.extract_strided_slice %get3A_45 {offsets = [3], sizes = [1], strides = [1]} : vector<16xf32> to vector<1xf32>
        %squeeze3A_534 = vector.extract %slice3A_533[0] : f32 from vector<1xf32>
        %get3A_535 = arith.index_cast %add3A_464 : i32 to index
        %get3A_536 = arith.constant 32 : index
        %get3A_537 = tpu.vector_load %arg16[%get3A_535, %get3A_536] {strides = array<i32>} : memref<256x128xf32, #tpu.memory_space<vmem>>, vector<1x16xf32>,
        %get3A_538 = vector.shape_cast %get3A_537 : vector<1x16xf32> to vector<16xf32>
        %mul3A_539 = vector.broadcast %squeeze3A_534 : f32 to vector<16xf32>
        %mul3A_540 = arith.mulf %mul3A_539, %get3A_538 : vector<16xf32>
        %slice3A_541 = vector.extract_strided_slice %get3A_48 {offsets = [3], sizes = [1], strides = [1]} : vector<16xf32> to vector<1xf32>
        %squeeze3A_542 = vector.extract %slice3A_541[0] : f32 from vector<1xf32>
        %get3A_543 = arith.index_cast %add3A_464 : i32 to index
        %get3A_544 = arith.constant 32 : index
        %get3A_545 = tpu.vector_load %arg17[%get3A_543, %get3A_544] {strides = array<i32>} : memref<256x128xf32, #tpu.memory_space<vmem>>, vector<1x16xf32>,
        %get3A_546 = vector.shape_cast %get3A_545 : vector<1x16xf32> to vector<16xf32>
        %mul3A_547 = vector.broadcast %squeeze3A_542 : f32 to vector<16xf32>
        %mul3A_548 = arith.mulf %mul3A_547, %get3A_546 : vector<16xf32>
        %add3A_549 = arith.addf %mul3A_540, %mul3A_548 : vector<16xf32>
        %slice3A_550 = vector.extract_strided_slice %get3A_51 {offsets = [3], sizes = [1], strides = [1]} : vector<16xf32> to vector<1xf32>
        %squeeze3A_551 = vector.extract %slice3A_550[0] : f32 from vector<1xf32>
        %get3A_552 = arith.index_cast %add3A_464 : i32 to index
        %get3A_553 = arith.constant 32 : index
        %get3A_554 = tpu.vector_load %arg18[%get3A_552, %get3A_553] {strides = array<i32>} : memref<256x128xf32, #tpu.memory_space<vmem>>, vector<1x16xf32>,
        %get3A_555 = vector.shape_cast %get3A_554 : vector<1x16xf32> to vector<16xf32>
        %mul3A_556 = vector.broadcast %squeeze3A_551 : f32 to vector<16xf32>
        %mul3A_557 = arith.mulf %mul3A_556, %get3A_555 : vector<16xf32>
        %add3A_558 = arith.addf %add3A_549, %mul3A_557 : vector<16xf32>
        %mul3A_559 = arith.constant 64 : i32
        %mul3A_560 = arith.muli %add3A_464, %mul3A_559 : i32
        %add3A_561 = arith.constant 32 : i32
        %add3A_562 = arith.addi %mul3A_560, %add3A_561 : i32
        %swap3A_563 = arith.index_cast %add3A_562 : i32 to index
        %swap3A_564 = tpu.vector_load %arg19[%swap3A_563] {strides = array<i32>} : memref<16384xf32, #tpu.memory_space<vmem>>, vector<16xf32>,
        %swap3A_565 = vector.shape_cast %swap3A_564 : vector<16xf32> to vector<16xf32>
        %swap3A_566 = vector.shape_cast %add3A_558 : vector<16xf32> to vector<16xf32>
        tpu.vector_store %arg19[%swap3A_563], %swap3A_566 {strides = array<i32>} : memref<16384xf32, #tpu.memory_space<vmem>>, vector<16xf32>,
        %slice3A_567 = vector.extract_strided_slice %get3A_45 {offsets = [3], sizes = [1], strides = [1]} : vector<16xf32> to vector<1xf32>
        %squeeze3A_568 = vector.extract %slice3A_567[0] : f32 from vector<1xf32>
        %get3A_569 = arith.index_cast %add3A_464 : i32 to index
        %get3A_570 = arith.constant 48 : index
        %get3A_571 = tpu.vector_load %arg16[%get3A_569, %get3A_570] {strides = array<i32>} : memref<256x128xf32, #tpu.memory_space<vmem>>, vector<1x16xf32>,
        %get3A_572 = vector.shape_cast %get3A_571 : vector<1x16xf32> to vector<16xf32>
        %mul3A_573 = vector.broadcast %squeeze3A_568 : f32 to vector<16xf32>
        %mul3A_574 = arith.mulf %mul3A_573, %get3A_572 : vector<16xf32>
        %slice3A_575 = vector.extract_strided_slice %get3A_48 {offsets = [3], sizes = [1], strides = [1]} : vector<16xf32> to vector<1xf32>
        %squeeze3A_576 = vector.extract %slice3A_575[0] : f32 from vector<1xf32>
        %get3A_577 = arith.index_cast %add3A_464 : i32 to index
        %get3A_578 = arith.constant 48 : index
        %get3A_579 = tpu.vector_load %arg17[%get3A_577, %get3A_578] {strides = array<i32>} : memref<256x128xf32, #tpu.memory_space<vmem>>, vector<1x16xf32>,
        %get3A_580 = vector.shape_cast %get3A_579 : vector<1x16xf32> to vector<16xf32>
        %mul3A_581 = vector.broadcast %squeeze3A_576 : f32 to vector<16xf32>
        %mul3A_582 = arith.mulf %mul3A_581, %get3A_580 : vector<16xf32>
        %add3A_583 = arith.addf %mul3A_574, %mul3A_582 : vector<16xf32>
        %slice3A_584 = vector.extract_strided_slice %get3A_51 {offsets = [3], sizes = [1], strides = [1]} : vector<16xf32> to vector<1xf32>
        %squeeze3A_585 = vector.extract %slice3A_584[0] : f32 from vector<1xf32>
        %get3A_586 = arith.index_cast %add3A_464 : i32 to index
        %get3A_587 = arith.constant 48 : index
        %get3A_588 = tpu.vector_load %arg18[%get3A_586, %get3A_587] {strides = array<i32>} : memref<256x128xf32, #tpu.memory_space<vmem>>, vector<1x16xf32>,
        %get3A_589 = vector.shape_cast %get3A_588 : vector<1x16xf32> to vector<16xf32>
        %mul3A_590 = vector.broadcast %squeeze3A_585 : f32 to vector<16xf32>
        %mul3A_591 = arith.mulf %mul3A_590, %get3A_589 : vector<16xf32>
        %add3A_592 = arith.addf %add3A_583, %mul3A_591 : vector<16xf32>
        %mul3A_593 = arith.constant 64 : i32
        %mul3A_594 = arith.muli %add3A_464, %mul3A_593 : i32
        %add3A_595 = arith.constant 48 : i32
        %add3A_596 = arith.addi %mul3A_594, %add3A_595 : i32
        %swap3A_597 = arith.index_cast %add3A_596 : i32 to index
        %swap3A_598 = tpu.vector_load %arg19[%swap3A_597] {strides = array<i32>} : memref<16384xf32, #tpu.memory_space<vmem>>, vector<16xf32>,
        %swap3A_599 = vector.shape_cast %swap3A_598 : vector<16xf32> to vector<16xf32>
        %swap3A_600 = vector.shape_cast %add3A_592 : vector<16xf32> to vector<16xf32>
        tpu.vector_store %arg19[%swap3A_597], %swap3A_600 {strides = array<i32>} : memref<16384xf32, #tpu.memory_space<vmem>>, vector<16xf32>,
        %add3A_601 = arith.constant 4 : i32
        %add3A_602 = arith.addi %multiple_of3A, %add3A_601 : i32
        %slice3A_603 = vector.extract_strided_slice %get3A_45 {offsets = [4], sizes = [1], strides = [1]} : vector<16xf32> to vector<1xf32>
        %squeeze3A_604 = vector.extract %slice3A_603[0] : f32 from vector<1xf32>
        %get3A_605 = arith.index_cast %add3A_602 : i32 to index
        %get3A_606 = arith.constant 0 : index
        %get3A_607 = tpu.vector_load %arg16[%get3A_605, %get3A_606] {strides = array<i32>} : memref<256x128xf32, #tpu.memory_space<vmem>>, vector<1x16xf32>,
        %get3A_608 = vector.shape_cast %get3A_607 : vector<1x16xf32> to vector<16xf32>
        %mul3A_609 = vector.broadcast %squeeze3A_604 : f32 to vector<16xf32>
        %mul3A_610 = arith.mulf %mul3A_609, %get3A_608 : vector<16xf32>
        %slice3A_611 = vector.extract_strided_slice %get3A_48 {offsets = [4], sizes = [1], strides = [1]} : vector<16xf32> to vector<1xf32>
        %squeeze3A_612 = vector.extract %slice3A_611[0] : f32 from vector<1xf32>
        %get3A_613 = arith.index_cast %add3A_602 : i32 to index
        %get3A_614 = arith.constant 0 : index
        %get3A_615 = tpu.vector_load %arg17[%get3A_613, %get3A_614] {strides = array<i32>} : memref<256x128xf32, #tpu.memory_space<vmem>>, vector<1x16xf32>,
        %get3A_616 = vector.shape_cast %get3A_615 : vector<1x16xf32> to vector<16xf32>
        %mul3A_617 = vector.broadcast %squeeze3A_612 : f32 to vector<16xf32>
        %mul3A_618 = arith.mulf %mul3A_617, %get3A_616 : vector<16xf32>
        %add3A_619 = arith.addf %mul3A_610, %mul3A_618 : vector<16xf32>
        %slice3A_620 = vector.extract_strided_slice %get3A_51 {offsets = [4], sizes = [1], strides = [1]} : vector<16xf32> to vector<1xf32>
        %squeeze3A_621 = vector.extract %slice3A_620[0] : f32 from vector<1xf32>
        %get3A_622 = arith.index_cast %add3A_602 : i32 to index
        %get3A_623 = arith.constant 0 : index
        %get3A_624 = tpu.vector_load %arg18[%get3A_622, %get3A_623] {strides = array<i32>} : memref<256x128xf32, #tpu.memory_space<vmem>>, vector<1x16xf32>,
        %get3A_625 = vector.shape_cast %get3A_624 : vector<1x16xf32> to vector<16xf32>
        %mul3A_626 = vector.broadcast %squeeze3A_621 : f32 to vector<16xf32>
        %mul3A_627 = arith.mulf %mul3A_626, %get3A_625 : vector<16xf32>
        %add3A_628 = arith.addf %add3A_619, %mul3A_627 : vector<16xf32>
        %mul3A_629 = arith.constant 64 : i32
        %mul3A_630 = arith.muli %add3A_602, %mul3A_629 : i32
        %add3A_631 = arith.constant 0 : i32
        %add3A_632 = arith.addi %mul3A_630, %add3A_631 : i32
        %swap3A_633 = arith.index_cast %add3A_632 : i32 to index
        %swap3A_634 = tpu.vector_load %arg19[%swap3A_633] {strides = array<i32>} : memref<16384xf32, #tpu.memory_space<vmem>>, vector<16xf32>,
        %swap3A_635 = vector.shape_cast %swap3A_634 : vector<16xf32> to vector<16xf32>
        %swap3A_636 = vector.shape_cast %add3A_628 : vector<16xf32> to vector<16xf32>
        tpu.vector_store %arg19[%swap3A_633], %swap3A_636 {strides = array<i32>} : memref<16384xf32, #tpu.memory_space<vmem>>, vector<16xf32>,
        %slice3A_637 = vector.extract_strided_slice %get3A_45 {offsets = [4], sizes = [1], strides = [1]} : vector<16xf32> to vector<1xf32>
        %squeeze3A_638 = vector.extract %slice3A_637[0] : f32 from vector<1xf32>
        %get3A_639 = arith.index_cast %add3A_602 : i32 to index
        %get3A_640 = arith.constant 16 : index
        %get3A_641 = tpu.vector_load %arg16[%get3A_639, %get3A_640] {strides = array<i32>} : memref<256x128xf32, #tpu.memory_space<vmem>>, vector<1x16xf32>,
        %get3A_642 = vector.shape_cast %get3A_641 : vector<1x16xf32> to vector<16xf32>
        %mul3A_643 = vector.broadcast %squeeze3A_638 : f32 to vector<16xf32>
        %mul3A_644 = arith.mulf %mul3A_643, %get3A_642 : vector<16xf32>
        %slice3A_645 = vector.extract_strided_slice %get3A_48 {offsets = [4], sizes = [1], strides = [1]} : vector<16xf32> to vector<1xf32>
        %squeeze3A_646 = vector.extract %slice3A_645[0] : f32 from vector<1xf32>
        %get3A_647 = arith.index_cast %add3A_602 : i32 to index
        %get3A_648 = arith.constant 16 : index
        %get3A_649 = tpu.vector_load %arg17[%get3A_647, %get3A_648] {strides = array<i32>} : memref<256x128xf32, #tpu.memory_space<vmem>>, vector<1x16xf32>,
        %get3A_650 = vector.shape_cast %get3A_649 : vector<1x16xf32> to vector<16xf32>
        %mul3A_651 = vector.broadcast %squeeze3A_646 : f32 to vector<16xf32>
        %mul3A_652 = arith.mulf %mul3A_651, %get3A_650 : vector<16xf32>
        %add3A_653 = arith.addf %mul3A_644, %mul3A_652 : vector<16xf32>
        %slice3A_654 = vector.extract_strided_slice %get3A_51 {offsets = [4], sizes = [1], strides = [1]} : vector<16xf32> to vector<1xf32>
        %squeeze3A_655 = vector.extract %slice3A_654[0] : f32 from vector<1xf32>
        %get3A_656 = arith.index_cast %add3A_602 : i32 to index
        %get3A_657 = arith.constant 16 : index
        %get3A_658 = tpu.vector_load %arg18[%get3A_656, %get3A_657] {strides = array<i32>} : memref<256x128xf32, #tpu.memory_space<vmem>>, vector<1x16xf32>,
        %get3A_659 = vector.shape_cast %get3A_658 : vector<1x16xf32> to vector<16xf32>
        %mul3A_660 = vector.broadcast %squeeze3A_655 : f32 to vector<16xf32>
        %mul3A_661 = arith.mulf %mul3A_660, %get3A_659 : vector<16xf32>
        %add3A_662 = arith.addf %add3A_653, %mul3A_661 : vector<16xf32>
        %mul3A_663 = arith.constant 64 : i32
        %mul3A_664 = arith.muli %add3A_602, %mul3A_663 : i32
        %add3A_665 = arith.constant 16 : i32
        %add3A_666 = arith.addi %mul3A_664, %add3A_665 : i32
        %swap3A_667 = arith.index_cast %add3A_666 : i32 to index
        %swap3A_668 = tpu.vector_load %arg19[%swap3A_667] {strides = array<i32>} : memref<16384xf32, #tpu.memory_space<vmem>>, vector<16xf32>,
        %swap3A_669 = vector.shape_cast %swap3A_668 : vector<16xf32> to vector<16xf32>
        %swap3A_670 = vector.shape_cast %add3A_662 : vector<16xf32> to vector<16xf32>
        tpu.vector_store %arg19[%swap3A_667], %swap3A_670 {strides = array<i32>} : memref<16384xf32, #tpu.memory_space<vmem>>, vector<16xf32>,
        %slice3A_671 = vector.extract_strided_slice %get3A_45 {offsets = [4], sizes = [1], strides = [1]} : vector<16xf32> to vector<1xf32>
        %squeeze3A_672 = vector.extract %slice3A_671[0] : f32 from vector<1xf32>
        %get3A_673 = arith.index_cast %add3A_602 : i32 to index
        %get3A_674 = arith.constant 32 : index
        %get3A_675 = tpu.vector_load %arg16[%get3A_673, %get3A_674] {strides = array<i32>} : memref<256x128xf32, #tpu.memory_space<vmem>>, vector<1x16xf32>,
        %get3A_676 = vector.shape_cast %get3A_675 : vector<1x16xf32> to vector<16xf32>
        %mul3A_677 = vector.broadcast %squeeze3A_672 : f32 to vector<16xf32>
        %mul3A_678 = arith.mulf %mul3A_677, %get3A_676 : vector<16xf32>
        %slice3A_679 = vector.extract_strided_slice %get3A_48 {offsets = [4], sizes = [1], strides = [1]} : vector<16xf32> to vector<1xf32>
        %squeeze3A_680 = vector.extract %slice3A_679[0] : f32 from vector<1xf32>
        %get3A_681 = arith.index_cast %add3A_602 : i32 to index
        %get3A_682 = arith.constant 32 : index
        %get3A_683 = tpu.vector_load %arg17[%get3A_681, %get3A_682] {strides = array<i32>} : memref<256x128xf32, #tpu.memory_space<vmem>>, vector<1x16xf32>,
        %get3A_684 = vector.shape_cast %get3A_683 : vector<1x16xf32> to vector<16xf32>
        %mul3A_685 = vector.broadcast %squeeze3A_680 : f32 to vector<16xf32>
        %mul3A_686 = arith.mulf %mul3A_685, %get3A_684 : vector<16xf32>
        %add3A_687 = arith.addf %mul3A_678, %mul3A_686 : vector<16xf32>
        %slice3A_688 = vector.extract_strided_slice %get3A_51 {offsets = [4], sizes = [1], strides = [1]} : vector<16xf32> to vector<1xf32>
        %squeeze3A_689 = vector.extract %slice3A_688[0] : f32 from vector<1xf32>
        %get3A_690 = arith.index_cast %add3A_602 : i32 to index
        %get3A_691 = arith.constant 32 : index
        %get3A_692 = tpu.vector_load %arg18[%get3A_690, %get3A_691] {strides = array<i32>} : memref<256x128xf32, #tpu.memory_space<vmem>>, vector<1x16xf32>,
        %get3A_693 = vector.shape_cast %get3A_692 : vector<1x16xf32> to vector<16xf32>
        %mul3A_694 = vector.broadcast %squeeze3A_689 : f32 to vector<16xf32>
        %mul3A_695 = arith.mulf %mul3A_694, %get3A_693 : vector<16xf32>
        %add3A_696 = arith.addf %add3A_687, %mul3A_695 : vector<16xf32>
        %mul3A_697 = arith.constant 64 : i32
        %mul3A_698 = arith.muli %add3A_602, %mul3A_697 : i32
        %add3A_699 = arith.constant 32 : i32
        %add3A_700 = arith.addi %mul3A_698, %add3A_699 : i32
        %swap3A_701 = arith.index_cast %add3A_700 : i32 to index
        %swap3A_702 = tpu.vector_load %arg19[%swap3A_701] {strides = array<i32>} : memref<16384xf32, #tpu.memory_space<vmem>>, vector<16xf32>,
        %swap3A_703 = vector.shape_cast %swap3A_702 : vector<16xf32> to vector<16xf32>
        %swap3A_704 = vector.shape_cast %add3A_696 : vector<16xf32> to vector<16xf32>
        tpu.vector_store %arg19[%swap3A_701], %swap3A_704 {strides = array<i32>} : memref<16384xf32, #tpu.memory_space<vmem>>, vector<16xf32>,
        %slice3A_705 = vector.extract_strided_slice %get3A_45 {offsets = [4], sizes = [1], strides = [1]} : vector<16xf32> to vector<1xf32>
        %squeeze3A_706 = vector.extract %slice3A_705[0] : f32 from vector<1xf32>
        %get3A_707 = arith.index_cast %add3A_602 : i32 to index
        %get3A_708 = arith.constant 48 : index
        %get3A_709 = tpu.vector_load %arg16[%get3A_707, %get3A_708] {strides = array<i32>} : memref<256x128xf32, #tpu.memory_space<vmem>>, vector<1x16xf32>,
        %get3A_710 = vector.shape_cast %get3A_709 : vector<1x16xf32> to vector<16xf32>
        %mul3A_711 = vector.broadcast %squeeze3A_706 : f32 to vector<16xf32>
        %mul3A_712 = arith.mulf %mul3A_711, %get3A_710 : vector<16xf32>
        %slice3A_713 = vector.extract_strided_slice %get3A_48 {offsets = [4], sizes = [1], strides = [1]} : vector<16xf32> to vector<1xf32>
        %squeeze3A_714 = vector.extract %slice3A_713[0] : f32 from vector<1xf32>
        %get3A_715 = arith.index_cast %add3A_602 : i32 to index
        %get3A_716 = arith.constant 48 : index
        %get3A_717 = tpu.vector_load %arg17[%get3A_715, %get3A_716] {strides = array<i32>} : memref<256x128xf32, #tpu.memory_space<vmem>>, vector<1x16xf32>,
        %get3A_718 = vector.shape_cast %get3A_717 : vector<1x16xf32> to vector<16xf32>
        %mul3A_719 = vector.broadcast %squeeze3A_714 : f32 to vector<16xf32>
        %mul3A_720 = arith.mulf %mul3A_719, %get3A_718 : vector<16xf32>
        %add3A_721 = arith.addf %mul3A_712, %mul3A_720 : vector<16xf32>
        %slice3A_722 = vector.extract_strided_slice %get3A_51 {offsets = [4], sizes = [1], strides = [1]} : vector<16xf32> to vector<1xf32>
        %squeeze3A_723 = vector.extract %slice3A_722[0] : f32 from vector<1xf32>
        %get3A_724 = arith.index_cast %add3A_602 : i32 to index
        %get3A_725 = arith.constant 48 : index
        %get3A_726 = tpu.vector_load %arg18[%get3A_724, %get3A_725] {strides = array<i32>} : memref<256x128xf32, #tpu.memory_space<vmem>>, vector<1x16xf32>,
        %get3A_727 = vector.shape_cast %get3A_726 : vector<1x16xf32> to vector<16xf32>
        %mul3A_728 = vector.broadcast %squeeze3A_723 : f32 to vector<16xf32>
        %mul3A_729 = arith.mulf %mul3A_728, %get3A_727 : vector<16xf32>
        %add3A_730 = arith.addf %add3A_721, %mul3A_729 : vector<16xf32>
        %mul3A_731 = arith.constant 64 : i32
        %mul3A_732 = arith.muli %add3A_602, %mul3A_731 : i32
        %add3A_733 = arith.constant 48 : i32
        %add3A_734 = arith.addi %mul3A_732, %add3A_733 : i32
        %swap3A_735 = arith.index_cast %add3A_734 : i32 to index
        %swap3A_736 = tpu.vector_load %arg19[%swap3A_735] {strides = array<i32>} : memref<16384xf32, #tpu.memory_space<vmem>>, vector<16xf32>,
        %swap3A_737 = vector.shape_cast %swap3A_736 : vector<16xf32> to vector<16xf32>
        %swap3A_738 = vector.shape_cast %add3A_730 : vector<16xf32> to vector<16xf32>
        tpu.vector_store %arg19[%swap3A_735], %swap3A_738 {strides = array<i32>} : memref<16384xf32, #tpu.memory_space<vmem>>, vector<16xf32>,
        %add3A_739 = arith.constant 5 : i32
        %add3A_740 = arith.addi %multiple_of3A, %add3A_739 : i32
        %slice3A_741 = vector.extract_strided_slice %get3A_45 {offsets = [5], sizes = [1], strides = [1]} : vector<16xf32> to vector<1xf32>
        %squeeze3A_742 = vector.extract %slice3A_741[0] : f32 from vector<1xf32>
        %get3A_743 = arith.index_cast %add3A_740 : i32 to index
        %get3A_744 = arith.constant 0 : index
        %get3A_745 = tpu.vector_load %arg16[%get3A_743, %get3A_744] {strides = array<i32>} : memref<256x128xf32, #tpu.memory_space<vmem>>, vector<1x16xf32>,
        %get3A_746 = vector.shape_cast %get3A_745 : vector<1x16xf32> to vector<16xf32>
        %mul3A_747 = vector.broadcast %squeeze3A_742 : f32 to vector<16xf32>
        %mul3A_748 = arith.mulf %mul3A_747, %get3A_746 : vector<16xf32>
        %slice3A_749 = vector.extract_strided_slice %get3A_48 {offsets = [5], sizes = [1], strides = [1]} : vector<16xf32> to vector<1xf32>
        %squeeze3A_750 = vector.extract %slice3A_749[0] : f32 from vector<1xf32>
        %get3A_751 = arith.index_cast %add3A_740 : i32 to index
        %get3A_752 = arith.constant 0 : index
        %get3A_753 = tpu.vector_load %arg17[%get3A_751, %get3A_752] {strides = array<i32>} : memref<256x128xf32, #tpu.memory_space<vmem>>, vector<1x16xf32>,
        %get3A_754 = vector.shape_cast %get3A_753 : vector<1x16xf32> to vector<16xf32>
        %mul3A_755 = vector.broadcast %squeeze3A_750 : f32 to vector<16xf32>
        %mul3A_756 = arith.mulf %mul3A_755, %get3A_754 : vector<16xf32>
        %add3A_757 = arith.addf %mul3A_748, %mul3A_756 : vector<16xf32>
        %slice3A_758 = vector.extract_strided_slice %get3A_51 {offsets = [5], sizes = [1], strides = [1]} : vector<16xf32> to vector<1xf32>
        %squeeze3A_759 = vector.extract %slice3A_758[0] : f32 from vector<1xf32>
        %get3A_760 = arith.index_cast %add3A_740 : i32 to index
        %get3A_761 = arith.constant 0 : index
        %get3A_762 = tpu.vector_load %arg18[%get3A_760, %get3A_761] {strides = array<i32>} : memref<256x128xf32, #tpu.memory_space<vmem>>, vector<1x16xf32>,
        %get3A_763 = vector.shape_cast %get3A_762 : vector<1x16xf32> to vector<16xf32>
        %mul3A_764 = vector.broadcast %squeeze3A_759 : f32 to vector<16xf32>
        %mul3A_765 = arith.mulf %mul3A_764, %get3A_763 : vector<16xf32>
        %add3A_766 = arith.addf %add3A_757, %mul3A_765 : vector<16xf32>
        %mul3A_767 = arith.constant 64 : i32
        %mul3A_768 = arith.muli %add3A_740, %mul3A_767 : i32
        %add3A_769 = arith.constant 0 : i32
        %add3A_770 = arith.addi %mul3A_768, %add3A_769 : i32
        %swap3A_771 = arith.index_cast %add3A_770 : i32 to index
        %swap3A_772 = tpu.vector_load %arg19[%swap3A_771] {strides = array<i32>} : memref<16384xf32, #tpu.memory_space<vmem>>, vector<16xf32>,
        %swap3A_773 = vector.shape_cast %swap3A_772 : vector<16xf32> to vector<16xf32>
        %swap3A_774 = vector.shape_cast %add3A_766 : vector<16xf32> to vector<16xf32>
        tpu.vector_store %arg19[%swap3A_771], %swap3A_774 {strides = array<i32>} : memref<16384xf32, #tpu.memory_space<vmem>>, vector<16xf32>,
        %slice3A_775 = vector.extract_strided_slice %get3A_45 {offsets = [5], sizes = [1], strides = [1]} : vector<16xf32> to vector<1xf32>
        %squeeze3A_776 = vector.extract %slice3A_775[0] : f32 from vector<1xf32>
        %get3A_777 = arith.index_cast %add3A_740 : i32 to index
        %get3A_778 = arith.constant 16 : index
        %get3A_779 = tpu.vector_load %arg16[%get3A_777, %get3A_778] {strides = array<i32>} : memref<256x128xf32, #tpu.memory_space<vmem>>, vector<1x16xf32>,
        %get3A_780 = vector.shape_cast %get3A_779 : vector<1x16xf32> to vector<16xf32>
        %mul3A_781 = vector.broadcast %squeeze3A_776 : f32 to vector<16xf32>
        %mul3A_782 = arith.mulf %mul3A_781, %get3A_780 : vector<16xf32>
        %slice3A_783 = vector.extract_strided_slice %get3A_48 {offsets = [5], sizes = [1], strides = [1]} : vector<16xf32> to vector<1xf32>
        %squeeze3A_784 = vector.extract %slice3A_783[0] : f32 from vector<1xf32>
        %get3A_785 = arith.index_cast %add3A_740 : i32 to index
        %get3A_786 = arith.constant 16 : index
        %get3A_787 = tpu.vector_load %arg17[%get3A_785, %get3A_786] {strides = array<i32>} : memref<256x128xf32, #tpu.memory_space<vmem>>, vector<1x16xf32>,
        %get3A_788 = vector.shape_cast %get3A_787 : vector<1x16xf32> to vector<16xf32>
        %mul3A_789 = vector.broadcast %squeeze3A_784 : f32 to vector<16xf32>
        %mul3A_790 = arith.mulf %mul3A_789, %get3A_788 : vector<16xf32>
        %add3A_791 = arith.addf %mul3A_782, %mul3A_790 : vector<16xf32>
        %slice3A_792 = vector.extract_strided_slice %get3A_51 {offsets = [5], sizes = [1], strides = [1]} : vector<16xf32> to vector<1xf32>
        %squeeze3A_793 = vector.extract %slice3A_792[0] : f32 from vector<1xf32>
        %get3A_794 = arith.index_cast %add3A_740 : i32 to index
        %get3A_795 = arith.constant 16 : index
        %get3A_796 = tpu.vector_load %arg18[%get3A_794, %get3A_795] {strides = array<i32>} : memref<256x128xf32, #tpu.memory_space<vmem>>, vector<1x16xf32>,
        %get3A_797 = vector.shape_cast %get3A_796 : vector<1x16xf32> to vector<16xf32>
        %mul3A_798 = vector.broadcast %squeeze3A_793 : f32 to vector<16xf32>
        %mul3A_799 = arith.mulf %mul3A_798, %get3A_797 : vector<16xf32>
        %add3A_800 = arith.addf %add3A_791, %mul3A_799 : vector<16xf32>
        %mul3A_801 = arith.constant 64 : i32
        %mul3A_802 = arith.muli %add3A_740, %mul3A_801 : i32
        %add3A_803 = arith.constant 16 : i32
        %add3A_804 = arith.addi %mul3A_802, %add3A_803 : i32
        %swap3A_805 = arith.index_cast %add3A_804 : i32 to index
        %swap3A_806 = tpu.vector_load %arg19[%swap3A_805] {strides = array<i32>} : memref<16384xf32, #tpu.memory_space<vmem>>, vector<16xf32>,
        %swap3A_807 = vector.shape_cast %swap3A_806 : vector<16xf32> to vector<16xf32>
        %swap3A_808 = vector.shape_cast %add3A_800 : vector<16xf32> to vector<16xf32>
        tpu.vector_store %arg19[%swap3A_805], %swap3A_808 {strides = array<i32>} : memref<16384xf32, #tpu.memory_space<vmem>>, vector<16xf32>,
        %slice3A_809 = vector.extract_strided_slice %get3A_45 {offsets = [5], sizes = [1], strides = [1]} : vector<16xf32> to vector<1xf32>
        %squeeze3A_810 = vector.extract %slice3A_809[0] : f32 from vector<1xf32>
        %get3A_811 = arith.index_cast %add3A_740 : i32 to index
        %get3A_812 = arith.constant 32 : index
        %get3A_813 = tpu.vector_load %arg16[%get3A_811, %get3A_812] {strides = array<i32>} : memref<256x128xf32, #tpu.memory_space<vmem>>, vector<1x16xf32>,
        %get3A_814 = vector.shape_cast %get3A_813 : vector<1x16xf32> to vector<16xf32>
        %mul3A_815 = vector.broadcast %squeeze3A_810 : f32 to vector<16xf32>
        %mul3A_816 = arith.mulf %mul3A_815, %get3A_814 : vector<16xf32>
        %slice3A_817 = vector.extract_strided_slice %get3A_48 {offsets = [5], sizes = [1], strides = [1]} : vector<16xf32> to vector<1xf32>
        %squeeze3A_818 = vector.extract %slice3A_817[0] : f32 from vector<1xf32>
        %get3A_819 = arith.index_cast %add3A_740 : i32 to index
        %get3A_820 = arith.constant 32 : index
        %get3A_821 = tpu.vector_load %arg17[%get3A_819, %get3A_820] {strides = array<i32>} : memref<256x128xf32, #tpu.memory_space<vmem>>, vector<1x16xf32>,
        %get3A_822 = vector.shape_cast %get3A_821 : vector<1x16xf32> to vector<16xf32>
        %mul3A_823 = vector.broadcast %squeeze3A_818 : f32 to vector<16xf32>
        %mul3A_824 = arith.mulf %mul3A_823, %get3A_822 : vector<16xf32>
        %add3A_825 = arith.addf %mul3A_816, %mul3A_824 : vector<16xf32>
        %slice3A_826 = vector.extract_strided_slice %get3A_51 {offsets = [5], sizes = [1], strides = [1]} : vector<16xf32> to vector<1xf32>
        %squeeze3A_827 = vector.extract %slice3A_826[0] : f32 from vector<1xf32>
        %get3A_828 = arith.index_cast %add3A_740 : i32 to index
        %get3A_829 = arith.constant 32 : index
        %get3A_830 = tpu.vector_load %arg18[%get3A_828, %get3A_829] {strides = array<i32>} : memref<256x128xf32, #tpu.memory_space<vmem>>, vector<1x16xf32>,
        %get3A_831 = vector.shape_cast %get3A_830 : vector<1x16xf32> to vector<16xf32>
        %mul3A_832 = vector.broadcast %squeeze3A_827 : f32 to vector<16xf32>
        %mul3A_833 = arith.mulf %mul3A_832, %get3A_831 : vector<16xf32>
        %add3A_834 = arith.addf %add3A_825, %mul3A_833 : vector<16xf32>
        %mul3A_835 = arith.constant 64 : i32
        %mul3A_836 = arith.muli %add3A_740, %mul3A_835 : i32
        %add3A_837 = arith.constant 32 : i32
        %add3A_838 = arith.addi %mul3A_836, %add3A_837 : i32
        %swap3A_839 = arith.index_cast %add3A_838 : i32 to index
        %swap3A_840 = tpu.vector_load %arg19[%swap3A_839] {strides = array<i32>} : memref<16384xf32, #tpu.memory_space<vmem>>, vector<16xf32>,
        %swap3A_841 = vector.shape_cast %swap3A_840 : vector<16xf32> to vector<16xf32>
        %swap3A_842 = vector.shape_cast %add3A_834 : vector<16xf32> to vector<16xf32>
        tpu.vector_store %arg19[%swap3A_839], %swap3A_842 {strides = array<i32>} : memref<16384xf32, #tpu.memory_space<vmem>>, vector<16xf32>,
        %slice3A_843 = vector.extract_strided_slice %get3A_45 {offsets = [5], sizes = [1], strides = [1]} : vector<16xf32> to vector<1xf32>
        %squeeze3A_844 = vector.extract %slice3A_843[0] : f32 from vector<1xf32>
        %get3A_845 = arith.index_cast %add3A_740 : i32 to index
        %get3A_846 = arith.constant 48 : index
        %get3A_847 = tpu.vector_load %arg16[%get3A_845, %get3A_846] {strides = array<i32>} : memref<256x128xf32, #tpu.memory_space<vmem>>, vector<1x16xf32>,
        %get3A_848 = vector.shape_cast %get3A_847 : vector<1x16xf32> to vector<16xf32>
        %mul3A_849 = vector.broadcast %squeeze3A_844 : f32 to vector<16xf32>
        %mul3A_850 = arith.mulf %mul3A_849, %get3A_848 : vector<16xf32>
        %slice3A_851 = vector.extract_strided_slice %get3A_48 {offsets = [5], sizes = [1], strides = [1]} : vector<16xf32> to vector<1xf32>
        %squeeze3A_852 = vector.extract %slice3A_851[0] : f32 from vector<1xf32>
        %get3A_853 = arith.index_cast %add3A_740 : i32 to index
        %get3A_854 = arith.constant 48 : index
        %get3A_855 = tpu.vector_load %arg17[%get3A_853, %get3A_854] {strides = array<i32>} : memref<256x128xf32, #tpu.memory_space<vmem>>, vector<1x16xf32>,
        %get3A_856 = vector.shape_cast %get3A_855 : vector<1x16xf32> to vector<16xf32>
        %mul3A_857 = vector.broadcast %squeeze3A_852 : f32 to vector<16xf32>
        %mul3A_858 = arith.mulf %mul3A_857, %get3A_856 : vector<16xf32>
        %add3A_859 = arith.addf %mul3A_850, %mul3A_858 : vector<16xf32>
        %slice3A_860 = vector.extract_strided_slice %get3A_51 {offsets = [5], sizes = [1], strides = [1]} : vector<16xf32> to vector<1xf32>
        %squeeze3A_861 = vector.extract %slice3A_860[0] : f32 from vector<1xf32>
        %get3A_862 = arith.index_cast %add3A_740 : i32 to index
        %get3A_863 = arith.constant 48 : index
        %get3A_864 = tpu.vector_load %arg18[%get3A_862, %get3A_863] {strides = array<i32>} : memref<256x128xf32, #tpu.memory_space<vmem>>, vector<1x16xf32>,
        %get3A_865 = vector.shape_cast %get3A_864 : vector<1x16xf32> to vector<16xf32>
        %mul3A_866 = vector.broadcast %squeeze3A_861 : f32 to vector<16xf32>
        %mul3A_867 = arith.mulf %mul3A_866, %get3A_865 : vector<16xf32>
        %add3A_868 = arith.addf %add3A_859, %mul3A_867 : vector<16xf32>
        %mul3A_869 = arith.constant 64 : i32
        %mul3A_870 = arith.muli %add3A_740, %mul3A_869 : i32
        %add3A_871 = arith.constant 48 : i32
        %add3A_872 = arith.addi %mul3A_870, %add3A_871 : i32
        %swap3A_873 = arith.index_cast %add3A_872 : i32 to index
        %swap3A_874 = tpu.vector_load %arg19[%swap3A_873] {strides = array<i32>} : memref<16384xf32, #tpu.memory_space<vmem>>, vector<16xf32>,
        %swap3A_875 = vector.shape_cast %swap3A_874 : vector<16xf32> to vector<16xf32>
        %swap3A_876 = vector.shape_cast %add3A_868 : vector<16xf32> to vector<16xf32>
        tpu.vector_store %arg19[%swap3A_873], %swap3A_876 {strides = array<i32>} : memref<16384xf32, #tpu.memory_space<vmem>>, vector<16xf32>,
        %add3A_877 = arith.constant 6 : i32
        %add3A_878 = arith.addi %multiple_of3A, %add3A_877 : i32
        %slice3A_879 = vector.extract_strided_slice %get3A_45 {offsets = [6], sizes = [1], strides = [1]} : vector<16xf32> to vector<1xf32>
        %squeeze3A_880 = vector.extract %slice3A_879[0] : f32 from vector<1xf32>
        %get3A_881 = arith.index_cast %add3A_878 : i32 to index
        %get3A_882 = arith.constant 0 : index
        %get3A_883 = tpu.vector_load %arg16[%get3A_881, %get3A_882] {strides = array<i32>} : memref<256x128xf32, #tpu.memory_space<vmem>>, vector<1x16xf32>,
        %get3A_884 = vector.shape_cast %get3A_883 : vector<1x16xf32> to vector<16xf32>
        %mul3A_885 = vector.broadcast %squeeze3A_880 : f32 to vector<16xf32>
        %mul3A_886 = arith.mulf %mul3A_885, %get3A_884 : vector<16xf32>
        %slice3A_887 = vector.extract_strided_slice %get3A_48 {offsets = [6], sizes = [1], strides = [1]} : vector<16xf32> to vector<1xf32>
        %squeeze3A_888 = vector.extract %slice3A_887[0] : f32 from vector<1xf32>
        %get3A_889 = arith.index_cast %add3A_878 : i32 to index
        %get3A_890 = arith.constant 0 : index
        %get3A_891 = tpu.vector_load %arg17[%get3A_889, %get3A_890] {strides = array<i32>} : memref<256x128xf32, #tpu.memory_space<vmem>>, vector<1x16xf32>,
        %get3A_892 = vector.shape_cast %get3A_891 : vector<1x16xf32> to vector<16xf32>
        %mul3A_893 = vector.broadcast %squeeze3A_888 : f32 to vector<16xf32>
        %mul3A_894 = arith.mulf %mul3A_893, %get3A_892 : vector<16xf32>
        %add3A_895 = arith.addf %mul3A_886, %mul3A_894 : vector<16xf32>
        %slice3A_896 = vector.extract_strided_slice %get3A_51 {offsets = [6], sizes = [1], strides = [1]} : vector<16xf32> to vector<1xf32>
        %squeeze3A_897 = vector.extract %slice3A_896[0] : f32 from vector<1xf32>
        %get3A_898 = arith.index_cast %add3A_878 : i32 to index
        %get3A_899 = arith.constant 0 : index
        %get3A_900 = tpu.vector_load %arg18[%get3A_898, %get3A_899] {strides = array<i32>} : memref<256x128xf32, #tpu.memory_space<vmem>>, vector<1x16xf32>,
        %get3A_901 = vector.shape_cast %get3A_900 : vector<1x16xf32> to vector<16xf32>
        %mul3A_902 = vector.broadcast %squeeze3A_897 : f32 to vector<16xf32>
        %mul3A_903 = arith.mulf %mul3A_902, %get3A_901 : vector<16xf32>
        %add3A_904 = arith.addf %add3A_895, %mul3A_903 : vector<16xf32>
        %mul3A_905 = arith.constant 64 : i32
        %mul3A_906 = arith.muli %add3A_878, %mul3A_905 : i32
        %add3A_907 = arith.constant 0 : i32
        %add3A_908 = arith.addi %mul3A_906, %add3A_907 : i32
        %swap3A_909 = arith.index_cast %add3A_908 : i32 to index
        %swap3A_910 = tpu.vector_load %arg19[%swap3A_909] {strides = array<i32>} : memref<16384xf32, #tpu.memory_space<vmem>>, vector<16xf32>,
        %swap3A_911 = vector.shape_cast %swap3A_910 : vector<16xf32> to vector<16xf32>
        %swap3A_912 = vector.shape_cast %add3A_904 : vector<16xf32> to vector<16xf32>
        tpu.vector_store %arg19[%swap3A_909], %swap3A_912 {strides = array<i32>} : memref<16384xf32, #tpu.memory_space<vmem>>, vector<16xf32>,
        %slice3A_913 = vector.extract_strided_slice %get3A_45 {offsets = [6], sizes = [1], strides = [1]} : vector<16xf32> to vector<1xf32>
        %squeeze3A_914 = vector.extract %slice3A_913[0] : f32 from vector<1xf32>
        %get3A_915 = arith.index_cast %add3A_878 : i32 to index
        %get3A_916 = arith.constant 16 : index
        %get3A_917 = tpu.vector_load %arg16[%get3A_915, %get3A_916] {strides = array<i32>} : memref<256x128xf32, #tpu.memory_space<vmem>>, vector<1x16xf32>,
        %get3A_918 = vector.shape_cast %get3A_917 : vector<1x16xf32> to vector<16xf32>
        %mul3A_919 = vector.broadcast %squeeze3A_914 : f32 to vector<16xf32>
        %mul3A_920 = arith.mulf %mul3A_919, %get3A_918 : vector<16xf32>
        %slice3A_921 = vector.extract_strided_slice %get3A_48 {offsets = [6], sizes = [1], strides = [1]} : vector<16xf32> to vector<1xf32>
        %squeeze3A_922 = vector.extract %slice3A_921[0] : f32 from vector<1xf32>
        %get3A_923 = arith.index_cast %add3A_878 : i32 to index
        %get3A_924 = arith.constant 16 : index
        %get3A_925 = tpu.vector_load %arg17[%get3A_923, %get3A_924] {strides = array<i32>} : memref<256x128xf32, #tpu.memory_space<vmem>>, vector<1x16xf32>,
        %get3A_926 = vector.shape_cast %get3A_925 : vector<1x16xf32> to vector<16xf32>
        %mul3A_927 = vector.broadcast %squeeze3A_922 : f32 to vector<16xf32>
        %mul3A_928 = arith.mulf %mul3A_927, %get3A_926 : vector<16xf32>
        %add3A_929 = arith.addf %mul3A_920, %mul3A_928 : vector<16xf32>
        %slice3A_930 = vector.extract_strided_slice %get3A_51 {offsets = [6], sizes = [1], strides = [1]} : vector<16xf32> to vector<1xf32>
        %squeeze3A_931 = vector.extract %slice3A_930[0] : f32 from vector<1xf32>
        %get3A_932 = arith.index_cast %add3A_878 : i32 to index
        %get3A_933 = arith.constant 16 : index
        %get3A_934 = tpu.vector_load %arg18[%get3A_932, %get3A_933] {strides = array<i32>} : memref<256x128xf32, #tpu.memory_space<vmem>>, vector<1x16xf32>,
        %get3A_935 = vector.shape_cast %get3A_934 : vector<1x16xf32> to vector<16xf32>
        %mul3A_936 = vector.broadcast %squeeze3A_931 : f32 to vector<16xf32>
        %mul3A_937 = arith.mulf %mul3A_936, %get3A_935 : vector<16xf32>
        %add3A_938 = arith.addf %add3A_929, %mul3A_937 : vector<16xf32>
        %mul3A_939 = arith.constant 64 : i32
        %mul3A_940 = arith.muli %add3A_878, %mul3A_939 : i32
        %add3A_941 = arith.constant 16 : i32
        %add3A_942 = arith.addi %mul3A_940, %add3A_941 : i32
        %swap3A_943 = arith.index_cast %add3A_942 : i32 to index
        %swap3A_944 = tpu.vector_load %arg19[%swap3A_943] {strides = array<i32>} : memref<16384xf32, #tpu.memory_space<vmem>>, vector<16xf32>,
        %swap3A_945 = vector.shape_cast %swap3A_944 : vector<16xf32> to vector<16xf32>
        %swap3A_946 = vector.shape_cast %add3A_938 : vector<16xf32> to vector<16xf32>
        tpu.vector_store %arg19[%swap3A_943], %swap3A_946 {strides = array<i32>} : memref<16384xf32, #tpu.memory_space<vmem>>, vector<16xf32>,
        %slice3A_947 = vector.extract_strided_slice %get3A_45 {offsets = [6], sizes = [1], strides = [1]} : vector<16xf32> to vector<1xf32>
        %squeeze3A_948 = vector.extract %slice3A_947[0] : f32 from vector<1xf32>
        %get3A_949 = arith.index_cast %add3A_878 : i32 to index
        %get3A_950 = arith.constant 32 : index
        %get3A_951 = tpu.vector_load %arg16[%get3A_949, %get3A_950] {strides = array<i32>} : memref<256x128xf32, #tpu.memory_space<vmem>>, vector<1x16xf32>,
        %get3A_952 = vector.shape_cast %get3A_951 : vector<1x16xf32> to vector<16xf32>
        %mul3A_953 = vector.broadcast %squeeze3A_948 : f32 to vector<16xf32>
        %mul3A_954 = arith.mulf %mul3A_953, %get3A_952 : vector<16xf32>
        %slice3A_955 = vector.extract_strided_slice %get3A_48 {offsets = [6], sizes = [1], strides = [1]} : vector<16xf32> to vector<1xf32>
        %squeeze3A_956 = vector.extract %slice3A_955[0] : f32 from vector<1xf32>
        %get3A_957 = arith.index_cast %add3A_878 : i32 to index
        %get3A_958 = arith.constant 32 : index
        %get3A_959 = tpu.vector_load %arg17[%get3A_957, %get3A_958] {strides = array<i32>} : memref<256x128xf32, #tpu.memory_space<vmem>>, vector<1x16xf32>,
        %get3A_960 = vector.shape_cast %get3A_959 : vector<1x16xf32> to vector<16xf32>
        %mul3A_961 = vector.broadcast %squeeze3A_956 : f32 to vector<16xf32>
        %mul3A_962 = arith.mulf %mul3A_961, %get3A_960 : vector<16xf32>
        %add3A_963 = arith.addf %mul3A_954, %mul3A_962 : vector<16xf32>
        %slice3A_964 = vector.extract_strided_slice %get3A_51 {offsets = [6], sizes = [1], strides = [1]} : vector<16xf32> to vector<1xf32>
        %squeeze3A_965 = vector.extract %slice3A_964[0] : f32 from vector<1xf32>
        %get3A_966 = arith.index_cast %add3A_878 : i32 to index
        %get3A_967 = arith.constant 32 : index
        %get3A_968 = tpu.vector_load %arg18[%get3A_966, %get3A_967] {strides = array<i32>} : memref<256x128xf32, #tpu.memory_space<vmem>>, vector<1x16xf32>,
        %get3A_969 = vector.shape_cast %get3A_968 : vector<1x16xf32> to vector<16xf32>
        %mul3A_970 = vector.broadcast %squeeze3A_965 : f32 to vector<16xf32>
        %mul3A_971 = arith.mulf %mul3A_970, %get3A_969 : vector<16xf32>
        %add3A_972 = arith.addf %add3A_963, %mul3A_971 : vector<16xf32>
        %mul3A_973 = arith.constant 64 : i32
        %mul3A_974 = arith.muli %add3A_878, %mul3A_973 : i32
        %add3A_975 = arith.constant 32 : i32
        %add3A_976 = arith.addi %mul3A_974, %add3A_975 : i32
        %swap3A_977 = arith.index_cast %add3A_976 : i32 to index
        %swap3A_978 = tpu.vector_load %arg19[%swap3A_977] {strides = array<i32>} : memref<16384xf32, #tpu.memory_space<vmem>>, vector<16xf32>,
        %swap3A_979 = vector.shape_cast %swap3A_978 : vector<16xf32> to vector<16xf32>
        %swap3A_980 = vector.shape_cast %add3A_972 : vector<16xf32> to vector<16xf32>
        tpu.vector_store %arg19[%swap3A_977], %swap3A_980 {strides = array<i32>} : memref<16384xf32, #tpu.memory_space<vmem>>, vector<16xf32>,
        %slice3A_981 = vector.extract_strided_slice %get3A_45 {offsets = [6], sizes = [1], strides = [1]} : vector<16xf32> to vector<1xf32>
        %squeeze3A_982 = vector.extract %slice3A_981[0] : f32 from vector<1xf32>
        %get3A_983 = arith.index_cast %add3A_878 : i32 to index
        %get3A_984 = arith.constant 48 : index
        %get3A_985 = tpu.vector_load %arg16[%get3A_983, %get3A_984] {strides = array<i32>} : memref<256x128xf32, #tpu.memory_space<vmem>>, vector<1x16xf32>,
        %get3A_986 = vector.shape_cast %get3A_985 : vector<1x16xf32> to vector<16xf32>
        %mul3A_987 = vector.broadcast %squeeze3A_982 : f32 to vector<16xf32>
        %mul3A_988 = arith.mulf %mul3A_987, %get3A_986 : vector<16xf32>
        %slice3A_989 = vector.extract_strided_slice %get3A_48 {offsets = [6], sizes = [1], strides = [1]} : vector<16xf32> to vector<1xf32>
        %squeeze3A_990 = vector.extract %slice3A_989[0] : f32 from vector<1xf32>
        %get3A_991 = arith.index_cast %add3A_878 : i32 to index
        %get3A_992 = arith.constant 48 : index
        %get3A_993 = tpu.vector_load %arg17[%get3A_991, %get3A_992] {strides = array<i32>} : memref<256x128xf32, #tpu.memory_space<vmem>>, vector<1x16xf32>,
        %get3A_994 = vector.shape_cast %get3A_993 : vector<1x16xf32> to vector<16xf32>
        %mul3A_995 = vector.broadcast %squeeze3A_990 : f32 to vector<16xf32>
        %mul3A_996 = arith.mulf %mul3A_995, %get3A_994 : vector<16xf32>
        %add3A_997 = arith.addf %mul3A_988, %mul3A_996 : vector<16xf32>
        %slice3A_998 = vector.extract_strided_slice %get3A_51 {offsets = [6], sizes = [1], strides = [1]} : vector<16xf32> to vector<1xf32>
        %squeeze3A_999 = vector.extract %slice3A_998[0] : f32 from vector<1xf32>
        %get3A_1000 = arith.index_cast %add3A_878 : i32 to index
        %get3A_1001 = arith.constant 48 : index
        %get3A_1002 = tpu.vector_load %arg18[%get3A_1000, %get3A_1001] {strides = array<i32>} : memref<256x128xf32, #tpu.memory_space<vmem>>, vector<1x16xf32>,
        %get3A_1003 = vector.shape_cast %get3A_1002 : vector<1x16xf32> to vector<16xf32>
        %mul3A_1004 = vector.broadcast %squeeze3A_999 : f32 to vector<16xf32>
        %mul3A_1005 = arith.mulf %mul3A_1004, %get3A_1003 : vector<16xf32>
        %add3A_1006 = arith.addf %add3A_997, %mul3A_1005 : vector<16xf32>
        %mul3A_1007 = arith.constant 64 : i32
        %mul3A_1008 = arith.muli %add3A_878, %mul3A_1007 : i32
        %add3A_1009 = arith.constant 48 : i32
        %add3A_1010 = arith.addi %mul3A_1008, %add3A_1009 : i32
        %swap3A_1011 = arith.index_cast %add3A_1010 : i32 to index
        %swap3A_1012 = tpu.vector_load %arg19[%swap3A_1011] {strides = array<i32>} : memref<16384xf32, #tpu.memory_space<vmem>>, vector<16xf32>,
        %swap3A_1013 = vector.shape_cast %swap3A_1012 : vector<16xf32> to vector<16xf32>
        %swap3A_1014 = vector.shape_cast %add3A_1006 : vector<16xf32> to vector<16xf32>
        tpu.vector_store %arg19[%swap3A_1011], %swap3A_1014 {strides = array<i32>} : memref<16384xf32, #tpu.memory_space<vmem>>, vector<16xf32>,
        %add3A_1015 = arith.constant 7 : i32
        %add3A_1016 = arith.addi %multiple_of3A, %add3A_1015 : i32
        %slice3A_1017 = vector.extract_strided_slice %get3A_45 {offsets = [7], sizes = [1], strides = [1]} : vector<16xf32> to vector<1xf32>
        %squeeze3A_1018 = vector.extract %slice3A_1017[0] : f32 from vector<1xf32>
        %get3A_1019 = arith.index_cast %add3A_1016 : i32 to index
        %get3A_1020 = arith.constant 0 : index
        %get3A_1021 = tpu.vector_load %arg16[%get3A_1019, %get3A_1020] {strides = array<i32>} : memref<256x128xf32, #tpu.memory_space<vmem>>, vector<1x16xf32>,
        %get3A_1022 = vector.shape_cast %get3A_1021 : vector<1x16xf32> to vector<16xf32>
        %mul3A_1023 = vector.broadcast %squeeze3A_1018 : f32 to vector<16xf32>
        %mul3A_1024 = arith.mulf %mul3A_1023, %get3A_1022 : vector<16xf32>
        %slice3A_1025 = vector.extract_strided_slice %get3A_48 {offsets = [7], sizes = [1], strides = [1]} : vector<16xf32> to vector<1xf32>
        %squeeze3A_1026 = vector.extract %slice3A_1025[0] : f32 from vector<1xf32>
        %get3A_1027 = arith.index_cast %add3A_1016 : i32 to index
        %get3A_1028 = arith.constant 0 : index
        %get3A_1029 = tpu.vector_load %arg17[%get3A_1027, %get3A_1028] {strides = array<i32>} : memref<256x128xf32, #tpu.memory_space<vmem>>, vector<1x16xf32>,
        %get3A_1030 = vector.shape_cast %get3A_1029 : vector<1x16xf32> to vector<16xf32>
        %mul3A_1031 = vector.broadcast %squeeze3A_1026 : f32 to vector<16xf32>
        %mul3A_1032 = arith.mulf %mul3A_1031, %get3A_1030 : vector<16xf32>
        %add3A_1033 = arith.addf %mul3A_1024, %mul3A_1032 : vector<16xf32>
        %slice3A_1034 = vector.extract_strided_slice %get3A_51 {offsets = [7], sizes = [1], strides = [1]} : vector<16xf32> to vector<1xf32>
        %squeeze3A_1035 = vector.extract %slice3A_1034[0] : f32 from vector<1xf32>
        %get3A_1036 = arith.index_cast %add3A_1016 : i32 to index
        %get3A_1037 = arith.constant 0 : index
        %get3A_1038 = tpu.vector_load %arg18[%get3A_1036, %get3A_1037] {strides = array<i32>} : memref<256x128xf32, #tpu.memory_space<vmem>>, vector<1x16xf32>,
        %get3A_1039 = vector.shape_cast %get3A_1038 : vector<1x16xf32> to vector<16xf32>
        %mul3A_1040 = vector.broadcast %squeeze3A_1035 : f32 to vector<16xf32>
        %mul3A_1041 = arith.mulf %mul3A_1040, %get3A_1039 : vector<16xf32>
        %add3A_1042 = arith.addf %add3A_1033, %mul3A_1041 : vector<16xf32>
        %mul3A_1043 = arith.constant 64 : i32
        %mul3A_1044 = arith.muli %add3A_1016, %mul3A_1043 : i32
        %add3A_1045 = arith.constant 0 : i32
        %add3A_1046 = arith.addi %mul3A_1044, %add3A_1045 : i32
        %swap3A_1047 = arith.index_cast %add3A_1046 : i32 to index
        %swap3A_1048 = tpu.vector_load %arg19[%swap3A_1047] {strides = array<i32>} : memref<16384xf32, #tpu.memory_space<vmem>>, vector<16xf32>,
        %swap3A_1049 = vector.shape_cast %swap3A_1048 : vector<16xf32> to vector<16xf32>
        %swap3A_1050 = vector.shape_cast %add3A_1042 : vector<16xf32> to vector<16xf32>
        tpu.vector_store %arg19[%swap3A_1047], %swap3A_1050 {strides = array<i32>} : memref<16384xf32, #tpu.memory_space<vmem>>, vector<16xf32>,
        %slice3A_1051 = vector.extract_strided_slice %get3A_45 {offsets = [7], sizes = [1], strides = [1]} : vector<16xf32> to vector<1xf32>
        %squeeze3A_1052 = vector.extract %slice3A_1051[0] : f32 from vector<1xf32>
        %get3A_1053 = arith.index_cast %add3A_1016 : i32 to index
        %get3A_1054 = arith.constant 16 : index
        %get3A_1055 = tpu.vector_load %arg16[%get3A_1053, %get3A_1054] {strides = array<i32>} : memref<256x128xf32, #tpu.memory_space<vmem>>, vector<1x16xf32>,
        %get3A_1056 = vector.shape_cast %get3A_1055 : vector<1x16xf32> to vector<16xf32>
        %mul3A_1057 = vector.broadcast %squeeze3A_1052 : f32 to vector<16xf32>
        %mul3A_1058 = arith.mulf %mul3A_1057, %get3A_1056 : vector<16xf32>
        %slice3A_1059 = vector.extract_strided_slice %get3A_48 {offsets = [7], sizes = [1], strides = [1]} : vector<16xf32> to vector<1xf32>
        %squeeze3A_1060 = vector.extract %slice3A_1059[0] : f32 from vector<1xf32>
        %get3A_1061 = arith.index_cast %add3A_1016 : i32 to index
        %get3A_1062 = arith.constant 16 : index
        %get3A_1063 = tpu.vector_load %arg17[%get3A_1061, %get3A_1062] {strides = array<i32>} : memref<256x128xf32, #tpu.memory_space<vmem>>, vector<1x16xf32>,
        %get3A_1064 = vector.shape_cast %get3A_1063 : vector<1x16xf32> to vector<16xf32>
        %mul3A_1065 = vector.broadcast %squeeze3A_1060 : f32 to vector<16xf32>
        %mul3A_1066 = arith.mulf %mul3A_1065, %get3A_1064 : vector<16xf32>
        %add3A_1067 = arith.addf %mul3A_1058, %mul3A_1066 : vector<16xf32>
        %slice3A_1068 = vector.extract_strided_slice %get3A_51 {offsets = [7], sizes = [1], strides = [1]} : vector<16xf32> to vector<1xf32>
        %squeeze3A_1069 = vector.extract %slice3A_1068[0] : f32 from vector<1xf32>
        %get3A_1070 = arith.index_cast %add3A_1016 : i32 to index
        %get3A_1071 = arith.constant 16 : index
        %get3A_1072 = tpu.vector_load %arg18[%get3A_1070, %get3A_1071] {strides = array<i32>} : memref<256x128xf32, #tpu.memory_space<vmem>>, vector<1x16xf32>,
        %get3A_1073 = vector.shape_cast %get3A_1072 : vector<1x16xf32> to vector<16xf32>
        %mul3A_1074 = vector.broadcast %squeeze3A_1069 : f32 to vector<16xf32>
        %mul3A_1075 = arith.mulf %mul3A_1074, %get3A_1073 : vector<16xf32>
        %add3A_1076 = arith.addf %add3A_1067, %mul3A_1075 : vector<16xf32>
        %mul3A_1077 = arith.constant 64 : i32
        %mul3A_1078 = arith.muli %add3A_1016, %mul3A_1077 : i32
        %add3A_1079 = arith.constant 16 : i32
        %add3A_1080 = arith.addi %mul3A_1078, %add3A_1079 : i32
        %swap3A_1081 = arith.index_cast %add3A_1080 : i32 to index
        %swap3A_1082 = tpu.vector_load %arg19[%swap3A_1081] {strides = array<i32>} : memref<16384xf32, #tpu.memory_space<vmem>>, vector<16xf32>,
        %swap3A_1083 = vector.shape_cast %swap3A_1082 : vector<16xf32> to vector<16xf32>
        %swap3A_1084 = vector.shape_cast %add3A_1076 : vector<16xf32> to vector<16xf32>
        tpu.vector_store %arg19[%swap3A_1081], %swap3A_1084 {strides = array<i32>} : memref<16384xf32, #tpu.memory_space<vmem>>, vector<16xf32>,
        %slice3A_1085 = vector.extract_strided_slice %get3A_45 {offsets = [7], sizes = [1], strides = [1]} : vector<16xf32> to vector<1xf32>
        %squeeze3A_1086 = vector.extract %slice3A_1085[0] : f32 from vector<1xf32>
        %get3A_1087 = arith.index_cast %add3A_1016 : i32 to index
        %get3A_1088 = arith.constant 32 : index
        %get3A_1089 = tpu.vector_load %arg16[%get3A_1087, %get3A_1088] {strides = array<i32>} : memref<256x128xf32, #tpu.memory_space<vmem>>, vector<1x16xf32>,
        %get3A_1090 = vector.shape_cast %get3A_1089 : vector<1x16xf32> to vector<16xf32>
        %mul3A_1091 = vector.broadcast %squeeze3A_1086 : f32 to vector<16xf32>
        %mul3A_1092 = arith.mulf %mul3A_1091, %get3A_1090 : vector<16xf32>
        %slice3A_1093 = vector.extract_strided_slice %get3A_48 {offsets = [7], sizes = [1], strides = [1]} : vector<16xf32> to vector<1xf32>
        %squeeze3A_1094 = vector.extract %slice3A_1093[0] : f32 from vector<1xf32>
        %get3A_1095 = arith.index_cast %add3A_1016 : i32 to index
        %get3A_1096 = arith.constant 32 : index
        %get3A_1097 = tpu.vector_load %arg17[%get3A_1095, %get3A_1096] {strides = array<i32>} : memref<256x128xf32, #tpu.memory_space<vmem>>, vector<1x16xf32>,
        %get3A_1098 = vector.shape_cast %get3A_1097 : vector<1x16xf32> to vector<16xf32>
        %mul3A_1099 = vector.broadcast %squeeze3A_1094 : f32 to vector<16xf32>
        %mul3A_1100 = arith.mulf %mul3A_1099, %get3A_1098 : vector<16xf32>
        %add3A_1101 = arith.addf %mul3A_1092, %mul3A_1100 : vector<16xf32>
        %slice3A_1102 = vector.extract_strided_slice %get3A_51 {offsets = [7], sizes = [1], strides = [1]} : vector<16xf32> to vector<1xf32>
        %squeeze3A_1103 = vector.extract %slice3A_1102[0] : f32 from vector<1xf32>
        %get3A_1104 = arith.index_cast %add3A_1016 : i32 to index
        %get3A_1105 = arith.constant 32 : index
        %get3A_1106 = tpu.vector_load %arg18[%get3A_1104, %get3A_1105] {strides = array<i32>} : memref<256x128xf32, #tpu.memory_space<vmem>>, vector<1x16xf32>,
        %get3A_1107 = vector.shape_cast %get3A_1106 : vector<1x16xf32> to vector<16xf32>
        %mul3A_1108 = vector.broadcast %squeeze3A_1103 : f32 to vector<16xf32>
        %mul3A_1109 = arith.mulf %mul3A_1108, %get3A_1107 : vector<16xf32>
        %add3A_1110 = arith.addf %add3A_1101, %mul3A_1109 : vector<16xf32>
        %mul3A_1111 = arith.constant 64 : i32
        %mul3A_1112 = arith.muli %add3A_1016, %mul3A_1111 : i32
        %add3A_1113 = arith.constant 32 : i32
        %add3A_1114 = arith.addi %mul3A_1112, %add3A_1113 : i32
        %swap3A_1115 = arith.index_cast %add3A_1114 : i32 to index
        %swap3A_1116 = tpu.vector_load %arg19[%swap3A_1115] {strides = array<i32>} : memref<16384xf32, #tpu.memory_space<vmem>>, vector<16xf32>,
        %swap3A_1117 = vector.shape_cast %swap3A_1116 : vector<16xf32> to vector<16xf32>
        %swap3A_1118 = vector.shape_cast %add3A_1110 : vector<16xf32> to vector<16xf32>
        tpu.vector_store %arg19[%swap3A_1115], %swap3A_1118 {strides = array<i32>} : memref<16384xf32, #tpu.memory_space<vmem>>, vector<16xf32>,
        %slice3A_1119 = vector.extract_strided_slice %get3A_45 {offsets = [7], sizes = [1], strides = [1]} : vector<16xf32> to vector<1xf32>
        %squeeze3A_1120 = vector.extract %slice3A_1119[0] : f32 from vector<1xf32>
        %get3A_1121 = arith.index_cast %add3A_1016 : i32 to index
        %get3A_1122 = arith.constant 48 : index
        %get3A_1123 = tpu.vector_load %arg16[%get3A_1121, %get3A_1122] {strides = array<i32>} : memref<256x128xf32, #tpu.memory_space<vmem>>, vector<1x16xf32>,
        %get3A_1124 = vector.shape_cast %get3A_1123 : vector<1x16xf32> to vector<16xf32>
        %mul3A_1125 = vector.broadcast %squeeze3A_1120 : f32 to vector<16xf32>
        %mul3A_1126 = arith.mulf %mul3A_1125, %get3A_1124 : vector<16xf32>
        %slice3A_1127 = vector.extract_strided_slice %get3A_48 {offsets = [7], sizes = [1], strides = [1]} : vector<16xf32> to vector<1xf32>
        %squeeze3A_1128 = vector.extract %slice3A_1127[0] : f32 from vector<1xf32>
        %get3A_1129 = arith.index_cast %add3A_1016 : i32 to index
        %get3A_1130 = arith.constant 48 : index
        %get3A_1131 = tpu.vector_load %arg17[%get3A_1129, %get3A_1130] {strides = array<i32>} : memref<256x128xf32, #tpu.memory_space<vmem>>, vector<1x16xf32>,
        %get3A_1132 = vector.shape_cast %get3A_1131 : vector<1x16xf32> to vector<16xf32>
        %mul3A_1133 = vector.broadcast %squeeze3A_1128 : f32 to vector<16xf32>
        %mul3A_1134 = arith.mulf %mul3A_1133, %get3A_1132 : vector<16xf32>
        %add3A_1135 = arith.addf %mul3A_1126, %mul3A_1134 : vector<16xf32>
        %slice3A_1136 = vector.extract_strided_slice %get3A_51 {offsets = [7], sizes = [1], strides = [1]} : vector<16xf32> to vector<1xf32>
        %squeeze3A_1137 = vector.extract %slice3A_1136[0] : f32 from vector<1xf32>
        %get3A_1138 = arith.index_cast %add3A_1016 : i32 to index
        %get3A_1139 = arith.constant 48 : index
        %get3A_1140 = tpu.vector_load %arg18[%get3A_1138, %get3A_1139] {strides = array<i32>} : memref<256x128xf32, #tpu.memory_space<vmem>>, vector<1x16xf32>,
        %get3A_1141 = vector.shape_cast %get3A_1140 : vector<1x16xf32> to vector<16xf32>
        %mul3A_1142 = vector.broadcast %squeeze3A_1137 : f32 to vector<16xf32>
        %mul3A_1143 = arith.mulf %mul3A_1142, %get3A_1141 : vector<16xf32>
        %add3A_1144 = arith.addf %add3A_1135, %mul3A_1143 : vector<16xf32>
        %mul3A_1145 = arith.constant 64 : i32
        %mul3A_1146 = arith.muli %add3A_1016, %mul3A_1145 : i32
        %add3A_1147 = arith.constant 48 : i32
        %add3A_1148 = arith.addi %mul3A_1146, %add3A_1147 : i32
        %swap3A_1149 = arith.index_cast %add3A_1148 : i32 to index
        %swap3A_1150 = tpu.vector_load %arg19[%swap3A_1149] {strides = array<i32>} : memref<16384xf32, #tpu.memory_space<vmem>>, vector<16xf32>,
        %swap3A_1151 = vector.shape_cast %swap3A_1150 : vector<16xf32> to vector<16xf32>
        %swap3A_1152 = vector.shape_cast %add3A_1144 : vector<16xf32> to vector<16xf32>
        tpu.vector_store %arg19[%swap3A_1149], %swap3A_1152 {strides = array<i32>} : memref<16384xf32, #tpu.memory_space<vmem>>, vector<16xf32>,
        %add3A_1153 = arith.constant 8 : i32
        %add3A_1154 = arith.addi %multiple_of3A, %add3A_1153 : i32
        %slice3A_1155 = vector.extract_strided_slice %get3A_45 {offsets = [8], sizes = [1], strides = [1]} : vector<16xf32> to vector<1xf32>
        %squeeze3A_1156 = vector.extract %slice3A_1155[0] : f32 from vector<1xf32>
        %get3A_1157 = arith.index_cast %add3A_1154 : i32 to index
        %get3A_1158 = arith.constant 0 : index
        %get3A_1159 = tpu.vector_load %arg16[%get3A_1157, %get3A_1158] {strides = array<i32>} : memref<256x128xf32, #tpu.memory_space<vmem>>, vector<1x16xf32>,
        %get3A_1160 = vector.shape_cast %get3A_1159 : vector<1x16xf32> to vector<16xf32>
        %mul3A_1161 = vector.broadcast %squeeze3A_1156 : f32 to vector<16xf32>
        %mul3A_1162 = arith.mulf %mul3A_1161, %get3A_1160 : vector<16xf32>
        %slice3A_1163 = vector.extract_strided_slice %get3A_48 {offsets = [8], sizes = [1], strides = [1]} : vector<16xf32> to vector<1xf32>
        %squeeze3A_1164 = vector.extract %slice3A_1163[0] : f32 from vector<1xf32>
        %get3A_1165 = arith.index_cast %add3A_1154 : i32 to index
        %get3A_1166 = arith.constant 0 : index
        %get3A_1167 = tpu.vector_load %arg17[%get3A_1165, %get3A_1166] {strides = array<i32>} : memref<256x128xf32, #tpu.memory_space<vmem>>, vector<1x16xf32>,
        %get3A_1168 = vector.shape_cast %get3A_1167 : vector<1x16xf32> to vector<16xf32>
        %mul3A_1169 = vector.broadcast %squeeze3A_1164 : f32 to vector<16xf32>
        %mul3A_1170 = arith.mulf %mul3A_1169, %get3A_1168 : vector<16xf32>
        %add3A_1171 = arith.addf %mul3A_1162, %mul3A_1170 : vector<16xf32>
        %slice3A_1172 = vector.extract_strided_slice %get3A_51 {offsets = [8], sizes = [1], strides = [1]} : vector<16xf32> to vector<1xf32>
        %squeeze3A_1173 = vector.extract %slice3A_1172[0] : f32 from vector<1xf32>
        %get3A_1174 = arith.index_cast %add3A_1154 : i32 to index
        %get3A_1175 = arith.constant 0 : index
        %get3A_1176 = tpu.vector_load %arg18[%get3A_1174, %get3A_1175] {strides = array<i32>} : memref<256x128xf32, #tpu.memory_space<vmem>>, vector<1x16xf32>,
        %get3A_1177 = vector.shape_cast %get3A_1176 : vector<1x16xf32> to vector<16xf32>
        %mul3A_1178 = vector.broadcast %squeeze3A_1173 : f32 to vector<16xf32>
        %mul3A_1179 = arith.mulf %mul3A_1178, %get3A_1177 : vector<16xf32>
        %add3A_1180 = arith.addf %add3A_1171, %mul3A_1179 : vector<16xf32>
        %mul3A_1181 = arith.constant 64 : i32
        %mul3A_1182 = arith.muli %add3A_1154, %mul3A_1181 : i32
        %add3A_1183 = arith.constant 0 : i32
        %add3A_1184 = arith.addi %mul3A_1182, %add3A_1183 : i32
        %swap3A_1185 = arith.index_cast %add3A_1184 : i32 to index
        %swap3A_1186 = tpu.vector_load %arg19[%swap3A_1185] {strides = array<i32>} : memref<16384xf32, #tpu.memory_space<vmem>>, vector<16xf32>,
        %swap3A_1187 = vector.shape_cast %swap3A_1186 : vector<16xf32> to vector<16xf32>
        %swap3A_1188 = vector.shape_cast %add3A_1180 : vector<16xf32> to vector<16xf32>
        tpu.vector_store %arg19[%swap3A_1185], %swap3A_1188 {strides = array<i32>} : memref<16384xf32, #tpu.memory_space<vmem>>, vector<16xf32>,
        %slice3A_1189 = vector.extract_strided_slice %get3A_45 {offsets = [8], sizes = [1], strides = [1]} : vector<16xf32> to vector<1xf32>
        %squeeze3A_1190 = vector.extract %slice3A_1189[0] : f32 from vector<1xf32>
        %get3A_1191 = arith.index_cast %add3A_1154 : i32 to index
        %get3A_1192 = arith.constant 16 : index
        %get3A_1193 = tpu.vector_load %arg16[%get3A_1191, %get3A_1192] {strides = array<i32>} : memref<256x128xf32, #tpu.memory_space<vmem>>, vector<1x16xf32>,
        %get3A_1194 = vector.shape_cast %get3A_1193 : vector<1x16xf32> to vector<16xf32>
        %mul3A_1195 = vector.broadcast %squeeze3A_1190 : f32 to vector<16xf32>
        %mul3A_1196 = arith.mulf %mul3A_1195, %get3A_1194 : vector<16xf32>
        %slice3A_1197 = vector.extract_strided_slice %get3A_48 {offsets = [8], sizes = [1], strides = [1]} : vector<16xf32> to vector<1xf32>
        %squeeze3A_1198 = vector.extract %slice3A_1197[0] : f32 from vector<1xf32>
        %get3A_1199 = arith.index_cast %add3A_1154 : i32 to index
        %get3A_1200 = arith.constant 16 : index
        %get3A_1201 = tpu.vector_load %arg17[%get3A_1199, %get3A_1200] {strides = array<i32>} : memref<256x128xf32, #tpu.memory_space<vmem>>, vector<1x16xf32>,
        %get3A_1202 = vector.shape_cast %get3A_1201 : vector<1x16xf32> to vector<16xf32>
        %mul3A_1203 = vector.broadcast %squeeze3A_1198 : f32 to vector<16xf32>
        %mul3A_1204 = arith.mulf %mul3A_1203, %get3A_1202 : vector<16xf32>
        %add3A_1205 = arith.addf %mul3A_1196, %mul3A_1204 : vector<16xf32>
        %slice3A_1206 = vector.extract_strided_slice %get3A_51 {offsets = [8], sizes = [1], strides = [1]} : vector<16xf32> to vector<1xf32>
        %squeeze3A_1207 = vector.extract %slice3A_1206[0] : f32 from vector<1xf32>
        %get3A_1208 = arith.index_cast %add3A_1154 : i32 to index
        %get3A_1209 = arith.constant 16 : index
        %get3A_1210 = tpu.vector_load %arg18[%get3A_1208, %get3A_1209] {strides = array<i32>} : memref<256x128xf32, #tpu.memory_space<vmem>>, vector<1x16xf32>,
        %get3A_1211 = vector.shape_cast %get3A_1210 : vector<1x16xf32> to vector<16xf32>
        %mul3A_1212 = vector.broadcast %squeeze3A_1207 : f32 to vector<16xf32>
        %mul3A_1213 = arith.mulf %mul3A_1212, %get3A_1211 : vector<16xf32>
        %add3A_1214 = arith.addf %add3A_1205, %mul3A_1213 : vector<16xf32>
        %mul3A_1215 = arith.constant 64 : i32
        %mul3A_1216 = arith.muli %add3A_1154, %mul3A_1215 : i32
        %add3A_1217 = arith.constant 16 : i32
        %add3A_1218 = arith.addi %mul3A_1216, %add3A_1217 : i32
        %swap3A_1219 = arith.index_cast %add3A_1218 : i32 to index
        %swap3A_1220 = tpu.vector_load %arg19[%swap3A_1219] {strides = array<i32>} : memref<16384xf32, #tpu.memory_space<vmem>>, vector<16xf32>,
        %swap3A_1221 = vector.shape_cast %swap3A_1220 : vector<16xf32> to vector<16xf32>
        %swap3A_1222 = vector.shape_cast %add3A_1214 : vector<16xf32> to vector<16xf32>
        tpu.vector_store %arg19[%swap3A_1219], %swap3A_1222 {strides = array<i32>} : memref<16384xf32, #tpu.memory_space<vmem>>, vector<16xf32>,
        %slice3A_1223 = vector.extract_strided_slice %get3A_45 {offsets = [8], sizes = [1], strides = [1]} : vector<16xf32> to vector<1xf32>
        %squeeze3A_1224 = vector.extract %slice3A_1223[0] : f32 from vector<1xf32>
        %get3A_1225 = arith.index_cast %add3A_1154 : i32 to index
        %get3A_1226 = arith.constant 32 : index
        %get3A_1227 = tpu.vector_load %arg16[%get3A_1225, %get3A_1226] {strides = array<i32>} : memref<256x128xf32, #tpu.memory_space<vmem>>, vector<1x16xf32>,
        %get3A_1228 = vector.shape_cast %get3A_1227 : vector<1x16xf32> to vector<16xf32>
        %mul3A_1229 = vector.broadcast %squeeze3A_1224 : f32 to vector<16xf32>
        %mul3A_1230 = arith.mulf %mul3A_1229, %get3A_1228 : vector<16xf32>
        %slice3A_1231 = vector.extract_strided_slice %get3A_48 {offsets = [8], sizes = [1], strides = [1]} : vector<16xf32> to vector<1xf32>
        %squeeze3A_1232 = vector.extract %slice3A_1231[0] : f32 from vector<1xf32>
        %get3A_1233 = arith.index_cast %add3A_1154 : i32 to index
        %get3A_1234 = arith.constant 32 : index
        %get3A_1235 = tpu.vector_load %arg17[%get3A_1233, %get3A_1234] {strides = array<i32>} : memref<256x128xf32, #tpu.memory_space<vmem>>, vector<1x16xf32>,
        %get3A_1236 = vector.shape_cast %get3A_1235 : vector<1x16xf32> to vector<16xf32>
        %mul3A_1237 = vector.broadcast %squeeze3A_1232 : f32 to vector<16xf32>
        %mul3A_1238 = arith.mulf %mul3A_1237, %get3A_1236 : vector<16xf32>
        %add3A_1239 = arith.addf %mul3A_1230, %mul3A_1238 : vector<16xf32>
        %slice3A_1240 = vector.extract_strided_slice %get3A_51 {offsets = [8], sizes = [1], strides = [1]} : vector<16xf32> to vector<1xf32>
        %squeeze3A_1241 = vector.extract %slice3A_1240[0] : f32 from vector<1xf32>
        %get3A_1242 = arith.index_cast %add3A_1154 : i32 to index
        %get3A_1243 = arith.constant 32 : index
        %get3A_1244 = tpu.vector_load %arg18[%get3A_1242, %get3A_1243] {strides = array<i32>} : memref<256x128xf32, #tpu.memory_space<vmem>>, vector<1x16xf32>,
        %get3A_1245 = vector.shape_cast %get3A_1244 : vector<1x16xf32> to vector<16xf32>
        %mul3A_1246 = vector.broadcast %squeeze3A_1241 : f32 to vector<16xf32>
        %mul3A_1247 = arith.mulf %mul3A_1246, %get3A_1245 : vector<16xf32>
        %add3A_1248 = arith.addf %add3A_1239, %mul3A_1247 : vector<16xf32>
        %mul3A_1249 = arith.constant 64 : i32
        %mul3A_1250 = arith.muli %add3A_1154, %mul3A_1249 : i32
        %add3A_1251 = arith.constant 32 : i32
        %add3A_1252 = arith.addi %mul3A_1250, %add3A_1251 : i32
        %swap3A_1253 = arith.index_cast %add3A_1252 : i32 to index
        %swap3A_1254 = tpu.vector_load %arg19[%swap3A_1253] {strides = array<i32>} : memref<16384xf32, #tpu.memory_space<vmem>>, vector<16xf32>,
        %swap3A_1255 = vector.shape_cast %swap3A_1254 : vector<16xf32> to vector<16xf32>
        %swap3A_1256 = vector.shape_cast %add3A_1248 : vector<16xf32> to vector<16xf32>
        tpu.vector_store %arg19[%swap3A_1253], %swap3A_1256 {strides = array<i32>} : memref<16384xf32, #tpu.memory_space<vmem>>, vector<16xf32>,
        %slice3A_1257 = vector.extract_strided_slice %get3A_45 {offsets = [8], sizes = [1], strides = [1]} : vector<16xf32> to vector<1xf32>
        %squeeze3A_1258 = vector.extract %slice3A_1257[0] : f32 from vector<1xf32>
        %get3A_1259 = arith.index_cast %add3A_1154 : i32 to index
        %get3A_1260 = arith.constant 48 : index
        %get3A_1261 = tpu.vector_load %arg16[%get3A_1259, %get3A_1260] {strides = array<i32>} : memref<256x128xf32, #tpu.memory_space<vmem>>, vector<1x16xf32>,
        %get3A_1262 = vector.shape_cast %get3A_1261 : vector<1x16xf32> to vector<16xf32>
        %mul3A_1263 = vector.broadcast %squeeze3A_1258 : f32 to vector<16xf32>
        %mul3A_1264 = arith.mulf %mul3A_1263, %get3A_1262 : vector<16xf32>
        %slice3A_1265 = vector.extract_strided_slice %get3A_48 {offsets = [8], sizes = [1], strides = [1]} : vector<16xf32> to vector<1xf32>
        %squeeze3A_1266 = vector.extract %slice3A_1265[0] : f32 from vector<1xf32>
        %get3A_1267 = arith.index_cast %add3A_1154 : i32 to index
        %get3A_1268 = arith.constant 48 : index
        %get3A_1269 = tpu.vector_load %arg17[%get3A_1267, %get3A_1268] {strides = array<i32>} : memref<256x128xf32, #tpu.memory_space<vmem>>, vector<1x16xf32>,
        %get3A_1270 = vector.shape_cast %get3A_1269 : vector<1x16xf32> to vector<16xf32>
        %mul3A_1271 = vector.broadcast %squeeze3A_1266 : f32 to vector<16xf32>
        %mul3A_1272 = arith.mulf %mul3A_1271, %get3A_1270 : vector<16xf32>
        %add3A_1273 = arith.addf %mul3A_1264, %mul3A_1272 : vector<16xf32>
        %slice3A_1274 = vector.extract_strided_slice %get3A_51 {offsets = [8], sizes = [1], strides = [1]} : vector<16xf32> to vector<1xf32>
        %squeeze3A_1275 = vector.extract %slice3A_1274[0] : f32 from vector<1xf32>
        %get3A_1276 = arith.index_cast %add3A_1154 : i32 to index
        %get3A_1277 = arith.constant 48 : index
        %get3A_1278 = tpu.vector_load %arg18[%get3A_1276, %get3A_1277] {strides = array<i32>} : memref<256x128xf32, #tpu.memory_space<vmem>>, vector<1x16xf32>,
        %get3A_1279 = vector.shape_cast %get3A_1278 : vector<1x16xf32> to vector<16xf32>
        %mul3A_1280 = vector.broadcast %squeeze3A_1275 : f32 to vector<16xf32>
        %mul3A_1281 = arith.mulf %mul3A_1280, %get3A_1279 : vector<16xf32>
        %add3A_1282 = arith.addf %add3A_1273, %mul3A_1281 : vector<16xf32>
        %mul3A_1283 = arith.constant 64 : i32
        %mul3A_1284 = arith.muli %add3A_1154, %mul3A_1283 : i32
        %add3A_1285 = arith.constant 48 : i32
        %add3A_1286 = arith.addi %mul3A_1284, %add3A_1285 : i32
        %swap3A_1287 = arith.index_cast %add3A_1286 : i32 to index
        %swap3A_1288 = tpu.vector_load %arg19[%swap3A_1287] {strides = array<i32>} : memref<16384xf32, #tpu.memory_space<vmem>>, vector<16xf32>,
        %swap3A_1289 = vector.shape_cast %swap3A_1288 : vector<16xf32> to vector<16xf32>
        %swap3A_1290 = vector.shape_cast %add3A_1282 : vector<16xf32> to vector<16xf32>
        tpu.vector_store %arg19[%swap3A_1287], %swap3A_1290 {strides = array<i32>} : memref<16384xf32, #tpu.memory_space<vmem>>, vector<16xf32>,
        %add3A_1291 = arith.constant 9 : i32
        %add3A_1292 = arith.addi %multiple_of3A, %add3A_1291 : i32
        %slice3A_1293 = vector.extract_strided_slice %get3A_45 {offsets = [9], sizes = [1], strides = [1]} : vector<16xf32> to vector<1xf32>
        %squeeze3A_1294 = vector.extract %slice3A_1293[0] : f32 from vector<1xf32>
        %get3A_1295 = arith.index_cast %add3A_1292 : i32 to index
        %get3A_1296 = arith.constant 0 : index
        %get3A_1297 = tpu.vector_load %arg16[%get3A_1295, %get3A_1296] {strides = array<i32>} : memref<256x128xf32, #tpu.memory_space<vmem>>, vector<1x16xf32>,
        %get3A_1298 = vector.shape_cast %get3A_1297 : vector<1x16xf32> to vector<16xf32>
        %mul3A_1299 = vector.broadcast %squeeze3A_1294 : f32 to vector<16xf32>
        %mul3A_1300 = arith.mulf %mul3A_1299, %get3A_1298 : vector<16xf32>
        %slice3A_1301 = vector.extract_strided_slice %get3A_48 {offsets = [9], sizes = [1], strides = [1]} : vector<16xf32> to vector<1xf32>
        %squeeze3A_1302 = vector.extract %slice3A_1301[0] : f32 from vector<1xf32>
        %get3A_1303 = arith.index_cast %add3A_1292 : i32 to index
        %get3A_1304 = arith.constant 0 : index
        %get3A_1305 = tpu.vector_load %arg17[%get3A_1303, %get3A_1304] {strides = array<i32>} : memref<256x128xf32, #tpu.memory_space<vmem>>, vector<1x16xf32>,
        %get3A_1306 = vector.shape_cast %get3A_1305 : vector<1x16xf32> to vector<16xf32>
        %mul3A_1307 = vector.broadcast %squeeze3A_1302 : f32 to vector<16xf32>
        %mul3A_1308 = arith.mulf %mul3A_1307, %get3A_1306 : vector<16xf32>
        %add3A_1309 = arith.addf %mul3A_1300, %mul3A_1308 : vector<16xf32>
        %slice3A_1310 = vector.extract_strided_slice %get3A_51 {offsets = [9], sizes = [1], strides = [1]} : vector<16xf32> to vector<1xf32>
        %squeeze3A_1311 = vector.extract %slice3A_1310[0] : f32 from vector<1xf32>
        %get3A_1312 = arith.index_cast %add3A_1292 : i32 to index
        %get3A_1313 = arith.constant 0 : index
        %get3A_1314 = tpu.vector_load %arg18[%get3A_1312, %get3A_1313] {strides = array<i32>} : memref<256x128xf32, #tpu.memory_space<vmem>>, vector<1x16xf32>,
        %get3A_1315 = vector.shape_cast %get3A_1314 : vector<1x16xf32> to vector<16xf32>
        %mul3A_1316 = vector.broadcast %squeeze3A_1311 : f32 to vector<16xf32>
        %mul3A_1317 = arith.mulf %mul3A_1316, %get3A_1315 : vector<16xf32>
        %add3A_1318 = arith.addf %add3A_1309, %mul3A_1317 : vector<16xf32>
        %mul3A_1319 = arith.constant 64 : i32
        %mul3A_1320 = arith.muli %add3A_1292, %mul3A_1319 : i32
        %add3A_1321 = arith.constant 0 : i32
        %add3A_1322 = arith.addi %mul3A_1320, %add3A_1321 : i32
        %swap3A_1323 = arith.index_cast %add3A_1322 : i32 to index
        %swap3A_1324 = tpu.vector_load %arg19[%swap3A_1323] {strides = array<i32>} : memref<16384xf32, #tpu.memory_space<vmem>>, vector<16xf32>,
        %swap3A_1325 = vector.shape_cast %swap3A_1324 : vector<16xf32> to vector<16xf32>
        %swap3A_1326 = vector.shape_cast %add3A_1318 : vector<16xf32> to vector<16xf32>
        tpu.vector_store %arg19[%swap3A_1323], %swap3A_1326 {strides = array<i32>} : memref<16384xf32, #tpu.memory_space<vmem>>, vector<16xf32>,
        %slice3A_1327 = vector.extract_strided_slice %get3A_45 {offsets = [9], sizes = [1], strides = [1]} : vector<16xf32> to vector<1xf32>
        %squeeze3A_1328 = vector.extract %slice3A_1327[0] : f32 from vector<1xf32>
        %get3A_1329 = arith.index_cast %add3A_1292 : i32 to index
        %get3A_1330 = arith.constant 16 : index
        %get3A_1331 = tpu.vector_load %arg16[%get3A_1329, %get3A_1330] {strides = array<i32>} : memref<256x128xf32, #tpu.memory_space<vmem>>, vector<1x16xf32>,
        %get3A_1332 = vector.shape_cast %get3A_1331 : vector<1x16xf32> to vector<16xf32>
        %mul3A_1333 = vector.broadcast %squeeze3A_1328 : f32 to vector<16xf32>
        %mul3A_1334 = arith.mulf %mul3A_1333, %get3A_1332 : vector<16xf32>
        %slice3A_1335 = vector.extract_strided_slice %get3A_48 {offsets = [9], sizes = [1], strides = [1]} : vector<16xf32> to vector<1xf32>
        %squeeze3A_1336 = vector.extract %slice3A_1335[0] : f32 from vector<1xf32>
        %get3A_1337 = arith.index_cast %add3A_1292 : i32 to index
        %get3A_1338 = arith.constant 16 : index
        %get3A_1339 = tpu.vector_load %arg17[%get3A_1337, %get3A_1338] {strides = array<i32>} : memref<256x128xf32, #tpu.memory_space<vmem>>, vector<1x16xf32>,
        %get3A_1340 = vector.shape_cast %get3A_1339 : vector<1x16xf32> to vector<16xf32>
        %mul3A_1341 = vector.broadcast %squeeze3A_1336 : f32 to vector<16xf32>
        %mul3A_1342 = arith.mulf %mul3A_1341, %get3A_1340 : vector<16xf32>
        %add3A_1343 = arith.addf %mul3A_1334, %mul3A_1342 : vector<16xf32>
        %slice3A_1344 = vector.extract_strided_slice %get3A_51 {offsets = [9], sizes = [1], strides = [1]} : vector<16xf32> to vector<1xf32>
        %squeeze3A_1345 = vector.extract %slice3A_1344[0] : f32 from vector<1xf32>
        %get3A_1346 = arith.index_cast %add3A_1292 : i32 to index
        %get3A_1347 = arith.constant 16 : index
        %get3A_1348 = tpu.vector_load %arg18[%get3A_1346, %get3A_1347] {strides = array<i32>} : memref<256x128xf32, #tpu.memory_space<vmem>>, vector<1x16xf32>,
        %get3A_1349 = vector.shape_cast %get3A_1348 : vector<1x16xf32> to vector<16xf32>
        %mul3A_1350 = vector.broadcast %squeeze3A_1345 : f32 to vector<16xf32>
        %mul3A_1351 = arith.mulf %mul3A_1350, %get3A_1349 : vector<16xf32>
        %add3A_1352 = arith.addf %add3A_1343, %mul3A_1351 : vector<16xf32>
        %mul3A_1353 = arith.constant 64 : i32
        %mul3A_1354 = arith.muli %add3A_1292, %mul3A_1353 : i32
        %add3A_1355 = arith.constant 16 : i32
        %add3A_1356 = arith.addi %mul3A_1354, %add3A_1355 : i32
        %swap3A_1357 = arith.index_cast %add3A_1356 : i32 to index
        %swap3A_1358 = tpu.vector_load %arg19[%swap3A_1357] {strides = array<i32>} : memref<16384xf32, #tpu.memory_space<vmem>>, vector<16xf32>,
        %swap3A_1359 = vector.shape_cast %swap3A_1358 : vector<16xf32> to vector<16xf32>
        %swap3A_1360 = vector.shape_cast %add3A_1352 : vector<16xf32> to vector<16xf32>
        tpu.vector_store %arg19[%swap3A_1357], %swap3A_1360 {strides = array<i32>} : memref<16384xf32, #tpu.memory_space<vmem>>, vector<16xf32>,
        %slice3A_1361 = vector.extract_strided_slice %get3A_45 {offsets = [9], sizes = [1], strides = [1]} : vector<16xf32> to vector<1xf32>
        %squeeze3A_1362 = vector.extract %slice3A_1361[0] : f32 from vector<1xf32>
        %get3A_1363 = arith.index_cast %add3A_1292 : i32 to index
        %get3A_1364 = arith.constant 32 : index
        %get3A_1365 = tpu.vector_load %arg16[%get3A_1363, %get3A_1364] {strides = array<i32>} : memref<256x128xf32, #tpu.memory_space<vmem>>, vector<1x16xf32>,
        %get3A_1366 = vector.shape_cast %get3A_1365 : vector<1x16xf32> to vector<16xf32>
        %mul3A_1367 = vector.broadcast %squeeze3A_1362 : f32 to vector<16xf32>
        %mul3A_1368 = arith.mulf %mul3A_1367, %get3A_1366 : vector<16xf32>
        %slice3A_1369 = vector.extract_strided_slice %get3A_48 {offsets = [9], sizes = [1], strides = [1]} : vector<16xf32> to vector<1xf32>
        %squeeze3A_1370 = vector.extract %slice3A_1369[0] : f32 from vector<1xf32>
        %get3A_1371 = arith.index_cast %add3A_1292 : i32 to index
        %get3A_1372 = arith.constant 32 : index
        %get3A_1373 = tpu.vector_load %arg17[%get3A_1371, %get3A_1372] {strides = array<i32>} : memref<256x128xf32, #tpu.memory_space<vmem>>, vector<1x16xf32>,
        %get3A_1374 = vector.shape_cast %get3A_1373 : vector<1x16xf32> to vector<16xf32>
        %mul3A_1375 = vector.broadcast %squeeze3A_1370 : f32 to vector<16xf32>
        %mul3A_1376 = arith.mulf %mul3A_1375, %get3A_1374 : vector<16xf32>
        %add3A_1377 = arith.addf %mul3A_1368, %mul3A_1376 : vector<16xf32>
        %slice3A_1378 = vector.extract_strided_slice %get3A_51 {offsets = [9], sizes = [1], strides = [1]} : vector<16xf32> to vector<1xf32>
        %squeeze3A_1379 = vector.extract %slice3A_1378[0] : f32 from vector<1xf32>
        %get3A_1380 = arith.index_cast %add3A_1292 : i32 to index
        %get3A_1381 = arith.constant 32 : index
        %get3A_1382 = tpu.vector_load %arg18[%get3A_1380, %get3A_1381] {strides = array<i32>} : memref<256x128xf32, #tpu.memory_space<vmem>>, vector<1x16xf32>,
        %get3A_1383 = vector.shape_cast %get3A_1382 : vector<1x16xf32> to vector<16xf32>
        %mul3A_1384 = vector.broadcast %squeeze3A_1379 : f32 to vector<16xf32>
        %mul3A_1385 = arith.mulf %mul3A_1384, %get3A_1383 : vector<16xf32>
        %add3A_1386 = arith.addf %add3A_1377, %mul3A_1385 : vector<16xf32>
        %mul3A_1387 = arith.constant 64 : i32
        %mul3A_1388 = arith.muli %add3A_1292, %mul3A_1387 : i32
        %add3A_1389 = arith.constant 32 : i32
        %add3A_1390 = arith.addi %mul3A_1388, %add3A_1389 : i32
        %swap3A_1391 = arith.index_cast %add3A_1390 : i32 to index
        %swap3A_1392 = tpu.vector_load %arg19[%swap3A_1391] {strides = array<i32>} : memref<16384xf32, #tpu.memory_space<vmem>>, vector<16xf32>,
        %swap3A_1393 = vector.shape_cast %swap3A_1392 : vector<16xf32> to vector<16xf32>
        %swap3A_1394 = vector.shape_cast %add3A_1386 : vector<16xf32> to vector<16xf32>
        tpu.vector_store %arg19[%swap3A_1391], %swap3A_1394 {strides = array<i32>} : memref<16384xf32, #tpu.memory_space<vmem>>, vector<16xf32>,
        %slice3A_1395 = vector.extract_strided_slice %get3A_45 {offsets = [9], sizes = [1], strides = [1]} : vector<16xf32> to vector<1xf32>
        %squeeze3A_1396 = vector.extract %slice3A_1395[0] : f32 from vector<1xf32>
        %get3A_1397 = arith.index_cast %add3A_1292 : i32 to index
        %get3A_1398 = arith.constant 48 : index
        %get3A_1399 = tpu.vector_load %arg16[%get3A_1397, %get3A_1398] {strides = array<i32>} : memref<256x128xf32, #tpu.memory_space<vmem>>, vector<1x16xf32>,
        %get3A_1400 = vector.shape_cast %get3A_1399 : vector<1x16xf32> to vector<16xf32>
        %mul3A_1401 = vector.broadcast %squeeze3A_1396 : f32 to vector<16xf32>
        %mul3A_1402 = arith.mulf %mul3A_1401, %get3A_1400 : vector<16xf32>
        %slice3A_1403 = vector.extract_strided_slice %get3A_48 {offsets = [9], sizes = [1], strides = [1]} : vector<16xf32> to vector<1xf32>
        %squeeze3A_1404 = vector.extract %slice3A_1403[0] : f32 from vector<1xf32>
        %get3A_1405 = arith.index_cast %add3A_1292 : i32 to index
        %get3A_1406 = arith.constant 48 : index
        %get3A_1407 = tpu.vector_load %arg17[%get3A_1405, %get3A_1406] {strides = array<i32>} : memref<256x128xf32, #tpu.memory_space<vmem>>, vector<1x16xf32>,
        %get3A_1408 = vector.shape_cast %get3A_1407 : vector<1x16xf32> to vector<16xf32>
        %mul3A_1409 = vector.broadcast %squeeze3A_1404 : f32 to vector<16xf32>
        %mul3A_1410 = arith.mulf %mul3A_1409, %get3A_1408 : vector<16xf32>
        %add3A_1411 = arith.addf %mul3A_1402, %mul3A_1410 : vector<16xf32>
        %slice3A_1412 = vector.extract_strided_slice %get3A_51 {offsets = [9], sizes = [1], strides = [1]} : vector<16xf32> to vector<1xf32>
        %squeeze3A_1413 = vector.extract %slice3A_1412[0] : f32 from vector<1xf32>
        %get3A_1414 = arith.index_cast %add3A_1292 : i32 to index
        %get3A_1415 = arith.constant 48 : index
        %get3A_1416 = tpu.vector_load %arg18[%get3A_1414, %get3A_1415] {strides = array<i32>} : memref<256x128xf32, #tpu.memory_space<vmem>>, vector<1x16xf32>,
        %get3A_1417 = vector.shape_cast %get3A_1416 : vector<1x16xf32> to vector<16xf32>
        %mul3A_1418 = vector.broadcast %squeeze3A_1413 : f32 to vector<16xf32>
        %mul3A_1419 = arith.mulf %mul3A_1418, %get3A_1417 : vector<16xf32>
        %add3A_1420 = arith.addf %add3A_1411, %mul3A_1419 : vector<16xf32>
        %mul3A_1421 = arith.constant 64 : i32
        %mul3A_1422 = arith.muli %add3A_1292, %mul3A_1421 : i32
        %add3A_1423 = arith.constant 48 : i32
        %add3A_1424 = arith.addi %mul3A_1422, %add3A_1423 : i32
        %swap3A_1425 = arith.index_cast %add3A_1424 : i32 to index
        %swap3A_1426 = tpu.vector_load %arg19[%swap3A_1425] {strides = array<i32>} : memref<16384xf32, #tpu.memory_space<vmem>>, vector<16xf32>,
        %swap3A_1427 = vector.shape_cast %swap3A_1426 : vector<16xf32> to vector<16xf32>
        %swap3A_1428 = vector.shape_cast %add3A_1420 : vector<16xf32> to vector<16xf32>
        tpu.vector_store %arg19[%swap3A_1425], %swap3A_1428 {strides = array<i32>} : memref<16384xf32, #tpu.memory_space<vmem>>, vector<16xf32>,
        %add3A_1429 = arith.constant 10 : i32
        %add3A_1430 = arith.addi %multiple_of3A, %add3A_1429 : i32
        %slice3A_1431 = vector.extract_strided_slice %get3A_45 {offsets = [10], sizes = [1], strides = [1]} : vector<16xf32> to vector<1xf32>
        %squeeze3A_1432 = vector.extract %slice3A_1431[0] : f32 from vector<1xf32>
        %get3A_1433 = arith.index_cast %add3A_1430 : i32 to index
        %get3A_1434 = arith.constant 0 : index
        %get3A_1435 = tpu.vector_load %arg16[%get3A_1433, %get3A_1434] {strides = array<i32>} : memref<256x128xf32, #tpu.memory_space<vmem>>, vector<1x16xf32>,
        %get3A_1436 = vector.shape_cast %get3A_1435 : vector<1x16xf32> to vector<16xf32>
        %mul3A_1437 = vector.broadcast %squeeze3A_1432 : f32 to vector<16xf32>
        %mul3A_1438 = arith.mulf %mul3A_1437, %get3A_1436 : vector<16xf32>
        %slice3A_1439 = vector.extract_strided_slice %get3A_48 {offsets = [10], sizes = [1], strides = [1]} : vector<16xf32> to vector<1xf32>
        %squeeze3A_1440 = vector.extract %slice3A_1439[0] : f32 from vector<1xf32>
        %get3A_1441 = arith.index_cast %add3A_1430 : i32 to index
        %get3A_1442 = arith.constant 0 : index
        %get3A_1443 = tpu.vector_load %arg17[%get3A_1441, %get3A_1442] {strides = array<i32>} : memref<256x128xf32, #tpu.memory_space<vmem>>, vector<1x16xf32>,
        %get3A_1444 = vector.shape_cast %get3A_1443 : vector<1x16xf32> to vector<16xf32>
        %mul3A_1445 = vector.broadcast %squeeze3A_1440 : f32 to vector<16xf32>
        %mul3A_1446 = arith.mulf %mul3A_1445, %get3A_1444 : vector<16xf32>
        %add3A_1447 = arith.addf %mul3A_1438, %mul3A_1446 : vector<16xf32>
        %slice3A_1448 = vector.extract_strided_slice %get3A_51 {offsets = [10], sizes = [1], strides = [1]} : vector<16xf32> to vector<1xf32>
        %squeeze3A_1449 = vector.extract %slice3A_1448[0] : f32 from vector<1xf32>
        %get3A_1450 = arith.index_cast %add3A_1430 : i32 to index
        %get3A_1451 = arith.constant 0 : index
        %get3A_1452 = tpu.vector_load %arg18[%get3A_1450, %get3A_1451] {strides = array<i32>} : memref<256x128xf32, #tpu.memory_space<vmem>>, vector<1x16xf32>,
        %get3A_1453 = vector.shape_cast %get3A_1452 : vector<1x16xf32> to vector<16xf32>
        %mul3A_1454 = vector.broadcast %squeeze3A_1449 : f32 to vector<16xf32>
        %mul3A_1455 = arith.mulf %mul3A_1454, %get3A_1453 : vector<16xf32>
        %add3A_1456 = arith.addf %add3A_1447, %mul3A_1455 : vector<16xf32>
        %mul3A_1457 = arith.constant 64 : i32
        %mul3A_1458 = arith.muli %add3A_1430, %mul3A_1457 : i32
        %add3A_1459 = arith.constant 0 : i32
        %add3A_1460 = arith.addi %mul3A_1458, %add3A_1459 : i32
        %swap3A_1461 = arith.index_cast %add3A_1460 : i32 to index
        %swap3A_1462 = tpu.vector_load %arg19[%swap3A_1461] {strides = array<i32>} : memref<16384xf32, #tpu.memory_space<vmem>>, vector<16xf32>,
        %swap3A_1463 = vector.shape_cast %swap3A_1462 : vector<16xf32> to vector<16xf32>
        %swap3A_1464 = vector.shape_cast %add3A_1456 : vector<16xf32> to vector<16xf32>
        tpu.vector_store %arg19[%swap3A_1461], %swap3A_1464 {strides = array<i32>} : memref<16384xf32, #tpu.memory_space<vmem>>, vector<16xf32>,
        %slice3A_1465 = vector.extract_strided_slice %get3A_45 {offsets = [10], sizes = [1], strides = [1]} : vector<16xf32> to vector<1xf32>
        %squeeze3A_1466 = vector.extract %slice3A_1465[0] : f32 from vector<1xf32>
        %get3A_1467 = arith.index_cast %add3A_1430 : i32 to index
        %get3A_1468 = arith.constant 16 : index
        %get3A_1469 = tpu.vector_load %arg16[%get3A_1467, %get3A_1468] {strides = array<i32>} : memref<256x128xf32, #tpu.memory_space<vmem>>, vector<1x16xf32>,
        %get3A_1470 = vector.shape_cast %get3A_1469 : vector<1x16xf32> to vector<16xf32>
        %mul3A_1471 = vector.broadcast %squeeze3A_1466 : f32 to vector<16xf32>
        %mul3A_1472 = arith.mulf %mul3A_1471, %get3A_1470 : vector<16xf32>
        %slice3A_1473 = vector.extract_strided_slice %get3A_48 {offsets = [10], sizes = [1], strides = [1]} : vector<16xf32> to vector<1xf32>
        %squeeze3A_1474 = vector.extract %slice3A_1473[0] : f32 from vector<1xf32>
        %get3A_1475 = arith.index_cast %add3A_1430 : i32 to index
        %get3A_1476 = arith.constant 16 : index
        %get3A_1477 = tpu.vector_load %arg17[%get3A_1475, %get3A_1476] {strides = array<i32>} : memref<256x128xf32, #tpu.memory_space<vmem>>, vector<1x16xf32>,
        %get3A_1478 = vector.shape_cast %get3A_1477 : vector<1x16xf32> to vector<16xf32>
        %mul3A_1479 = vector.broadcast %squeeze3A_1474 : f32 to vector<16xf32>
        %mul3A_1480 = arith.mulf %mul3A_1479, %get3A_1478 : vector<16xf32>
        %add3A_1481 = arith.addf %mul3A_1472, %mul3A_1480 : vector<16xf32>
        %slice3A_1482 = vector.extract_strided_slice %get3A_51 {offsets = [10], sizes = [1], strides = [1]} : vector<16xf32> to vector<1xf32>
        %squeeze3A_1483 = vector.extract %slice3A_1482[0] : f32 from vector<1xf32>
        %get3A_1484 = arith.index_cast %add3A_1430 : i32 to index
        %get3A_1485 = arith.constant 16 : index
        %get3A_1486 = tpu.vector_load %arg18[%get3A_1484, %get3A_1485] {strides = array<i32>} : memref<256x128xf32, #tpu.memory_space<vmem>>, vector<1x16xf32>,
        %get3A_1487 = vector.shape_cast %get3A_1486 : vector<1x16xf32> to vector<16xf32>
        %mul3A_1488 = vector.broadcast %squeeze3A_1483 : f32 to vector<16xf32>
        %mul3A_1489 = arith.mulf %mul3A_1488, %get3A_1487 : vector<16xf32>
        %add3A_1490 = arith.addf %add3A_1481, %mul3A_1489 : vector<16xf32>
        %mul3A_1491 = arith.constant 64 : i32
        %mul3A_1492 = arith.muli %add3A_1430, %mul3A_1491 : i32
        %add3A_1493 = arith.constant 16 : i32
        %add3A_1494 = arith.addi %mul3A_1492, %add3A_1493 : i32
        %swap3A_1495 = arith.index_cast %add3A_1494 : i32 to index
        %swap3A_1496 = tpu.vector_load %arg19[%swap3A_1495] {strides = array<i32>} : memref<16384xf32, #tpu.memory_space<vmem>>, vector<16xf32>,
        %swap3A_1497 = vector.shape_cast %swap3A_1496 : vector<16xf32> to vector<16xf32>
        %swap3A_1498 = vector.shape_cast %add3A_1490 : vector<16xf32> to vector<16xf32>
        tpu.vector_store %arg19[%swap3A_1495], %swap3A_1498 {strides = array<i32>} : memref<16384xf32, #tpu.memory_space<vmem>>, vector<16xf32>,
        %slice3A_1499 = vector.extract_strided_slice %get3A_45 {offsets = [10], sizes = [1], strides = [1]} : vector<16xf32> to vector<1xf32>
        %squeeze3A_1500 = vector.extract %slice3A_1499[0] : f32 from vector<1xf32>
        %get3A_1501 = arith.index_cast %add3A_1430 : i32 to index
        %get3A_1502 = arith.constant 32 : index
        %get3A_1503 = tpu.vector_load %arg16[%get3A_1501, %get3A_1502] {strides = array<i32>} : memref<256x128xf32, #tpu.memory_space<vmem>>, vector<1x16xf32>,
        %get3A_1504 = vector.shape_cast %get3A_1503 : vector<1x16xf32> to vector<16xf32>
        %mul3A_1505 = vector.broadcast %squeeze3A_1500 : f32 to vector<16xf32>
        %mul3A_1506 = arith.mulf %mul3A_1505, %get3A_1504 : vector<16xf32>
        %slice3A_1507 = vector.extract_strided_slice %get3A_48 {offsets = [10], sizes = [1], strides = [1]} : vector<16xf32> to vector<1xf32>
        %squeeze3A_1508 = vector.extract %slice3A_1507[0] : f32 from vector<1xf32>
        %get3A_1509 = arith.index_cast %add3A_1430 : i32 to index
        %get3A_1510 = arith.constant 32 : index
        %get3A_1511 = tpu.vector_load %arg17[%get3A_1509, %get3A_1510] {strides = array<i32>} : memref<256x128xf32, #tpu.memory_space<vmem>>, vector<1x16xf32>,
        %get3A_1512 = vector.shape_cast %get3A_1511 : vector<1x16xf32> to vector<16xf32>
        %mul3A_1513 = vector.broadcast %squeeze3A_1508 : f32 to vector<16xf32>
        %mul3A_1514 = arith.mulf %mul3A_1513, %get3A_1512 : vector<16xf32>
        %add3A_1515 = arith.addf %mul3A_1506, %mul3A_1514 : vector<16xf32>
        %slice3A_1516 = vector.extract_strided_slice %get3A_51 {offsets = [10], sizes = [1], strides = [1]} : vector<16xf32> to vector<1xf32>
        %squeeze3A_1517 = vector.extract %slice3A_1516[0] : f32 from vector<1xf32>
        %get3A_1518 = arith.index_cast %add3A_1430 : i32 to index
        %get3A_1519 = arith.constant 32 : index
        %get3A_1520 = tpu.vector_load %arg18[%get3A_1518, %get3A_1519] {strides = array<i32>} : memref<256x128xf32, #tpu.memory_space<vmem>>, vector<1x16xf32>,
        %get3A_1521 = vector.shape_cast %get3A_1520 : vector<1x16xf32> to vector<16xf32>
        %mul3A_1522 = vector.broadcast %squeeze3A_1517 : f32 to vector<16xf32>
        %mul3A_1523 = arith.mulf %mul3A_1522, %get3A_1521 : vector<16xf32>
        %add3A_1524 = arith.addf %add3A_1515, %mul3A_1523 : vector<16xf32>
        %mul3A_1525 = arith.constant 64 : i32
        %mul3A_1526 = arith.muli %add3A_1430, %mul3A_1525 : i32
        %add3A_1527 = arith.constant 32 : i32
        %add3A_1528 = arith.addi %mul3A_1526, %add3A_1527 : i32
        %swap3A_1529 = arith.index_cast %add3A_1528 : i32 to index
        %swap3A_1530 = tpu.vector_load %arg19[%swap3A_1529] {strides = array<i32>} : memref<16384xf32, #tpu.memory_space<vmem>>, vector<16xf32>,
        %swap3A_1531 = vector.shape_cast %swap3A_1530 : vector<16xf32> to vector<16xf32>
        %swap3A_1532 = vector.shape_cast %add3A_1524 : vector<16xf32> to vector<16xf32>
        tpu.vector_store %arg19[%swap3A_1529], %swap3A_1532 {strides = array<i32>} : memref<16384xf32, #tpu.memory_space<vmem>>, vector<16xf32>,
        %slice3A_1533 = vector.extract_strided_slice %get3A_45 {offsets = [10], sizes = [1], strides = [1]} : vector<16xf32> to vector<1xf32>
        %squeeze3A_1534 = vector.extract %slice3A_1533[0] : f32 from vector<1xf32>
        %get3A_1535 = arith.index_cast %add3A_1430 : i32 to index
        %get3A_1536 = arith.constant 48 : index
        %get3A_1537 = tpu.vector_load %arg16[%get3A_1535, %get3A_1536] {strides = array<i32>} : memref<256x128xf32, #tpu.memory_space<vmem>>, vector<1x16xf32>,
        %get3A_1538 = vector.shape_cast %get3A_1537 : vector<1x16xf32> to vector<16xf32>
        %mul3A_1539 = vector.broadcast %squeeze3A_1534 : f32 to vector<16xf32>
        %mul3A_1540 = arith.mulf %mul3A_1539, %get3A_1538 : vector<16xf32>
        %slice3A_1541 = vector.extract_strided_slice %get3A_48 {offsets = [10], sizes = [1], strides = [1]} : vector<16xf32> to vector<1xf32>
        %squeeze3A_1542 = vector.extract %slice3A_1541[0] : f32 from vector<1xf32>
        %get3A_1543 = arith.index_cast %add3A_1430 : i32 to index
        %get3A_1544 = arith.constant 48 : index
        %get3A_1545 = tpu.vector_load %arg17[%get3A_1543, %get3A_1544] {strides = array<i32>} : memref<256x128xf32, #tpu.memory_space<vmem>>, vector<1x16xf32>,
        %get3A_1546 = vector.shape_cast %get3A_1545 : vector<1x16xf32> to vector<16xf32>
        %mul3A_1547 = vector.broadcast %squeeze3A_1542 : f32 to vector<16xf32>
        %mul3A_1548 = arith.mulf %mul3A_1547, %get3A_1546 : vector<16xf32>
        %add3A_1549 = arith.addf %mul3A_1540, %mul3A_1548 : vector<16xf32>
        %slice3A_1550 = vector.extract_strided_slice %get3A_51 {offsets = [10], sizes = [1], strides = [1]} : vector<16xf32> to vector<1xf32>
        %squeeze3A_1551 = vector.extract %slice3A_1550[0] : f32 from vector<1xf32>
        %get3A_1552 = arith.index_cast %add3A_1430 : i32 to index
        %get3A_1553 = arith.constant 48 : index
        %get3A_1554 = tpu.vector_load %arg18[%get3A_1552, %get3A_1553] {strides = array<i32>} : memref<256x128xf32, #tpu.memory_space<vmem>>, vector<1x16xf32>,
        %get3A_1555 = vector.shape_cast %get3A_1554 : vector<1x16xf32> to vector<16xf32>
        %mul3A_1556 = vector.broadcast %squeeze3A_1551 : f32 to vector<16xf32>
        %mul3A_1557 = arith.mulf %mul3A_1556, %get3A_1555 : vector<16xf32>
        %add3A_1558 = arith.addf %add3A_1549, %mul3A_1557 : vector<16xf32>
        %mul3A_1559 = arith.constant 64 : i32
        %mul3A_1560 = arith.muli %add3A_1430, %mul3A_1559 : i32
        %add3A_1561 = arith.constant 48 : i32
        %add3A_1562 = arith.addi %mul3A_1560, %add3A_1561 : i32
        %swap3A_1563 = arith.index_cast %add3A_1562 : i32 to index
        %swap3A_1564 = tpu.vector_load %arg19[%swap3A_1563] {strides = array<i32>} : memref<16384xf32, #tpu.memory_space<vmem>>, vector<16xf32>,
        %swap3A_1565 = vector.shape_cast %swap3A_1564 : vector<16xf32> to vector<16xf32>
        %swap3A_1566 = vector.shape_cast %add3A_1558 : vector<16xf32> to vector<16xf32>
        tpu.vector_store %arg19[%swap3A_1563], %swap3A_1566 {strides = array<i32>} : memref<16384xf32, #tpu.memory_space<vmem>>, vector<16xf32>,
        %add3A_1567 = arith.constant 11 : i32
        %add3A_1568 = arith.addi %multiple_of3A, %add3A_1567 : i32
        %slice3A_1569 = vector.extract_strided_slice %get3A_45 {offsets = [11], sizes = [1], strides = [1]} : vector<16xf32> to vector<1xf32>
        %squeeze3A_1570 = vector.extract %slice3A_1569[0] : f32 from vector<1xf32>
        %get3A_1571 = arith.index_cast %add3A_1568 : i32 to index
        %get3A_1572 = arith.constant 0 : index
        %get3A_1573 = tpu.vector_load %arg16[%get3A_1571, %get3A_1572] {strides = array<i32>} : memref<256x128xf32, #tpu.memory_space<vmem>>, vector<1x16xf32>,
        %get3A_1574 = vector.shape_cast %get3A_1573 : vector<1x16xf32> to vector<16xf32>
        %mul3A_1575 = vector.broadcast %squeeze3A_1570 : f32 to vector<16xf32>
        %mul3A_1576 = arith.mulf %mul3A_1575, %get3A_1574 : vector<16xf32>
        %slice3A_1577 = vector.extract_strided_slice %get3A_48 {offsets = [11], sizes = [1], strides = [1]} : vector<16xf32> to vector<1xf32>
        %squeeze3A_1578 = vector.extract %slice3A_1577[0] : f32 from vector<1xf32>
        %get3A_1579 = arith.index_cast %add3A_1568 : i32 to index
        %get3A_1580 = arith.constant 0 : index
        %get3A_1581 = tpu.vector_load %arg17[%get3A_1579, %get3A_1580] {strides = array<i32>} : memref<256x128xf32, #tpu.memory_space<vmem>>, vector<1x16xf32>,
        %get3A_1582 = vector.shape_cast %get3A_1581 : vector<1x16xf32> to vector<16xf32>
        %mul3A_1583 = vector.broadcast %squeeze3A_1578 : f32 to vector<16xf32>
        %mul3A_1584 = arith.mulf %mul3A_1583, %get3A_1582 : vector<16xf32>
        %add3A_1585 = arith.addf %mul3A_1576, %mul3A_1584 : vector<16xf32>
        %slice3A_1586 = vector.extract_strided_slice %get3A_51 {offsets = [11], sizes = [1], strides = [1]} : vector<16xf32> to vector<1xf32>
        %squeeze3A_1587 = vector.extract %slice3A_1586[0] : f32 from vector<1xf32>
        %get3A_1588 = arith.index_cast %add3A_1568 : i32 to index
        %get3A_1589 = arith.constant 0 : index
        %get3A_1590 = tpu.vector_load %arg18[%get3A_1588, %get3A_1589] {strides = array<i32>} : memref<256x128xf32, #tpu.memory_space<vmem>>, vector<1x16xf32>,
        %get3A_1591 = vector.shape_cast %get3A_1590 : vector<1x16xf32> to vector<16xf32>
        %mul3A_1592 = vector.broadcast %squeeze3A_1587 : f32 to vector<16xf32>
        %mul3A_1593 = arith.mulf %mul3A_1592, %get3A_1591 : vector<16xf32>
        %add3A_1594 = arith.addf %add3A_1585, %mul3A_1593 : vector<16xf32>
        %mul3A_1595 = arith.constant 64 : i32
        %mul3A_1596 = arith.muli %add3A_1568, %mul3A_1595 : i32
        %add3A_1597 = arith.constant 0 : i32
        %add3A_1598 = arith.addi %mul3A_1596, %add3A_1597 : i32
        %swap3A_1599 = arith.index_cast %add3A_1598 : i32 to index
        %swap3A_1600 = tpu.vector_load %arg19[%swap3A_1599] {strides = array<i32>} : memref<16384xf32, #tpu.memory_space<vmem>>, vector<16xf32>,
        %swap3A_1601 = vector.shape_cast %swap3A_1600 : vector<16xf32> to vector<16xf32>
        %swap3A_1602 = vector.shape_cast %add3A_1594 : vector<16xf32> to vector<16xf32>
        tpu.vector_store %arg19[%swap3A_1599], %swap3A_1602 {strides = array<i32>} : memref<16384xf32, #tpu.memory_space<vmem>>, vector<16xf32>,
        %slice3A_1603 = vector.extract_strided_slice %get3A_45 {offsets = [11], sizes = [1], strides = [1]} : vector<16xf32> to vector<1xf32>
        %squeeze3A_1604 = vector.extract %slice3A_1603[0] : f32 from vector<1xf32>
        %get3A_1605 = arith.index_cast %add3A_1568 : i32 to index
        %get3A_1606 = arith.constant 16 : index
        %get3A_1607 = tpu.vector_load %arg16[%get3A_1605, %get3A_1606] {strides = array<i32>} : memref<256x128xf32, #tpu.memory_space<vmem>>, vector<1x16xf32>,
        %get3A_1608 = vector.shape_cast %get3A_1607 : vector<1x16xf32> to vector<16xf32>
        %mul3A_1609 = vector.broadcast %squeeze3A_1604 : f32 to vector<16xf32>
        %mul3A_1610 = arith.mulf %mul3A_1609, %get3A_1608 : vector<16xf32>
        %slice3A_1611 = vector.extract_strided_slice %get3A_48 {offsets = [11], sizes = [1], strides = [1]} : vector<16xf32> to vector<1xf32>
        %squeeze3A_1612 = vector.extract %slice3A_1611[0] : f32 from vector<1xf32>
        %get3A_1613 = arith.index_cast %add3A_1568 : i32 to index
        %get3A_1614 = arith.constant 16 : index
        %get3A_1615 = tpu.vector_load %arg17[%get3A_1613, %get3A_1614] {strides = array<i32>} : memref<256x128xf32, #tpu.memory_space<vmem>>, vector<1x16xf32>,
        %get3A_1616 = vector.shape_cast %get3A_1615 : vector<1x16xf32> to vector<16xf32>
        %mul3A_1617 = vector.broadcast %squeeze3A_1612 : f32 to vector<16xf32>
        %mul3A_1618 = arith.mulf %mul3A_1617, %get3A_1616 : vector<16xf32>
        %add3A_1619 = arith.addf %mul3A_1610, %mul3A_1618 : vector<16xf32>
        %slice3A_1620 = vector.extract_strided_slice %get3A_51 {offsets = [11], sizes = [1], strides = [1]} : vector<16xf32> to vector<1xf32>
        %squeeze3A_1621 = vector.extract %slice3A_1620[0] : f32 from vector<1xf32>
        %get3A_1622 = arith.index_cast %add3A_1568 : i32 to index
        %get3A_1623 = arith.constant 16 : index
        %get3A_1624 = tpu.vector_load %arg18[%get3A_1622, %get3A_1623] {strides = array<i32>} : memref<256x128xf32, #tpu.memory_space<vmem>>, vector<1x16xf32>,
        %get3A_1625 = vector.shape_cast %get3A_1624 : vector<1x16xf32> to vector<16xf32>
        %mul3A_1626 = vector.broadcast %squeeze3A_1621 : f32 to vector<16xf32>
        %mul3A_1627 = arith.mulf %mul3A_1626, %get3A_1625 : vector<16xf32>
        %add3A_1628 = arith.addf %add3A_1619, %mul3A_1627 : vector<16xf32>
        %mul3A_1629 = arith.constant 64 : i32
        %mul3A_1630 = arith.muli %add3A_1568, %mul3A_1629 : i32
        %add3A_1631 = arith.constant 16 : i32
        %add3A_1632 = arith.addi %mul3A_1630, %add3A_1631 : i32
        %swap3A_1633 = arith.index_cast %add3A_1632 : i32 to index
        %swap3A_1634 = tpu.vector_load %arg19[%swap3A_1633] {strides = array<i32>} : memref<16384xf32, #tpu.memory_space<vmem>>, vector<16xf32>,
        %swap3A_1635 = vector.shape_cast %swap3A_1634 : vector<16xf32> to vector<16xf32>
        %swap3A_1636 = vector.shape_cast %add3A_1628 : vector<16xf32> to vector<16xf32>
        tpu.vector_store %arg19[%swap3A_1633], %swap3A_1636 {strides = array<i32>} : memref<16384xf32, #tpu.memory_space<vmem>>, vector<16xf32>,
        %slice3A_1637 = vector.extract_strided_slice %get3A_45 {offsets = [11], sizes = [1], strides = [1]} : vector<16xf32> to vector<1xf32>
        %squeeze3A_1638 = vector.extract %slice3A_1637[0] : f32 from vector<1xf32>
        %get3A_1639 = arith.index_cast %add3A_1568 : i32 to index
        %get3A_1640 = arith.constant 32 : index
        %get3A_1641 = tpu.vector_load %arg16[%get3A_1639, %get3A_1640] {strides = array<i32>} : memref<256x128xf32, #tpu.memory_space<vmem>>, vector<1x16xf32>,
        %get3A_1642 = vector.shape_cast %get3A_1641 : vector<1x16xf32> to vector<16xf32>
        %mul3A_1643 = vector.broadcast %squeeze3A_1638 : f32 to vector<16xf32>
        %mul3A_1644 = arith.mulf %mul3A_1643, %get3A_1642 : vector<16xf32>
        %slice3A_1645 = vector.extract_strided_slice %get3A_48 {offsets = [11], sizes = [1], strides = [1]} : vector<16xf32> to vector<1xf32>
        %squeeze3A_1646 = vector.extract %slice3A_1645[0] : f32 from vector<1xf32>
        %get3A_1647 = arith.index_cast %add3A_1568 : i32 to index
        %get3A_1648 = arith.constant 32 : index
        %get3A_1649 = tpu.vector_load %arg17[%get3A_1647, %get3A_1648] {strides = array<i32>} : memref<256x128xf32, #tpu.memory_space<vmem>>, vector<1x16xf32>,
        %get3A_1650 = vector.shape_cast %get3A_1649 : vector<1x16xf32> to vector<16xf32>
        %mul3A_1651 = vector.broadcast %squeeze3A_1646 : f32 to vector<16xf32>
        %mul3A_1652 = arith.mulf %mul3A_1651, %get3A_1650 : vector<16xf32>
        %add3A_1653 = arith.addf %mul3A_1644, %mul3A_1652 : vector<16xf32>
        %slice3A_1654 = vector.extract_strided_slice %get3A_51 {offsets = [11], sizes = [1], strides = [1]} : vector<16xf32> to vector<1xf32>
        %squeeze3A_1655 = vector.extract %slice3A_1654[0] : f32 from vector<1xf32>
        %get3A_1656 = arith.index_cast %add3A_1568 : i32 to index
        %get3A_1657 = arith.constant 32 : index
        %get3A_1658 = tpu.vector_load %arg18[%get3A_1656, %get3A_1657] {strides = array<i32>} : memref<256x128xf32, #tpu.memory_space<vmem>>, vector<1x16xf32>,
        %get3A_1659 = vector.shape_cast %get3A_1658 : vector<1x16xf32> to vector<16xf32>
        %mul3A_1660 = vector.broadcast %squeeze3A_1655 : f32 to vector<16xf32>
        %mul3A_1661 = arith.mulf %mul3A_1660, %get3A_1659 : vector<16xf32>
        %add3A_1662 = arith.addf %add3A_1653, %mul3A_1661 : vector<16xf32>
        %mul3A_1663 = arith.constant 64 : i32
        %mul3A_1664 = arith.muli %add3A_1568, %mul3A_1663 : i32
        %add3A_1665 = arith.constant 32 : i32
        %add3A_1666 = arith.addi %mul3A_1664, %add3A_1665 : i32
        %swap3A_1667 = arith.index_cast %add3A_1666 : i32 to index
        %swap3A_1668 = tpu.vector_load %arg19[%swap3A_1667] {strides = array<i32>} : memref<16384xf32, #tpu.memory_space<vmem>>, vector<16xf32>,
        %swap3A_1669 = vector.shape_cast %swap3A_1668 : vector<16xf32> to vector<16xf32>
        %swap3A_1670 = vector.shape_cast %add3A_1662 : vector<16xf32> to vector<16xf32>
        tpu.vector_store %arg19[%swap3A_1667], %swap3A_1670 {strides = array<i32>} : memref<16384xf32, #tpu.memory_space<vmem>>, vector<16xf32>,
        %slice3A_1671 = vector.extract_strided_slice %get3A_45 {offsets = [11], sizes = [1], strides = [1]} : vector<16xf32> to vector<1xf32>
        %squeeze3A_1672 = vector.extract %slice3A_1671[0] : f32 from vector<1xf32>
        %get3A_1673 = arith.index_cast %add3A_1568 : i32 to index
        %get3A_1674 = arith.constant 48 : index
        %get3A_1675 = tpu.vector_load %arg16[%get3A_1673, %get3A_1674] {strides = array<i32>} : memref<256x128xf32, #tpu.memory_space<vmem>>, vector<1x16xf32>,
        %get3A_1676 = vector.shape_cast %get3A_1675 : vector<1x16xf32> to vector<16xf32>
        %mul3A_1677 = vector.broadcast %squeeze3A_1672 : f32 to vector<16xf32>
        %mul3A_1678 = arith.mulf %mul3A_1677, %get3A_1676 : vector<16xf32>
        %slice3A_1679 = vector.extract_strided_slice %get3A_48 {offsets = [11], sizes = [1], strides = [1]} : vector<16xf32> to vector<1xf32>
        %squeeze3A_1680 = vector.extract %slice3A_1679[0] : f32 from vector<1xf32>
        %get3A_1681 = arith.index_cast %add3A_1568 : i32 to index
        %get3A_1682 = arith.constant 48 : index
        %get3A_1683 = tpu.vector_load %arg17[%get3A_1681, %get3A_1682] {strides = array<i32>} : memref<256x128xf32, #tpu.memory_space<vmem>>, vector<1x16xf32>,
        %get3A_1684 = vector.shape_cast %get3A_1683 : vector<1x16xf32> to vector<16xf32>
        %mul3A_1685 = vector.broadcast %squeeze3A_1680 : f32 to vector<16xf32>
        %mul3A_1686 = arith.mulf %mul3A_1685, %get3A_1684 : vector<16xf32>
        %add3A_1687 = arith.addf %mul3A_1678, %mul3A_1686 : vector<16xf32>
        %slice3A_1688 = vector.extract_strided_slice %get3A_51 {offsets = [11], sizes = [1], strides = [1]} : vector<16xf32> to vector<1xf32>
        %squeeze3A_1689 = vector.extract %slice3A_1688[0] : f32 from vector<1xf32>
        %get3A_1690 = arith.index_cast %add3A_1568 : i32 to index
        %get3A_1691 = arith.constant 48 : index
        %get3A_1692 = tpu.vector_load %arg18[%get3A_1690, %get3A_1691] {strides = array<i32>} : memref<256x128xf32, #tpu.memory_space<vmem>>, vector<1x16xf32>,
        %get3A_1693 = vector.shape_cast %get3A_1692 : vector<1x16xf32> to vector<16xf32>
        %mul3A_1694 = vector.broadcast %squeeze3A_1689 : f32 to vector<16xf32>
        %mul3A_1695 = arith.mulf %mul3A_1694, %get3A_1693 : vector<16xf32>
        %add3A_1696 = arith.addf %add3A_1687, %mul3A_1695 : vector<16xf32>
        %mul3A_1697 = arith.constant 64 : i32
        %mul3A_1698 = arith.muli %add3A_1568, %mul3A_1697 : i32
        %add3A_1699 = arith.constant 48 : i32
        %add3A_1700 = arith.addi %mul3A_1698, %add3A_1699 : i32
        %swap3A_1701 = arith.index_cast %add3A_1700 : i32 to index
        %swap3A_1702 = tpu.vector_load %arg19[%swap3A_1701] {strides = array<i32>} : memref<16384xf32, #tpu.memory_space<vmem>>, vector<16xf32>,
        %swap3A_1703 = vector.shape_cast %swap3A_1702 : vector<16xf32> to vector<16xf32>
        %swap3A_1704 = vector.shape_cast %add3A_1696 : vector<16xf32> to vector<16xf32>
        tpu.vector_store %arg19[%swap3A_1701], %swap3A_1704 {strides = array<i32>} : memref<16384xf32, #tpu.memory_space<vmem>>, vector<16xf32>,
        %add3A_1705 = arith.constant 12 : i32
        %add3A_1706 = arith.addi %multiple_of3A, %add3A_1705 : i32
        %slice3A_1707 = vector.extract_strided_slice %get3A_45 {offsets = [12], sizes = [1], strides = [1]} : vector<16xf32> to vector<1xf32>
        %squeeze3A_1708 = vector.extract %slice3A_1707[0] : f32 from vector<1xf32>
        %get3A_1709 = arith.index_cast %add3A_1706 : i32 to index
        %get3A_1710 = arith.constant 0 : index
        %get3A_1711 = tpu.vector_load %arg16[%get3A_1709, %get3A_1710] {strides = array<i32>} : memref<256x128xf32, #tpu.memory_space<vmem>>, vector<1x16xf32>,
        %get3A_1712 = vector.shape_cast %get3A_1711 : vector<1x16xf32> to vector<16xf32>
        %mul3A_1713 = vector.broadcast %squeeze3A_1708 : f32 to vector<16xf32>
        %mul3A_1714 = arith.mulf %mul3A_1713, %get3A_1712 : vector<16xf32>
        %slice3A_1715 = vector.extract_strided_slice %get3A_48 {offsets = [12], sizes = [1], strides = [1]} : vector<16xf32> to vector<1xf32>
        %squeeze3A_1716 = vector.extract %slice3A_1715[0] : f32 from vector<1xf32>
        %get3A_1717 = arith.index_cast %add3A_1706 : i32 to index
        %get3A_1718 = arith.constant 0 : index
        %get3A_1719 = tpu.vector_load %arg17[%get3A_1717, %get3A_1718] {strides = array<i32>} : memref<256x128xf32, #tpu.memory_space<vmem>>, vector<1x16xf32>,
        %get3A_1720 = vector.shape_cast %get3A_1719 : vector<1x16xf32> to vector<16xf32>
        %mul3A_1721 = vector.broadcast %squeeze3A_1716 : f32 to vector<16xf32>
        %mul3A_1722 = arith.mulf %mul3A_1721, %get3A_1720 : vector<16xf32>
        %add3A_1723 = arith.addf %mul3A_1714, %mul3A_1722 : vector<16xf32>
        %slice3A_1724 = vector.extract_strided_slice %get3A_51 {offsets = [12], sizes = [1], strides = [1]} : vector<16xf32> to vector<1xf32>
        %squeeze3A_1725 = vector.extract %slice3A_1724[0] : f32 from vector<1xf32>
        %get3A_1726 = arith.index_cast %add3A_1706 : i32 to index
        %get3A_1727 = arith.constant 0 : index
        %get3A_1728 = tpu.vector_load %arg18[%get3A_1726, %get3A_1727] {strides = array<i32>} : memref<256x128xf32, #tpu.memory_space<vmem>>, vector<1x16xf32>,
        %get3A_1729 = vector.shape_cast %get3A_1728 : vector<1x16xf32> to vector<16xf32>
        %mul3A_1730 = vector.broadcast %squeeze3A_1725 : f32 to vector<16xf32>
        %mul3A_1731 = arith.mulf %mul3A_1730, %get3A_1729 : vector<16xf32>
        %add3A_1732 = arith.addf %add3A_1723, %mul3A_1731 : vector<16xf32>
        %mul3A_1733 = arith.constant 64 : i32
        %mul3A_1734 = arith.muli %add3A_1706, %mul3A_1733 : i32
        %add3A_1735 = arith.constant 0 : i32
        %add3A_1736 = arith.addi %mul3A_1734, %add3A_1735 : i32
        %swap3A_1737 = arith.index_cast %add3A_1736 : i32 to index
        %swap3A_1738 = tpu.vector_load %arg19[%swap3A_1737] {strides = array<i32>} : memref<16384xf32, #tpu.memory_space<vmem>>, vector<16xf32>,
        %swap3A_1739 = vector.shape_cast %swap3A_1738 : vector<16xf32> to vector<16xf32>
        %swap3A_1740 = vector.shape_cast %add3A_1732 : vector<16xf32> to vector<16xf32>
        tpu.vector_store %arg19[%swap3A_1737], %swap3A_1740 {strides = array<i32>} : memref<16384xf32, #tpu.memory_space<vmem>>, vector<16xf32>,
        %slice3A_1741 = vector.extract_strided_slice %get3A_45 {offsets = [12], sizes = [1], strides = [1]} : vector<16xf32> to vector<1xf32>
        %squeeze3A_1742 = vector.extract %slice3A_1741[0] : f32 from vector<1xf32>
        %get3A_1743 = arith.index_cast %add3A_1706 : i32 to index
        %get3A_1744 = arith.constant 16 : index
        %get3A_1745 = tpu.vector_load %arg16[%get3A_1743, %get3A_1744] {strides = array<i32>} : memref<256x128xf32, #tpu.memory_space<vmem>>, vector<1x16xf32>,
        %get3A_1746 = vector.shape_cast %get3A_1745 : vector<1x16xf32> to vector<16xf32>
        %mul3A_1747 = vector.broadcast %squeeze3A_1742 : f32 to vector<16xf32>
        %mul3A_1748 = arith.mulf %mul3A_1747, %get3A_1746 : vector<16xf32>
        %slice3A_1749 = vector.extract_strided_slice %get3A_48 {offsets = [12], sizes = [1], strides = [1]} : vector<16xf32> to vector<1xf32>
        %squeeze3A_1750 = vector.extract %slice3A_1749[0] : f32 from vector<1xf32>
        %get3A_1751 = arith.index_cast %add3A_1706 : i32 to index
        %get3A_1752 = arith.constant 16 : index
        %get3A_1753 = tpu.vector_load %arg17[%get3A_1751, %get3A_1752] {strides = array<i32>} : memref<256x128xf32, #tpu.memory_space<vmem>>, vector<1x16xf32>,
        %get3A_1754 = vector.shape_cast %get3A_1753 : vector<1x16xf32> to vector<16xf32>
        %mul3A_1755 = vector.broadcast %squeeze3A_1750 : f32 to vector<16xf32>
        %mul3A_1756 = arith.mulf %mul3A_1755, %get3A_1754 : vector<16xf32>
        %add3A_1757 = arith.addf %mul3A_1748, %mul3A_1756 : vector<16xf32>
        %slice3A_1758 = vector.extract_strided_slice %get3A_51 {offsets = [12], sizes = [1], strides = [1]} : vector<16xf32> to vector<1xf32>
        %squeeze3A_1759 = vector.extract %slice3A_1758[0] : f32 from vector<1xf32>
        %get3A_1760 = arith.index_cast %add3A_1706 : i32 to index
        %get3A_1761 = arith.constant 16 : index
        %get3A_1762 = tpu.vector_load %arg18[%get3A_1760, %get3A_1761] {strides = array<i32>} : memref<256x128xf32, #tpu.memory_space<vmem>>, vector<1x16xf32>,
        %get3A_1763 = vector.shape_cast %get3A_1762 : vector<1x16xf32> to vector<16xf32>
        %mul3A_1764 = vector.broadcast %squeeze3A_1759 : f32 to vector<16xf32>
        %mul3A_1765 = arith.mulf %mul3A_1764, %get3A_1763 : vector<16xf32>
        %add3A_1766 = arith.addf %add3A_1757, %mul3A_1765 : vector<16xf32>
        %mul3A_1767 = arith.constant 64 : i32
        %mul3A_1768 = arith.muli %add3A_1706, %mul3A_1767 : i32
        %add3A_1769 = arith.constant 16 : i32
        %add3A_1770 = arith.addi %mul3A_1768, %add3A_1769 : i32
        %swap3A_1771 = arith.index_cast %add3A_1770 : i32 to index
        %swap3A_1772 = tpu.vector_load %arg19[%swap3A_1771] {strides = array<i32>} : memref<16384xf32, #tpu.memory_space<vmem>>, vector<16xf32>,
        %swap3A_1773 = vector.shape_cast %swap3A_1772 : vector<16xf32> to vector<16xf32>
        %swap3A_1774 = vector.shape_cast %add3A_1766 : vector<16xf32> to vector<16xf32>
        tpu.vector_store %arg19[%swap3A_1771], %swap3A_1774 {strides = array<i32>} : memref<16384xf32, #tpu.memory_space<vmem>>, vector<16xf32>,
        %slice3A_1775 = vector.extract_strided_slice %get3A_45 {offsets = [12], sizes = [1], strides = [1]} : vector<16xf32> to vector<1xf32>
        %squeeze3A_1776 = vector.extract %slice3A_1775[0] : f32 from vector<1xf32>
        %get3A_1777 = arith.index_cast %add3A_1706 : i32 to index
        %get3A_1778 = arith.constant 32 : index
        %get3A_1779 = tpu.vector_load %arg16[%get3A_1777, %get3A_1778] {strides = array<i32>} : memref<256x128xf32, #tpu.memory_space<vmem>>, vector<1x16xf32>,
        %get3A_1780 = vector.shape_cast %get3A_1779 : vector<1x16xf32> to vector<16xf32>
        %mul3A_1781 = vector.broadcast %squeeze3A_1776 : f32 to vector<16xf32>
        %mul3A_1782 = arith.mulf %mul3A_1781, %get3A_1780 : vector<16xf32>
        %slice3A_1783 = vector.extract_strided_slice %get3A_48 {offsets = [12], sizes = [1], strides = [1]} : vector<16xf32> to vector<1xf32>
        %squeeze3A_1784 = vector.extract %slice3A_1783[0] : f32 from vector<1xf32>
        %get3A_1785 = arith.index_cast %add3A_1706 : i32 to index
        %get3A_1786 = arith.constant 32 : index
        %get3A_1787 = tpu.vector_load %arg17[%get3A_1785, %get3A_1786] {strides = array<i32>} : memref<256x128xf32, #tpu.memory_space<vmem>>, vector<1x16xf32>,
        %get3A_1788 = vector.shape_cast %get3A_1787 : vector<1x16xf32> to vector<16xf32>
        %mul3A_1789 = vector.broadcast %squeeze3A_1784 : f32 to vector<16xf32>
        %mul3A_1790 = arith.mulf %mul3A_1789, %get3A_1788 : vector<16xf32>
        %add3A_1791 = arith.addf %mul3A_1782, %mul3A_1790 : vector<16xf32>
        %slice3A_1792 = vector.extract_strided_slice %get3A_51 {offsets = [12], sizes = [1], strides = [1]} : vector<16xf32> to vector<1xf32>
        %squeeze3A_1793 = vector.extract %slice3A_1792[0] : f32 from vector<1xf32>
        %get3A_1794 = arith.index_cast %add3A_1706 : i32 to index
        %get3A_1795 = arith.constant 32 : index
        %get3A_1796 = tpu.vector_load %arg18[%get3A_1794, %get3A_1795] {strides = array<i32>} : memref<256x128xf32, #tpu.memory_space<vmem>>, vector<1x16xf32>,
        %get3A_1797 = vector.shape_cast %get3A_1796 : vector<1x16xf32> to vector<16xf32>
        %mul3A_1798 = vector.broadcast %squeeze3A_1793 : f32 to vector<16xf32>
        %mul3A_1799 = arith.mulf %mul3A_1798, %get3A_1797 : vector<16xf32>
        %add3A_1800 = arith.addf %add3A_1791, %mul3A_1799 : vector<16xf32>
        %mul3A_1801 = arith.constant 64 : i32
        %mul3A_1802 = arith.muli %add3A_1706, %mul3A_1801 : i32
        %add3A_1803 = arith.constant 32 : i32
        %add3A_1804 = arith.addi %mul3A_1802, %add3A_1803 : i32
        %swap3A_1805 = arith.index_cast %add3A_1804 : i32 to index
        %swap3A_1806 = tpu.vector_load %arg19[%swap3A_1805] {strides = array<i32>} : memref<16384xf32, #tpu.memory_space<vmem>>, vector<16xf32>,
        %swap3A_1807 = vector.shape_cast %swap3A_1806 : vector<16xf32> to vector<16xf32>
        %swap3A_1808 = vector.shape_cast %add3A_1800 : vector<16xf32> to vector<16xf32>
        tpu.vector_store %arg19[%swap3A_1805], %swap3A_1808 {strides = array<i32>} : memref<16384xf32, #tpu.memory_space<vmem>>, vector<16xf32>,
        %slice3A_1809 = vector.extract_strided_slice %get3A_45 {offsets = [12], sizes = [1], strides = [1]} : vector<16xf32> to vector<1xf32>
        %squeeze3A_1810 = vector.extract %slice3A_1809[0] : f32 from vector<1xf32>
        %get3A_1811 = arith.index_cast %add3A_1706 : i32 to index
        %get3A_1812 = arith.constant 48 : index
        %get3A_1813 = tpu.vector_load %arg16[%get3A_1811, %get3A_1812] {strides = array<i32>} : memref<256x128xf32, #tpu.memory_space<vmem>>, vector<1x16xf32>,
        %get3A_1814 = vector.shape_cast %get3A_1813 : vector<1x16xf32> to vector<16xf32>
        %mul3A_1815 = vector.broadcast %squeeze3A_1810 : f32 to vector<16xf32>
        %mul3A_1816 = arith.mulf %mul3A_1815, %get3A_1814 : vector<16xf32>
        %slice3A_1817 = vector.extract_strided_slice %get3A_48 {offsets = [12], sizes = [1], strides = [1]} : vector<16xf32> to vector<1xf32>
        %squeeze3A_1818 = vector.extract %slice3A_1817[0] : f32 from vector<1xf32>
        %get3A_1819 = arith.index_cast %add3A_1706 : i32 to index
        %get3A_1820 = arith.constant 48 : index
        %get3A_1821 = tpu.vector_load %arg17[%get3A_1819, %get3A_1820] {strides = array<i32>} : memref<256x128xf32, #tpu.memory_space<vmem>>, vector<1x16xf32>,
        %get3A_1822 = vector.shape_cast %get3A_1821 : vector<1x16xf32> to vector<16xf32>
        %mul3A_1823 = vector.broadcast %squeeze3A_1818 : f32 to vector<16xf32>
        %mul3A_1824 = arith.mulf %mul3A_1823, %get3A_1822 : vector<16xf32>
        %add3A_1825 = arith.addf %mul3A_1816, %mul3A_1824 : vector<16xf32>
        %slice3A_1826 = vector.extract_strided_slice %get3A_51 {offsets = [12], sizes = [1], strides = [1]} : vector<16xf32> to vector<1xf32>
        %squeeze3A_1827 = vector.extract %slice3A_1826[0] : f32 from vector<1xf32>
        %get3A_1828 = arith.index_cast %add3A_1706 : i32 to index
        %get3A_1829 = arith.constant 48 : index
        %get3A_1830 = tpu.vector_load %arg18[%get3A_1828, %get3A_1829] {strides = array<i32>} : memref<256x128xf32, #tpu.memory_space<vmem>>, vector<1x16xf32>,
        %get3A_1831 = vector.shape_cast %get3A_1830 : vector<1x16xf32> to vector<16xf32>
        %mul3A_1832 = vector.broadcast %squeeze3A_1827 : f32 to vector<16xf32>
        %mul3A_1833 = arith.mulf %mul3A_1832, %get3A_1831 : vector<16xf32>
        %add3A_1834 = arith.addf %add3A_1825, %mul3A_1833 : vector<16xf32>
        %mul3A_1835 = arith.constant 64 : i32
        %mul3A_1836 = arith.muli %add3A_1706, %mul3A_1835 : i32
        %add3A_1837 = arith.constant 48 : i32
        %add3A_1838 = arith.addi %mul3A_1836, %add3A_1837 : i32
        %swap3A_1839 = arith.index_cast %add3A_1838 : i32 to index
        %swap3A_1840 = tpu.vector_load %arg19[%swap3A_1839] {strides = array<i32>} : memref<16384xf32, #tpu.memory_space<vmem>>, vector<16xf32>,
        %swap3A_1841 = vector.shape_cast %swap3A_1840 : vector<16xf32> to vector<16xf32>
        %swap3A_1842 = vector.shape_cast %add3A_1834 : vector<16xf32> to vector<16xf32>
        tpu.vector_store %arg19[%swap3A_1839], %swap3A_1842 {strides = array<i32>} : memref<16384xf32, #tpu.memory_space<vmem>>, vector<16xf32>,
        %add3A_1843 = arith.constant 13 : i32
        %add3A_1844 = arith.addi %multiple_of3A, %add3A_1843 : i32
        %slice3A_1845 = vector.extract_strided_slice %get3A_45 {offsets = [13], sizes = [1], strides = [1]} : vector<16xf32> to vector<1xf32>
        %squeeze3A_1846 = vector.extract %slice3A_1845[0] : f32 from vector<1xf32>
        %get3A_1847 = arith.index_cast %add3A_1844 : i32 to index
        %get3A_1848 = arith.constant 0 : index
        %get3A_1849 = tpu.vector_load %arg16[%get3A_1847, %get3A_1848] {strides = array<i32>} : memref<256x128xf32, #tpu.memory_space<vmem>>, vector<1x16xf32>,
        %get3A_1850 = vector.shape_cast %get3A_1849 : vector<1x16xf32> to vector<16xf32>
        %mul3A_1851 = vector.broadcast %squeeze3A_1846 : f32 to vector<16xf32>
        %mul3A_1852 = arith.mulf %mul3A_1851, %get3A_1850 : vector<16xf32>
        %slice3A_1853 = vector.extract_strided_slice %get3A_48 {offsets = [13], sizes = [1], strides = [1]} : vector<16xf32> to vector<1xf32>
        %squeeze3A_1854 = vector.extract %slice3A_1853[0] : f32 from vector<1xf32>
        %get3A_1855 = arith.index_cast %add3A_1844 : i32 to index
        %get3A_1856 = arith.constant 0 : index
        %get3A_1857 = tpu.vector_load %arg17[%get3A_1855, %get3A_1856] {strides = array<i32>} : memref<256x128xf32, #tpu.memory_space<vmem>>, vector<1x16xf32>,
        %get3A_1858 = vector.shape_cast %get3A_1857 : vector<1x16xf32> to vector<16xf32>
        %mul3A_1859 = vector.broadcast %squeeze3A_1854 : f32 to vector<16xf32>
        %mul3A_1860 = arith.mulf %mul3A_1859, %get3A_1858 : vector<16xf32>
        %add3A_1861 = arith.addf %mul3A_1852, %mul3A_1860 : vector<16xf32>
        %slice3A_1862 = vector.extract_strided_slice %get3A_51 {offsets = [13], sizes = [1], strides = [1]} : vector<16xf32> to vector<1xf32>
        %squeeze3A_1863 = vector.extract %slice3A_1862[0] : f32 from vector<1xf32>
        %get3A_1864 = arith.index_cast %add3A_1844 : i32 to index
        %get3A_1865 = arith.constant 0 : index
        %get3A_1866 = tpu.vector_load %arg18[%get3A_1864, %get3A_1865] {strides = array<i32>} : memref<256x128xf32, #tpu.memory_space<vmem>>, vector<1x16xf32>,
        %get3A_1867 = vector.shape_cast %get3A_1866 : vector<1x16xf32> to vector<16xf32>
        %mul3A_1868 = vector.broadcast %squeeze3A_1863 : f32 to vector<16xf32>
        %mul3A_1869 = arith.mulf %mul3A_1868, %get3A_1867 : vector<16xf32>
        %add3A_1870 = arith.addf %add3A_1861, %mul3A_1869 : vector<16xf32>
        %mul3A_1871 = arith.constant 64 : i32
        %mul3A_1872 = arith.muli %add3A_1844, %mul3A_1871 : i32
        %add3A_1873 = arith.constant 0 : i32
        %add3A_1874 = arith.addi %mul3A_1872, %add3A_1873 : i32
        %swap3A_1875 = arith.index_cast %add3A_1874 : i32 to index
        %swap3A_1876 = tpu.vector_load %arg19[%swap3A_1875] {strides = array<i32>} : memref<16384xf32, #tpu.memory_space<vmem>>, vector<16xf32>,
        %swap3A_1877 = vector.shape_cast %swap3A_1876 : vector<16xf32> to vector<16xf32>
        %swap3A_1878 = vector.shape_cast %add3A_1870 : vector<16xf32> to vector<16xf32>
        tpu.vector_store %arg19[%swap3A_1875], %swap3A_1878 {strides = array<i32>} : memref<16384xf32, #tpu.memory_space<vmem>>, vector<16xf32>,
        %slice3A_1879 = vector.extract_strided_slice %get3A_45 {offsets = [13], sizes = [1], strides = [1]} : vector<16xf32> to vector<1xf32>
        %squeeze3A_1880 = vector.extract %slice3A_1879[0] : f32 from vector<1xf32>
        %get3A_1881 = arith.index_cast %add3A_1844 : i32 to index
        %get3A_1882 = arith.constant 16 : index
        %get3A_1883 = tpu.vector_load %arg16[%get3A_1881, %get3A_1882] {strides = array<i32>} : memref<256x128xf32, #tpu.memory_space<vmem>>, vector<1x16xf32>,
        %get3A_1884 = vector.shape_cast %get3A_1883 : vector<1x16xf32> to vector<16xf32>
        %mul3A_1885 = vector.broadcast %squeeze3A_1880 : f32 to vector<16xf32>
        %mul3A_1886 = arith.mulf %mul3A_1885, %get3A_1884 : vector<16xf32>
        %slice3A_1887 = vector.extract_strided_slice %get3A_48 {offsets = [13], sizes = [1], strides = [1]} : vector<16xf32> to vector<1xf32>
        %squeeze3A_1888 = vector.extract %slice3A_1887[0] : f32 from vector<1xf32>
        %get3A_1889 = arith.index_cast %add3A_1844 : i32 to index
        %get3A_1890 = arith.constant 16 : index
        %get3A_1891 = tpu.vector_load %arg17[%get3A_1889, %get3A_1890] {strides = array<i32>} : memref<256x128xf32, #tpu.memory_space<vmem>>, vector<1x16xf32>,
        %get3A_1892 = vector.shape_cast %get3A_1891 : vector<1x16xf32> to vector<16xf32>
        %mul3A_1893 = vector.broadcast %squeeze3A_1888 : f32 to vector<16xf32>
        %mul3A_1894 = arith.mulf %mul3A_1893, %get3A_1892 : vector<16xf32>
        %add3A_1895 = arith.addf %mul3A_1886, %mul3A_1894 : vector<16xf32>
        %slice3A_1896 = vector.extract_strided_slice %get3A_51 {offsets = [13], sizes = [1], strides = [1]} : vector<16xf32> to vector<1xf32>
        %squeeze3A_1897 = vector.extract %slice3A_1896[0] : f32 from vector<1xf32>
        %get3A_1898 = arith.index_cast %add3A_1844 : i32 to index
        %get3A_1899 = arith.constant 16 : index
        %get3A_1900 = tpu.vector_load %arg18[%get3A_1898, %get3A_1899] {strides = array<i32>} : memref<256x128xf32, #tpu.memory_space<vmem>>, vector<1x16xf32>,
        %get3A_1901 = vector.shape_cast %get3A_1900 : vector<1x16xf32> to vector<16xf32>
        %mul3A_1902 = vector.broadcast %squeeze3A_1897 : f32 to vector<16xf32>
        %mul3A_1903 = arith.mulf %mul3A_1902, %get3A_1901 : vector<16xf32>
        %add3A_1904 = arith.addf %add3A_1895, %mul3A_1903 : vector<16xf32>
        %mul3A_1905 = arith.constant 64 : i32
        %mul3A_1906 = arith.muli %add3A_1844, %mul3A_1905 : i32
        %add3A_1907 = arith.constant 16 : i32
        %add3A_1908 = arith.addi %mul3A_1906, %add3A_1907 : i32
        %swap3A_1909 = arith.index_cast %add3A_1908 : i32 to index
        %swap3A_1910 = tpu.vector_load %arg19[%swap3A_1909] {strides = array<i32>} : memref<16384xf32, #tpu.memory_space<vmem>>, vector<16xf32>,
        %swap3A_1911 = vector.shape_cast %swap3A_1910 : vector<16xf32> to vector<16xf32>
        %swap3A_1912 = vector.shape_cast %add3A_1904 : vector<16xf32> to vector<16xf32>
        tpu.vector_store %arg19[%swap3A_1909], %swap3A_1912 {strides = array<i32>} : memref<16384xf32, #tpu.memory_space<vmem>>, vector<16xf32>,
        %slice3A_1913 = vector.extract_strided_slice %get3A_45 {offsets = [13], sizes = [1], strides = [1]} : vector<16xf32> to vector<1xf32>
        %squeeze3A_1914 = vector.extract %slice3A_1913[0] : f32 from vector<1xf32>
        %get3A_1915 = arith.index_cast %add3A_1844 : i32 to index
        %get3A_1916 = arith.constant 32 : index
        %get3A_1917 = tpu.vector_load %arg16[%get3A_1915, %get3A_1916] {strides = array<i32>} : memref<256x128xf32, #tpu.memory_space<vmem>>, vector<1x16xf32>,
        %get3A_1918 = vector.shape_cast %get3A_1917 : vector<1x16xf32> to vector<16xf32>
        %mul3A_1919 = vector.broadcast %squeeze3A_1914 : f32 to vector<16xf32>
        %mul3A_1920 = arith.mulf %mul3A_1919, %get3A_1918 : vector<16xf32>
        %slice3A_1921 = vector.extract_strided_slice %get3A_48 {offsets = [13], sizes = [1], strides = [1]} : vector<16xf32> to vector<1xf32>
        %squeeze3A_1922 = vector.extract %slice3A_1921[0] : f32 from vector<1xf32>
        %get3A_1923 = arith.index_cast %add3A_1844 : i32 to index
        %get3A_1924 = arith.constant 32 : index
        %get3A_1925 = tpu.vector_load %arg17[%get3A_1923, %get3A_1924] {strides = array<i32>} : memref<256x128xf32, #tpu.memory_space<vmem>>, vector<1x16xf32>,
        %get3A_1926 = vector.shape_cast %get3A_1925 : vector<1x16xf32> to vector<16xf32>
        %mul3A_1927 = vector.broadcast %squeeze3A_1922 : f32 to vector<16xf32>
        %mul3A_1928 = arith.mulf %mul3A_1927, %get3A_1926 : vector<16xf32>
        %add3A_1929 = arith.addf %mul3A_1920, %mul3A_1928 : vector<16xf32>
        %slice3A_1930 = vector.extract_strided_slice %get3A_51 {offsets = [13], sizes = [1], strides = [1]} : vector<16xf32> to vector<1xf32>
        %squeeze3A_1931 = vector.extract %slice3A_1930[0] : f32 from vector<1xf32>
        %get3A_1932 = arith.index_cast %add3A_1844 : i32 to index
        %get3A_1933 = arith.constant 32 : index
        %get3A_1934 = tpu.vector_load %arg18[%get3A_1932, %get3A_1933] {strides = array<i32>} : memref<256x128xf32, #tpu.memory_space<vmem>>, vector<1x16xf32>,
        %get3A_1935 = vector.shape_cast %get3A_1934 : vector<1x16xf32> to vector<16xf32>
        %mul3A_1936 = vector.broadcast %squeeze3A_1931 : f32 to vector<16xf32>
        %mul3A_1937 = arith.mulf %mul3A_1936, %get3A_1935 : vector<16xf32>
        %add3A_1938 = arith.addf %add3A_1929, %mul3A_1937 : vector<16xf32>
        %mul3A_1939 = arith.constant 64 : i32
        %mul3A_1940 = arith.muli %add3A_1844, %mul3A_1939 : i32
        %add3A_1941 = arith.constant 32 : i32
        %add3A_1942 = arith.addi %mul3A_1940, %add3A_1941 : i32
        %swap3A_1943 = arith.index_cast %add3A_1942 : i32 to index
        %swap3A_1944 = tpu.vector_load %arg19[%swap3A_1943] {strides = array<i32>} : memref<16384xf32, #tpu.memory_space<vmem>>, vector<16xf32>,
        %swap3A_1945 = vector.shape_cast %swap3A_1944 : vector<16xf32> to vector<16xf32>
        %swap3A_1946 = vector.shape_cast %add3A_1938 : vector<16xf32> to vector<16xf32>
        tpu.vector_store %arg19[%swap3A_1943], %swap3A_1946 {strides = array<i32>} : memref<16384xf32, #tpu.memory_space<vmem>>, vector<16xf32>,
        %slice3A_1947 = vector.extract_strided_slice %get3A_45 {offsets = [13], sizes = [1], strides = [1]} : vector<16xf32> to vector<1xf32>
        %squeeze3A_1948 = vector.extract %slice3A_1947[0] : f32 from vector<1xf32>
        %get3A_1949 = arith.index_cast %add3A_1844 : i32 to index
        %get3A_1950 = arith.constant 48 : index
        %get3A_1951 = tpu.vector_load %arg16[%get3A_1949, %get3A_1950] {strides = array<i32>} : memref<256x128xf32, #tpu.memory_space<vmem>>, vector<1x16xf32>,
        %get3A_1952 = vector.shape_cast %get3A_1951 : vector<1x16xf32> to vector<16xf32>
        %mul3A_1953 = vector.broadcast %squeeze3A_1948 : f32 to vector<16xf32>
        %mul3A_1954 = arith.mulf %mul3A_1953, %get3A_1952 : vector<16xf32>
        %slice3A_1955 = vector.extract_strided_slice %get3A_48 {offsets = [13], sizes = [1], strides = [1]} : vector<16xf32> to vector<1xf32>
        %squeeze3A_1956 = vector.extract %slice3A_1955[0] : f32 from vector<1xf32>
        %get3A_1957 = arith.index_cast %add3A_1844 : i32 to index
        %get3A_1958 = arith.constant 48 : index
        %get3A_1959 = tpu.vector_load %arg17[%get3A_1957, %get3A_1958] {strides = array<i32>} : memref<256x128xf32, #tpu.memory_space<vmem>>, vector<1x16xf32>,
        %get3A_1960 = vector.shape_cast %get3A_1959 : vector<1x16xf32> to vector<16xf32>
        %mul3A_1961 = vector.broadcast %squeeze3A_1956 : f32 to vector<16xf32>
        %mul3A_1962 = arith.mulf %mul3A_1961, %get3A_1960 : vector<16xf32>
        %add3A_1963 = arith.addf %mul3A_1954, %mul3A_1962 : vector<16xf32>
        %slice3A_1964 = vector.extract_strided_slice %get3A_51 {offsets = [13], sizes = [1], strides = [1]} : vector<16xf32> to vector<1xf32>
        %squeeze3A_1965 = vector.extract %slice3A_1964[0] : f32 from vector<1xf32>
        %get3A_1966 = arith.index_cast %add3A_1844 : i32 to index
        %get3A_1967 = arith.constant 48 : index
        %get3A_1968 = tpu.vector_load %arg18[%get3A_1966, %get3A_1967] {strides = array<i32>} : memref<256x128xf32, #tpu.memory_space<vmem>>, vector<1x16xf32>,
        %get3A_1969 = vector.shape_cast %get3A_1968 : vector<1x16xf32> to vector<16xf32>
        %mul3A_1970 = vector.broadcast %squeeze3A_1965 : f32 to vector<16xf32>
        %mul3A_1971 = arith.mulf %mul3A_1970, %get3A_1969 : vector<16xf32>
        %add3A_1972 = arith.addf %add3A_1963, %mul3A_1971 : vector<16xf32>
        %mul3A_1973 = arith.constant 64 : i32
        %mul3A_1974 = arith.muli %add3A_1844, %mul3A_1973 : i32
        %add3A_1975 = arith.constant 48 : i32
        %add3A_1976 = arith.addi %mul3A_1974, %add3A_1975 : i32
        %swap3A_1977 = arith.index_cast %add3A_1976 : i32 to index
        %swap3A_1978 = tpu.vector_load %arg19[%swap3A_1977] {strides = array<i32>} : memref<16384xf32, #tpu.memory_space<vmem>>, vector<16xf32>,
        %swap3A_1979 = vector.shape_cast %swap3A_1978 : vector<16xf32> to vector<16xf32>
        %swap3A_1980 = vector.shape_cast %add3A_1972 : vector<16xf32> to vector<16xf32>
        tpu.vector_store %arg19[%swap3A_1977], %swap3A_1980 {strides = array<i32>} : memref<16384xf32, #tpu.memory_space<vmem>>, vector<16xf32>,
        %add3A_1981 = arith.constant 14 : i32
        %add3A_1982 = arith.addi %multiple_of3A, %add3A_1981 : i32
        %slice3A_1983 = vector.extract_strided_slice %get3A_45 {offsets = [14], sizes = [1], strides = [1]} : vector<16xf32> to vector<1xf32>
        %squeeze3A_1984 = vector.extract %slice3A_1983[0] : f32 from vector<1xf32>
        %get3A_1985 = arith.index_cast %add3A_1982 : i32 to index
        %get3A_1986 = arith.constant 0 : index
        %get3A_1987 = tpu.vector_load %arg16[%get3A_1985, %get3A_1986] {strides = array<i32>} : memref<256x128xf32, #tpu.memory_space<vmem>>, vector<1x16xf32>,
        %get3A_1988 = vector.shape_cast %get3A_1987 : vector<1x16xf32> to vector<16xf32>
        %mul3A_1989 = vector.broadcast %squeeze3A_1984 : f32 to vector<16xf32>
        %mul3A_1990 = arith.mulf %mul3A_1989, %get3A_1988 : vector<16xf32>
        %slice3A_1991 = vector.extract_strided_slice %get3A_48 {offsets = [14], sizes = [1], strides = [1]} : vector<16xf32> to vector<1xf32>
        %squeeze3A_1992 = vector.extract %slice3A_1991[0] : f32 from vector<1xf32>
        %get3A_1993 = arith.index_cast %add3A_1982 : i32 to index
        %get3A_1994 = arith.constant 0 : index
        %get3A_1995 = tpu.vector_load %arg17[%get3A_1993, %get3A_1994] {strides = array<i32>} : memref<256x128xf32, #tpu.memory_space<vmem>>, vector<1x16xf32>,
        %get3A_1996 = vector.shape_cast %get3A_1995 : vector<1x16xf32> to vector<16xf32>
        %mul3A_1997 = vector.broadcast %squeeze3A_1992 : f32 to vector<16xf32>
        %mul3A_1998 = arith.mulf %mul3A_1997, %get3A_1996 : vector<16xf32>
        %add3A_1999 = arith.addf %mul3A_1990, %mul3A_1998 : vector<16xf32>
        %slice3A_2000 = vector.extract_strided_slice %get3A_51 {offsets = [14], sizes = [1], strides = [1]} : vector<16xf32> to vector<1xf32>
        %squeeze3A_2001 = vector.extract %slice3A_2000[0] : f32 from vector<1xf32>
        %get3A_2002 = arith.index_cast %add3A_1982 : i32 to index
        %get3A_2003 = arith.constant 0 : index
        %get3A_2004 = tpu.vector_load %arg18[%get3A_2002, %get3A_2003] {strides = array<i32>} : memref<256x128xf32, #tpu.memory_space<vmem>>, vector<1x16xf32>,
        %get3A_2005 = vector.shape_cast %get3A_2004 : vector<1x16xf32> to vector<16xf32>
        %mul3A_2006 = vector.broadcast %squeeze3A_2001 : f32 to vector<16xf32>
        %mul3A_2007 = arith.mulf %mul3A_2006, %get3A_2005 : vector<16xf32>
        %add3A_2008 = arith.addf %add3A_1999, %mul3A_2007 : vector<16xf32>
        %mul3A_2009 = arith.constant 64 : i32
        %mul3A_2010 = arith.muli %add3A_1982, %mul3A_2009 : i32
        %add3A_2011 = arith.constant 0 : i32
        %add3A_2012 = arith.addi %mul3A_2010, %add3A_2011 : i32
        %swap3A_2013 = arith.index_cast %add3A_2012 : i32 to index
        %swap3A_2014 = tpu.vector_load %arg19[%swap3A_2013] {strides = array<i32>} : memref<16384xf32, #tpu.memory_space<vmem>>, vector<16xf32>,
        %swap3A_2015 = vector.shape_cast %swap3A_2014 : vector<16xf32> to vector<16xf32>
        %swap3A_2016 = vector.shape_cast %add3A_2008 : vector<16xf32> to vector<16xf32>
        tpu.vector_store %arg19[%swap3A_2013], %swap3A_2016 {strides = array<i32>} : memref<16384xf32, #tpu.memory_space<vmem>>, vector<16xf32>,
        %slice3A_2017 = vector.extract_strided_slice %get3A_45 {offsets = [14], sizes = [1], strides = [1]} : vector<16xf32> to vector<1xf32>
        %squeeze3A_2018 = vector.extract %slice3A_2017[0] : f32 from vector<1xf32>
        %get3A_2019 = arith.index_cast %add3A_1982 : i32 to index
        %get3A_2020 = arith.constant 16 : index
        %get3A_2021 = tpu.vector_load %arg16[%get3A_2019, %get3A_2020] {strides = array<i32>} : memref<256x128xf32, #tpu.memory_space<vmem>>, vector<1x16xf32>,
        %get3A_2022 = vector.shape_cast %get3A_2021 : vector<1x16xf32> to vector<16xf32>
        %mul3A_2023 = vector.broadcast %squeeze3A_2018 : f32 to vector<16xf32>
        %mul3A_2024 = arith.mulf %mul3A_2023, %get3A_2022 : vector<16xf32>
        %slice3A_2025 = vector.extract_strided_slice %get3A_48 {offsets = [14], sizes = [1], strides = [1]} : vector<16xf32> to vector<1xf32>
        %squeeze3A_2026 = vector.extract %slice3A_2025[0] : f32 from vector<1xf32>
        %get3A_2027 = arith.index_cast %add3A_1982 : i32 to index
        %get3A_2028 = arith.constant 16 : index
        %get3A_2029 = tpu.vector_load %arg17[%get3A_2027, %get3A_2028] {strides = array<i32>} : memref<256x128xf32, #tpu.memory_space<vmem>>, vector<1x16xf32>,
        %get3A_2030 = vector.shape_cast %get3A_2029 : vector<1x16xf32> to vector<16xf32>
        %mul3A_2031 = vector.broadcast %squeeze3A_2026 : f32 to vector<16xf32>
        %mul3A_2032 = arith.mulf %mul3A_2031, %get3A_2030 : vector<16xf32>
        %add3A_2033 = arith.addf %mul3A_2024, %mul3A_2032 : vector<16xf32>
        %slice3A_2034 = vector.extract_strided_slice %get3A_51 {offsets = [14], sizes = [1], strides = [1]} : vector<16xf32> to vector<1xf32>
        %squeeze3A_2035 = vector.extract %slice3A_2034[0] : f32 from vector<1xf32>
        %get3A_2036 = arith.index_cast %add3A_1982 : i32 to index
        %get3A_2037 = arith.constant 16 : index
        %get3A_2038 = tpu.vector_load %arg18[%get3A_2036, %get3A_2037] {strides = array<i32>} : memref<256x128xf32, #tpu.memory_space<vmem>>, vector<1x16xf32>,
        %get3A_2039 = vector.shape_cast %get3A_2038 : vector<1x16xf32> to vector<16xf32>
        %mul3A_2040 = vector.broadcast %squeeze3A_2035 : f32 to vector<16xf32>
        %mul3A_2041 = arith.mulf %mul3A_2040, %get3A_2039 : vector<16xf32>
        %add3A_2042 = arith.addf %add3A_2033, %mul3A_2041 : vector<16xf32>
        %mul3A_2043 = arith.constant 64 : i32
        %mul3A_2044 = arith.muli %add3A_1982, %mul3A_2043 : i32
        %add3A_2045 = arith.constant 16 : i32
        %add3A_2046 = arith.addi %mul3A_2044, %add3A_2045 : i32
        %swap3A_2047 = arith.index_cast %add3A_2046 : i32 to index
        %swap3A_2048 = tpu.vector_load %arg19[%swap3A_2047] {strides = array<i32>} : memref<16384xf32, #tpu.memory_space<vmem>>, vector<16xf32>,
        %swap3A_2049 = vector.shape_cast %swap3A_2048 : vector<16xf32> to vector<16xf32>
        %swap3A_2050 = vector.shape_cast %add3A_2042 : vector<16xf32> to vector<16xf32>
        tpu.vector_store %arg19[%swap3A_2047], %swap3A_2050 {strides = array<i32>} : memref<16384xf32, #tpu.memory_space<vmem>>, vector<16xf32>,
        %slice3A_2051 = vector.extract_strided_slice %get3A_45 {offsets = [14], sizes = [1], strides = [1]} : vector<16xf32> to vector<1xf32>
        %squeeze3A_2052 = vector.extract %slice3A_2051[0] : f32 from vector<1xf32>
        %get3A_2053 = arith.index_cast %add3A_1982 : i32 to index
        %get3A_2054 = arith.constant 32 : index
        %get3A_2055 = tpu.vector_load %arg16[%get3A_2053, %get3A_2054] {strides = array<i32>} : memref<256x128xf32, #tpu.memory_space<vmem>>, vector<1x16xf32>,
        %get3A_2056 = vector.shape_cast %get3A_2055 : vector<1x16xf32> to vector<16xf32>
        %mul3A_2057 = vector.broadcast %squeeze3A_2052 : f32 to vector<16xf32>
        %mul3A_2058 = arith.mulf %mul3A_2057, %get3A_2056 : vector<16xf32>
        %slice3A_2059 = vector.extract_strided_slice %get3A_48 {offsets = [14], sizes = [1], strides = [1]} : vector<16xf32> to vector<1xf32>
        %squeeze3A_2060 = vector.extract %slice3A_2059[0] : f32 from vector<1xf32>
        %get3A_2061 = arith.index_cast %add3A_1982 : i32 to index
        %get3A_2062 = arith.constant 32 : index
        %get3A_2063 = tpu.vector_load %arg17[%get3A_2061, %get3A_2062] {strides = array<i32>} : memref<256x128xf32, #tpu.memory_space<vmem>>, vector<1x16xf32>,
        %get3A_2064 = vector.shape_cast %get3A_2063 : vector<1x16xf32> to vector<16xf32>
        %mul3A_2065 = vector.broadcast %squeeze3A_2060 : f32 to vector<16xf32>
        %mul3A_2066 = arith.mulf %mul3A_2065, %get3A_2064 : vector<16xf32>
        %add3A_2067 = arith.addf %mul3A_2058, %mul3A_2066 : vector<16xf32>
        %slice3A_2068 = vector.extract_strided_slice %get3A_51 {offsets = [14], sizes = [1], strides = [1]} : vector<16xf32> to vector<1xf32>
        %squeeze3A_2069 = vector.extract %slice3A_2068[0] : f32 from vector<1xf32>
        %get3A_2070 = arith.index_cast %add3A_1982 : i32 to index
        %get3A_2071 = arith.constant 32 : index
        %get3A_2072 = tpu.vector_load %arg18[%get3A_2070, %get3A_2071] {strides = array<i32>} : memref<256x128xf32, #tpu.memory_space<vmem>>, vector<1x16xf32>,
        %get3A_2073 = vector.shape_cast %get3A_2072 : vector<1x16xf32> to vector<16xf32>
        %mul3A_2074 = vector.broadcast %squeeze3A_2069 : f32 to vector<16xf32>
        %mul3A_2075 = arith.mulf %mul3A_2074, %get3A_2073 : vector<16xf32>
        %add3A_2076 = arith.addf %add3A_2067, %mul3A_2075 : vector<16xf32>
        %mul3A_2077 = arith.constant 64 : i32
        %mul3A_2078 = arith.muli %add3A_1982, %mul3A_2077 : i32
        %add3A_2079 = arith.constant 32 : i32
        %add3A_2080 = arith.addi %mul3A_2078, %add3A_2079 : i32
        %swap3A_2081 = arith.index_cast %add3A_2080 : i32 to index
        %swap3A_2082 = tpu.vector_load %arg19[%swap3A_2081] {strides = array<i32>} : memref<16384xf32, #tpu.memory_space<vmem>>, vector<16xf32>,
        %swap3A_2083 = vector.shape_cast %swap3A_2082 : vector<16xf32> to vector<16xf32>
        %swap3A_2084 = vector.shape_cast %add3A_2076 : vector<16xf32> to vector<16xf32>
        tpu.vector_store %arg19[%swap3A_2081], %swap3A_2084 {strides = array<i32>} : memref<16384xf32, #tpu.memory_space<vmem>>, vector<16xf32>,
        %slice3A_2085 = vector.extract_strided_slice %get3A_45 {offsets = [14], sizes = [1], strides = [1]} : vector<16xf32> to vector<1xf32>
        %squeeze3A_2086 = vector.extract %slice3A_2085[0] : f32 from vector<1xf32>
        %get3A_2087 = arith.index_cast %add3A_1982 : i32 to index
        %get3A_2088 = arith.constant 48 : index
        %get3A_2089 = tpu.vector_load %arg16[%get3A_2087, %get3A_2088] {strides = array<i32>} : memref<256x128xf32, #tpu.memory_space<vmem>>, vector<1x16xf32>,
        %get3A_2090 = vector.shape_cast %get3A_2089 : vector<1x16xf32> to vector<16xf32>
        %mul3A_2091 = vector.broadcast %squeeze3A_2086 : f32 to vector<16xf32>
        %mul3A_2092 = arith.mulf %mul3A_2091, %get3A_2090 : vector<16xf32>
        %slice3A_2093 = vector.extract_strided_slice %get3A_48 {offsets = [14], sizes = [1], strides = [1]} : vector<16xf32> to vector<1xf32>
        %squeeze3A_2094 = vector.extract %slice3A_2093[0] : f32 from vector<1xf32>
        %get3A_2095 = arith.index_cast %add3A_1982 : i32 to index
        %get3A_2096 = arith.constant 48 : index
        %get3A_2097 = tpu.vector_load %arg17[%get3A_2095, %get3A_2096] {strides = array<i32>} : memref<256x128xf32, #tpu.memory_space<vmem>>, vector<1x16xf32>,
        %get3A_2098 = vector.shape_cast %get3A_2097 : vector<1x16xf32> to vector<16xf32>
        %mul3A_2099 = vector.broadcast %squeeze3A_2094 : f32 to vector<16xf32>
        %mul3A_2100 = arith.mulf %mul3A_2099, %get3A_2098 : vector<16xf32>
        %add3A_2101 = arith.addf %mul3A_2092, %mul3A_2100 : vector<16xf32>
        %slice3A_2102 = vector.extract_strided_slice %get3A_51 {offsets = [14], sizes = [1], strides = [1]} : vector<16xf32> to vector<1xf32>
        %squeeze3A_2103 = vector.extract %slice3A_2102[0] : f32 from vector<1xf32>
        %get3A_2104 = arith.index_cast %add3A_1982 : i32 to index
        %get3A_2105 = arith.constant 48 : index
        %get3A_2106 = tpu.vector_load %arg18[%get3A_2104, %get3A_2105] {strides = array<i32>} : memref<256x128xf32, #tpu.memory_space<vmem>>, vector<1x16xf32>,
        %get3A_2107 = vector.shape_cast %get3A_2106 : vector<1x16xf32> to vector<16xf32>
        %mul3A_2108 = vector.broadcast %squeeze3A_2103 : f32 to vector<16xf32>
        %mul3A_2109 = arith.mulf %mul3A_2108, %get3A_2107 : vector<16xf32>
        %add3A_2110 = arith.addf %add3A_2101, %mul3A_2109 : vector<16xf32>
        %mul3A_2111 = arith.constant 64 : i32
        %mul3A_2112 = arith.muli %add3A_1982, %mul3A_2111 : i32
        %add3A_2113 = arith.constant 48 : i32
        %add3A_2114 = arith.addi %mul3A_2112, %add3A_2113 : i32
        %swap3A_2115 = arith.index_cast %add3A_2114 : i32 to index
        %swap3A_2116 = tpu.vector_load %arg19[%swap3A_2115] {strides = array<i32>} : memref<16384xf32, #tpu.memory_space<vmem>>, vector<16xf32>,
        %swap3A_2117 = vector.shape_cast %swap3A_2116 : vector<16xf32> to vector<16xf32>
        %swap3A_2118 = vector.shape_cast %add3A_2110 : vector<16xf32> to vector<16xf32>
        tpu.vector_store %arg19[%swap3A_2115], %swap3A_2118 {strides = array<i32>} : memref<16384xf32, #tpu.memory_space<vmem>>, vector<16xf32>,
        %add3A_2119 = arith.constant 15 : i32
        %add3A_2120 = arith.addi %multiple_of3A, %add3A_2119 : i32
        %slice3A_2121 = vector.extract_strided_slice %get3A_45 {offsets = [15], sizes = [1], strides = [1]} : vector<16xf32> to vector<1xf32>
        %squeeze3A_2122 = vector.extract %slice3A_2121[0] : f32 from vector<1xf32>
        %get3A_2123 = arith.index_cast %add3A_2120 : i32 to index
        %get3A_2124 = arith.constant 0 : index
        %get3A_2125 = tpu.vector_load %arg16[%get3A_2123, %get3A_2124] {strides = array<i32>} : memref<256x128xf32, #tpu.memory_space<vmem>>, vector<1x16xf32>,
        %get3A_2126 = vector.shape_cast %get3A_2125 : vector<1x16xf32> to vector<16xf32>
        %mul3A_2127 = vector.broadcast %squeeze3A_2122 : f32 to vector<16xf32>
        %mul3A_2128 = arith.mulf %mul3A_2127, %get3A_2126 : vector<16xf32>
        %slice3A_2129 = vector.extract_strided_slice %get3A_48 {offsets = [15], sizes = [1], strides = [1]} : vector<16xf32> to vector<1xf32>
        %squeeze3A_2130 = vector.extract %slice3A_2129[0] : f32 from vector<1xf32>
        %get3A_2131 = arith.index_cast %add3A_2120 : i32 to index
        %get3A_2132 = arith.constant 0 : index
        %get3A_2133 = tpu.vector_load %arg17[%get3A_2131, %get3A_2132] {strides = array<i32>} : memref<256x128xf32, #tpu.memory_space<vmem>>, vector<1x16xf32>,
        %get3A_2134 = vector.shape_cast %get3A_2133 : vector<1x16xf32> to vector<16xf32>
        %mul3A_2135 = vector.broadcast %squeeze3A_2130 : f32 to vector<16xf32>
        %mul3A_2136 = arith.mulf %mul3A_2135, %get3A_2134 : vector<16xf32>
        %add3A_2137 = arith.addf %mul3A_2128, %mul3A_2136 : vector<16xf32>
        %slice3A_2138 = vector.extract_strided_slice %get3A_51 {offsets = [15], sizes = [1], strides = [1]} : vector<16xf32> to vector<1xf32>
        %squeeze3A_2139 = vector.extract %slice3A_2138[0] : f32 from vector<1xf32>
        %get3A_2140 = arith.index_cast %add3A_2120 : i32 to index
        %get3A_2141 = arith.constant 0 : index
        %get3A_2142 = tpu.vector_load %arg18[%get3A_2140, %get3A_2141] {strides = array<i32>} : memref<256x128xf32, #tpu.memory_space<vmem>>, vector<1x16xf32>,
        %get3A_2143 = vector.shape_cast %get3A_2142 : vector<1x16xf32> to vector<16xf32>
        %mul3A_2144 = vector.broadcast %squeeze3A_2139 : f32 to vector<16xf32>
        %mul3A_2145 = arith.mulf %mul3A_2144, %get3A_2143 : vector<16xf32>
        %add3A_2146 = arith.addf %add3A_2137, %mul3A_2145 : vector<16xf32>
        %mul3A_2147 = arith.constant 64 : i32
        %mul3A_2148 = arith.muli %add3A_2120, %mul3A_2147 : i32
        %add3A_2149 = arith.constant 0 : i32
        %add3A_2150 = arith.addi %mul3A_2148, %add3A_2149 : i32
        %swap3A_2151 = arith.index_cast %add3A_2150 : i32 to index
        %swap3A_2152 = tpu.vector_load %arg19[%swap3A_2151] {strides = array<i32>} : memref<16384xf32, #tpu.memory_space<vmem>>, vector<16xf32>,
        %swap3A_2153 = vector.shape_cast %swap3A_2152 : vector<16xf32> to vector<16xf32>
        %swap3A_2154 = vector.shape_cast %add3A_2146 : vector<16xf32> to vector<16xf32>
        tpu.vector_store %arg19[%swap3A_2151], %swap3A_2154 {strides = array<i32>} : memref<16384xf32, #tpu.memory_space<vmem>>, vector<16xf32>,
        %slice3A_2155 = vector.extract_strided_slice %get3A_45 {offsets = [15], sizes = [1], strides = [1]} : vector<16xf32> to vector<1xf32>
        %squeeze3A_2156 = vector.extract %slice3A_2155[0] : f32 from vector<1xf32>
        %get3A_2157 = arith.index_cast %add3A_2120 : i32 to index
        %get3A_2158 = arith.constant 16 : index
        %get3A_2159 = tpu.vector_load %arg16[%get3A_2157, %get3A_2158] {strides = array<i32>} : memref<256x128xf32, #tpu.memory_space<vmem>>, vector<1x16xf32>,
        %get3A_2160 = vector.shape_cast %get3A_2159 : vector<1x16xf32> to vector<16xf32>
        %mul3A_2161 = vector.broadcast %squeeze3A_2156 : f32 to vector<16xf32>
        %mul3A_2162 = arith.mulf %mul3A_2161, %get3A_2160 : vector<16xf32>
        %slice3A_2163 = vector.extract_strided_slice %get3A_48 {offsets = [15], sizes = [1], strides = [1]} : vector<16xf32> to vector<1xf32>
        %squeeze3A_2164 = vector.extract %slice3A_2163[0] : f32 from vector<1xf32>
        %get3A_2165 = arith.index_cast %add3A_2120 : i32 to index
        %get3A_2166 = arith.constant 16 : index
        %get3A_2167 = tpu.vector_load %arg17[%get3A_2165, %get3A_2166] {strides = array<i32>} : memref<256x128xf32, #tpu.memory_space<vmem>>, vector<1x16xf32>,
        %get3A_2168 = vector.shape_cast %get3A_2167 : vector<1x16xf32> to vector<16xf32>
        %mul3A_2169 = vector.broadcast %squeeze3A_2164 : f32 to vector<16xf32>
        %mul3A_2170 = arith.mulf %mul3A_2169, %get3A_2168 : vector<16xf32>
        %add3A_2171 = arith.addf %mul3A_2162, %mul3A_2170 : vector<16xf32>
        %slice3A_2172 = vector.extract_strided_slice %get3A_51 {offsets = [15], sizes = [1], strides = [1]} : vector<16xf32> to vector<1xf32>
        %squeeze3A_2173 = vector.extract %slice3A_2172[0] : f32 from vector<1xf32>
        %get3A_2174 = arith.index_cast %add3A_2120 : i32 to index
        %get3A_2175 = arith.constant 16 : index
        %get3A_2176 = tpu.vector_load %arg18[%get3A_2174, %get3A_2175] {strides = array<i32>} : memref<256x128xf32, #tpu.memory_space<vmem>>, vector<1x16xf32>,
        %get3A_2177 = vector.shape_cast %get3A_2176 : vector<1x16xf32> to vector<16xf32>
        %mul3A_2178 = vector.broadcast %squeeze3A_2173 : f32 to vector<16xf32>
        %mul3A_2179 = arith.mulf %mul3A_2178, %get3A_2177 : vector<16xf32>
        %add3A_2180 = arith.addf %add3A_2171, %mul3A_2179 : vector<16xf32>
        %mul3A_2181 = arith.constant 64 : i32
        %mul3A_2182 = arith.muli %add3A_2120, %mul3A_2181 : i32
        %add3A_2183 = arith.constant 16 : i32
        %add3A_2184 = arith.addi %mul3A_2182, %add3A_2183 : i32
        %swap3A_2185 = arith.index_cast %add3A_2184 : i32 to index
        %swap3A_2186 = tpu.vector_load %arg19[%swap3A_2185] {strides = array<i32>} : memref<16384xf32, #tpu.memory_space<vmem>>, vector<16xf32>,
        %swap3A_2187 = vector.shape_cast %swap3A_2186 : vector<16xf32> to vector<16xf32>
        %swap3A_2188 = vector.shape_cast %add3A_2180 : vector<16xf32> to vector<16xf32>
        tpu.vector_store %arg19[%swap3A_2185], %swap3A_2188 {strides = array<i32>} : memref<16384xf32, #tpu.memory_space<vmem>>, vector<16xf32>,
        %slice3A_2189 = vector.extract_strided_slice %get3A_45 {offsets = [15], sizes = [1], strides = [1]} : vector<16xf32> to vector<1xf32>
        %squeeze3A_2190 = vector.extract %slice3A_2189[0] : f32 from vector<1xf32>
        %get3A_2191 = arith.index_cast %add3A_2120 : i32 to index
        %get3A_2192 = arith.constant 32 : index
        %get3A_2193 = tpu.vector_load %arg16[%get3A_2191, %get3A_2192] {strides = array<i32>} : memref<256x128xf32, #tpu.memory_space<vmem>>, vector<1x16xf32>,
        %get3A_2194 = vector.shape_cast %get3A_2193 : vector<1x16xf32> to vector<16xf32>
        %mul3A_2195 = vector.broadcast %squeeze3A_2190 : f32 to vector<16xf32>
        %mul3A_2196 = arith.mulf %mul3A_2195, %get3A_2194 : vector<16xf32>
        %slice3A_2197 = vector.extract_strided_slice %get3A_48 {offsets = [15], sizes = [1], strides = [1]} : vector<16xf32> to vector<1xf32>
        %squeeze3A_2198 = vector.extract %slice3A_2197[0] : f32 from vector<1xf32>
        %get3A_2199 = arith.index_cast %add3A_2120 : i32 to index
        %get3A_2200 = arith.constant 32 : index
        %get3A_2201 = tpu.vector_load %arg17[%get3A_2199, %get3A_2200] {strides = array<i32>} : memref<256x128xf32, #tpu.memory_space<vmem>>, vector<1x16xf32>,
        %get3A_2202 = vector.shape_cast %get3A_2201 : vector<1x16xf32> to vector<16xf32>
        %mul3A_2203 = vector.broadcast %squeeze3A_2198 : f32 to vector<16xf32>
        %mul3A_2204 = arith.mulf %mul3A_2203, %get3A_2202 : vector<16xf32>
        %add3A_2205 = arith.addf %mul3A_2196, %mul3A_2204 : vector<16xf32>
        %slice3A_2206 = vector.extract_strided_slice %get3A_51 {offsets = [15], sizes = [1], strides = [1]} : vector<16xf32> to vector<1xf32>
        %squeeze3A_2207 = vector.extract %slice3A_2206[0] : f32 from vector<1xf32>
        %get3A_2208 = arith.index_cast %add3A_2120 : i32 to index
        %get3A_2209 = arith.constant 32 : index
        %get3A_2210 = tpu.vector_load %arg18[%get3A_2208, %get3A_2209] {strides = array<i32>} : memref<256x128xf32, #tpu.memory_space<vmem>>, vector<1x16xf32>,
        %get3A_2211 = vector.shape_cast %get3A_2210 : vector<1x16xf32> to vector<16xf32>
        %mul3A_2212 = vector.broadcast %squeeze3A_2207 : f32 to vector<16xf32>
        %mul3A_2213 = arith.mulf %mul3A_2212, %get3A_2211 : vector<16xf32>
        %add3A_2214 = arith.addf %add3A_2205, %mul3A_2213 : vector<16xf32>
        %mul3A_2215 = arith.constant 64 : i32
        %mul3A_2216 = arith.muli %add3A_2120, %mul3A_2215 : i32
        %add3A_2217 = arith.constant 32 : i32
        %add3A_2218 = arith.addi %mul3A_2216, %add3A_2217 : i32
        %swap3A_2219 = arith.index_cast %add3A_2218 : i32 to index
        %swap3A_2220 = tpu.vector_load %arg19[%swap3A_2219] {strides = array<i32>} : memref<16384xf32, #tpu.memory_space<vmem>>, vector<16xf32>,
        %swap3A_2221 = vector.shape_cast %swap3A_2220 : vector<16xf32> to vector<16xf32>
        %swap3A_2222 = vector.shape_cast %add3A_2214 : vector<16xf32> to vector<16xf32>
        tpu.vector_store %arg19[%swap3A_2219], %swap3A_2222 {strides = array<i32>} : memref<16384xf32, #tpu.memory_space<vmem>>, vector<16xf32>,
        %slice3A_2223 = vector.extract_strided_slice %get3A_45 {offsets = [15], sizes = [1], strides = [1]} : vector<16xf32> to vector<1xf32>
        %squeeze3A_2224 = vector.extract %slice3A_2223[0] : f32 from vector<1xf32>
        %get3A_2225 = arith.index_cast %add3A_2120 : i32 to index
        %get3A_2226 = arith.constant 48 : index
        %get3A_2227 = tpu.vector_load %arg16[%get3A_2225, %get3A_2226] {strides = array<i32>} : memref<256x128xf32, #tpu.memory_space<vmem>>, vector<1x16xf32>,
        %get3A_2228 = vector.shape_cast %get3A_2227 : vector<1x16xf32> to vector<16xf32>
        %mul3A_2229 = vector.broadcast %squeeze3A_2224 : f32 to vector<16xf32>
        %mul3A_2230 = arith.mulf %mul3A_2229, %get3A_2228 : vector<16xf32>
        %slice3A_2231 = vector.extract_strided_slice %get3A_48 {offsets = [15], sizes = [1], strides = [1]} : vector<16xf32> to vector<1xf32>
        %squeeze3A_2232 = vector.extract %slice3A_2231[0] : f32 from vector<1xf32>
        %get3A_2233 = arith.index_cast %add3A_2120 : i32 to index
        %get3A_2234 = arith.constant 48 : index
        %get3A_2235 = tpu.vector_load %arg17[%get3A_2233, %get3A_2234] {strides = array<i32>} : memref<256x128xf32, #tpu.memory_space<vmem>>, vector<1x16xf32>,
        %get3A_2236 = vector.shape_cast %get3A_2235 : vector<1x16xf32> to vector<16xf32>
        %mul3A_2237 = vector.broadcast %squeeze3A_2232 : f32 to vector<16xf32>
        %mul3A_2238 = arith.mulf %mul3A_2237, %get3A_2236 : vector<16xf32>
        %add3A_2239 = arith.addf %mul3A_2230, %mul3A_2238 : vector<16xf32>
        %slice3A_2240 = vector.extract_strided_slice %get3A_51 {offsets = [15], sizes = [1], strides = [1]} : vector<16xf32> to vector<1xf32>
        %squeeze3A_2241 = vector.extract %slice3A_2240[0] : f32 from vector<1xf32>
        %get3A_2242 = arith.index_cast %add3A_2120 : i32 to index
        %get3A_2243 = arith.constant 48 : index
        %get3A_2244 = tpu.vector_load %arg18[%get3A_2242, %get3A_2243] {strides = array<i32>} : memref<256x128xf32, #tpu.memory_space<vmem>>, vector<1x16xf32>,
        %get3A_2245 = vector.shape_cast %get3A_2244 : vector<1x16xf32> to vector<16xf32>
        %mul3A_2246 = vector.broadcast %squeeze3A_2241 : f32 to vector<16xf32>
        %mul3A_2247 = arith.mulf %mul3A_2246, %get3A_2245 : vector<16xf32>
        %add3A_2248 = arith.addf %add3A_2239, %mul3A_2247 : vector<16xf32>
        %mul3A_2249 = arith.constant 64 : i32
        %mul3A_2250 = arith.muli %add3A_2120, %mul3A_2249 : i32
        %add3A_2251 = arith.constant 48 : i32
        %add3A_2252 = arith.addi %mul3A_2250, %add3A_2251 : i32
        %swap3A_2253 = arith.index_cast %add3A_2252 : i32 to index
        %swap3A_2254 = tpu.vector_load %arg19[%swap3A_2253] {strides = array<i32>} : memref<16384xf32, #tpu.memory_space<vmem>>, vector<16xf32>,
        %swap3A_2255 = vector.shape_cast %swap3A_2254 : vector<16xf32> to vector<16xf32>
        %swap3A_2256 = vector.shape_cast %add3A_2248 : vector<16xf32> to vector<16xf32>
        tpu.vector_store %arg19[%swap3A_2253], %swap3A_2256 {strides = array<i32>} : memref<16384xf32, #tpu.memory_space<vmem>>, vector<16xf32>,
        %scan3A_2257 = arith.constant 0 : i32
        scf.yield %scan3A_2257 : i32
      }
      %scan3A_36 = arith.constant 16 : i32
      %mul3A_37 = arith.constant 64 : i32
      %mul3A_38 = arith.muli %add3A_13, %mul3A_37 : i32
      "tpu.region"() ({
        %run_scoped3A = tpu.sem_alloc : memref<!tpu.dma_semaphore, #tpu.memory_space<semaphore_mem>>
        %dma_start3A_40 = tpu.memref_slice %arg9[%mul3A_38] : memref<1048576xf32, #tpu.memory_space<hbm>> -> memref<16384xf32, #tpu.memory_space<hbm>>
        %dma_start3A_41 = tpu.memref_slice %arg9[%mul3A_38] : memref<1048576xf32, #tpu.memory_space<hbm>> -> memref<16384xf32, #tpu.memory_space<hbm>>
        tpu.enqueue_dma source(%arg19 : memref<16384xf32, #tpu.memory_space<vmem>>) target(%dma_start3A_41 : memref<16384xf32, #tpu.memory_space<hbm>>) target_semaphore(%run_scoped3A : memref<!tpu.dma_semaphore, #tpu.memory_space<semaphore_mem>>)
        %dma_wait3A_42 = tpu.memref_slice %arg9[%mul3A_38] : memref<1048576xf32, #tpu.memory_space<hbm>> -> memref<16384xf32, #tpu.memory_space<hbm>>
        %dma_wait3A_43 = tpu.memref_slice %arg9[%mul3A_38] : memref<1048576xf32, #tpu.memory_space<hbm>> -> memref<16384xf32, #tpu.memory_space<hbm>>
        tpu.wait_dma2 semaphore(%run_scoped3A : memref<!tpu.dma_semaphore, #tpu.memory_space<semaphore_mem>>) src(%arg19 : memref<16384xf32, #tpu.memory_space<vmem>>) dst(%dma_wait3A_43 : memref<16384xf32, #tpu.memory_space<hbm>>)
        tpu.yield
      }) : () -> ()
      %scan3A_39 = arith.constant 0 : i32
      scf.yield %scan3A_39 : i32
    }
    %scan3A_6 = arith.constant 2 : i32
    return
  }
}

module attributes {stable_mosaic.version = 14 : i64} {
  func.func @_knn_body(%arg0: i32, %arg1: memref<32xi32, #tpu.memory_space<smem>>, %arg2: memref<32xi32, #tpu.memory_space<smem>>, %arg3: memref<3x4096xf32, #tpu.memory_space<vmem>>, %arg4: memref<1x4096xi32, #tpu.memory_space<vmem>>, %arg5: memref<512x3xf32, #tpu.memory_space<vmem>>, %arg6: memref<512x1xi32, #tpu.memory_space<vmem>>, %arg7: memref<512x1xi32, #tpu.memory_space<vmem>>, %arg8: memref<512x1xi32, #tpu.memory_space<vmem>>, %arg9: memref<512x1xi32, #tpu.memory_space<vmem>>, %arg10: memref<512x1xf32, #tpu.memory_space<vmem>>, %arg11: memref<512x1xf32, #tpu.memory_space<vmem>>, %arg12: memref<512x1xf32, #tpu.memory_space<vmem>>) attributes {dimension_semantics = [#tpu.dimension_semantics<arbitrary>], iteration_bounds = array<i64: 32>, scalar_prefetch = 2 : i64, scratch_operands = 0 : i64, tpu.core_type = #tpu.core_type<tc>, window_params = [{pipeline_mode = #tpu.pipeline_mode<synchronous>, transform_indices = @transform_0, window_bounds = array<i64: 3, 4096>}, {pipeline_mode = #tpu.pipeline_mode<synchronous>, transform_indices = @transform_1, window_bounds = array<i64: 1, 4096>}, {transform_indices = @transform_2, window_bounds = array<i64: 512, 3>}, {transform_indices = @transform_3, window_bounds = array<i64: 512, 1>}, {transform_indices = @transform_4, window_bounds = array<i64: 512, 1>}, {transform_indices = @transform_5, window_bounds = array<i64: 512, 1>}, {transform_indices = @transform_6, window_bounds = array<i64: 512, 1>}, {transform_indices = @transform_7, window_bounds = array<i64: 512, 1>}, {transform_indices = @transform_8, window_bounds = array<i64: 512, 1>}, {transform_indices = @transform_9, window_bounds = array<i64: 512, 1>}]} {
    %get3A = arith.constant 0 : index
    %get3A_0 = arith.constant 0 : index
    %get3A_1 = vector.load %arg5[%get3A, %get3A_0] : memref<512x3xf32, #tpu.memory_space<vmem>>, vector<512x3xf32>
    %get3A_2 = arith.constant 0 : index
    %get3A_3 = arith.constant 0 : index
    %get3A_4 = vector.load %arg6[%get3A_2, %get3A_3] : memref<512x1xi32, #tpu.memory_space<vmem>>, vector<512x1xi32>
    %mul3A = arith.mulf %get3A_1, %get3A_1 : vector<512x3xf32>
    %reduce_sum3A = arith.constant dense<0.000000e+00> : vector<512xf32>
    %reduce_sum3A_5 = vector.multi_reduction <add>, %mul3A, %reduce_sum3A [1] : vector<512x3xf32> to vector<512xf32>
    %broadcast_in_dim3A = vector.shape_cast %reduce_sum3A_5 : vector<512xf32> to vector<512x1xf32>
    %convert_element_type3A = arith.truncf %get3A_1 : vector<512x3xf32> to vector<512x3xbf16>
    %get3A_6 = arith.index_cast %arg0 : i32 to index
    %get3A_7 = memref.load %arg1[%get3A_6] : memref<32xi32, #tpu.memory_space<smem>>
    %get3A_8 = arith.index_cast %arg0 : i32 to index
    %get3A_9 = memref.load %arg2[%get3A_8] : memref<32xi32, #tpu.memory_space<smem>>
    %broadcast_in_dim3A_10 = arith.constant 0x7F800000 : f32
    %broadcast_in_dim3A_11 = vector.broadcast %broadcast_in_dim3A_10 : f32 to vector<512x1xf32>
    %broadcast_in_dim3A_12 = arith.constant 0 : i32
    %broadcast_in_dim3A_13 = vector.broadcast %broadcast_in_dim3A_12 : i32 to vector<512x1xi32>
    %while3A = arith.constant 0 : i32
    %while3A_14 = arith.subi %get3A_9, %while3A : i32
    %while3A_15 = arith.addi %while3A, %while3A_14 : i32
    %while3A_16 = arith.constant 1 : i32
    %while3A_17 = arith.divsi %while3A_14, %while3A_16 : i32
    %while3A_18 = arith.muli %while3A_17, %while3A_16 : i32
    %while3A_19 = arith.addi %while3A, %while3A_18 : i32
    %while3A_20 = arith.constant 1 : i32
    %while3A_21:6 = scf.for %while3A_64 = %while3A to %while3A_19 step %while3A_20 iter_args(%while3A_65 = %broadcast_in_dim3A_11, %while3A_66 = %broadcast_in_dim3A_13, %while3A_67 = %broadcast_in_dim3A_11, %while3A_68 = %broadcast_in_dim3A_13, %while3A_69 = %broadcast_in_dim3A_11, %while3A_70 = %broadcast_in_dim3A_13) -> (vector<512x1xf32>, vector<512x1xi32>, vector<512x1xf32>, vector<512x1xi32>, vector<512x1xf32>, vector<512x1xi32>)  : i32 {
      %mul3A_71 = arith.constant 256 : i32
      %mul3A_72 = arith.muli %while3A_64, %mul3A_71 : i32
      %add3A_73 = arith.addi %get3A_7, %mul3A_72 : i32
      %multiple_of3A = tpu.assume_multiple %add3A_73, 256 : i32
      %get3A_74 = arith.constant 0 : index
      %get3A_75 = arith.index_cast %multiple_of3A : i32 to index
      %get3A_76 = vector.load %arg3[%get3A_74, %get3A_75] : memref<3x4096xf32, #tpu.memory_space<vmem>>, vector<3x256xf32>
      %get3A_77 = arith.constant 0 : index
      %get3A_78 = arith.index_cast %multiple_of3A : i32 to index
      %get3A_79 = vector.load %arg4[%get3A_77, %get3A_78] : memref<1x4096xi32, #tpu.memory_space<vmem>>, vector<1x256xi32>
      %convert_element_type3A_80 = arith.truncf %get3A_76 : vector<3x256xf32> to vector<3x256xbf16>
      %dot_general3A = arith.constant dense<0.000000e+00> : vector<512x256xf32>
      %dot_general3A_81 = tpu.matmul %convert_element_type3A, %convert_element_type3A_80, %dot_general3A {dimension_numbers = #tpu.dot_dimension_numbers<[1], [0], [0], [1], [0, 0, 1, 1], [], []>, transpose_lhs_hint = false} : vector<512x3xbf16>, vector<3x256xbf16>, vector<512x256xf32> -> vector<512x256xf32>
      %mul3A_82 = arith.mulf %get3A_76, %get3A_76 : vector<3x256xf32>
      %reduce_sum3A_83 = arith.constant dense<0.000000e+00> : vector<256xf32>
      %reduce_sum3A_84 = vector.multi_reduction <add>, %mul3A_82, %reduce_sum3A_83 [0] : vector<3x256xf32> to vector<256xf32>
      %broadcast_in_dim3A_85 = vector.shape_cast %reduce_sum3A_84 : vector<256xf32> to vector<1x256xf32>
      %add3A_86 = vector.broadcast %broadcast_in_dim3A : vector<512x1xf32> to vector<512x256xf32>
      %add3A_87 = vector.broadcast %broadcast_in_dim3A_85 : vector<1x256xf32> to vector<512x256xf32>
      %add3A_88 = arith.addf %add3A_86, %add3A_87 : vector<512x256xf32>
      %mul3A_89 = arith.constant 2.000000e+00 : f32
      %mul3A_90 = vector.broadcast %mul3A_89 : f32 to vector<512x256xf32>
      %mul3A_91 = arith.mulf %mul3A_90, %dot_general3A_81 : vector<512x256xf32>
      %sub3A = arith.subf %add3A_88, %mul3A_91 : vector<512x256xf32>
      %max3A_92 = arith.constant 0.000000e+00 : f32
      %max3A_93 = vector.broadcast %max3A_92 : f32 to vector<512x256xf32>
      %max3A_94 = arith.maximumf %sub3A, %max3A_93 : vector<512x256xf32>
      %ne3A = vector.broadcast %get3A_4 : vector<512x1xi32> to vector<512x256xi32>
      %ne3A_95 = vector.broadcast %get3A_79 : vector<1x256xi32> to vector<512x256xi32>
      %ne3A_96 = arith.cmpi ne, %ne3A, %ne3A_95 : vector<512x256xi32>
      %jit3A = arith.constant 0x7F800000 : f32
      %broadcast_in_dim3A_97 = vector.broadcast %jit3A : f32 to vector<512x256xf32>
      %select_n3A = arith.select %ne3A_96, %broadcast_in_dim3A_97, %max3A_94 : vector<512x256xi1>, vector<512x256xf32>
      %iota3A = tpu.iota {dimensions = array<i32: 1>} : vector<1x256xi32>
      %add3A_98 = vector.broadcast %multiple_of3A : i32 to vector<1x256xi32>
      %add3A_99 = arith.addi %add3A_98, %iota3A : vector<1x256xi32>
      %reduce_min3A = arith.constant dense<0x7F800000> : vector<512xf32>
      %reduce_min3A_100 = vector.multi_reduction <minimumf>, %select_n3A, %reduce_min3A [1] : vector<512x256xf32> to vector<512xf32>
      %broadcast_in_dim3A_101 = vector.shape_cast %reduce_min3A_100 : vector<512xf32> to vector<512x1xf32>
      %le3A = vector.broadcast %broadcast_in_dim3A_101 : vector<512x1xf32> to vector<512x256xf32>
      %le3A_102 = arith.cmpf ole, %select_n3A, %le3A : vector<512x256xf32>
      %jit3A_103 = arith.constant 4096 : i32
      %broadcast_in_dim3A_104 = vector.shape_cast %add3A_99 : vector<1x256xi32> to vector<1x256xi32>
      %broadcast_in_dim3A_105 = vector.broadcast %broadcast_in_dim3A_104 : vector<1x256xi32> to vector<512x256xi32>
      %broadcast_in_dim3A_106 = vector.broadcast %jit3A_103 : i32 to vector<512x256xi32>
      %select_n3A_107 = arith.select %le3A_102, %broadcast_in_dim3A_105, %broadcast_in_dim3A_106 : vector<512x256xi1>, vector<512x256xi32>
      %reduce_min3A_108 = arith.constant dense<2147483647> : vector<512xi32>
      %reduce_min3A_109 = vector.multi_reduction <minsi>, %select_n3A_107, %reduce_min3A_108 [1] : vector<512x256xi32> to vector<512xi32>
      %broadcast_in_dim3A_110 = vector.shape_cast %reduce_min3A_109 : vector<512xi32> to vector<512x1xi32>
      %eq3A = vector.broadcast %add3A_99 : vector<1x256xi32> to vector<512x256xi32>
      %eq3A_111 = vector.broadcast %broadcast_in_dim3A_110 : vector<512x1xi32> to vector<512x256xi32>
      %eq3A_112 = arith.cmpi eq, %eq3A, %eq3A_111 : vector<512x256xi32>
      %jit3A_113 = arith.constant 0x7F800000 : f32
      %broadcast_in_dim3A_114 = vector.broadcast %jit3A_113 : f32 to vector<512x256xf32>
      %select_n3A_115 = arith.select %eq3A_112, %broadcast_in_dim3A_114, %select_n3A : vector<512x256xi1>, vector<512x256xf32>
      %reduce_min3A_116 = arith.constant dense<0x7F800000> : vector<512xf32>
      %reduce_min3A_117 = vector.multi_reduction <minimumf>, %select_n3A_115, %reduce_min3A_116 [1] : vector<512x256xf32> to vector<512xf32>
      %broadcast_in_dim3A_118 = vector.shape_cast %reduce_min3A_117 : vector<512xf32> to vector<512x1xf32>
      %le3A_119 = vector.broadcast %broadcast_in_dim3A_118 : vector<512x1xf32> to vector<512x256xf32>
      %le3A_120 = arith.cmpf ole, %select_n3A_115, %le3A_119 : vector<512x256xf32>
      %jit3A_121 = arith.constant 4096 : i32
      %broadcast_in_dim3A_122 = vector.shape_cast %add3A_99 : vector<1x256xi32> to vector<1x256xi32>
      %broadcast_in_dim3A_123 = vector.broadcast %broadcast_in_dim3A_122 : vector<1x256xi32> to vector<512x256xi32>
      %broadcast_in_dim3A_124 = vector.broadcast %jit3A_121 : i32 to vector<512x256xi32>
      %select_n3A_125 = arith.select %le3A_120, %broadcast_in_dim3A_123, %broadcast_in_dim3A_124 : vector<512x256xi1>, vector<512x256xi32>
      %reduce_min3A_126 = arith.constant dense<2147483647> : vector<512xi32>
      %reduce_min3A_127 = vector.multi_reduction <minsi>, %select_n3A_125, %reduce_min3A_126 [1] : vector<512x256xi32> to vector<512xi32>
      %broadcast_in_dim3A_128 = vector.shape_cast %reduce_min3A_127 : vector<512xi32> to vector<512x1xi32>
      %eq3A_129 = vector.broadcast %add3A_99 : vector<1x256xi32> to vector<512x256xi32>
      %eq3A_130 = vector.broadcast %broadcast_in_dim3A_128 : vector<512x1xi32> to vector<512x256xi32>
      %eq3A_131 = arith.cmpi eq, %eq3A_129, %eq3A_130 : vector<512x256xi32>
      %jit3A_132 = arith.constant 0x7F800000 : f32
      %broadcast_in_dim3A_133 = vector.broadcast %jit3A_132 : f32 to vector<512x256xf32>
      %select_n3A_134 = arith.select %eq3A_131, %broadcast_in_dim3A_133, %select_n3A_115 : vector<512x256xi1>, vector<512x256xf32>
      %reduce_min3A_135 = arith.constant dense<0x7F800000> : vector<512xf32>
      %reduce_min3A_136 = vector.multi_reduction <minimumf>, %select_n3A_134, %reduce_min3A_135 [1] : vector<512x256xf32> to vector<512xf32>
      %broadcast_in_dim3A_137 = vector.shape_cast %reduce_min3A_136 : vector<512xf32> to vector<512x1xf32>
      %le3A_138 = vector.broadcast %broadcast_in_dim3A_137 : vector<512x1xf32> to vector<512x256xf32>
      %le3A_139 = arith.cmpf ole, %select_n3A_134, %le3A_138 : vector<512x256xf32>
      %jit3A_140 = arith.constant 4096 : i32
      %broadcast_in_dim3A_141 = vector.shape_cast %add3A_99 : vector<1x256xi32> to vector<1x256xi32>
      %broadcast_in_dim3A_142 = vector.broadcast %broadcast_in_dim3A_141 : vector<1x256xi32> to vector<512x256xi32>
      %broadcast_in_dim3A_143 = vector.broadcast %jit3A_140 : i32 to vector<512x256xi32>
      %select_n3A_144 = arith.select %le3A_139, %broadcast_in_dim3A_142, %broadcast_in_dim3A_143 : vector<512x256xi1>, vector<512x256xi32>
      %reduce_min3A_145 = arith.constant dense<2147483647> : vector<512xi32>
      %reduce_min3A_146 = vector.multi_reduction <minsi>, %select_n3A_144, %reduce_min3A_145 [1] : vector<512x256xi32> to vector<512xi32>
      %broadcast_in_dim3A_147 = vector.shape_cast %reduce_min3A_146 : vector<512xi32> to vector<512x1xi32>
      %eq3A_148 = vector.broadcast %add3A_99 : vector<1x256xi32> to vector<512x256xi32>
      %eq3A_149 = vector.broadcast %broadcast_in_dim3A_147 : vector<512x1xi32> to vector<512x256xi32>
      %eq3A_150 = arith.cmpi eq, %eq3A_148, %eq3A_149 : vector<512x256xi32>
      %jit3A_151 = arith.constant 0x7F800000 : f32
      %broadcast_in_dim3A_152 = vector.broadcast %jit3A_151 : f32 to vector<512x256xf32>
      %select_n3A_153 = arith.select %eq3A_150, %broadcast_in_dim3A_152, %select_n3A_134 : vector<512x256xi1>, vector<512x256xf32>
      %min3A = arith.minimumf %while3A_65, %while3A_67 : vector<512x1xf32>
      %min3A_154 = arith.minimumf %min3A, %while3A_69 : vector<512x1xf32>
      %min3A_155 = arith.minimumf %min3A_154, %broadcast_in_dim3A_101 : vector<512x1xf32>
      %min3A_156 = arith.minimumf %min3A_155, %broadcast_in_dim3A_118 : vector<512x1xf32>
      %min3A_157 = arith.minimumf %min3A_156, %broadcast_in_dim3A_137 : vector<512x1xf32>
      %broadcast_in_dim3A_158 = arith.constant 4096 : i32
      %broadcast_in_dim3A_159 = vector.broadcast %broadcast_in_dim3A_158 : i32 to vector<512x1xi32>
      %le3A_160 = arith.cmpf ole, %while3A_65, %min3A_157 : vector<512x1xf32>
      %jit3A_161 = arith.constant 4096 : i32
      %broadcast_in_dim3A_162 = vector.broadcast %jit3A_161 : i32 to vector<512x1xi32>
      %select_n3A_163 = arith.select %le3A_160, %while3A_66, %broadcast_in_dim3A_162 : vector<512x1xi1>, vector<512x1xi32>
      %min3A_164 = arith.minsi %broadcast_in_dim3A_159, %select_n3A_163 : vector<512x1xi32>
      %le3A_165 = arith.cmpf ole, %while3A_67, %min3A_157 : vector<512x1xf32>
      %jit3A_166 = arith.constant 4096 : i32
      %broadcast_in_dim3A_167 = vector.broadcast %jit3A_166 : i32 to vector<512x1xi32>
      %select_n3A_168 = arith.select %le3A_165, %while3A_68, %broadcast_in_dim3A_167 : vector<512x1xi1>, vector<512x1xi32>
      %min3A_169 = arith.minsi %min3A_164, %select_n3A_168 : vector<512x1xi32>
      %le3A_170 = arith.cmpf ole, %while3A_69, %min3A_157 : vector<512x1xf32>
      %jit3A_171 = arith.constant 4096 : i32
      %broadcast_in_dim3A_172 = vector.broadcast %jit3A_171 : i32 to vector<512x1xi32>
      %select_n3A_173 = arith.select %le3A_170, %while3A_70, %broadcast_in_dim3A_172 : vector<512x1xi1>, vector<512x1xi32>
      %min3A_174 = arith.minsi %min3A_169, %select_n3A_173 : vector<512x1xi32>
      %le3A_175 = arith.cmpf ole, %broadcast_in_dim3A_101, %min3A_157 : vector<512x1xf32>
      %jit3A_176 = arith.constant 4096 : i32
      %broadcast_in_dim3A_177 = vector.broadcast %jit3A_176 : i32 to vector<512x1xi32>
      %select_n3A_178 = arith.select %le3A_175, %broadcast_in_dim3A_110, %broadcast_in_dim3A_177 : vector<512x1xi1>, vector<512x1xi32>
      %min3A_179 = arith.minsi %min3A_174, %select_n3A_178 : vector<512x1xi32>
      %le3A_180 = arith.cmpf ole, %broadcast_in_dim3A_118, %min3A_157 : vector<512x1xf32>
      %jit3A_181 = arith.constant 4096 : i32
      %broadcast_in_dim3A_182 = vector.broadcast %jit3A_181 : i32 to vector<512x1xi32>
      %select_n3A_183 = arith.select %le3A_180, %broadcast_in_dim3A_128, %broadcast_in_dim3A_182 : vector<512x1xi1>, vector<512x1xi32>
      %min3A_184 = arith.minsi %min3A_179, %select_n3A_183 : vector<512x1xi32>
      %le3A_185 = arith.cmpf ole, %broadcast_in_dim3A_137, %min3A_157 : vector<512x1xf32>
      %jit3A_186 = arith.constant 4096 : i32
      %broadcast_in_dim3A_187 = vector.broadcast %jit3A_186 : i32 to vector<512x1xi32>
      %select_n3A_188 = arith.select %le3A_185, %broadcast_in_dim3A_147, %broadcast_in_dim3A_187 : vector<512x1xi1>, vector<512x1xi32>
      %min3A_189 = arith.minsi %min3A_184, %select_n3A_188 : vector<512x1xi32>
      %le3A_190 = arith.cmpf ole, %while3A_65, %min3A_157 : vector<512x1xf32>
      %eq3A_191 = arith.cmpi eq, %while3A_66, %min3A_189 : vector<512x1xi32>
      %and3A = arith.andi %le3A_190, %eq3A_191 : vector<512x1xi1>
      %jit3A_192 = arith.constant 0x7F800000 : f32
      %broadcast_in_dim3A_193 = vector.broadcast %jit3A_192 : f32 to vector<512x1xf32>
      %select_n3A_194 = arith.select %and3A, %broadcast_in_dim3A_193, %while3A_65 : vector<512x1xi1>, vector<512x1xf32>
      %le3A_195 = arith.cmpf ole, %while3A_67, %min3A_157 : vector<512x1xf32>
      %eq3A_196 = arith.cmpi eq, %while3A_68, %min3A_189 : vector<512x1xi32>
      %and3A_197 = arith.andi %le3A_195, %eq3A_196 : vector<512x1xi1>
      %jit3A_198 = arith.constant 0x7F800000 : f32
      %broadcast_in_dim3A_199 = vector.broadcast %jit3A_198 : f32 to vector<512x1xf32>
      %select_n3A_200 = arith.select %and3A_197, %broadcast_in_dim3A_199, %while3A_67 : vector<512x1xi1>, vector<512x1xf32>
      %le3A_201 = arith.cmpf ole, %while3A_69, %min3A_157 : vector<512x1xf32>
      %eq3A_202 = arith.cmpi eq, %while3A_70, %min3A_189 : vector<512x1xi32>
      %and3A_203 = arith.andi %le3A_201, %eq3A_202 : vector<512x1xi1>
      %jit3A_204 = arith.constant 0x7F800000 : f32
      %broadcast_in_dim3A_205 = vector.broadcast %jit3A_204 : f32 to vector<512x1xf32>
      %select_n3A_206 = arith.select %and3A_203, %broadcast_in_dim3A_205, %while3A_69 : vector<512x1xi1>, vector<512x1xf32>
      %le3A_207 = arith.cmpf ole, %broadcast_in_dim3A_101, %min3A_157 : vector<512x1xf32>
      %eq3A_208 = arith.cmpi eq, %broadcast_in_dim3A_110, %min3A_189 : vector<512x1xi32>
      %and3A_209 = arith.andi %le3A_207, %eq3A_208 : vector<512x1xi1>
      %jit3A_210 = arith.constant 0x7F800000 : f32
      %broadcast_in_dim3A_211 = vector.broadcast %jit3A_210 : f32 to vector<512x1xf32>
      %select_n3A_212 = arith.select %and3A_209, %broadcast_in_dim3A_211, %broadcast_in_dim3A_101 : vector<512x1xi1>, vector<512x1xf32>
      %le3A_213 = arith.cmpf ole, %broadcast_in_dim3A_118, %min3A_157 : vector<512x1xf32>
      %eq3A_214 = arith.cmpi eq, %broadcast_in_dim3A_128, %min3A_189 : vector<512x1xi32>
      %and3A_215 = arith.andi %le3A_213, %eq3A_214 : vector<512x1xi1>
      %jit3A_216 = arith.constant 0x7F800000 : f32
      %broadcast_in_dim3A_217 = vector.broadcast %jit3A_216 : f32 to vector<512x1xf32>
      %select_n3A_218 = arith.select %and3A_215, %broadcast_in_dim3A_217, %broadcast_in_dim3A_118 : vector<512x1xi1>, vector<512x1xf32>
      %le3A_219 = arith.cmpf ole, %broadcast_in_dim3A_137, %min3A_157 : vector<512x1xf32>
      %eq3A_220 = arith.cmpi eq, %broadcast_in_dim3A_147, %min3A_189 : vector<512x1xi32>
      %and3A_221 = arith.andi %le3A_219, %eq3A_220 : vector<512x1xi1>
      %jit3A_222 = arith.constant 0x7F800000 : f32
      %broadcast_in_dim3A_223 = vector.broadcast %jit3A_222 : f32 to vector<512x1xf32>
      %select_n3A_224 = arith.select %and3A_221, %broadcast_in_dim3A_223, %broadcast_in_dim3A_137 : vector<512x1xi1>, vector<512x1xf32>
      %min3A_225 = arith.minimumf %select_n3A_194, %select_n3A_200 : vector<512x1xf32>
      %min3A_226 = arith.minimumf %min3A_225, %select_n3A_206 : vector<512x1xf32>
      %min3A_227 = arith.minimumf %min3A_226, %select_n3A_212 : vector<512x1xf32>
      %min3A_228 = arith.minimumf %min3A_227, %select_n3A_218 : vector<512x1xf32>
      %min3A_229 = arith.minimumf %min3A_228, %select_n3A_224 : vector<512x1xf32>
      %broadcast_in_dim3A_230 = arith.constant 4096 : i32
      %broadcast_in_dim3A_231 = vector.broadcast %broadcast_in_dim3A_230 : i32 to vector<512x1xi32>
      %le3A_232 = arith.cmpf ole, %select_n3A_194, %min3A_229 : vector<512x1xf32>
      %jit3A_233 = arith.constant 4096 : i32
      %broadcast_in_dim3A_234 = vector.broadcast %jit3A_233 : i32 to vector<512x1xi32>
      %select_n3A_235 = arith.select %le3A_232, %while3A_66, %broadcast_in_dim3A_234 : vector<512x1xi1>, vector<512x1xi32>
      %min3A_236 = arith.minsi %broadcast_in_dim3A_231, %select_n3A_235 : vector<512x1xi32>
      %le3A_237 = arith.cmpf ole, %select_n3A_200, %min3A_229 : vector<512x1xf32>
      %jit3A_238 = arith.constant 4096 : i32
      %broadcast_in_dim3A_239 = vector.broadcast %jit3A_238 : i32 to vector<512x1xi32>
      %select_n3A_240 = arith.select %le3A_237, %while3A_68, %broadcast_in_dim3A_239 : vector<512x1xi1>, vector<512x1xi32>
      %min3A_241 = arith.minsi %min3A_236, %select_n3A_240 : vector<512x1xi32>
      %le3A_242 = arith.cmpf ole, %select_n3A_206, %min3A_229 : vector<512x1xf32>
      %jit3A_243 = arith.constant 4096 : i32
      %broadcast_in_dim3A_244 = vector.broadcast %jit3A_243 : i32 to vector<512x1xi32>
      %select_n3A_245 = arith.select %le3A_242, %while3A_70, %broadcast_in_dim3A_244 : vector<512x1xi1>, vector<512x1xi32>
      %min3A_246 = arith.minsi %min3A_241, %select_n3A_245 : vector<512x1xi32>
      %le3A_247 = arith.cmpf ole, %select_n3A_212, %min3A_229 : vector<512x1xf32>
      %jit3A_248 = arith.constant 4096 : i32
      %broadcast_in_dim3A_249 = vector.broadcast %jit3A_248 : i32 to vector<512x1xi32>
      %select_n3A_250 = arith.select %le3A_247, %broadcast_in_dim3A_110, %broadcast_in_dim3A_249 : vector<512x1xi1>, vector<512x1xi32>
      %min3A_251 = arith.minsi %min3A_246, %select_n3A_250 : vector<512x1xi32>
      %le3A_252 = arith.cmpf ole, %select_n3A_218, %min3A_229 : vector<512x1xf32>
      %jit3A_253 = arith.constant 4096 : i32
      %broadcast_in_dim3A_254 = vector.broadcast %jit3A_253 : i32 to vector<512x1xi32>
      %select_n3A_255 = arith.select %le3A_252, %broadcast_in_dim3A_128, %broadcast_in_dim3A_254 : vector<512x1xi1>, vector<512x1xi32>
      %min3A_256 = arith.minsi %min3A_251, %select_n3A_255 : vector<512x1xi32>
      %le3A_257 = arith.cmpf ole, %select_n3A_224, %min3A_229 : vector<512x1xf32>
      %jit3A_258 = arith.constant 4096 : i32
      %broadcast_in_dim3A_259 = vector.broadcast %jit3A_258 : i32 to vector<512x1xi32>
      %select_n3A_260 = arith.select %le3A_257, %broadcast_in_dim3A_147, %broadcast_in_dim3A_259 : vector<512x1xi1>, vector<512x1xi32>
      %min3A_261 = arith.minsi %min3A_256, %select_n3A_260 : vector<512x1xi32>
      %le3A_262 = arith.cmpf ole, %select_n3A_194, %min3A_229 : vector<512x1xf32>
      %eq3A_263 = arith.cmpi eq, %while3A_66, %min3A_261 : vector<512x1xi32>
      %and3A_264 = arith.andi %le3A_262, %eq3A_263 : vector<512x1xi1>
      %jit3A_265 = arith.constant 0x7F800000 : f32
      %broadcast_in_dim3A_266 = vector.broadcast %jit3A_265 : f32 to vector<512x1xf32>
      %select_n3A_267 = arith.select %and3A_264, %broadcast_in_dim3A_266, %select_n3A_194 : vector<512x1xi1>, vector<512x1xf32>
      %le3A_268 = arith.cmpf ole, %select_n3A_200, %min3A_229 : vector<512x1xf32>
      %eq3A_269 = arith.cmpi eq, %while3A_68, %min3A_261 : vector<512x1xi32>
      %and3A_270 = arith.andi %le3A_268, %eq3A_269 : vector<512x1xi1>
      %jit3A_271 = arith.constant 0x7F800000 : f32
      %broadcast_in_dim3A_272 = vector.broadcast %jit3A_271 : f32 to vector<512x1xf32>
      %select_n3A_273 = arith.select %and3A_270, %broadcast_in_dim3A_272, %select_n3A_200 : vector<512x1xi1>, vector<512x1xf32>
      %le3A_274 = arith.cmpf ole, %select_n3A_206, %min3A_229 : vector<512x1xf32>
      %eq3A_275 = arith.cmpi eq, %while3A_70, %min3A_261 : vector<512x1xi32>
      %and3A_276 = arith.andi %le3A_274, %eq3A_275 : vector<512x1xi1>
      %jit3A_277 = arith.constant 0x7F800000 : f32
      %broadcast_in_dim3A_278 = vector.broadcast %jit3A_277 : f32 to vector<512x1xf32>
      %select_n3A_279 = arith.select %and3A_276, %broadcast_in_dim3A_278, %select_n3A_206 : vector<512x1xi1>, vector<512x1xf32>
      %le3A_280 = arith.cmpf ole, %select_n3A_212, %min3A_229 : vector<512x1xf32>
      %eq3A_281 = arith.cmpi eq, %broadcast_in_dim3A_110, %min3A_261 : vector<512x1xi32>
      %and3A_282 = arith.andi %le3A_280, %eq3A_281 : vector<512x1xi1>
      %jit3A_283 = arith.constant 0x7F800000 : f32
      %broadcast_in_dim3A_284 = vector.broadcast %jit3A_283 : f32 to vector<512x1xf32>
      %select_n3A_285 = arith.select %and3A_282, %broadcast_in_dim3A_284, %select_n3A_212 : vector<512x1xi1>, vector<512x1xf32>
      %le3A_286 = arith.cmpf ole, %select_n3A_218, %min3A_229 : vector<512x1xf32>
      %eq3A_287 = arith.cmpi eq, %broadcast_in_dim3A_128, %min3A_261 : vector<512x1xi32>
      %and3A_288 = arith.andi %le3A_286, %eq3A_287 : vector<512x1xi1>
      %jit3A_289 = arith.constant 0x7F800000 : f32
      %broadcast_in_dim3A_290 = vector.broadcast %jit3A_289 : f32 to vector<512x1xf32>
      %select_n3A_291 = arith.select %and3A_288, %broadcast_in_dim3A_290, %select_n3A_218 : vector<512x1xi1>, vector<512x1xf32>
      %le3A_292 = arith.cmpf ole, %select_n3A_224, %min3A_229 : vector<512x1xf32>
      %eq3A_293 = arith.cmpi eq, %broadcast_in_dim3A_147, %min3A_261 : vector<512x1xi32>
      %and3A_294 = arith.andi %le3A_292, %eq3A_293 : vector<512x1xi1>
      %jit3A_295 = arith.constant 0x7F800000 : f32
      %broadcast_in_dim3A_296 = vector.broadcast %jit3A_295 : f32 to vector<512x1xf32>
      %select_n3A_297 = arith.select %and3A_294, %broadcast_in_dim3A_296, %select_n3A_224 : vector<512x1xi1>, vector<512x1xf32>
      %min3A_298 = arith.minimumf %select_n3A_267, %select_n3A_273 : vector<512x1xf32>
      %min3A_299 = arith.minimumf %min3A_298, %select_n3A_279 : vector<512x1xf32>
      %min3A_300 = arith.minimumf %min3A_299, %select_n3A_285 : vector<512x1xf32>
      %min3A_301 = arith.minimumf %min3A_300, %select_n3A_291 : vector<512x1xf32>
      %min3A_302 = arith.minimumf %min3A_301, %select_n3A_297 : vector<512x1xf32>
      %broadcast_in_dim3A_303 = arith.constant 4096 : i32
      %broadcast_in_dim3A_304 = vector.broadcast %broadcast_in_dim3A_303 : i32 to vector<512x1xi32>
      %le3A_305 = arith.cmpf ole, %select_n3A_267, %min3A_302 : vector<512x1xf32>
      %jit3A_306 = arith.constant 4096 : i32
      %broadcast_in_dim3A_307 = vector.broadcast %jit3A_306 : i32 to vector<512x1xi32>
      %select_n3A_308 = arith.select %le3A_305, %while3A_66, %broadcast_in_dim3A_307 : vector<512x1xi1>, vector<512x1xi32>
      %min3A_309 = arith.minsi %broadcast_in_dim3A_304, %select_n3A_308 : vector<512x1xi32>
      %le3A_310 = arith.cmpf ole, %select_n3A_273, %min3A_302 : vector<512x1xf32>
      %jit3A_311 = arith.constant 4096 : i32
      %broadcast_in_dim3A_312 = vector.broadcast %jit3A_311 : i32 to vector<512x1xi32>
      %select_n3A_313 = arith.select %le3A_310, %while3A_68, %broadcast_in_dim3A_312 : vector<512x1xi1>, vector<512x1xi32>
      %min3A_314 = arith.minsi %min3A_309, %select_n3A_313 : vector<512x1xi32>
      %le3A_315 = arith.cmpf ole, %select_n3A_279, %min3A_302 : vector<512x1xf32>
      %jit3A_316 = arith.constant 4096 : i32
      %broadcast_in_dim3A_317 = vector.broadcast %jit3A_316 : i32 to vector<512x1xi32>
      %select_n3A_318 = arith.select %le3A_315, %while3A_70, %broadcast_in_dim3A_317 : vector<512x1xi1>, vector<512x1xi32>
      %min3A_319 = arith.minsi %min3A_314, %select_n3A_318 : vector<512x1xi32>
      %le3A_320 = arith.cmpf ole, %select_n3A_285, %min3A_302 : vector<512x1xf32>
      %jit3A_321 = arith.constant 4096 : i32
      %broadcast_in_dim3A_322 = vector.broadcast %jit3A_321 : i32 to vector<512x1xi32>
      %select_n3A_323 = arith.select %le3A_320, %broadcast_in_dim3A_110, %broadcast_in_dim3A_322 : vector<512x1xi1>, vector<512x1xi32>
      %min3A_324 = arith.minsi %min3A_319, %select_n3A_323 : vector<512x1xi32>
      %le3A_325 = arith.cmpf ole, %select_n3A_291, %min3A_302 : vector<512x1xf32>
      %jit3A_326 = arith.constant 4096 : i32
      %broadcast_in_dim3A_327 = vector.broadcast %jit3A_326 : i32 to vector<512x1xi32>
      %select_n3A_328 = arith.select %le3A_325, %broadcast_in_dim3A_128, %broadcast_in_dim3A_327 : vector<512x1xi1>, vector<512x1xi32>
      %min3A_329 = arith.minsi %min3A_324, %select_n3A_328 : vector<512x1xi32>
      %le3A_330 = arith.cmpf ole, %select_n3A_297, %min3A_302 : vector<512x1xf32>
      %jit3A_331 = arith.constant 4096 : i32
      %broadcast_in_dim3A_332 = vector.broadcast %jit3A_331 : i32 to vector<512x1xi32>
      %select_n3A_333 = arith.select %le3A_330, %broadcast_in_dim3A_147, %broadcast_in_dim3A_332 : vector<512x1xi1>, vector<512x1xi32>
      %min3A_334 = arith.minsi %min3A_329, %select_n3A_333 : vector<512x1xi32>
      %le3A_335 = arith.cmpf ole, %select_n3A_267, %min3A_302 : vector<512x1xf32>
      %eq3A_336 = arith.cmpi eq, %while3A_66, %min3A_334 : vector<512x1xi32>
      %and3A_337 = arith.andi %le3A_335, %eq3A_336 : vector<512x1xi1>
      %jit3A_338 = arith.constant 0x7F800000 : f32
      %broadcast_in_dim3A_339 = vector.broadcast %jit3A_338 : f32 to vector<512x1xf32>
      %select_n3A_340 = arith.select %and3A_337, %broadcast_in_dim3A_339, %select_n3A_267 : vector<512x1xi1>, vector<512x1xf32>
      %le3A_341 = arith.cmpf ole, %select_n3A_273, %min3A_302 : vector<512x1xf32>
      %eq3A_342 = arith.cmpi eq, %while3A_68, %min3A_334 : vector<512x1xi32>
      %and3A_343 = arith.andi %le3A_341, %eq3A_342 : vector<512x1xi1>
      %jit3A_344 = arith.constant 0x7F800000 : f32
      %broadcast_in_dim3A_345 = vector.broadcast %jit3A_344 : f32 to vector<512x1xf32>
      %select_n3A_346 = arith.select %and3A_343, %broadcast_in_dim3A_345, %select_n3A_273 : vector<512x1xi1>, vector<512x1xf32>
      %le3A_347 = arith.cmpf ole, %select_n3A_279, %min3A_302 : vector<512x1xf32>
      %eq3A_348 = arith.cmpi eq, %while3A_70, %min3A_334 : vector<512x1xi32>
      %and3A_349 = arith.andi %le3A_347, %eq3A_348 : vector<512x1xi1>
      %jit3A_350 = arith.constant 0x7F800000 : f32
      %broadcast_in_dim3A_351 = vector.broadcast %jit3A_350 : f32 to vector<512x1xf32>
      %select_n3A_352 = arith.select %and3A_349, %broadcast_in_dim3A_351, %select_n3A_279 : vector<512x1xi1>, vector<512x1xf32>
      %le3A_353 = arith.cmpf ole, %select_n3A_285, %min3A_302 : vector<512x1xf32>
      %eq3A_354 = arith.cmpi eq, %broadcast_in_dim3A_110, %min3A_334 : vector<512x1xi32>
      %and3A_355 = arith.andi %le3A_353, %eq3A_354 : vector<512x1xi1>
      %jit3A_356 = arith.constant 0x7F800000 : f32
      %broadcast_in_dim3A_357 = vector.broadcast %jit3A_356 : f32 to vector<512x1xf32>
      %select_n3A_358 = arith.select %and3A_355, %broadcast_in_dim3A_357, %select_n3A_285 : vector<512x1xi1>, vector<512x1xf32>
      %le3A_359 = arith.cmpf ole, %select_n3A_291, %min3A_302 : vector<512x1xf32>
      %eq3A_360 = arith.cmpi eq, %broadcast_in_dim3A_128, %min3A_334 : vector<512x1xi32>
      %and3A_361 = arith.andi %le3A_359, %eq3A_360 : vector<512x1xi1>
      %jit3A_362 = arith.constant 0x7F800000 : f32
      %broadcast_in_dim3A_363 = vector.broadcast %jit3A_362 : f32 to vector<512x1xf32>
      %select_n3A_364 = arith.select %and3A_361, %broadcast_in_dim3A_363, %select_n3A_291 : vector<512x1xi1>, vector<512x1xf32>
      %le3A_365 = arith.cmpf ole, %select_n3A_297, %min3A_302 : vector<512x1xf32>
      %eq3A_366 = arith.cmpi eq, %broadcast_in_dim3A_147, %min3A_334 : vector<512x1xi32>
      %and3A_367 = arith.andi %le3A_365, %eq3A_366 : vector<512x1xi1>
      %jit3A_368 = arith.constant 0x7F800000 : f32
      %broadcast_in_dim3A_369 = vector.broadcast %jit3A_368 : f32 to vector<512x1xf32>
      %select_n3A_370 = arith.select %and3A_367, %broadcast_in_dim3A_369, %select_n3A_297 : vector<512x1xi1>, vector<512x1xf32>
      scf.yield %min3A_157, %min3A_189, %min3A_229, %min3A_261, %min3A_302, %min3A_334 : vector<512x1xf32>, vector<512x1xi32>, vector<512x1xf32>, vector<512x1xi32>, vector<512x1xf32>, vector<512x1xi32>
    }
    %while3A_22 = arith.constant 1 : i32
    %while3A_23:6 = scf.for %while3A_64 = %while3A_19 to %while3A_15 step %while3A_22 iter_args(%while3A_65 = %while3A_21#0, %while3A_66 = %while3A_21#1, %while3A_67 = %while3A_21#2, %while3A_68 = %while3A_21#3, %while3A_69 = %while3A_21#4, %while3A_70 = %while3A_21#5) -> (vector<512x1xf32>, vector<512x1xi32>, vector<512x1xf32>, vector<512x1xi32>, vector<512x1xf32>, vector<512x1xi32>)  : i32 {
      %mul3A_71 = arith.constant 256 : i32
      %mul3A_72 = arith.muli %while3A_64, %mul3A_71 : i32
      %add3A_73 = arith.addi %get3A_7, %mul3A_72 : i32
      %multiple_of3A = tpu.assume_multiple %add3A_73, 256 : i32
      %get3A_74 = arith.constant 0 : index
      %get3A_75 = arith.index_cast %multiple_of3A : i32 to index
      %get3A_76 = vector.load %arg3[%get3A_74, %get3A_75] : memref<3x4096xf32, #tpu.memory_space<vmem>>, vector<3x256xf32>
      %get3A_77 = arith.constant 0 : index
      %get3A_78 = arith.index_cast %multiple_of3A : i32 to index
      %get3A_79 = vector.load %arg4[%get3A_77, %get3A_78] : memref<1x4096xi32, #tpu.memory_space<vmem>>, vector<1x256xi32>
      %convert_element_type3A_80 = arith.truncf %get3A_76 : vector<3x256xf32> to vector<3x256xbf16>
      %dot_general3A = arith.constant dense<0.000000e+00> : vector<512x256xf32>
      %dot_general3A_81 = tpu.matmul %convert_element_type3A, %convert_element_type3A_80, %dot_general3A {dimension_numbers = #tpu.dot_dimension_numbers<[1], [0], [0], [1], [0, 0, 1, 1], [], []>, transpose_lhs_hint = false} : vector<512x3xbf16>, vector<3x256xbf16>, vector<512x256xf32> -> vector<512x256xf32>
      %mul3A_82 = arith.mulf %get3A_76, %get3A_76 : vector<3x256xf32>
      %reduce_sum3A_83 = arith.constant dense<0.000000e+00> : vector<256xf32>
      %reduce_sum3A_84 = vector.multi_reduction <add>, %mul3A_82, %reduce_sum3A_83 [0] : vector<3x256xf32> to vector<256xf32>
      %broadcast_in_dim3A_85 = vector.shape_cast %reduce_sum3A_84 : vector<256xf32> to vector<1x256xf32>
      %add3A_86 = vector.broadcast %broadcast_in_dim3A : vector<512x1xf32> to vector<512x256xf32>
      %add3A_87 = vector.broadcast %broadcast_in_dim3A_85 : vector<1x256xf32> to vector<512x256xf32>
      %add3A_88 = arith.addf %add3A_86, %add3A_87 : vector<512x256xf32>
      %mul3A_89 = arith.constant 2.000000e+00 : f32
      %mul3A_90 = vector.broadcast %mul3A_89 : f32 to vector<512x256xf32>
      %mul3A_91 = arith.mulf %mul3A_90, %dot_general3A_81 : vector<512x256xf32>
      %sub3A = arith.subf %add3A_88, %mul3A_91 : vector<512x256xf32>
      %max3A_92 = arith.constant 0.000000e+00 : f32
      %max3A_93 = vector.broadcast %max3A_92 : f32 to vector<512x256xf32>
      %max3A_94 = arith.maximumf %sub3A, %max3A_93 : vector<512x256xf32>
      %ne3A = vector.broadcast %get3A_4 : vector<512x1xi32> to vector<512x256xi32>
      %ne3A_95 = vector.broadcast %get3A_79 : vector<1x256xi32> to vector<512x256xi32>
      %ne3A_96 = arith.cmpi ne, %ne3A, %ne3A_95 : vector<512x256xi32>
      %jit3A = arith.constant 0x7F800000 : f32
      %broadcast_in_dim3A_97 = vector.broadcast %jit3A : f32 to vector<512x256xf32>
      %select_n3A = arith.select %ne3A_96, %broadcast_in_dim3A_97, %max3A_94 : vector<512x256xi1>, vector<512x256xf32>
      %iota3A = tpu.iota {dimensions = array<i32: 1>} : vector<1x256xi32>
      %add3A_98 = vector.broadcast %multiple_of3A : i32 to vector<1x256xi32>
      %add3A_99 = arith.addi %add3A_98, %iota3A : vector<1x256xi32>
      %reduce_min3A = arith.constant dense<0x7F800000> : vector<512xf32>
      %reduce_min3A_100 = vector.multi_reduction <minimumf>, %select_n3A, %reduce_min3A [1] : vector<512x256xf32> to vector<512xf32>
      %broadcast_in_dim3A_101 = vector.shape_cast %reduce_min3A_100 : vector<512xf32> to vector<512x1xf32>
      %le3A = vector.broadcast %broadcast_in_dim3A_101 : vector<512x1xf32> to vector<512x256xf32>
      %le3A_102 = arith.cmpf ole, %select_n3A, %le3A : vector<512x256xf32>
      %jit3A_103 = arith.constant 4096 : i32
      %broadcast_in_dim3A_104 = vector.shape_cast %add3A_99 : vector<1x256xi32> to vector<1x256xi32>
      %broadcast_in_dim3A_105 = vector.broadcast %broadcast_in_dim3A_104 : vector<1x256xi32> to vector<512x256xi32>
      %broadcast_in_dim3A_106 = vector.broadcast %jit3A_103 : i32 to vector<512x256xi32>
      %select_n3A_107 = arith.select %le3A_102, %broadcast_in_dim3A_105, %broadcast_in_dim3A_106 : vector<512x256xi1>, vector<512x256xi32>
      %reduce_min3A_108 = arith.constant dense<2147483647> : vector<512xi32>
      %reduce_min3A_109 = vector.multi_reduction <minsi>, %select_n3A_107, %reduce_min3A_108 [1] : vector<512x256xi32> to vector<512xi32>
      %broadcast_in_dim3A_110 = vector.shape_cast %reduce_min3A_109 : vector<512xi32> to vector<512x1xi32>
      %eq3A = vector.broadcast %add3A_99 : vector<1x256xi32> to vector<512x256xi32>
      %eq3A_111 = vector.broadcast %broadcast_in_dim3A_110 : vector<512x1xi32> to vector<512x256xi32>
      %eq3A_112 = arith.cmpi eq, %eq3A, %eq3A_111 : vector<512x256xi32>
      %jit3A_113 = arith.constant 0x7F800000 : f32
      %broadcast_in_dim3A_114 = vector.broadcast %jit3A_113 : f32 to vector<512x256xf32>
      %select_n3A_115 = arith.select %eq3A_112, %broadcast_in_dim3A_114, %select_n3A : vector<512x256xi1>, vector<512x256xf32>
      %reduce_min3A_116 = arith.constant dense<0x7F800000> : vector<512xf32>
      %reduce_min3A_117 = vector.multi_reduction <minimumf>, %select_n3A_115, %reduce_min3A_116 [1] : vector<512x256xf32> to vector<512xf32>
      %broadcast_in_dim3A_118 = vector.shape_cast %reduce_min3A_117 : vector<512xf32> to vector<512x1xf32>
      %le3A_119 = vector.broadcast %broadcast_in_dim3A_118 : vector<512x1xf32> to vector<512x256xf32>
      %le3A_120 = arith.cmpf ole, %select_n3A_115, %le3A_119 : vector<512x256xf32>
      %jit3A_121 = arith.constant 4096 : i32
      %broadcast_in_dim3A_122 = vector.shape_cast %add3A_99 : vector<1x256xi32> to vector<1x256xi32>
      %broadcast_in_dim3A_123 = vector.broadcast %broadcast_in_dim3A_122 : vector<1x256xi32> to vector<512x256xi32>
      %broadcast_in_dim3A_124 = vector.broadcast %jit3A_121 : i32 to vector<512x256xi32>
      %select_n3A_125 = arith.select %le3A_120, %broadcast_in_dim3A_123, %broadcast_in_dim3A_124 : vector<512x256xi1>, vector<512x256xi32>
      %reduce_min3A_126 = arith.constant dense<2147483647> : vector<512xi32>
      %reduce_min3A_127 = vector.multi_reduction <minsi>, %select_n3A_125, %reduce_min3A_126 [1] : vector<512x256xi32> to vector<512xi32>
      %broadcast_in_dim3A_128 = vector.shape_cast %reduce_min3A_127 : vector<512xi32> to vector<512x1xi32>
      %eq3A_129 = vector.broadcast %add3A_99 : vector<1x256xi32> to vector<512x256xi32>
      %eq3A_130 = vector.broadcast %broadcast_in_dim3A_128 : vector<512x1xi32> to vector<512x256xi32>
      %eq3A_131 = arith.cmpi eq, %eq3A_129, %eq3A_130 : vector<512x256xi32>
      %jit3A_132 = arith.constant 0x7F800000 : f32
      %broadcast_in_dim3A_133 = vector.broadcast %jit3A_132 : f32 to vector<512x256xf32>
      %select_n3A_134 = arith.select %eq3A_131, %broadcast_in_dim3A_133, %select_n3A_115 : vector<512x256xi1>, vector<512x256xf32>
      %reduce_min3A_135 = arith.constant dense<0x7F800000> : vector<512xf32>
      %reduce_min3A_136 = vector.multi_reduction <minimumf>, %select_n3A_134, %reduce_min3A_135 [1] : vector<512x256xf32> to vector<512xf32>
      %broadcast_in_dim3A_137 = vector.shape_cast %reduce_min3A_136 : vector<512xf32> to vector<512x1xf32>
      %le3A_138 = vector.broadcast %broadcast_in_dim3A_137 : vector<512x1xf32> to vector<512x256xf32>
      %le3A_139 = arith.cmpf ole, %select_n3A_134, %le3A_138 : vector<512x256xf32>
      %jit3A_140 = arith.constant 4096 : i32
      %broadcast_in_dim3A_141 = vector.shape_cast %add3A_99 : vector<1x256xi32> to vector<1x256xi32>
      %broadcast_in_dim3A_142 = vector.broadcast %broadcast_in_dim3A_141 : vector<1x256xi32> to vector<512x256xi32>
      %broadcast_in_dim3A_143 = vector.broadcast %jit3A_140 : i32 to vector<512x256xi32>
      %select_n3A_144 = arith.select %le3A_139, %broadcast_in_dim3A_142, %broadcast_in_dim3A_143 : vector<512x256xi1>, vector<512x256xi32>
      %reduce_min3A_145 = arith.constant dense<2147483647> : vector<512xi32>
      %reduce_min3A_146 = vector.multi_reduction <minsi>, %select_n3A_144, %reduce_min3A_145 [1] : vector<512x256xi32> to vector<512xi32>
      %broadcast_in_dim3A_147 = vector.shape_cast %reduce_min3A_146 : vector<512xi32> to vector<512x1xi32>
      %eq3A_148 = vector.broadcast %add3A_99 : vector<1x256xi32> to vector<512x256xi32>
      %eq3A_149 = vector.broadcast %broadcast_in_dim3A_147 : vector<512x1xi32> to vector<512x256xi32>
      %eq3A_150 = arith.cmpi eq, %eq3A_148, %eq3A_149 : vector<512x256xi32>
      %jit3A_151 = arith.constant 0x7F800000 : f32
      %broadcast_in_dim3A_152 = vector.broadcast %jit3A_151 : f32 to vector<512x256xf32>
      %select_n3A_153 = arith.select %eq3A_150, %broadcast_in_dim3A_152, %select_n3A_134 : vector<512x256xi1>, vector<512x256xf32>
      %min3A = arith.minimumf %while3A_65, %while3A_67 : vector<512x1xf32>
      %min3A_154 = arith.minimumf %min3A, %while3A_69 : vector<512x1xf32>
      %min3A_155 = arith.minimumf %min3A_154, %broadcast_in_dim3A_101 : vector<512x1xf32>
      %min3A_156 = arith.minimumf %min3A_155, %broadcast_in_dim3A_118 : vector<512x1xf32>
      %min3A_157 = arith.minimumf %min3A_156, %broadcast_in_dim3A_137 : vector<512x1xf32>
      %broadcast_in_dim3A_158 = arith.constant 4096 : i32
      %broadcast_in_dim3A_159 = vector.broadcast %broadcast_in_dim3A_158 : i32 to vector<512x1xi32>
      %le3A_160 = arith.cmpf ole, %while3A_65, %min3A_157 : vector<512x1xf32>
      %jit3A_161 = arith.constant 4096 : i32
      %broadcast_in_dim3A_162 = vector.broadcast %jit3A_161 : i32 to vector<512x1xi32>
      %select_n3A_163 = arith.select %le3A_160, %while3A_66, %broadcast_in_dim3A_162 : vector<512x1xi1>, vector<512x1xi32>
      %min3A_164 = arith.minsi %broadcast_in_dim3A_159, %select_n3A_163 : vector<512x1xi32>
      %le3A_165 = arith.cmpf ole, %while3A_67, %min3A_157 : vector<512x1xf32>
      %jit3A_166 = arith.constant 4096 : i32
      %broadcast_in_dim3A_167 = vector.broadcast %jit3A_166 : i32 to vector<512x1xi32>
      %select_n3A_168 = arith.select %le3A_165, %while3A_68, %broadcast_in_dim3A_167 : vector<512x1xi1>, vector<512x1xi32>
      %min3A_169 = arith.minsi %min3A_164, %select_n3A_168 : vector<512x1xi32>
      %le3A_170 = arith.cmpf ole, %while3A_69, %min3A_157 : vector<512x1xf32>
      %jit3A_171 = arith.constant 4096 : i32
      %broadcast_in_dim3A_172 = vector.broadcast %jit3A_171 : i32 to vector<512x1xi32>
      %select_n3A_173 = arith.select %le3A_170, %while3A_70, %broadcast_in_dim3A_172 : vector<512x1xi1>, vector<512x1xi32>
      %min3A_174 = arith.minsi %min3A_169, %select_n3A_173 : vector<512x1xi32>
      %le3A_175 = arith.cmpf ole, %broadcast_in_dim3A_101, %min3A_157 : vector<512x1xf32>
      %jit3A_176 = arith.constant 4096 : i32
      %broadcast_in_dim3A_177 = vector.broadcast %jit3A_176 : i32 to vector<512x1xi32>
      %select_n3A_178 = arith.select %le3A_175, %broadcast_in_dim3A_110, %broadcast_in_dim3A_177 : vector<512x1xi1>, vector<512x1xi32>
      %min3A_179 = arith.minsi %min3A_174, %select_n3A_178 : vector<512x1xi32>
      %le3A_180 = arith.cmpf ole, %broadcast_in_dim3A_118, %min3A_157 : vector<512x1xf32>
      %jit3A_181 = arith.constant 4096 : i32
      %broadcast_in_dim3A_182 = vector.broadcast %jit3A_181 : i32 to vector<512x1xi32>
      %select_n3A_183 = arith.select %le3A_180, %broadcast_in_dim3A_128, %broadcast_in_dim3A_182 : vector<512x1xi1>, vector<512x1xi32>
      %min3A_184 = arith.minsi %min3A_179, %select_n3A_183 : vector<512x1xi32>
      %le3A_185 = arith.cmpf ole, %broadcast_in_dim3A_137, %min3A_157 : vector<512x1xf32>
      %jit3A_186 = arith.constant 4096 : i32
      %broadcast_in_dim3A_187 = vector.broadcast %jit3A_186 : i32 to vector<512x1xi32>
      %select_n3A_188 = arith.select %le3A_185, %broadcast_in_dim3A_147, %broadcast_in_dim3A_187 : vector<512x1xi1>, vector<512x1xi32>
      %min3A_189 = arith.minsi %min3A_184, %select_n3A_188 : vector<512x1xi32>
      %le3A_190 = arith.cmpf ole, %while3A_65, %min3A_157 : vector<512x1xf32>
      %eq3A_191 = arith.cmpi eq, %while3A_66, %min3A_189 : vector<512x1xi32>
      %and3A = arith.andi %le3A_190, %eq3A_191 : vector<512x1xi1>
      %jit3A_192 = arith.constant 0x7F800000 : f32
      %broadcast_in_dim3A_193 = vector.broadcast %jit3A_192 : f32 to vector<512x1xf32>
      %select_n3A_194 = arith.select %and3A, %broadcast_in_dim3A_193, %while3A_65 : vector<512x1xi1>, vector<512x1xf32>
      %le3A_195 = arith.cmpf ole, %while3A_67, %min3A_157 : vector<512x1xf32>
      %eq3A_196 = arith.cmpi eq, %while3A_68, %min3A_189 : vector<512x1xi32>
      %and3A_197 = arith.andi %le3A_195, %eq3A_196 : vector<512x1xi1>
      %jit3A_198 = arith.constant 0x7F800000 : f32
      %broadcast_in_dim3A_199 = vector.broadcast %jit3A_198 : f32 to vector<512x1xf32>
      %select_n3A_200 = arith.select %and3A_197, %broadcast_in_dim3A_199, %while3A_67 : vector<512x1xi1>, vector<512x1xf32>
      %le3A_201 = arith.cmpf ole, %while3A_69, %min3A_157 : vector<512x1xf32>
      %eq3A_202 = arith.cmpi eq, %while3A_70, %min3A_189 : vector<512x1xi32>
      %and3A_203 = arith.andi %le3A_201, %eq3A_202 : vector<512x1xi1>
      %jit3A_204 = arith.constant 0x7F800000 : f32
      %broadcast_in_dim3A_205 = vector.broadcast %jit3A_204 : f32 to vector<512x1xf32>
      %select_n3A_206 = arith.select %and3A_203, %broadcast_in_dim3A_205, %while3A_69 : vector<512x1xi1>, vector<512x1xf32>
      %le3A_207 = arith.cmpf ole, %broadcast_in_dim3A_101, %min3A_157 : vector<512x1xf32>
      %eq3A_208 = arith.cmpi eq, %broadcast_in_dim3A_110, %min3A_189 : vector<512x1xi32>
      %and3A_209 = arith.andi %le3A_207, %eq3A_208 : vector<512x1xi1>
      %jit3A_210 = arith.constant 0x7F800000 : f32
      %broadcast_in_dim3A_211 = vector.broadcast %jit3A_210 : f32 to vector<512x1xf32>
      %select_n3A_212 = arith.select %and3A_209, %broadcast_in_dim3A_211, %broadcast_in_dim3A_101 : vector<512x1xi1>, vector<512x1xf32>
      %le3A_213 = arith.cmpf ole, %broadcast_in_dim3A_118, %min3A_157 : vector<512x1xf32>
      %eq3A_214 = arith.cmpi eq, %broadcast_in_dim3A_128, %min3A_189 : vector<512x1xi32>
      %and3A_215 = arith.andi %le3A_213, %eq3A_214 : vector<512x1xi1>
      %jit3A_216 = arith.constant 0x7F800000 : f32
      %broadcast_in_dim3A_217 = vector.broadcast %jit3A_216 : f32 to vector<512x1xf32>
      %select_n3A_218 = arith.select %and3A_215, %broadcast_in_dim3A_217, %broadcast_in_dim3A_118 : vector<512x1xi1>, vector<512x1xf32>
      %le3A_219 = arith.cmpf ole, %broadcast_in_dim3A_137, %min3A_157 : vector<512x1xf32>
      %eq3A_220 = arith.cmpi eq, %broadcast_in_dim3A_147, %min3A_189 : vector<512x1xi32>
      %and3A_221 = arith.andi %le3A_219, %eq3A_220 : vector<512x1xi1>
      %jit3A_222 = arith.constant 0x7F800000 : f32
      %broadcast_in_dim3A_223 = vector.broadcast %jit3A_222 : f32 to vector<512x1xf32>
      %select_n3A_224 = arith.select %and3A_221, %broadcast_in_dim3A_223, %broadcast_in_dim3A_137 : vector<512x1xi1>, vector<512x1xf32>
      %min3A_225 = arith.minimumf %select_n3A_194, %select_n3A_200 : vector<512x1xf32>
      %min3A_226 = arith.minimumf %min3A_225, %select_n3A_206 : vector<512x1xf32>
      %min3A_227 = arith.minimumf %min3A_226, %select_n3A_212 : vector<512x1xf32>
      %min3A_228 = arith.minimumf %min3A_227, %select_n3A_218 : vector<512x1xf32>
      %min3A_229 = arith.minimumf %min3A_228, %select_n3A_224 : vector<512x1xf32>
      %broadcast_in_dim3A_230 = arith.constant 4096 : i32
      %broadcast_in_dim3A_231 = vector.broadcast %broadcast_in_dim3A_230 : i32 to vector<512x1xi32>
      %le3A_232 = arith.cmpf ole, %select_n3A_194, %min3A_229 : vector<512x1xf32>
      %jit3A_233 = arith.constant 4096 : i32
      %broadcast_in_dim3A_234 = vector.broadcast %jit3A_233 : i32 to vector<512x1xi32>
      %select_n3A_235 = arith.select %le3A_232, %while3A_66, %broadcast_in_dim3A_234 : vector<512x1xi1>, vector<512x1xi32>
      %min3A_236 = arith.minsi %broadcast_in_dim3A_231, %select_n3A_235 : vector<512x1xi32>
      %le3A_237 = arith.cmpf ole, %select_n3A_200, %min3A_229 : vector<512x1xf32>
      %jit3A_238 = arith.constant 4096 : i32
      %broadcast_in_dim3A_239 = vector.broadcast %jit3A_238 : i32 to vector<512x1xi32>
      %select_n3A_240 = arith.select %le3A_237, %while3A_68, %broadcast_in_dim3A_239 : vector<512x1xi1>, vector<512x1xi32>
      %min3A_241 = arith.minsi %min3A_236, %select_n3A_240 : vector<512x1xi32>
      %le3A_242 = arith.cmpf ole, %select_n3A_206, %min3A_229 : vector<512x1xf32>
      %jit3A_243 = arith.constant 4096 : i32
      %broadcast_in_dim3A_244 = vector.broadcast %jit3A_243 : i32 to vector<512x1xi32>
      %select_n3A_245 = arith.select %le3A_242, %while3A_70, %broadcast_in_dim3A_244 : vector<512x1xi1>, vector<512x1xi32>
      %min3A_246 = arith.minsi %min3A_241, %select_n3A_245 : vector<512x1xi32>
      %le3A_247 = arith.cmpf ole, %select_n3A_212, %min3A_229 : vector<512x1xf32>
      %jit3A_248 = arith.constant 4096 : i32
      %broadcast_in_dim3A_249 = vector.broadcast %jit3A_248 : i32 to vector<512x1xi32>
      %select_n3A_250 = arith.select %le3A_247, %broadcast_in_dim3A_110, %broadcast_in_dim3A_249 : vector<512x1xi1>, vector<512x1xi32>
      %min3A_251 = arith.minsi %min3A_246, %select_n3A_250 : vector<512x1xi32>
      %le3A_252 = arith.cmpf ole, %select_n3A_218, %min3A_229 : vector<512x1xf32>
      %jit3A_253 = arith.constant 4096 : i32
      %broadcast_in_dim3A_254 = vector.broadcast %jit3A_253 : i32 to vector<512x1xi32>
      %select_n3A_255 = arith.select %le3A_252, %broadcast_in_dim3A_128, %broadcast_in_dim3A_254 : vector<512x1xi1>, vector<512x1xi32>
      %min3A_256 = arith.minsi %min3A_251, %select_n3A_255 : vector<512x1xi32>
      %le3A_257 = arith.cmpf ole, %select_n3A_224, %min3A_229 : vector<512x1xf32>
      %jit3A_258 = arith.constant 4096 : i32
      %broadcast_in_dim3A_259 = vector.broadcast %jit3A_258 : i32 to vector<512x1xi32>
      %select_n3A_260 = arith.select %le3A_257, %broadcast_in_dim3A_147, %broadcast_in_dim3A_259 : vector<512x1xi1>, vector<512x1xi32>
      %min3A_261 = arith.minsi %min3A_256, %select_n3A_260 : vector<512x1xi32>
      %le3A_262 = arith.cmpf ole, %select_n3A_194, %min3A_229 : vector<512x1xf32>
      %eq3A_263 = arith.cmpi eq, %while3A_66, %min3A_261 : vector<512x1xi32>
      %and3A_264 = arith.andi %le3A_262, %eq3A_263 : vector<512x1xi1>
      %jit3A_265 = arith.constant 0x7F800000 : f32
      %broadcast_in_dim3A_266 = vector.broadcast %jit3A_265 : f32 to vector<512x1xf32>
      %select_n3A_267 = arith.select %and3A_264, %broadcast_in_dim3A_266, %select_n3A_194 : vector<512x1xi1>, vector<512x1xf32>
      %le3A_268 = arith.cmpf ole, %select_n3A_200, %min3A_229 : vector<512x1xf32>
      %eq3A_269 = arith.cmpi eq, %while3A_68, %min3A_261 : vector<512x1xi32>
      %and3A_270 = arith.andi %le3A_268, %eq3A_269 : vector<512x1xi1>
      %jit3A_271 = arith.constant 0x7F800000 : f32
      %broadcast_in_dim3A_272 = vector.broadcast %jit3A_271 : f32 to vector<512x1xf32>
      %select_n3A_273 = arith.select %and3A_270, %broadcast_in_dim3A_272, %select_n3A_200 : vector<512x1xi1>, vector<512x1xf32>
      %le3A_274 = arith.cmpf ole, %select_n3A_206, %min3A_229 : vector<512x1xf32>
      %eq3A_275 = arith.cmpi eq, %while3A_70, %min3A_261 : vector<512x1xi32>
      %and3A_276 = arith.andi %le3A_274, %eq3A_275 : vector<512x1xi1>
      %jit3A_277 = arith.constant 0x7F800000 : f32
      %broadcast_in_dim3A_278 = vector.broadcast %jit3A_277 : f32 to vector<512x1xf32>
      %select_n3A_279 = arith.select %and3A_276, %broadcast_in_dim3A_278, %select_n3A_206 : vector<512x1xi1>, vector<512x1xf32>
      %le3A_280 = arith.cmpf ole, %select_n3A_212, %min3A_229 : vector<512x1xf32>
      %eq3A_281 = arith.cmpi eq, %broadcast_in_dim3A_110, %min3A_261 : vector<512x1xi32>
      %and3A_282 = arith.andi %le3A_280, %eq3A_281 : vector<512x1xi1>
      %jit3A_283 = arith.constant 0x7F800000 : f32
      %broadcast_in_dim3A_284 = vector.broadcast %jit3A_283 : f32 to vector<512x1xf32>
      %select_n3A_285 = arith.select %and3A_282, %broadcast_in_dim3A_284, %select_n3A_212 : vector<512x1xi1>, vector<512x1xf32>
      %le3A_286 = arith.cmpf ole, %select_n3A_218, %min3A_229 : vector<512x1xf32>
      %eq3A_287 = arith.cmpi eq, %broadcast_in_dim3A_128, %min3A_261 : vector<512x1xi32>
      %and3A_288 = arith.andi %le3A_286, %eq3A_287 : vector<512x1xi1>
      %jit3A_289 = arith.constant 0x7F800000 : f32
      %broadcast_in_dim3A_290 = vector.broadcast %jit3A_289 : f32 to vector<512x1xf32>
      %select_n3A_291 = arith.select %and3A_288, %broadcast_in_dim3A_290, %select_n3A_218 : vector<512x1xi1>, vector<512x1xf32>
      %le3A_292 = arith.cmpf ole, %select_n3A_224, %min3A_229 : vector<512x1xf32>
      %eq3A_293 = arith.cmpi eq, %broadcast_in_dim3A_147, %min3A_261 : vector<512x1xi32>
      %and3A_294 = arith.andi %le3A_292, %eq3A_293 : vector<512x1xi1>
      %jit3A_295 = arith.constant 0x7F800000 : f32
      %broadcast_in_dim3A_296 = vector.broadcast %jit3A_295 : f32 to vector<512x1xf32>
      %select_n3A_297 = arith.select %and3A_294, %broadcast_in_dim3A_296, %select_n3A_224 : vector<512x1xi1>, vector<512x1xf32>
      %min3A_298 = arith.minimumf %select_n3A_267, %select_n3A_273 : vector<512x1xf32>
      %min3A_299 = arith.minimumf %min3A_298, %select_n3A_279 : vector<512x1xf32>
      %min3A_300 = arith.minimumf %min3A_299, %select_n3A_285 : vector<512x1xf32>
      %min3A_301 = arith.minimumf %min3A_300, %select_n3A_291 : vector<512x1xf32>
      %min3A_302 = arith.minimumf %min3A_301, %select_n3A_297 : vector<512x1xf32>
      %broadcast_in_dim3A_303 = arith.constant 4096 : i32
      %broadcast_in_dim3A_304 = vector.broadcast %broadcast_in_dim3A_303 : i32 to vector<512x1xi32>
      %le3A_305 = arith.cmpf ole, %select_n3A_267, %min3A_302 : vector<512x1xf32>
      %jit3A_306 = arith.constant 4096 : i32
      %broadcast_in_dim3A_307 = vector.broadcast %jit3A_306 : i32 to vector<512x1xi32>
      %select_n3A_308 = arith.select %le3A_305, %while3A_66, %broadcast_in_dim3A_307 : vector<512x1xi1>, vector<512x1xi32>
      %min3A_309 = arith.minsi %broadcast_in_dim3A_304, %select_n3A_308 : vector<512x1xi32>
      %le3A_310 = arith.cmpf ole, %select_n3A_273, %min3A_302 : vector<512x1xf32>
      %jit3A_311 = arith.constant 4096 : i32
      %broadcast_in_dim3A_312 = vector.broadcast %jit3A_311 : i32 to vector<512x1xi32>
      %select_n3A_313 = arith.select %le3A_310, %while3A_68, %broadcast_in_dim3A_312 : vector<512x1xi1>, vector<512x1xi32>
      %min3A_314 = arith.minsi %min3A_309, %select_n3A_313 : vector<512x1xi32>
      %le3A_315 = arith.cmpf ole, %select_n3A_279, %min3A_302 : vector<512x1xf32>
      %jit3A_316 = arith.constant 4096 : i32
      %broadcast_in_dim3A_317 = vector.broadcast %jit3A_316 : i32 to vector<512x1xi32>
      %select_n3A_318 = arith.select %le3A_315, %while3A_70, %broadcast_in_dim3A_317 : vector<512x1xi1>, vector<512x1xi32>
      %min3A_319 = arith.minsi %min3A_314, %select_n3A_318 : vector<512x1xi32>
      %le3A_320 = arith.cmpf ole, %select_n3A_285, %min3A_302 : vector<512x1xf32>
      %jit3A_321 = arith.constant 4096 : i32
      %broadcast_in_dim3A_322 = vector.broadcast %jit3A_321 : i32 to vector<512x1xi32>
      %select_n3A_323 = arith.select %le3A_320, %broadcast_in_dim3A_110, %broadcast_in_dim3A_322 : vector<512x1xi1>, vector<512x1xi32>
      %min3A_324 = arith.minsi %min3A_319, %select_n3A_323 : vector<512x1xi32>
      %le3A_325 = arith.cmpf ole, %select_n3A_291, %min3A_302 : vector<512x1xf32>
      %jit3A_326 = arith.constant 4096 : i32
      %broadcast_in_dim3A_327 = vector.broadcast %jit3A_326 : i32 to vector<512x1xi32>
      %select_n3A_328 = arith.select %le3A_325, %broadcast_in_dim3A_128, %broadcast_in_dim3A_327 : vector<512x1xi1>, vector<512x1xi32>
      %min3A_329 = arith.minsi %min3A_324, %select_n3A_328 : vector<512x1xi32>
      %le3A_330 = arith.cmpf ole, %select_n3A_297, %min3A_302 : vector<512x1xf32>
      %jit3A_331 = arith.constant 4096 : i32
      %broadcast_in_dim3A_332 = vector.broadcast %jit3A_331 : i32 to vector<512x1xi32>
      %select_n3A_333 = arith.select %le3A_330, %broadcast_in_dim3A_147, %broadcast_in_dim3A_332 : vector<512x1xi1>, vector<512x1xi32>
      %min3A_334 = arith.minsi %min3A_329, %select_n3A_333 : vector<512x1xi32>
      %le3A_335 = arith.cmpf ole, %select_n3A_267, %min3A_302 : vector<512x1xf32>
      %eq3A_336 = arith.cmpi eq, %while3A_66, %min3A_334 : vector<512x1xi32>
      %and3A_337 = arith.andi %le3A_335, %eq3A_336 : vector<512x1xi1>
      %jit3A_338 = arith.constant 0x7F800000 : f32
      %broadcast_in_dim3A_339 = vector.broadcast %jit3A_338 : f32 to vector<512x1xf32>
      %select_n3A_340 = arith.select %and3A_337, %broadcast_in_dim3A_339, %select_n3A_267 : vector<512x1xi1>, vector<512x1xf32>
      %le3A_341 = arith.cmpf ole, %select_n3A_273, %min3A_302 : vector<512x1xf32>
      %eq3A_342 = arith.cmpi eq, %while3A_68, %min3A_334 : vector<512x1xi32>
      %and3A_343 = arith.andi %le3A_341, %eq3A_342 : vector<512x1xi1>
      %jit3A_344 = arith.constant 0x7F800000 : f32
      %broadcast_in_dim3A_345 = vector.broadcast %jit3A_344 : f32 to vector<512x1xf32>
      %select_n3A_346 = arith.select %and3A_343, %broadcast_in_dim3A_345, %select_n3A_273 : vector<512x1xi1>, vector<512x1xf32>
      %le3A_347 = arith.cmpf ole, %select_n3A_279, %min3A_302 : vector<512x1xf32>
      %eq3A_348 = arith.cmpi eq, %while3A_70, %min3A_334 : vector<512x1xi32>
      %and3A_349 = arith.andi %le3A_347, %eq3A_348 : vector<512x1xi1>
      %jit3A_350 = arith.constant 0x7F800000 : f32
      %broadcast_in_dim3A_351 = vector.broadcast %jit3A_350 : f32 to vector<512x1xf32>
      %select_n3A_352 = arith.select %and3A_349, %broadcast_in_dim3A_351, %select_n3A_279 : vector<512x1xi1>, vector<512x1xf32>
      %le3A_353 = arith.cmpf ole, %select_n3A_285, %min3A_302 : vector<512x1xf32>
      %eq3A_354 = arith.cmpi eq, %broadcast_in_dim3A_110, %min3A_334 : vector<512x1xi32>
      %and3A_355 = arith.andi %le3A_353, %eq3A_354 : vector<512x1xi1>
      %jit3A_356 = arith.constant 0x7F800000 : f32
      %broadcast_in_dim3A_357 = vector.broadcast %jit3A_356 : f32 to vector<512x1xf32>
      %select_n3A_358 = arith.select %and3A_355, %broadcast_in_dim3A_357, %select_n3A_285 : vector<512x1xi1>, vector<512x1xf32>
      %le3A_359 = arith.cmpf ole, %select_n3A_291, %min3A_302 : vector<512x1xf32>
      %eq3A_360 = arith.cmpi eq, %broadcast_in_dim3A_128, %min3A_334 : vector<512x1xi32>
      %and3A_361 = arith.andi %le3A_359, %eq3A_360 : vector<512x1xi1>
      %jit3A_362 = arith.constant 0x7F800000 : f32
      %broadcast_in_dim3A_363 = vector.broadcast %jit3A_362 : f32 to vector<512x1xf32>
      %select_n3A_364 = arith.select %and3A_361, %broadcast_in_dim3A_363, %select_n3A_291 : vector<512x1xi1>, vector<512x1xf32>
      %le3A_365 = arith.cmpf ole, %select_n3A_297, %min3A_302 : vector<512x1xf32>
      %eq3A_366 = arith.cmpi eq, %broadcast_in_dim3A_147, %min3A_334 : vector<512x1xi32>
      %and3A_367 = arith.andi %le3A_365, %eq3A_366 : vector<512x1xi1>
      %jit3A_368 = arith.constant 0x7F800000 : f32
      %broadcast_in_dim3A_369 = vector.broadcast %jit3A_368 : f32 to vector<512x1xf32>
      %select_n3A_370 = arith.select %and3A_367, %broadcast_in_dim3A_369, %select_n3A_297 : vector<512x1xi1>, vector<512x1xf32>
      scf.yield %min3A_157, %min3A_189, %min3A_229, %min3A_261, %min3A_302, %min3A_334 : vector<512x1xf32>, vector<512x1xi32>, vector<512x1xf32>, vector<512x1xi32>, vector<512x1xf32>, vector<512x1xi32>
    }
    %max3A = arith.constant 1.000000e-16 : f32
    %max3A_24 = vector.broadcast %max3A : f32 to vector<512x1xf32>
    %max3A_25 = arith.maximumf %while3A_23#0, %max3A_24 : vector<512x1xf32>
    %div3A = arith.constant 1.000000e+00 : f32
    %div3A_26 = vector.broadcast %div3A : f32 to vector<512x1xf32>
    %div3A_27 = arith.divf %div3A_26, %max3A_25 : vector<512x1xf32>
    %max3A_28 = arith.constant 1.000000e-16 : f32
    %max3A_29 = vector.broadcast %max3A_28 : f32 to vector<512x1xf32>
    %max3A_30 = arith.maximumf %while3A_23#2, %max3A_29 : vector<512x1xf32>
    %div3A_31 = arith.constant 1.000000e+00 : f32
    %div3A_32 = vector.broadcast %div3A_31 : f32 to vector<512x1xf32>
    %div3A_33 = arith.divf %div3A_32, %max3A_30 : vector<512x1xf32>
    %max3A_34 = arith.constant 1.000000e-16 : f32
    %max3A_35 = vector.broadcast %max3A_34 : f32 to vector<512x1xf32>
    %max3A_36 = arith.maximumf %while3A_23#4, %max3A_35 : vector<512x1xf32>
    %div3A_37 = arith.constant 1.000000e+00 : f32
    %div3A_38 = vector.broadcast %div3A_37 : f32 to vector<512x1xf32>
    %div3A_39 = arith.divf %div3A_38, %max3A_36 : vector<512x1xf32>
    %add3A = arith.addf %div3A_27, %div3A_33 : vector<512x1xf32>
    %add3A_40 = arith.addf %add3A, %div3A_39 : vector<512x1xf32>
    %div3A_41 = arith.constant 1.000000e+00 : f32
    %div3A_42 = vector.broadcast %div3A_41 : f32 to vector<512x1xf32>
    %div3A_43 = arith.divf %div3A_42, %add3A_40 : vector<512x1xf32>
    %swap3A = arith.constant 0 : index
    %swap3A_44 = arith.constant 0 : index
    %swap3A_45 = vector.load %arg7[%swap3A, %swap3A_44] : memref<512x1xi32, #tpu.memory_space<vmem>>, vector<512x1xi32>
    tpu.vector_store %arg7[%swap3A, %swap3A_44], %while3A_23#1 {strides = array<i32>} : memref<512x1xi32, #tpu.memory_space<vmem>>, vector<512x1xi32>,
    %swap3A_46 = arith.constant 0 : index
    %swap3A_47 = arith.constant 0 : index
    %swap3A_48 = vector.load %arg8[%swap3A_46, %swap3A_47] : memref<512x1xi32, #tpu.memory_space<vmem>>, vector<512x1xi32>
    tpu.vector_store %arg8[%swap3A_46, %swap3A_47], %while3A_23#3 {strides = array<i32>} : memref<512x1xi32, #tpu.memory_space<vmem>>, vector<512x1xi32>,
    %swap3A_49 = arith.constant 0 : index
    %swap3A_50 = arith.constant 0 : index
    %swap3A_51 = vector.load %arg9[%swap3A_49, %swap3A_50] : memref<512x1xi32, #tpu.memory_space<vmem>>, vector<512x1xi32>
    tpu.vector_store %arg9[%swap3A_49, %swap3A_50], %while3A_23#5 {strides = array<i32>} : memref<512x1xi32, #tpu.memory_space<vmem>>, vector<512x1xi32>,
    %mul3A_52 = arith.mulf %div3A_27, %div3A_43 : vector<512x1xf32>
    %swap3A_53 = arith.constant 0 : index
    %swap3A_54 = arith.constant 0 : index
    %swap3A_55 = vector.load %arg10[%swap3A_53, %swap3A_54] : memref<512x1xf32, #tpu.memory_space<vmem>>, vector<512x1xf32>
    tpu.vector_store %arg10[%swap3A_53, %swap3A_54], %mul3A_52 {strides = array<i32>} : memref<512x1xf32, #tpu.memory_space<vmem>>, vector<512x1xf32>,
    %mul3A_56 = arith.mulf %div3A_33, %div3A_43 : vector<512x1xf32>
    %swap3A_57 = arith.constant 0 : index
    %swap3A_58 = arith.constant 0 : index
    %swap3A_59 = vector.load %arg11[%swap3A_57, %swap3A_58] : memref<512x1xf32, #tpu.memory_space<vmem>>, vector<512x1xf32>
    tpu.vector_store %arg11[%swap3A_57, %swap3A_58], %mul3A_56 {strides = array<i32>} : memref<512x1xf32, #tpu.memory_space<vmem>>, vector<512x1xf32>,
    %mul3A_60 = arith.mulf %div3A_39, %div3A_43 : vector<512x1xf32>
    %swap3A_61 = arith.constant 0 : index
    %swap3A_62 = arith.constant 0 : index
    %swap3A_63 = vector.load %arg12[%swap3A_61, %swap3A_62] : memref<512x1xf32, #tpu.memory_space<vmem>>, vector<512x1xf32>
    tpu.vector_store %arg12[%swap3A_61, %swap3A_62], %mul3A_60 {strides = array<i32>} : memref<512x1xf32, #tpu.memory_space<vmem>>, vector<512x1xf32>,
    return
  }
  func.func @transform_0(%arg0: i32, %arg1: memref<32xi32, #tpu.memory_space<smem>>, %arg2: memref<32xi32, #tpu.memory_space<smem>>) -> (i32, i32) {
    %c0_i32 = arith.constant 0 : i32
    %c0_i32_0 = arith.constant 0 : i32
    %c0_i32_1 = arith.constant 0 : i32
    return %c0_i32, %c0_i32_0 : i32, i32
  }
  func.func @transform_1(%arg0: i32, %arg1: memref<32xi32, #tpu.memory_space<smem>>, %arg2: memref<32xi32, #tpu.memory_space<smem>>) -> (i32, i32) {
    %c0_i32 = arith.constant 0 : i32
    %c0_i32_0 = arith.constant 0 : i32
    %c0_i32_1 = arith.constant 0 : i32
    return %c0_i32, %c0_i32_0 : i32, i32
  }
  func.func @transform_2(%arg0: i32, %arg1: memref<32xi32, #tpu.memory_space<smem>>, %arg2: memref<32xi32, #tpu.memory_space<smem>>) -> (i32, i32) {
    %c0_i32 = arith.constant 0 : i32
    %c0_i32_0 = arith.constant 0 : i32
    return %arg0, %c0_i32 : i32, i32
  }
  func.func @transform_3(%arg0: i32, %arg1: memref<32xi32, #tpu.memory_space<smem>>, %arg2: memref<32xi32, #tpu.memory_space<smem>>) -> (i32, i32) {
    %c0_i32 = arith.constant 0 : i32
    %c0_i32_0 = arith.constant 0 : i32
    return %arg0, %c0_i32 : i32, i32
  }
  func.func @transform_4(%arg0: i32, %arg1: memref<32xi32, #tpu.memory_space<smem>>, %arg2: memref<32xi32, #tpu.memory_space<smem>>) -> (i32, i32) {
    %c0_i32 = arith.constant 0 : i32
    %c0_i32_0 = arith.constant 0 : i32
    return %arg0, %c0_i32 : i32, i32
  }
  func.func @transform_5(%arg0: i32, %arg1: memref<32xi32, #tpu.memory_space<smem>>, %arg2: memref<32xi32, #tpu.memory_space<smem>>) -> (i32, i32) {
    %c0_i32 = arith.constant 0 : i32
    %c0_i32_0 = arith.constant 0 : i32
    return %arg0, %c0_i32 : i32, i32
  }
  func.func @transform_6(%arg0: i32, %arg1: memref<32xi32, #tpu.memory_space<smem>>, %arg2: memref<32xi32, #tpu.memory_space<smem>>) -> (i32, i32) {
    %c0_i32 = arith.constant 0 : i32
    %c0_i32_0 = arith.constant 0 : i32
    return %arg0, %c0_i32 : i32, i32
  }
  func.func @transform_7(%arg0: i32, %arg1: memref<32xi32, #tpu.memory_space<smem>>, %arg2: memref<32xi32, #tpu.memory_space<smem>>) -> (i32, i32) {
    %c0_i32 = arith.constant 0 : i32
    %c0_i32_0 = arith.constant 0 : i32
    return %arg0, %c0_i32 : i32, i32
  }
  func.func @transform_8(%arg0: i32, %arg1: memref<32xi32, #tpu.memory_space<smem>>, %arg2: memref<32xi32, #tpu.memory_space<smem>>) -> (i32, i32) {
    %c0_i32 = arith.constant 0 : i32
    %c0_i32_0 = arith.constant 0 : i32
    return %arg0, %c0_i32 : i32, i32
  }
  func.func @transform_9(%arg0: i32, %arg1: memref<32xi32, #tpu.memory_space<smem>>, %arg2: memref<32xi32, #tpu.memory_space<smem>>) -> (i32, i32) {
    %c0_i32 = arith.constant 0 : i32
    %c0_i32_0 = arith.constant 0 : i32
    return %arg0, %c0_i32 : i32, i32
  }
}

module attributes {stable_mosaic.version = 14 : i64} {
  func.func @_mlp_body(%arg0: memref<16384x64xf32, #tpu.memory_space<vmem>>, %arg1: memref<16384x64xf32, #tpu.memory_space<vmem>>, %arg2: memref<64x128xf32, #tpu.memory_space<vmem>>, %arg3: memref<64x128xf32, #tpu.memory_space<vmem>>, %arg4: memref<3x128xf32, #tpu.memory_space<vmem>>, %arg5: memref<128x128xf32, #tpu.memory_space<vmem>>, %arg6: memref<3x128xf32, #tpu.memory_space<vmem>>, %arg7: memref<16384x128xf32, #tpu.memory_space<vmem>>, %arg8: memref<16384x128xf32, #tpu.memory_space<vmem>>) attributes {dimension_semantics = [], scalar_prefetch = 0 : i64, scratch_operands = 1 : i64, tpu.core_type = #tpu.core_type<tc>} {
    %broadcast_in_dim3A = arith.constant 0.000000e+00 : f32
    %broadcast_in_dim3A_0 = vector.broadcast %broadcast_in_dim3A : f32 to vector<1x128xf32>
    %scan3A = arith.constant 0 : i32
    %scan3A_1 = arith.constant 32 : i32
    %scan3A_2 = arith.addi %scan3A, %scan3A_1 : i32
    %scan3A_3 = arith.constant 1 : i32
    %scan3A_4:2 = scf.for %scan3A_53 = %scan3A to %scan3A_2 step %scan3A_3 iter_args(%scan3A_54 = %broadcast_in_dim3A_0, %scan3A_55 = %broadcast_in_dim3A_0) -> (vector<1x128xf32>, vector<1x128xf32>)  : i32 {
      %mul3A_56 = arith.constant 512 : i32
      %mul3A_57 = arith.muli %scan3A_53, %mul3A_56 : i32
      %multiple_of3A = tpu.assume_multiple %mul3A_57, 512 : i32
      %get3A_58 = arith.index_cast %multiple_of3A : i32 to index
      %get3A_59 = arith.constant 0 : index
      %get3A_60 = vector.load %arg0[%get3A_58, %get3A_59] : memref<16384x64xf32, #tpu.memory_space<vmem>>, vector<512x64xf32>
      %get3A_61 = arith.index_cast %multiple_of3A : i32 to index
      %get3A_62 = arith.constant 0 : index
      %get3A_63 = vector.load %arg1[%get3A_61, %get3A_62] : memref<16384x64xf32, #tpu.memory_space<vmem>>, vector<512x64xf32>
      %get3A_64 = arith.constant 0 : index
      %get3A_65 = arith.constant 0 : index
      %get3A_66 = vector.load %arg2[%get3A_64, %get3A_65] : memref<64x128xf32, #tpu.memory_space<vmem>>, vector<64x128xf32>
      %dot_general3A = arith.constant dense<0.000000e+00> : vector<512x128xf32>
      %dot_general3A_67 = tpu.matmul %get3A_60, %get3A_66, %dot_general3A {dimension_numbers = #tpu.dot_dimension_numbers<[1], [0], [0], [1], [0, 0, 1, 1], [], []>, transpose_lhs_hint = false} : vector<512x64xf32>, vector<64x128xf32>, vector<512x128xf32> -> vector<512x128xf32>
      %get3A_68 = arith.constant 0 : index
      %get3A_69 = arith.constant 0 : index
      %get3A_70 = vector.load %arg3[%get3A_68, %get3A_69] : memref<64x128xf32, #tpu.memory_space<vmem>>, vector<64x128xf32>
      %dot_general3A_71 = arith.constant dense<0.000000e+00> : vector<512x128xf32>
      %dot_general3A_72 = tpu.matmul %get3A_63, %get3A_70, %dot_general3A_71 {dimension_numbers = #tpu.dot_dimension_numbers<[1], [0], [0], [1], [0, 0, 1, 1], [], []>, transpose_lhs_hint = false} : vector<512x64xf32>, vector<64x128xf32>, vector<512x128xf32> -> vector<512x128xf32>
      %add3A_73 = arith.addf %dot_general3A_67, %dot_general3A_72 : vector<512x128xf32>
      %get3A_74 = arith.constant 0 : index
      %get3A_75 = arith.constant 0 : index
      %get3A_76 = vector.load %arg4[%get3A_74, %get3A_75] : memref<3x128xf32, #tpu.memory_space<vmem>>, vector<1x128xf32>
      %add3A_77 = vector.broadcast %get3A_76 : vector<1x128xf32> to vector<512x128xf32>
      %add3A_78 = arith.addf %add3A_73, %add3A_77 : vector<512x128xf32>
      %swap3A = arith.index_cast %multiple_of3A : i32 to index
      %swap3A_79 = arith.constant 0 : index
      %swap3A_80 = vector.load %arg8[%swap3A, %swap3A_79] : memref<16384x128xf32, #tpu.memory_space<vmem>>, vector<512x128xf32>
      tpu.vector_store %arg8[%swap3A, %swap3A_79], %add3A_78 {strides = array<i32>} : memref<16384x128xf32, #tpu.memory_space<vmem>>, vector<512x128xf32>,
      %reduce_sum3A = arith.constant dense<0.000000e+00> : vector<128xf32>
      %reduce_sum3A_81 = vector.multi_reduction <add>, %add3A_78, %reduce_sum3A [0] : vector<512x128xf32> to vector<128xf32>
      %broadcast_in_dim3A_82 = vector.shape_cast %reduce_sum3A_81 : vector<128xf32> to vector<1x128xf32>
      %add3A_83 = arith.addf %scan3A_54, %broadcast_in_dim3A_82 : vector<1x128xf32>
      %mul3A_84 = arith.mulf %add3A_78, %add3A_78 : vector<512x128xf32>
      %reduce_sum3A_85 = arith.constant dense<0.000000e+00> : vector<128xf32>
      %reduce_sum3A_86 = vector.multi_reduction <add>, %mul3A_84, %reduce_sum3A_85 [0] : vector<512x128xf32> to vector<128xf32>
      %broadcast_in_dim3A_87 = vector.shape_cast %reduce_sum3A_86 : vector<128xf32> to vector<1x128xf32>
      %add3A_88 = arith.addf %scan3A_55, %broadcast_in_dim3A_87 : vector<1x128xf32>
      scf.yield %add3A_83, %add3A_88 : vector<1x128xf32>, vector<1x128xf32>
    }
    %scan3A_5 = arith.constant 32 : i32
    %div3A = arith.constant 1.638400e+04 : f32
    %div3A_6 = vector.broadcast %div3A : f32 to vector<1x128xf32>
    %div3A_7 = arith.divf %scan3A_4#0, %div3A_6 : vector<1x128xf32>
    %div3A_8 = arith.constant 1.638400e+04 : f32
    %div3A_9 = vector.broadcast %div3A_8 : f32 to vector<1x128xf32>
    %div3A_10 = arith.divf %scan3A_4#1, %div3A_9 : vector<1x128xf32>
    %mul3A = arith.mulf %div3A_7, %div3A_7 : vector<1x128xf32>
    %sub3A = arith.subf %div3A_10, %mul3A : vector<1x128xf32>
    %get3A = arith.constant 1 : index
    %get3A_11 = arith.constant 0 : index
    %get3A_12 = vector.load %arg4[%get3A, %get3A_11] : memref<3x128xf32, #tpu.memory_space<vmem>>, vector<1x128xf32>
    %add3A = arith.constant 9.99999974E-6 : f32
    %add3A_13 = vector.broadcast %add3A : f32 to vector<1x128xf32>
    %add3A_14 = arith.addf %sub3A, %add3A_13 : vector<1x128xf32>
    %rsqrt3A = math.rsqrt %add3A_14 : vector<1x128xf32>
    %mul3A_15 = arith.mulf %get3A_12, %rsqrt3A : vector<1x128xf32>
    %get3A_16 = arith.constant 2 : index
    %get3A_17 = arith.constant 0 : index
    %get3A_18 = vector.load %arg4[%get3A_16, %get3A_17] : memref<3x128xf32, #tpu.memory_space<vmem>>, vector<1x128xf32>
    %mul3A_19 = arith.mulf %div3A_7, %mul3A_15 : vector<1x128xf32>
    %sub3A_20 = arith.subf %get3A_18, %mul3A_19 : vector<1x128xf32>
    %scan3A_21 = arith.constant 0 : i32
    %scan3A_22 = arith.constant 32 : i32
    %scan3A_23 = arith.addi %scan3A_21, %scan3A_22 : i32
    %scan3A_24 = arith.constant 1 : i32
    %scan3A_25:2 = scf.for %scan3A_53 = %scan3A_21 to %scan3A_23 step %scan3A_24 iter_args(%scan3A_54 = %broadcast_in_dim3A_0, %scan3A_55 = %broadcast_in_dim3A_0) -> (vector<1x128xf32>, vector<1x128xf32>)  : i32 {
      %mul3A_56 = arith.constant 512 : i32
      %mul3A_57 = arith.muli %scan3A_53, %mul3A_56 : i32
      %multiple_of3A = tpu.assume_multiple %mul3A_57, 512 : i32
      %get3A_58 = arith.index_cast %multiple_of3A : i32 to index
      %get3A_59 = arith.constant 0 : index
      %get3A_60 = vector.load %arg8[%get3A_58, %get3A_59] : memref<16384x128xf32, #tpu.memory_space<vmem>>, vector<512x128xf32>
      %mul3A_61 = vector.broadcast %mul3A_15 : vector<1x128xf32> to vector<512x128xf32>
      %mul3A_62 = arith.mulf %get3A_60, %mul3A_61 : vector<512x128xf32>
      %add3A_63 = vector.broadcast %sub3A_20 : vector<1x128xf32> to vector<512x128xf32>
      %add3A_64 = arith.addf %mul3A_62, %add3A_63 : vector<512x128xf32>
      %max3A = arith.constant 0.000000e+00 : f32
      %max3A_65 = vector.broadcast %max3A : f32 to vector<512x128xf32>
      %max3A_66 = arith.maximumf %add3A_64, %max3A_65 : vector<512x128xf32>
      %get3A_67 = arith.constant 0 : index
      %get3A_68 = arith.constant 0 : index
      %get3A_69 = vector.load %arg5[%get3A_67, %get3A_68] : memref<128x128xf32, #tpu.memory_space<vmem>>, vector<128x128xf32>
      %dot_general3A = arith.constant dense<0.000000e+00> : vector<512x128xf32>
      %dot_general3A_70 = tpu.matmul %max3A_66, %get3A_69, %dot_general3A {dimension_numbers = #tpu.dot_dimension_numbers<[1], [0], [0], [1], [0, 0, 1, 1], [], []>, transpose_lhs_hint = false} : vector<512x128xf32>, vector<128x128xf32>, vector<512x128xf32> -> vector<512x128xf32>
      %get3A_71 = arith.constant 0 : index
      %get3A_72 = arith.constant 0 : index
      %get3A_73 = vector.load %arg6[%get3A_71, %get3A_72] : memref<3x128xf32, #tpu.memory_space<vmem>>, vector<1x128xf32>
      %add3A_74 = vector.broadcast %get3A_73 : vector<1x128xf32> to vector<512x128xf32>
      %add3A_75 = arith.addf %dot_general3A_70, %add3A_74 : vector<512x128xf32>
      %swap3A = arith.index_cast %multiple_of3A : i32 to index
      %swap3A_76 = arith.constant 0 : index
      %swap3A_77 = vector.load %arg7[%swap3A, %swap3A_76] : memref<16384x128xf32, #tpu.memory_space<vmem>>, vector<512x128xf32>
      tpu.vector_store %arg7[%swap3A, %swap3A_76], %add3A_75 {strides = array<i32>} : memref<16384x128xf32, #tpu.memory_space<vmem>>, vector<512x128xf32>,
      %reduce_sum3A = arith.constant dense<0.000000e+00> : vector<128xf32>
      %reduce_sum3A_78 = vector.multi_reduction <add>, %add3A_75, %reduce_sum3A [0] : vector<512x128xf32> to vector<128xf32>
      %broadcast_in_dim3A_79 = vector.shape_cast %reduce_sum3A_78 : vector<128xf32> to vector<1x128xf32>
      %add3A_80 = arith.addf %scan3A_54, %broadcast_in_dim3A_79 : vector<1x128xf32>
      %mul3A_81 = arith.mulf %add3A_75, %add3A_75 : vector<512x128xf32>
      %reduce_sum3A_82 = arith.constant dense<0.000000e+00> : vector<128xf32>
      %reduce_sum3A_83 = vector.multi_reduction <add>, %mul3A_81, %reduce_sum3A_82 [0] : vector<512x128xf32> to vector<128xf32>
      %broadcast_in_dim3A_84 = vector.shape_cast %reduce_sum3A_83 : vector<128xf32> to vector<1x128xf32>
      %add3A_85 = arith.addf %scan3A_55, %broadcast_in_dim3A_84 : vector<1x128xf32>
      scf.yield %add3A_80, %add3A_85 : vector<1x128xf32>, vector<1x128xf32>
    }
    %scan3A_26 = arith.constant 32 : i32
    %div3A_27 = arith.constant 1.638400e+04 : f32
    %div3A_28 = vector.broadcast %div3A_27 : f32 to vector<1x128xf32>
    %div3A_29 = arith.divf %scan3A_25#0, %div3A_28 : vector<1x128xf32>
    %div3A_30 = arith.constant 1.638400e+04 : f32
    %div3A_31 = vector.broadcast %div3A_30 : f32 to vector<1x128xf32>
    %div3A_32 = arith.divf %scan3A_25#1, %div3A_31 : vector<1x128xf32>
    %mul3A_33 = arith.mulf %div3A_29, %div3A_29 : vector<1x128xf32>
    %sub3A_34 = arith.subf %div3A_32, %mul3A_33 : vector<1x128xf32>
    %get3A_35 = arith.constant 1 : index
    %get3A_36 = arith.constant 0 : index
    %get3A_37 = vector.load %arg6[%get3A_35, %get3A_36] : memref<3x128xf32, #tpu.memory_space<vmem>>, vector<1x128xf32>
    %add3A_38 = arith.constant 9.99999974E-6 : f32
    %add3A_39 = vector.broadcast %add3A_38 : f32 to vector<1x128xf32>
    %add3A_40 = arith.addf %sub3A_34, %add3A_39 : vector<1x128xf32>
    %rsqrt3A_41 = math.rsqrt %add3A_40 : vector<1x128xf32>
    %mul3A_42 = arith.mulf %get3A_37, %rsqrt3A_41 : vector<1x128xf32>
    %get3A_43 = arith.constant 2 : index
    %get3A_44 = arith.constant 0 : index
    %get3A_45 = vector.load %arg6[%get3A_43, %get3A_44] : memref<3x128xf32, #tpu.memory_space<vmem>>, vector<1x128xf32>
    %mul3A_46 = arith.mulf %div3A_29, %mul3A_42 : vector<1x128xf32>
    %sub3A_47 = arith.subf %get3A_45, %mul3A_46 : vector<1x128xf32>
    %scan3A_48 = arith.constant 0 : i32
    %scan3A_49 = arith.constant 32 : i32
    %scan3A_50 = arith.addi %scan3A_48, %scan3A_49 : i32
    %scan3A_51 = arith.constant 1 : i32
    scf.for %scan3A_53 = %scan3A_48 to %scan3A_50 step %scan3A_51  : i32 {
      %mul3A_54 = arith.constant 512 : i32
      %mul3A_55 = arith.muli %scan3A_53, %mul3A_54 : i32
      %multiple_of3A = tpu.assume_multiple %mul3A_55, 512 : i32
      %get3A_56 = arith.index_cast %multiple_of3A : i32 to index
      %get3A_57 = arith.constant 0 : index
      %get3A_58 = vector.load %arg7[%get3A_56, %get3A_57] : memref<16384x128xf32, #tpu.memory_space<vmem>>, vector<512x128xf32>
      %mul3A_59 = vector.broadcast %mul3A_42 : vector<1x128xf32> to vector<512x128xf32>
      %mul3A_60 = arith.mulf %get3A_58, %mul3A_59 : vector<512x128xf32>
      %add3A_61 = vector.broadcast %sub3A_47 : vector<1x128xf32> to vector<512x128xf32>
      %add3A_62 = arith.addf %mul3A_60, %add3A_61 : vector<512x128xf32>
      %max3A = arith.constant 0.000000e+00 : f32
      %max3A_63 = vector.broadcast %max3A : f32 to vector<512x128xf32>
      %max3A_64 = arith.maximumf %add3A_62, %max3A_63 : vector<512x128xf32>
      %swap3A = arith.index_cast %multiple_of3A : i32 to index
      %swap3A_65 = arith.constant 0 : index
      %swap3A_66 = vector.load %arg7[%swap3A, %swap3A_65] : memref<16384x128xf32, #tpu.memory_space<vmem>>, vector<512x128xf32>
      tpu.vector_store %arg7[%swap3A, %swap3A_65], %max3A_64 {strides = array<i32>} : memref<16384x128xf32, #tpu.memory_space<vmem>>, vector<512x128xf32>,
    }
    %scan3A_52 = arith.constant 32 : i32
    return
  }
}

</mosaic_0001>

<sc_bundles>
// kernel: kernel.5.cloned.1.call-start
scs
__scs_entry_jumppad:
0x0: {  	(pc) =	sbr.rel $0x88, $3  }
0x1: {  	(tag) =	ssettag $0x0;
	lr =	simm.s32 $0x1  }
0x2: {  	[smem:$0x3F93] =	sst lr;
	_ =	strace $0xD0000000  }
0x3: {  	_ = 	snop  }
0x4: {  	_ = 	snop  }
0x5: {  	_ = 	snop  }
0x6: {  	_ = 	snop  }
0x7: {  	_ = 	snop  }
__scs_overlays_trampoline_lowered:
0x8: {  	[smem:$0x3FA2] =	sst s0  }
0x9: {  	[smem:$0x3FA3] =	sst s1  }
0xa: {  	[smem:$0x3FA4] =	sst s2  }
0xb: {  	[smem:$0x3FA5] =	sst s3  }
0xc: {  	[smem:$0x3FA6] =	sst s4  }
0xd: {  	[smem:$0x3FA7] =	sst s5  }
0xe: {  	[smem:$0x3FA8] =	sst s6  }
0xf: {  	[smem:$0x3FA9] =	sst s7  }
0x10: {  	[smem:$0x3FAA] =	sst s8  }
0x11: {  	[smem:$0x3FAB] =	sst s9;
	s0 =	simm.s32 @!p0 $0x0  }
0x12: {  	s1 =	sld [smem:$0x3F91];
	s0 =	simm.s32 @p0 $0x1  }
0x13: {  	[smem:$0x3FAC] =	sst s0;
	s0 =	simm.s32 @!p1 $0x0  }
0x14: {  	s2 =	sld [smem:$0x3F90];
	s0 =	simm.s32 @p1 $0x1  }
0x15: {  	[smem:$0x3FAD] =	sst s0;
	s0 =	simm.s32 @!p2 $0x0  }
0x16: {  	s3 =	sld [smem:$0x3FDB];
	s0 =	simm.s32 @p2 $0x1  }
0x17: {  	s4 =	simm.s32 $0x1BF5;
	[smem:$0x3FAF] =	sst s0  }
0x18: {  	s0 =	sld [smem:$0x3F92];
	_ =	swait.ge [sflag:s4], $0x0  }
0x19: {  	s7 =	sld [smem:$0x3F93]  }
0x1a: {  	s8 =	sadd.s32 $0xFFFFE003, lr  }
0x1b: {  	s9 =	sadd.s32 $0xFFFFFEF7, lr;
	s5 =	simm.s32 $0xFFFFFFFF;
	p2 =	slt.u32 s8, $0xFFFFF086  }
0x1c: {  	p1 =	slt.u32 s9, $0xF7A;
	s5 =	simm.s32 @!p2 $0x0  }
0x1d: {  	s5 =	simm.s32 @p1 $0x1;
	p0 =	seq.s32 s7, s2  }
0x1e: {  	s7 =	smul.u32 @!p0 $0xF7A, s2;
	p2 =	seq.s32 @!p0 s5, $0x0  }
0x1f: {  	s9 =	smul.u32 $0xF7A, s1;
	s8 =	simm.s32 @!p0 $0x1BF5;
	p2 =	por !p2, p0  }
0x20: {  	[sflag:s8] =	ssyncset.s32 @!p0 $0xFFFFF086;
	s6 =	sadd.s32 @!p0 s3, s7;
	s7 =	simm.s32 @!p0 $0x108  }
0x21: {  	s3 =	sadd.s32 s3, s9;
	s6 =	sadd.s32 @!p0 $0x88, s6;
	s7 =	simm.s32 @p2 $0x1082  }
0x22: {  	[simem:s7], [sflag:s8] =	dma.local @!p0 [hbm:s6], $0xF7A  }
0x23: {  	s9 =	sor.u32 $0xD0000000, s2;
	s6 =	simm.s32 $0x108;
	_ =	swait.ge @!p0 [sflag:s8], $0x0  }
0x24: {  	s3 =	sadd.s32 $0x88, s3;
	s6 =	simm.s32 @!p1 $0x1082;
	[sflag:s4] =	ssyncset.s32 $0xFFFFF086  }
0x25: {  	[simem:s6], [sflag:s4] =	dma.local [hbm:s3], $0xF7A  }
0x26: {  	[smem:$0x3F93] =	sst s1;
	(tag) =	ssettag s2;
	_ =	strace s9  }
0x27: {  	s1 =	sld [smem:$0x3FA3]  }
0x28: {  	s2 =	sld [smem:$0x3FA4]  }
0x29: {  	s4 =	sld [smem:$0x3FA6]  }
0x2a: {  	p0 =	seq.s32 s5, $0x0;
	s5 =	sld [smem:$0x3FA7]  }
0x2b: {  	s6 =	sld [smem:$0x3FA8]  }
0x2c: {  	s7 =	sld [smem:$0x3FA9]  }
0x2d: {  	s3 =	simm.s32 $0x108;
	s8 =	sld [smem:$0x3FAA]  }
0x2e: {  	s3 =	simm.s32 @!p0 $0x1082;
	s9 =	sld [smem:$0x3FAB]  }
0x2f: {  	lr =	sadd.s32 s0, s3;
	s0 =	sld [smem:$0x3FA2]  }
0x30: {  	s3 =	sld [smem:$0x3FA5]  }
0x31: {  	[smem:$0x3FAE] =	sst s10  }
0x32: {  	s10 =	sld [smem:$0x3FAC];
	_ =	sdelay $0x3  }
0x33: {  	p0 =	seq.s32 s10, $0x1;
	s10 =	sld [smem:$0x3FAE];
	_ =	sdelay $0x3  }
0x34: {  	[smem:$0x3FAE] =	sst s10  }
0x35: {  	s10 =	sld [smem:$0x3FAD];
	_ =	sdelay $0x3  }
0x36: {  	p1 =	seq.s32 s10, $0x1;
	s10 =	sld [smem:$0x3FAE];
	_ =	sdelay $0x3  }
0x37: {  	[smem:$0x3FAE] =	sst s10  }
0x38: {  	s10 =	sld [smem:$0x3FAF]  }
0x39: {  	_ = 	snop;
	(pc) =	sbr.ind lr, $3  }
0x3a: {  	_ = 	snop  }
0x3b: {  	_ = 	snop  }
0x3c: {  	p2 =	seq.s32 s10, $0x1;
	s10 =	sld [smem:$0x3FAE]  }
0x3d: {  	_ =	shalt  }
0x3e: {  	_ =	shalt  }
0x3f: {  	_ =	shalt  }
0x40: {  	_ =	shalt  }
0x41: {  	_ =	shalt  }
0x42: {  	_ =	shalt  }
0x43: {  	_ =	shalt  }
0x44: {  	_ =	shalt  }
0x45: {  	_ =	shalt  }
0x46: {  	_ =	shalt  }
0x47: {  	_ =	shalt  }
0x48: {  	_ =	shalt  }
0x49: {  	_ =	shalt  }
0x4a: {  	_ =	shalt  }
0x4b: {  	_ =	shalt  }
0x4c: {  	_ =	shalt  }
0x4d: {  	_ =	shalt  }
0x4e: {  	_ =	shalt  }
0x4f: {  	_ =	shalt  }
0x50: {  	_ =	shalt  }
0x51: {  	_ =	shalt  }
0x52: {  	_ =	shalt  }
0x53: {  	_ =	shalt  }
0x54: {  	_ =	shalt  }
0x55: {  	_ =	shalt  }
0x56: {  	_ =	shalt  }
0x57: {  	_ =	shalt  }
0x58: {  	_ =	shalt  }
0x59: {  	_ =	shalt  }
0x5a: {  	_ =	shalt  }
0x5b: {  	_ =	shalt  }
0x5c: {  	_ =	shalt  }
0x5d: {  	_ =	shalt  }
0x5e: {  	_ =	shalt  }
0x5f: {  	_ =	shalt  }
0x60: {  	_ =	shalt  }
0x61: {  	_ =	shalt  }
0x62: {  	_ =	shalt  }
0x63: {  	_ =	shalt  }
0x64: {  	_ =	shalt  }
0x65: {  	_ =	shalt  }
0x66: {  	_ =	shalt  }
0x67: {  	_ =	shalt  }
0x68: {  	_ =	shalt  }
0x69: {  	_ =	shalt  }
0x6a: {  	_ =	shalt  }
0x6b: {  	_ =	shalt  }
0x6c: {  	_ =	shalt  }
0x6d: {  	_ =	shalt  }
0x6e: {  	_ =	shalt  }
0x6f: {  	_ =	shalt  }
0x70: {  	_ =	shalt  }
0x71: {  	_ =	shalt  }
0x72: {  	_ =	shalt  }
0x73: {  	_ =	shalt  }
0x74: {  	_ =	shalt  }
0x75: {  	_ =	shalt  }
0x76: {  	_ =	shalt  }
0x77: {  	_ =	shalt  }
0x78: {  	_ =	shalt  }
0x79: {  	_ =	shalt  }
0x7a: {  	_ =	shalt  }
0x7b: {  	_ =	shalt  }
0x7c: {  	_ =	shalt  }
0x7d: {  	_ =	shalt  }
0x7e: {  	_ =	shalt  }
0x7f: {  	_ =	shalt  }
0x80: {  	_ =	shalt  }
0x81: {  	_ =	shalt  }
0x82: {  	_ =	shalt  }
0x83: {  	_ =	shalt  }
0x84: {  	_ =	shalt  }
0x85: {  	_ =	shalt  }
0x86: {  	_ =	shalt  }
0x87: {  	_ =	shalt  }
.Lfunc_end0:
.L_simem_size_0:
called_computation_lowered:
.L_overlay_start_0:
0x88: {  	s2 =	sld [smem:$0x3FD9]  }
0x89: {  	s3 =	sld [smem:$0x3FFE];
	_ =	sdelay $0x1  }
0x8a: {  	s1 =	srdreg.scid  }
0x8b: {  	s0 =	sand.u32 $0x1, s1  }
0x8c: {  	s14 =	sshll.u32 s0, $0xA;
	s2 =	sadd.s32 s3, s2  }
0x8d: {  	s2 =	sadd.s32 s2, s14  }
0x8e: {  	[smem:$0x3FBA] =	sst s2  }
0x8f: {  	_ = 	snop  }
0x90: {  	s2 =	sld [smem:$0x3FD0];
	_ =	sdelay $0x2  }
0x91: {  	s15 =	simm.s32 $0xA;
	s4 =	simm.s32 $0x10  }
0x92: {  	[smem:s4], [sflag:s15] =	dma.local [hbm:s2], $0x1  }
0x93: {  	_ =	swait.eq [sflag:s15], $0x1  }
0x94: {  	s16 =	sld [smem:$0x10];
	[sflag:s15] =	ssyncset.done $0x0  }
0x95: {  	s17 =	sld [smem:$0x11];
	[sflag:s15] =	ssyncadd.s32 $0xFFFFFFFF  }
0x96: {  	s18 =	sld [smem:$0x12];
	(tm) =	ssettm $0x1  }
0x97: {  	s5 =	sld [smem:$0x3FFB];
	_ =	sdelay $0x3  }
0x98: {  	_ =	strace s5  }
0x99: {  	s5 =	sld [smem:$0x3FFC];
	_ =	sdelay $0x3  }
0x9a: {  	_ =	strace s5  }
0x9b: {  	s5 =	sld [smem:$0x3FFD];
	_ =	sdelay $0x3  }
0x9c: {  	_ =	strace s5  }
0x9d: {  	_ =	strace $0x8FFFFFFF  }
0x9e: {  	s19 =	sld [smem:$0x3FDB];
	_ =	sdelay $0x1  }
0x9f: {  	s6 =	simm.s32 $_scs_section_size  }
0xa0: {  	s7 =	simm.s32 $_size__tile_overlayer_lowered;
	s8 =	simm.s32 $_tile_overlayer_lowered  }
0xa1: {  	s22 =	simm.s32 $0x1BFF;
	s21 =	sshll.u32 s8, $0x1;
	s5 =	sadd.s32 s6, s19  }
0xa2: {  	s9 =	simm.s32 $0x0;
	s20 =	sshll.u32 s7, $0x1;
	s7 =	sadd.s32 s21, s5  }
0xa3: {  	[timem:s9], [sflag:s22] =	dma.local [hbm:s7], s20  }
0xa4: {  	_ =	swait.ge [sflag:s22], s20  }
0xa5: {  	s6 =	ssub.s32 $0x0, s20;
	[sflag:s22] =	ssyncset.done $0x0  }
0xa6: {  	[sflag:s22] =	ssyncadd.s32 s6;
	_ =	sdelay $0x1  }
0xa7: {  	s23 =	simm.s32 $0x1B8B  }
0xa8: {  	_ =	swait.ge [sflag:s23], $0x1  }
0xa9: {  	[sflag:s23] =	ssyncset.done $0x0  }
0xaa: {  	s25 =	simm.s32 $0x1B8E;
	s24 =	sld [smem:$0x3FFE];
	[sflag:s23] =	ssyncadd.s32 $0xFFFFFFFF  }
0xab: {  	s26 =	simm.s32 $execute0_lowered;
	[smem:$0x3FD2] =	sst s25  }
0xac: {  	s7 =	sshll.u32 s26, $0x1;
	_ =	strace $0x80000046;
	[dreg:$0x1] =	wrdreg $0xFFFFFFFF  }
0xad: {  	s28 =	simm.s32 $_size_execute0_lowered;
	s5 =	sadd.s32 s5, s7;
	[dreg:$0x0] =	wrdreg $0x0  }
0xae: {  	s7 =	sshll.u32 s28, $0x1;
	[dreg:$0x2] =	wrdreg s5  }
0xaf: {  	[dreg:$0x3] =	wrdreg s7  }
0xb0: {  	[dreg:$0x4] =	wrdreg $0xC0  }
0xb1: {  	_ =	task [dreg:s9], $0x5FFFF  }
0xb2: {  	[dreg:$0x1] =	wrdreg $0xFFFFFFFF  }
0xb3: {  	[dreg:$0x0] =	wrdreg $0x60  }
0xb4: {  	[dreg:$0x2] =	wrdreg s24  }
0xb5: {  	[dreg:$0x3] =	wrdreg s18  }
0xb6: {  	[dreg:$0x4] =	wrdreg s17  }
0xb7: {  	[dreg:$0x5] =	wrdreg s16  }
0xb8: {  	[dreg:$0x6] =	wrdreg $0x9  }
0xb9: {  	_ =	task.clear_ibuf [dreg:s9], $0x7FFFF;
	_ =	strace $0x90000046  }
0xba: {  	s29 =	simm.s32 $0x9;
	_ =	strace $0x80000048  }
0xbb: {  	_ =	swait.ge [sflag:s29], $0x1  }
0xbc: {  	[sflag:s29] =	ssyncadd.s32 $0xFFFFFFFF  }
0xbd: {  	_ =	strace $0x90000048  }
0xbe: {  	_ =	sfence  }
0xbf: {  	s30 =	sld [smem:$0x0];
	_ =	sdelay $0x2  }
0xc0: {  	s31 =	sshll.u32 s1, $0xD;
	s1 =	sshrl.u32 s1, $0x2  }
0xc1: {  	s3 =	sand.u32 $0x4000, s31;
	s1 =	sadd.s32 s1, s30  }
0xc2: {  	s0 =	sor.u32 s3, s0;
	s1 =	sshll.u32 s1, $0x11  }
0xc3: {  	s0 =	sor.u32 s1, s0  }
0xc4: {  	s0 =	sadd.s32 $0x8F2B, s0  }
0xc5: {  	[sflag:s0] =	ssyncadd.remote.s32 $0x1  }
0xc6: {  	_ =	sfence.sel $0xFFFF  }
0xc7: {  	[dreg:$0x0] =	wrdreg $0xFFFFFFFF;
	(pc) =	sbr.abs _section_cstart, $3  }
0xc8: {  	[dreg:$0x1] =	wrdreg $0xFFFFFFFF  }
0xc9: {  	_ =	task.clear_ibuf [dreg:s9], $0x2FFFF;
	_ =	strace $0x9FFFFFFF  }
0xca: {  	(tm) =	ssettm $0x7FFFFFFF  }
0xcb: {  	_ =	shalt  }
tec
execute0_lowered:
.L_overlay_start_1:
0x0: {  	(tag) =	ssettag $0x1  }
0x1: {  	s10 =	rddreg [dreg:$0x0]  }
0x2: {  	s1 =	rddreg [dreg:$0x1]  }
0x3: {  	s2 =	rddreg [dreg:$0x2]  }
0x4: {  	s3 =	rddreg [dreg:$0x3]  }
0x5: {  	s0 =	rddreg [dreg:$0x4]  }
0x6: {  	s4 =	simm.s32 $0x0;
	s6 =	srdreg.scid;
	s14 =	simm.s32 $0x100  }
0x7: {  	s15 =	simm.s32 $0x200;
	s16 =	simm.s32 $0x300;
	s17 =	simm.s32 $0x400  }
0x8: {  	s18 =	simm.s32 $0x500;
	s19 =	simm.s32 $0x600;
	s20 =	simm.s32 $0x1  }
0x9: {  	s21 =	simm.s32 $0x8600;
	s22 =	simm.s32 $0x10600;
	s23 =	simm.s32 $0x18600  }
0xa: {  	s24 =	simm.s32 $0x0;
	[smem:$0x7FF] =	sst s4;
	s5 =	sadd.s32 $0x4800, s10  }
0xb: {  	s11 =	sand.u32 $0x1, s6;
	s7 =	sadd.s32 $0x2800, s10;
	s8 =	sadd.s32 $0x3000, s10  }
0xc: {  	s9 =	sadd.s32 $0x3800, s10;
	s6 =	stileid.u32;
	s12 =	ssub.s32 $0x2, s11  }
0xd: {  	s10 =	sadd.s32 $0x4000, s10;
	_ =	strace $0x80000047;
	s13 =	sshrl.u32 s12, $0x1  }
0xe: {  	s31 =	sshll.u32 s6, $0xA;
	s11 =	sshll.u32 s11, $0x9;
	s12 =	ssub.s32 s12, s13  }
0xf: {  	s11 =	sor.u32 s11, s31;
	s13 =	simm.s32 $0x2;
	s12 =	smax.u32 s12, $0x1  }
.LBB2_1:
0x10: {  	p1 =	por $0x1, $0x1;
	s25 =	simm.s32 $0x0  }
.LBB2_2:
0x11: {  	s25 =	sor.u32 s11, s25  }
0x12: {  	s28 =	sshrl.u32 s25, $0x3  }
0x13: {  	s26 =	simm.s32 $0x0;
	s29 =	sadd.s32 s1, s28  }
0x14: {  	[tilespmem:s26], [sflag:$0x2] =	stream.linear.gather [hbm4b:s29+s26], $0x100, $0x38;
	[tilespmem:$0x1C600] =	vst v63  }
0x15: {  	_ =	swait.ge [sflag:s13], $0x100  }
0x16: {  	[sflag:s13] =	ssyncset.done $0x0  }
0x17: {  	s30 =	sadd.s32 s2, s28;
	[sflag:s13] =	ssyncadd.s32 $0xFFFFFF00  }
0x18: {  	[tilespmem:s14], [sflag:$0x2] =	stream.linear.gather [hbm4b:s30+s26], $0x100, $0x38;
	[tilespmem:$0x1C600] =	vst v63  }
0x19: {  	_ =	swait.ge [sflag:s13], $0x100  }
0x1a: {  	[sflag:s13] =	ssyncset.done $0x0  }
0x1b: {  	s31 =	sadd.s32 s7, s28;
	[sflag:s13] =	ssyncadd.s32 $0xFFFFFF00  }
0x1c: {  	[tilespmem:s15], [sflag:$0x2] =	stream.linear.gather [hbm4b:s31+s26], $0x100, $0x38;
	[tilespmem:$0x1C600] =	vst v63  }
0x1d: {  	_ =	swait.ge [sflag:s13], $0x100  }
0x1e: {  	[sflag:s13] =	ssyncset.done $0x0  }
0x1f: {  	s30 =	sadd.s32 s8, s28;
	[sflag:s13] =	ssyncadd.s32 $0xFFFFFF00  }
0x20: {  	[tilespmem:s16], [sflag:$0x2] =	stream.linear.gather [hbm4b:s30+s26], $0x100, $0x38;
	[tilespmem:$0x1C600] =	vst v63  }
0x21: {  	_ =	swait.ge [sflag:s13], $0x100  }
0x22: {  	[sflag:s13] =	ssyncset.done $0x0  }
0x23: {  	s31 =	sadd.s32 s9, s28;
	[sflag:s13] =	ssyncadd.s32 $0xFFFFFF00  }
0x24: {  	[tilespmem:s17], [sflag:$0x2] =	stream.linear.gather [hbm4b:s31+s26], $0x100, $0x38;
	[tilespmem:$0x1C600] =	vst v63  }
0x25: {  	_ =	swait.ge [sflag:s13], $0x100  }
0x26: {  	[sflag:s13] =	ssyncset.done $0x0  }
0x27: {  	s28 =	sadd.s32 s10, s28;
	[sflag:s13] =	ssyncadd.s32 $0xFFFFFF00  }
0x28: {  	[tilespmem:s18], [sflag:$0x2] =	stream.linear.gather [hbm4b:s28+s26], $0x100, $0x38;
	[tilespmem:$0x1C600] =	vst v63  }
0x29: {  	_ =	swait.ge [sflag:s13], $0x100  }
0x2a: {  	[sflag:s13] =	ssyncset.done $0x0  }
0x2b: {  	[sflag:s13] =	ssyncadd.s32 $0xFFFFFF00  }
0x2c: {  	[tilespmem:s19], [sflag:$0x1] =	stream.indirect.gather [hbm4b:s5+s14], $0x80, s26, s14, $0xb8;
	[tilespmem:$0x1C600] =	vst v63  }
0x2d: {  	_ =	swait.ge [sflag:s20], $0x8000  }
0x2e: {  	[sflag:s20] =	ssyncset.done $0x0  }
0x2f: {  	[sflag:s20] =	ssyncadd.s32 $0xFFFF8000  }
0x30: {  	[tilespmem:s21], [sflag:$0x1] =	stream.indirect.gather [hbm4b:s5+s14], $0x80, s14, s14, $0xb8;
	[tilespmem:$0x1C600] =	vst v63  }
0x31: {  	_ =	swait.ge [sflag:s20], $0x8000  }
0x32: {  	[sflag:s20] =	ssyncset.done $0x0  }
0x33: {  	[sflag:s20] =	ssyncadd.s32 $0xFFFF8000  }
0x34: {  	[tilespmem:s22], [sflag:$0x1] =	stream.indirect.gather [hbm4b:s5+s14], $0x80, s15, s14, $0xb8;
	[tilespmem:$0x1C600] =	vst v63  }
0x35: {  	_ =	swait.ge [sflag:s20], $0x8000  }
0x36: {  	[sflag:s20] =	ssyncset.done $0x0  }
0x37: {  	p0 =	por p1, p1;
	[sflag:s20] =	ssyncadd.s32 $0xFFFF8000  }
.LBB2_3:
0x38: {  	s28 =	sshll.u32 s26, $0x4  }
0x39: {  	v2 =	vld [tilespmem:s28+$0x300]  }
0x3a: {  	v1 =	vld [tilespmem:s28+$0x400]  }
0x3b: {  	s29 =	sshll.u32 s26, $0xB;
	v0 =	vld [tilespmem:s28+$0x500]  }
0x3c: {  	v3 =	vld [tilespmem:s29+$0x600]  }
0x3d: {  	v4 =	vld [tilespmem:s29+$0x8600];
	_ =	sdelay $0x1  }
0x3e: {  	v6 =	vld [tilespmem:s29+$0x10600]  }
0x3f: {  	v5 =	vbroadcast v2, $0x0;
	v7 =	vbroadcast v1, $0x0  }
0x40: {  	v8 =	vbroadcast v0, $0x0  }
0x41: {  	v3 =	vmul.f32 v3, v5;
	v4 =	vmul.f32 v4, v7;
	_ =	sdelay $0x1  }
0x42: {  	v47 =	vmul.f32 v6, v8;
	v3 =	vadd.f32 v4, v3;
	_ =	sdelay $0x1  }
0x43: {  	s30 =	sshll.u32 s26, $0xA;
	v3 =	vadd.f32 v47, v3  }
0x44: {  	s30 =	sand.u32 $0x3FFFFC00, s30  }
0x45: {  	[tilespmem:s30+$0x18600] =	vst v3  }
0x46: {  	v3 =	vld [tilespmem:s29+$0x610]  }
0x47: {  	v48 =	vld [tilespmem:s29+$0x8610];
	_ =	sdelay $0x1  }
0x48: {  	v49 =	vld [tilespmem:s29+$0x10610];
	_ =	sdelay $0x2  }
0x49: {  	v3 =	vmul.f32 v3, v5;
	v4 =	vmul.f32 v48, v7;
	_ =	sdelay $0x1  }
0x4a: {  	v50 =	vmul.f32 v49, v8;
	v3 =	vadd.f32 v4, v3;
	_ =	sdelay $0x1  }
0x4b: {  	v3 =	vadd.f32 v50, v3;
	_ =	sdelay $0x1  }
0x4c: {  	[tilespmem:s30+$0x18610] =	vst v3  }
0x4d: {  	v3 =	vld [tilespmem:s29+$0x620]  }
0x4e: {  	v51 =	vld [tilespmem:s29+$0x8620];
	_ =	sdelay $0x1  }
0x4f: {  	v52 =	vld [tilespmem:s29+$0x10620];
	_ =	sdelay $0x2  }
0x50: {  	v3 =	vmul.f32 v3, v5;
	v4 =	vmul.f32 v51, v7;
	_ =	sdelay $0x1  }
0x51: {  	v53 =	vmul.f32 v52, v8;
	v3 =	vadd.f32 v4, v3;
	_ =	sdelay $0x1  }
0x52: {  	v3 =	vadd.f32 v53, v3;
	_ =	sdelay $0x1  }
0x53: {  	[tilespmem:s30+$0x18620] =	vst v3  }
0x54: {  	v3 =	vld [tilespmem:s29+$0x630]  }
0x55: {  	v54 =	vld [tilespmem:s29+$0x8630];
	_ =	sdelay $0x1  }
0x56: {  	v55 =	vld [tilespmem:s29+$0x10630];
	_ =	sdelay $0x2  }
0x57: {  	v3 =	vmul.f32 v3, v5;
	v4 =	vmul.f32 v54, v7;
	_ =	sdelay $0x1  }
0x58: {  	v56 =	vmul.f32 v55, v8;
	v3 =	vadd.f32 v4, v3;
	_ =	sdelay $0x1  }
0x59: {  	v3 =	vadd.f32 v56, v3  }
0x5a: {  	s31 =	sor.u32 $0x1, s28  }
0x5b: {  	[tilespmem:s30+$0x18630] =	vst v3;
	s30 =	sshll.u32 s31, $0x7  }
0x5c: {  	v3 =	vld [tilespmem:s30+$0x600]  }
0x5d: {  	v57 =	vld [tilespmem:s30+$0x8600];
	_ =	sdelay $0x1  }
0x5e: {  	v59 =	vld [tilespmem:s30+$0x10600]  }
0x5f: {  	v58 =	vbroadcast v2, $0x1;
	v60 =	vbroadcast v1, $0x1  }
0x60: {  	v61 =	vbroadcast v0, $0x1  }
0x61: {  	v3 =	vmul.f32 v3, v58;
	v4 =	vmul.f32 v57, v60;
	_ =	sdelay $0x1  }
0x62: {  	v62 =	vmul.f32 v59, v61;
	v3 =	vadd.f32 v4, v3;
	_ =	sdelay $0x1  }
0x63: {  	v3 =	vadd.f32 v62, v3  }
0x64: {  	s29 =	sshll.u32 s31, $0x6  }
0x65: {  	[tilespmem:s29+$0x18600] =	vst v3  }
0x66: {  	v3 =	vld [tilespmem:s30+$0x610]  }
0x67: {  	v63 =	vld [tilespmem:s30+$0x8610];
	_ =	sdelay $0x1  }
0x68: {  	v9 =	vld [tilespmem:s30+$0x10610];
	_ =	sdelay $0x2  }
0x69: {  	v3 =	vmul.f32 v3, v58;
	v4 =	vmul.f32 v63, v60;
	_ =	sdelay $0x1  }
0x6a: {  	v10 =	vmul.f32 v9, v61;
	v3 =	vadd.f32 v4, v3;
	_ =	sdelay $0x1  }
0x6b: {  	v3 =	vadd.f32 v10, v3  }
0x6c: {  	s31 =	sor.u32 $0x50, s29  }
0x6d: {  	[tilespmem:s31+$0x18600] =	vst v3  }
0x6e: {  	v3 =	vld [tilespmem:s30+$0x620]  }
0x6f: {  	v11 =	vld [tilespmem:s30+$0x8620];
	_ =	sdelay $0x1  }
0x70: {  	v12 =	vld [tilespmem:s30+$0x10620];
	_ =	sdelay $0x2  }
0x71: {  	v3 =	vmul.f32 v3, v58;
	v4 =	vmul.f32 v11, v60;
	_ =	sdelay $0x1  }
0x72: {  	v13 =	vmul.f32 v12, v61;
	v3 =	vadd.f32 v4, v3;
	_ =	sdelay $0x1  }
0x73: {  	v3 =	vadd.f32 v13, v3  }
0x74: {  	s31 =	sor.u32 $0x60, s29  }
0x75: {  	[tilespmem:s31+$0x18600] =	vst v3  }
0x76: {  	v3 =	vld [tilespmem:s30+$0x630]  }
0x77: {  	v14 =	vld [tilespmem:s30+$0x8630];
	_ =	sdelay $0x1  }
0x78: {  	v15 =	vld [tilespmem:s30+$0x10630];
	_ =	sdelay $0x2  }
0x79: {  	v3 =	vmul.f32 v3, v58;
	v4 =	vmul.f32 v14, v60;
	_ =	sdelay $0x1  }
0x7a: {  	v16 =	vmul.f32 v15, v61;
	v3 =	vadd.f32 v4, v3;
	_ =	sdelay $0x1  }
0x7b: {  	v3 =	vadd.f32 v16, v3  }
0x7c: {  	s29 =	sor.u32 $0x70, s29;
	s30 =	sor.u32 $0x2, s28  }
0x7d: {  	s31 =	sshll.u32 s30, $0x7;
	[tilespmem:s29+$0x18600] =	vst v3  }
0x7e: {  	v3 =	vld [tilespmem:s31+$0x600]  }
0x7f: {  	v17 =	vld [tilespmem:s31+$0x8600];
	_ =	sdelay $0x1  }
0x80: {  	v19 =	vld [tilespmem:s31+$0x10600]  }
0x81: {  	v18 =	vbroadcast v2, $0x2;
	v20 =	vbroadcast v1, $0x2  }
0x82: {  	v21 =	vbroadcast v0, $0x2  }
0x83: {  	v3 =	vmul.f32 v3, v18;
	v4 =	vmul.f32 v17, v20;
	_ =	sdelay $0x1  }
0x84: {  	v22 =	vmul.f32 v19, v21;
	v3 =	vadd.f32 v4, v3;
	_ =	sdelay $0x1  }
0x85: {  	s30 =	sshll.u32 s30, $0x6;
	v3 =	vadd.f32 v22, v3  }
0x86: {  	s30 =	sand.u32 $0x3FFFFC80, s30  }
0x87: {  	[tilespmem:s30+$0x18600] =	vst v3  }
0x88: {  	v3 =	vld [tilespmem:s31+$0x610]  }
0x89: {  	v23 =	vld [tilespmem:s31+$0x8610];
	_ =	sdelay $0x1  }
0x8a: {  	v24 =	vld [tilespmem:s31+$0x10610];
	_ =	sdelay $0x2  }
0x8b: {  	v3 =	vmul.f32 v3, v18;
	v4 =	vmul.f32 v23, v20;
	_ =	sdelay $0x1  }
0x8c: {  	v25 =	vmul.f32 v24, v21;
	v3 =	vadd.f32 v4, v3;
	_ =	sdelay $0x1  }
0x8d: {  	v3 =	vadd.f32 v25, v3;
	_ =	sdelay $0x1  }
0x8e: {  	[tilespmem:s30+$0x18610] =	vst v3  }
0x8f: {  	v3 =	vld [tilespmem:s31+$0x620]  }
0x90: {  	v26 =	vld [tilespmem:s31+$0x8620];
	_ =	sdelay $0x1  }
0x91: {  	v27 =	vld [tilespmem:s31+$0x10620];
	_ =	sdelay $0x2  }
0x92: {  	v3 =	vmul.f32 v3, v18;
	v4 =	vmul.f32 v26, v20;
	_ =	sdelay $0x1  }
0x93: {  	v28 =	vmul.f32 v27, v21;
	v3 =	vadd.f32 v4, v3;
	_ =	sdelay $0x1  }
0x94: {  	v3 =	vadd.f32 v28, v3;
	_ =	sdelay $0x1  }
0x95: {  	[tilespmem:s30+$0x18620] =	vst v3  }
0x96: {  	v3 =	vld [tilespmem:s31+$0x630]  }
0x97: {  	v29 =	vld [tilespmem:s31+$0x8630];
	_ =	sdelay $0x1  }
0x98: {  	v30 =	vld [tilespmem:s31+$0x10630];
	_ =	sdelay $0x2  }
0x99: {  	v3 =	vmul.f32 v3, v18;
	v4 =	vmul.f32 v29, v20;
	_ =	sdelay $0x1  }
0x9a: {  	v31 =	vmul.f32 v30, v21;
	v3 =	vadd.f32 v4, v3;
	_ =	sdelay $0x1  }
0x9b: {  	v3 =	vadd.f32 v31, v3  }
0x9c: {  	s31 =	sor.u32 $0x3, s28  }
0x9d: {  	[tilespmem:s30+$0x18630] =	vst v3;
	s30 =	sshll.u32 s31, $0x7  }
0x9e: {  	v3 =	vld [tilespmem:s30+$0x600]  }
0x9f: {  	v32 =	vld [tilespmem:s30+$0x8600];
	_ =	sdelay $0x1  }
0xa0: {  	v34 =	vld [tilespmem:s30+$0x10600]  }
0xa1: {  	v33 =	vbroadcast v2, $0x3;
	v35 =	vbroadcast v1, $0x3  }
0xa2: {  	v36 =	vbroadcast v0, $0x3  }
0xa3: {  	v3 =	vmul.f32 v3, v33;
	v4 =	vmul.f32 v32, v35;
	_ =	sdelay $0x1  }
0xa4: {  	v37 =	vmul.f32 v34, v36;
	v3 =	vadd.f32 v4, v3;
	_ =	sdelay $0x1  }
0xa5: {  	v3 =	vadd.f32 v37, v3  }
0xa6: {  	s29 =	sshll.u32 s31, $0x6  }
0xa7: {  	[tilespmem:s29+$0x18600] =	vst v3  }
0xa8: {  	v3 =	vld [tilespmem:s30+$0x610]  }
0xa9: {  	v38 =	vld [tilespmem:s30+$0x8610];
	_ =	sdelay $0x1  }
0xaa: {  	v39 =	vld [tilespmem:s30+$0x10610];
	_ =	sdelay $0x2  }
0xab: {  	v3 =	vmul.f32 v3, v33;
	v4 =	vmul.f32 v38, v35;
	_ =	sdelay $0x1  }
0xac: {  	v40 =	vmul.f32 v39, v36;
	v3 =	vadd.f32 v4, v3;
	_ =	sdelay $0x1  }
0xad: {  	v3 =	vadd.f32 v40, v3  }
0xae: {  	s31 =	sor.u32 $0x50, s29  }
0xaf: {  	[tilespmem:s31+$0x18600] =	vst v3  }
0xb0: {  	v3 =	vld [tilespmem:s30+$0x620]  }
0xb1: {  	v41 =	vld [tilespmem:s30+$0x8620];
	_ =	sdelay $0x1  }
0xb2: {  	v42 =	vld [tilespmem:s30+$0x10620];
	_ =	sdelay $0x2  }
0xb3: {  	v3 =	vmul.f32 v3, v33;
	v4 =	vmul.f32 v41, v35;
	_ =	sdelay $0x1  }
0xb4: {  	v43 =	vmul.f32 v42, v36;
	v3 =	vadd.f32 v4, v3;
	_ =	sdelay $0x1  }
0xb5: {  	v3 =	vadd.f32 v43, v3  }
0xb6: {  	s31 =	sor.u32 $0x60, s29  }
0xb7: {  	[tilespmem:s31+$0x18600] =	vst v3  }
0xb8: {  	v3 =	vld [tilespmem:s30+$0x630]  }
0xb9: {  	v44 =	vld [tilespmem:s30+$0x8630];
	_ =	sdelay $0x1  }
0xba: {  	v45 =	vld [tilespmem:s30+$0x10630];
	_ =	sdelay $0x2  }
0xbb: {  	v3 =	vmul.f32 v3, v33;
	v4 =	vmul.f32 v44, v35;
	_ =	sdelay $0x1  }
0xbc: {  	v46 =	vmul.f32 v45, v36;
	v3 =	vadd.f32 v4, v3;
	_ =	sdelay $0x1  }
0xbd: {  	v3 =	vadd.f32 v46, v3  }
0xbe: {  	s29 =	sor.u32 $0x70, s29;
	s30 =	sor.u32 $0x4, s28  }
0xbf: {  	s31 =	sshll.u32 s30, $0x7;
	[tilespmem:s29+$0x18600] =	vst v3  }
0xc0: {  	v3 =	vld [tilespmem:s31+$0x600]  }
0xc1: {  	v47 =	vld [tilespmem:s31+$0x8600];
	_ =	sdelay $0x1  }
0xc2: {  	v49 =	vld [tilespmem:s31+$0x10600]  }
0xc3: {  	v48 =	vbroadcast v2, $0x4;
	v50 =	vbroadcast v1, $0x4  }
0xc4: {  	v51 =	vbroadcast v0, $0x4  }
0xc5: {  	v3 =	vmul.f32 v3, v48;
	v4 =	vmul.f32 v47, v50;
	_ =	sdelay $0x1  }
0xc6: {  	v52 =	vmul.f32 v49, v51;
	v3 =	vadd.f32 v4, v3;
	_ =	sdelay $0x1  }
0xc7: {  	s30 =	sshll.u32 s30, $0x6;
	v3 =	vadd.f32 v52, v3  }
0xc8: {  	s30 =	sand.u32 $0x3FFFFD00, s30  }
0xc9: {  	[tilespmem:s30+$0x18600] =	vst v3  }
0xca: {  	v3 =	vld [tilespmem:s31+$0x610]  }
0xcb: {  	v53 =	vld [tilespmem:s31+$0x8610];
	_ =	sdelay $0x1  }
0xcc: {  	v54 =	vld [tilespmem:s31+$0x10610];
	_ =	sdelay $0x2  }
0xcd: {  	v3 =	vmul.f32 v3, v48;
	v4 =	vmul.f32 v53, v50;
	_ =	sdelay $0x1  }
0xce: {  	v55 =	vmul.f32 v54, v51;
	v3 =	vadd.f32 v4, v3;
	_ =	sdelay $0x1  }
0xcf: {  	v3 =	vadd.f32 v55, v3;
	_ =	sdelay $0x1  }
0xd0: {  	[tilespmem:s30+$0x18610] =	vst v3  }
0xd1: {  	v3 =	vld [tilespmem:s31+$0x620]  }
0xd2: {  	v56 =	vld [tilespmem:s31+$0x8620];
	_ =	sdelay $0x1  }
0xd3: {  	v57 =	vld [tilespmem:s31+$0x10620];
	_ =	sdelay $0x2  }
0xd4: {  	v3 =	vmul.f32 v3, v48;
	v4 =	vmul.f32 v56, v50;
	_ =	sdelay $0x1  }
0xd5: {  	v58 =	vmul.f32 v57, v51;
	v3 =	vadd.f32 v4, v3;
	_ =	sdelay $0x1  }
0xd6: {  	v3 =	vadd.f32 v58, v3;
	_ =	sdelay $0x1  }
0xd7: {  	[tilespmem:s30+$0x18620] =	vst v3  }
0xd8: {  	v3 =	vld [tilespmem:s31+$0x630]  }
0xd9: {  	v59 =	vld [tilespmem:s31+$0x8630];
	_ =	sdelay $0x1  }
0xda: {  	v60 =	vld [tilespmem:s31+$0x10630];
	_ =	sdelay $0x2  }
0xdb: {  	v3 =	vmul.f32 v3, v48;
	v4 =	vmul.f32 v59, v50;
	_ =	sdelay $0x1  }
0xdc: {  	v61 =	vmul.f32 v60, v51;
	v3 =	vadd.f32 v4, v3;
	_ =	sdelay $0x1  }
0xdd: {  	v3 =	vadd.f32 v61, v3  }
0xde: {  	s31 =	sor.u32 $0x5, s28  }
0xdf: {  	[tilespmem:s30+$0x18630] =	vst v3;
	s30 =	sshll.u32 s31, $0x7  }
0xe0: {  	v3 =	vld [tilespmem:s30+$0x600]  }
0xe1: {  	v62 =	vld [tilespmem:s30+$0x8600];
	_ =	sdelay $0x1  }
0xe2: {  	v12 =	vld [tilespmem:s30+$0x10600]  }
0xe3: {  	v63 =	vbroadcast v2, $0x5;
	v13 =	vbroadcast v1, $0x5  }
0xe4: {  	v14 =	vbroadcast v0, $0x5  }
0xe5: {  	v3 =	vmul.f32 v3, v63;
	v4 =	vmul.f32 v62, v13;
	_ =	sdelay $0x1  }
0xe6: {  	v15 =	vmul.f32 v12, v14;
	v3 =	vadd.f32 v4, v3;
	_ =	sdelay $0x1  }
0xe7: {  	v3 =	vadd.f32 v15, v3  }
0xe8: {  	s29 =	sshll.u32 s31, $0x6  }
0xe9: {  	[tilespmem:s29+$0x18600] =	vst v3  }
0xea: {  	v3 =	vld [tilespmem:s30+$0x610]  }
0xeb: {  	v16 =	vld [tilespmem:s30+$0x8610];
	_ =	sdelay $0x1  }
0xec: {  	v17 =	vld [tilespmem:s30+$0x10610];
	_ =	sdelay $0x2  }
0xed: {  	v3 =	vmul.f32 v3, v63;
	v4 =	vmul.f32 v16, v13;
	_ =	sdelay $0x1  }
0xee: {  	v18 =	vmul.f32 v17, v14;
	v3 =	vadd.f32 v4, v3;
	_ =	sdelay $0x1  }
0xef: {  	v3 =	vadd.f32 v18, v3  }
0xf0: {  	s31 =	sor.u32 $0x50, s29  }
0xf1: {  	[tilespmem:s31+$0x18600] =	vst v3  }
0xf2: {  	v3 =	vld [tilespmem:s30+$0x620]  }
0xf3: {  	v19 =	vld [tilespmem:s30+$0x8620];
	_ =	sdelay $0x1  }
0xf4: {  	v20 =	vld [tilespmem:s30+$0x10620];
	_ =	sdelay $0x2  }
0xf5: {  	v3 =	vmul.f32 v3, v63;
	v4 =	vmul.f32 v19, v13;
	_ =	sdelay $0x1  }
0xf6: {  	v21 =	vmul.f32 v20, v14;
	v3 =	vadd.f32 v4, v3;
	_ =	sdelay $0x1  }
0xf7: {  	v3 =	vadd.f32 v21, v3  }
0xf8: {  	s31 =	sor.u32 $0x60, s29  }
0xf9: {  	[tilespmem:s31+$0x18600] =	vst v3  }
0xfa: {  	v3 =	vld [tilespmem:s30+$0x630]  }
0xfb: {  	v22 =	vld [tilespmem:s30+$0x8630];
	_ =	sdelay $0x1  }
0xfc: {  	v23 =	vld [tilespmem:s30+$0x10630];
	_ =	sdelay $0x2  }
0xfd: {  	v3 =	vmul.f32 v3, v63;
	v4 =	vmul.f32 v22, v13;
	_ =	sdelay $0x1  }
0xfe: {  	v24 =	vmul.f32 v23, v14;
	v3 =	vadd.f32 v4, v3;
	_ =	sdelay $0x1  }
0xff: {  	v3 =	vadd.f32 v24, v3  }
0x100: {  	s29 =	sor.u32 $0x70, s29;
	s30 =	sor.u32 $0x6, s28  }
0x101: {  	s31 =	sshll.u32 s30, $0x7;
	[tilespmem:s29+$0x18600] =	vst v3  }
0x102: {  	v3 =	vld [tilespmem:s31+$0x600]  }
0x103: {  	v25 =	vld [tilespmem:s31+$0x8600];
	_ =	sdelay $0x1  }
0x104: {  	v27 =	vld [tilespmem:s31+$0x10600]  }
0x105: {  	v26 =	vbroadcast v2, $0x6;
	v28 =	vbroadcast v1, $0x6  }
0x106: {  	v29 =	vbroadcast v0, $0x6  }
0x107: {  	v3 =	vmul.f32 v3, v26;
	v4 =	vmul.f32 v25, v28;
	_ =	sdelay $0x1  }
0x108: {  	v30 =	vmul.f32 v27, v29;
	v3 =	vadd.f32 v4, v3;
	_ =	sdelay $0x1  }
0x109: {  	s30 =	sshll.u32 s30, $0x6;
	v3 =	vadd.f32 v30, v3  }
0x10a: {  	s30 =	sand.u32 $0x3FFFFD80, s30  }
0x10b: {  	[tilespmem:s30+$0x18600] =	vst v3  }
0x10c: {  	v3 =	vld [tilespmem:s31+$0x610]  }
0x10d: {  	v31 =	vld [tilespmem:s31+$0x8610];
	_ =	sdelay $0x1  }
0x10e: {  	v32 =	vld [tilespmem:s31+$0x10610];
	_ =	sdelay $0x2  }
0x10f: {  	v3 =	vmul.f32 v3, v26;
	v4 =	vmul.f32 v31, v28;
	_ =	sdelay $0x1  }
0x110: {  	v33 =	vmul.f32 v32, v29;
	v3 =	vadd.f32 v4, v3;
	_ =	sdelay $0x1  }
0x111: {  	v3 =	vadd.f32 v33, v3;
	_ =	sdelay $0x1  }
0x112: {  	[tilespmem:s30+$0x18610] =	vst v3  }
0x113: {  	v3 =	vld [tilespmem:s31+$0x620]  }
0x114: {  	v34 =	vld [tilespmem:s31+$0x8620];
	_ =	sdelay $0x1  }
0x115: {  	v35 =	vld [tilespmem:s31+$0x10620];
	_ =	sdelay $0x2  }
0x116: {  	v3 =	vmul.f32 v3, v26;
	v4 =	vmul.f32 v34, v28;
	_ =	sdelay $0x1  }
0x117: {  	v36 =	vmul.f32 v35, v29;
	v3 =	vadd.f32 v4, v3;
	_ =	sdelay $0x1  }
0x118: {  	v3 =	vadd.f32 v36, v3;
	_ =	sdelay $0x1  }
0x119: {  	[tilespmem:s30+$0x18620] =	vst v3  }
0x11a: {  	v3 =	vld [tilespmem:s31+$0x630]  }
0x11b: {  	v37 =	vld [tilespmem:s31+$0x8630];
	_ =	sdelay $0x1  }
0x11c: {  	v38 =	vld [tilespmem:s31+$0x10630];
	_ =	sdelay $0x2  }
0x11d: {  	v3 =	vmul.f32 v3, v26;
	v4 =	vmul.f32 v37, v28;
	_ =	sdelay $0x1  }
0x11e: {  	v39 =	vmul.f32 v38, v29;
	v3 =	vadd.f32 v4, v3;
	_ =	sdelay $0x1  }
0x11f: {  	v3 =	vadd.f32 v39, v3  }
0x120: {  	s31 =	sor.u32 $0x7, s28  }
0x121: {  	[tilespmem:s30+$0x18630] =	vst v3;
	s30 =	sshll.u32 s31, $0x7  }
0x122: {  	v3 =	vld [tilespmem:s30+$0x600]  }
0x123: {  	v40 =	vld [tilespmem:s30+$0x8600];
	_ =	sdelay $0x1  }
0x124: {  	v42 =	vld [tilespmem:s30+$0x10600]  }
0x125: {  	v41 =	vbroadcast v2, $0x7;
	v43 =	vbroadcast v1, $0x7  }
0x126: {  	v44 =	vbroadcast v0, $0x7  }
0x127: {  	v3 =	vmul.f32 v3, v41;
	v4 =	vmul.f32 v40, v43;
	_ =	sdelay $0x1  }
0x128: {  	v45 =	vmul.f32 v42, v44;
	v3 =	vadd.f32 v4, v3;
	_ =	sdelay $0x1  }
0x129: {  	v3 =	vadd.f32 v45, v3  }
0x12a: {  	s29 =	sshll.u32 s31, $0x6  }
0x12b: {  	[tilespmem:s29+$0x18600] =	vst v3  }
0x12c: {  	v3 =	vld [tilespmem:s30+$0x610]  }
0x12d: {  	v46 =	vld [tilespmem:s30+$0x8610];
	_ =	sdelay $0x1  }
0x12e: {  	v47 =	vld [tilespmem:s30+$0x10610];
	_ =	sdelay $0x2  }
0x12f: {  	v3 =	vmul.f32 v3, v41;
	v4 =	vmul.f32 v46, v43;
	_ =	sdelay $0x1  }
0x130: {  	v48 =	vmul.f32 v47, v44;
	v3 =	vadd.f32 v4, v3;
	_ =	sdelay $0x1  }
0x131: {  	v3 =	vadd.f32 v48, v3  }
0x132: {  	s31 =	sor.u32 $0x50, s29  }
0x133: {  	[tilespmem:s31+$0x18600] =	vst v3  }
0x134: {  	v3 =	vld [tilespmem:s30+$0x620]  }
0x135: {  	v49 =	vld [tilespmem:s30+$0x8620];
	_ =	sdelay $0x1  }
0x136: {  	v50 =	vld [tilespmem:s30+$0x10620];
	_ =	sdelay $0x2  }
0x137: {  	v3 =	vmul.f32 v3, v41;
	v4 =	vmul.f32 v49, v43;
	_ =	sdelay $0x1  }
0x138: {  	v51 =	vmul.f32 v50, v44;
	v3 =	vadd.f32 v4, v3;
	_ =	sdelay $0x1  }
0x139: {  	v3 =	vadd.f32 v51, v3  }
0x13a: {  	s31 =	sor.u32 $0x60, s29  }
0x13b: {  	[tilespmem:s31+$0x18600] =	vst v3  }
0x13c: {  	v3 =	vld [tilespmem:s30+$0x630]  }
0x13d: {  	v52 =	vld [tilespmem:s30+$0x8630];
	_ =	sdelay $0x1  }
0x13e: {  	v53 =	vld [tilespmem:s30+$0x10630];
	_ =	sdelay $0x2  }
0x13f: {  	v3 =	vmul.f32 v3, v41;
	v4 =	vmul.f32 v52, v43;
	_ =	sdelay $0x1  }
0x140: {  	v54 =	vmul.f32 v53, v44;
	v3 =	vadd.f32 v4, v3;
	_ =	sdelay $0x1  }
0x141: {  	v3 =	vadd.f32 v54, v3  }
0x142: {  	s29 =	sor.u32 $0x70, s29;
	s30 =	sor.u32 $0x8, s28  }
0x143: {  	s31 =	sshll.u32 s30, $0x7;
	[tilespmem:s29+$0x18600] =	vst v3  }
0x144: {  	v3 =	vld [tilespmem:s31+$0x600]  }
0x145: {  	v55 =	vld [tilespmem:s31+$0x8600];
	_ =	sdelay $0x1  }
0x146: {  	v57 =	vld [tilespmem:s31+$0x10600]  }
0x147: {  	v56 =	vbroadcast v2, $0x8;
	v58 =	vbroadcast v1, $0x8  }
0x148: {  	v59 =	vbroadcast v0, $0x8  }
0x149: {  	v3 =	vmul.f32 v3, v56;
	v4 =	vmul.f32 v55, v58;
	_ =	sdelay $0x1  }
0x14a: {  	v60 =	vmul.f32 v57, v59;
	v3 =	vadd.f32 v4, v3;
	_ =	sdelay $0x1  }
0x14b: {  	s30 =	sshll.u32 s30, $0x6;
	v3 =	vadd.f32 v60, v3  }
0x14c: {  	s30 =	sand.u32 $0x3FFFFE00, s30  }
0x14d: {  	[tilespmem:s30+$0x18600] =	vst v3  }
0x14e: {  	v3 =	vld [tilespmem:s31+$0x610]  }
0x14f: {  	v61 =	vld [tilespmem:s31+$0x8610];
	_ =	sdelay $0x1  }
0x150: {  	v62 =	vld [tilespmem:s31+$0x10610];
	_ =	sdelay $0x2  }
0x151: {  	v3 =	vmul.f32 v3, v56;
	v4 =	vmul.f32 v61, v58;
	_ =	sdelay $0x1  }
0x152: {  	v63 =	vmul.f32 v62, v59;
	v3 =	vadd.f32 v4, v3;
	_ =	sdelay $0x1  }
0x153: {  	v3 =	vadd.f32 v63, v3;
	_ =	sdelay $0x1  }
0x154: {  	[tilespmem:s30+$0x18610] =	vst v3  }
0x155: {  	v3 =	vld [tilespmem:s31+$0x620]  }
0x156: {  	v9 =	vld [tilespmem:s31+$0x8620];
	_ =	sdelay $0x1  }
0x157: {  	v10 =	vld [tilespmem:s31+$0x10620];
	_ =	sdelay $0x2  }
0x158: {  	v3 =	vmul.f32 v3, v56;
	v4 =	vmul.f32 v9, v58;
	_ =	sdelay $0x1  }
0x159: {  	v11 =	vmul.f32 v10, v59;
	v3 =	vadd.f32 v4, v3;
	_ =	sdelay $0x1  }
0x15a: {  	v3 =	vadd.f32 v11, v3;
	_ =	sdelay $0x1  }
0x15b: {  	[tilespmem:s30+$0x18620] =	vst v3  }
0x15c: {  	v3 =	vld [tilespmem:s31+$0x630]  }
0x15d: {  	v12 =	vld [tilespmem:s31+$0x8630];
	_ =	sdelay $0x1  }
0x15e: {  	v13 =	vld [tilespmem:s31+$0x10630];
	_ =	sdelay $0x2  }
0x15f: {  	v3 =	vmul.f32 v3, v56;
	v4 =	vmul.f32 v12, v58;
	_ =	sdelay $0x1  }
0x160: {  	v14 =	vmul.f32 v13, v59;
	v3 =	vadd.f32 v4, v3;
	_ =	sdelay $0x1  }
0x161: {  	v3 =	vadd.f32 v14, v3  }
0x162: {  	s31 =	sor.u32 $0x9, s28  }
0x163: {  	[tilespmem:s30+$0x18630] =	vst v3;
	s30 =	sshll.u32 s31, $0x7  }
0x164: {  	v3 =	vld [tilespmem:s30+$0x600]  }
0x165: {  	v15 =	vld [tilespmem:s30+$0x8600];
	_ =	sdelay $0x1  }
0x166: {  	v17 =	vld [tilespmem:s30+$0x10600]  }
0x167: {  	v16 =	vbroadcast v2, $0x9;
	v18 =	vbroadcast v1, $0x9  }
0x168: {  	v19 =	vbroadcast v0, $0x9  }
0x169: {  	v3 =	vmul.f32 v3, v16;
	v4 =	vmul.f32 v15, v18;
	_ =	sdelay $0x1  }
0x16a: {  	v20 =	vmul.f32 v17, v19;
	v3 =	vadd.f32 v4, v3;
	_ =	sdelay $0x1  }
0x16b: {  	v3 =	vadd.f32 v20, v3  }
0x16c: {  	s29 =	sshll.u32 s31, $0x6  }
0x16d: {  	[tilespmem:s29+$0x18600] =	vst v3  }
0x16e: {  	v3 =	vld [tilespmem:s30+$0x610]  }
0x16f: {  	v21 =	vld [tilespmem:s30+$0x8610];
	_ =	sdelay $0x1  }
0x170: {  	v22 =	vld [tilespmem:s30+$0x10610];
	_ =	sdelay $0x2  }
0x171: {  	v3 =	vmul.f32 v3, v16;
	v4 =	vmul.f32 v21, v18;
	_ =	sdelay $0x1  }
0x172: {  	v23 =	vmul.f32 v22, v19;
	v3 =	vadd.f32 v4, v3;
	_ =	sdelay $0x1  }
0x173: {  	v3 =	vadd.f32 v23, v3  }
0x174: {  	s31 =	sor.u32 $0x50, s29  }
0x175: {  	[tilespmem:s31+$0x18600] =	vst v3  }
0x176: {  	v3 =	vld [tilespmem:s30+$0x620]  }
0x177: {  	v24 =	vld [tilespmem:s30+$0x8620];
	_ =	sdelay $0x1  }
0x178: {  	v25 =	vld [tilespmem:s30+$0x10620];
	_ =	sdelay $0x2  }
0x179: {  	v3 =	vmul.f32 v3, v16;
	v4 =	vmul.f32 v24, v18;
	_ =	sdelay $0x1  }
0x17a: {  	v26 =	vmul.f32 v25, v19;
	v3 =	vadd.f32 v4, v3;
	_ =	sdelay $0x1  }
0x17b: {  	v3 =	vadd.f32 v26, v3  }
0x17c: {  	s31 =	sor.u32 $0x60, s29  }
0x17d: {  	[tilespmem:s31+$0x18600] =	vst v3  }
0x17e: {  	v3 =	vld [tilespmem:s30+$0x630]  }
0x17f: {  	v27 =	vld [tilespmem:s30+$0x8630];
	_ =	sdelay $0x1  }
0x180: {  	v28 =	vld [tilespmem:s30+$0x10630];
	_ =	sdelay $0x2  }
0x181: {  	v3 =	vmul.f32 v3, v16;
	v4 =	vmul.f32 v27, v18;
	_ =	sdelay $0x1  }
0x182: {  	v29 =	vmul.f32 v28, v19;
	v3 =	vadd.f32 v4, v3;
	_ =	sdelay $0x1  }
0x183: {  	v3 =	vadd.f32 v29, v3  }
0x184: {  	s29 =	sor.u32 $0x70, s29;
	s30 =	sor.u32 $0xA, s28  }
0x185: {  	s31 =	sshll.u32 s30, $0x7;
	[tilespmem:s29+$0x18600] =	vst v3  }
0x186: {  	v3 =	vld [tilespmem:s31+$0x600]  }
0x187: {  	v30 =	vld [tilespmem:s31+$0x8600];
	_ =	sdelay $0x1  }
0x188: {  	v32 =	vld [tilespmem:s31+$0x10600]  }
0x189: {  	v31 =	vbroadcast v2, $0xA;
	v33 =	vbroadcast v1, $0xA  }
0x18a: {  	v34 =	vbroadcast v0, $0xA  }
0x18b: {  	v3 =	vmul.f32 v3, v31;
	v4 =	vmul.f32 v30, v33;
	_ =	sdelay $0x1  }
0x18c: {  	v35 =	vmul.f32 v32, v34;
	v3 =	vadd.f32 v4, v3;
	_ =	sdelay $0x1  }
0x18d: {  	s30 =	sshll.u32 s30, $0x6;
	v3 =	vadd.f32 v35, v3  }
0x18e: {  	s30 =	sand.u32 $0x3FFFFE80, s30  }
0x18f: {  	[tilespmem:s30+$0x18600] =	vst v3  }
0x190: {  	v3 =	vld [tilespmem:s31+$0x610]  }
0x191: {  	v36 =	vld [tilespmem:s31+$0x8610];
	_ =	sdelay $0x1  }
0x192: {  	v37 =	vld [tilespmem:s31+$0x10610];
	_ =	sdelay $0x2  }
0x193: {  	v3 =	vmul.f32 v3, v31;
	v4 =	vmul.f32 v36, v33;
	_ =	sdelay $0x1  }
0x194: {  	v38 =	vmul.f32 v37, v34;
	v3 =	vadd.f32 v4, v3;
	_ =	sdelay $0x1  }
0x195: {  	v3 =	vadd.f32 v38, v3;
	_ =	sdelay $0x1  }
0x196: {  	[tilespmem:s30+$0x18610] =	vst v3  }
0x197: {  	v3 =	vld [tilespmem:s31+$0x620]  }
0x198: {  	v39 =	vld [tilespmem:s31+$0x8620];
	_ =	sdelay $0x1  }
0x199: {  	v40 =	vld [tilespmem:s31+$0x10620];
	_ =	sdelay $0x2  }
0x19a: {  	v3 =	vmul.f32 v3, v31;
	v4 =	vmul.f32 v39, v33;
	_ =	sdelay $0x1  }
0x19b: {  	v41 =	vmul.f32 v40, v34;
	v3 =	vadd.f32 v4, v3;
	_ =	sdelay $0x1  }
0x19c: {  	v3 =	vadd.f32 v41, v3;
	_ =	sdelay $0x1  }
0x19d: {  	[tilespmem:s30+$0x18620] =	vst v3  }
0x19e: {  	v3 =	vld [tilespmem:s31+$0x630]  }
0x19f: {  	v42 =	vld [tilespmem:s31+$0x8630];
	_ =	sdelay $0x1  }
0x1a0: {  	v43 =	vld [tilespmem:s31+$0x10630];
	_ =	sdelay $0x2  }
0x1a1: {  	v3 =	vmul.f32 v3, v31;
	v4 =	vmul.f32 v42, v33;
	_ =	sdelay $0x1  }
0x1a2: {  	v44 =	vmul.f32 v43, v34;
	v3 =	vadd.f32 v4, v3;
	_ =	sdelay $0x1  }
0x1a3: {  	v3 =	vadd.f32 v44, v3  }
0x1a4: {  	s31 =	sor.u32 $0xB, s28  }
0x1a5: {  	[tilespmem:s30+$0x18630] =	vst v3;
	s30 =	sshll.u32 s31, $0x7  }
0x1a6: {  	v3 =	vld [tilespmem:s30+$0x600]  }
0x1a7: {  	v45 =	vld [tilespmem:s30+$0x8600];
	_ =	sdelay $0x1  }
0x1a8: {  	v47 =	vld [tilespmem:s30+$0x10600]  }
0x1a9: {  	v46 =	vbroadcast v2, $0xB;
	v48 =	vbroadcast v1, $0xB  }
0x1aa: {  	v49 =	vbroadcast v0, $0xB  }
0x1ab: {  	v3 =	vmul.f32 v3, v46;
	v4 =	vmul.f32 v45, v48;
	_ =	sdelay $0x1  }
0x1ac: {  	v50 =	vmul.f32 v47, v49;
	v3 =	vadd.f32 v4, v3;
	_ =	sdelay $0x1  }
0x1ad: {  	v3 =	vadd.f32 v50, v3  }
0x1ae: {  	s29 =	sshll.u32 s31, $0x6  }
0x1af: {  	[tilespmem:s29+$0x18600] =	vst v3  }
0x1b0: {  	v3 =	vld [tilespmem:s30+$0x610]  }
0x1b1: {  	v51 =	vld [tilespmem:s30+$0x8610];
	_ =	sdelay $0x1  }
0x1b2: {  	v52 =	vld [tilespmem:s30+$0x10610];
	_ =	sdelay $0x2  }
0x1b3: {  	v3 =	vmul.f32 v3, v46;
	v4 =	vmul.f32 v51, v48;
	_ =	sdelay $0x1  }
0x1b4: {  	v53 =	vmul.f32 v52, v49;
	v3 =	vadd.f32 v4, v3;
	_ =	sdelay $0x1  }
0x1b5: {  	v3 =	vadd.f32 v53, v3  }
0x1b6: {  	s31 =	sor.u32 $0x50, s29  }
0x1b7: {  	[tilespmem:s31+$0x18600] =	vst v3  }
0x1b8: {  	v3 =	vld [tilespmem:s30+$0x620]  }
0x1b9: {  	v54 =	vld [tilespmem:s30+$0x8620];
	_ =	sdelay $0x1  }
0x1ba: {  	v55 =	vld [tilespmem:s30+$0x10620];
	_ =	sdelay $0x2  }
0x1bb: {  	v3 =	vmul.f32 v3, v46;
	v4 =	vmul.f32 v54, v48;
	_ =	sdelay $0x1  }
0x1bc: {  	v56 =	vmul.f32 v55, v49;
	v3 =	vadd.f32 v4, v3;
	_ =	sdelay $0x1  }
0x1bd: {  	v3 =	vadd.f32 v56, v3  }
0x1be: {  	s31 =	sor.u32 $0x60, s29  }
0x1bf: {  	[tilespmem:s31+$0x18600] =	vst v3  }
0x1c0: {  	v3 =	vld [tilespmem:s30+$0x630]  }
0x1c1: {  	v57 =	vld [tilespmem:s30+$0x8630];
	_ =	sdelay $0x1  }
0x1c2: {  	v58 =	vld [tilespmem:s30+$0x10630];
	_ =	sdelay $0x2  }
0x1c3: {  	v3 =	vmul.f32 v3, v46;
	v4 =	vmul.f32 v57, v48;
	_ =	sdelay $0x1  }
0x1c4: {  	v59 =	vmul.f32 v58, v49;
	v3 =	vadd.f32 v4, v3;
	_ =	sdelay $0x1  }
0x1c5: {  	v3 =	vadd.f32 v59, v3  }
0x1c6: {  	s29 =	sor.u32 $0x70, s29;
	s30 =	sor.u32 $0xC, s28  }
0x1c7: {  	s31 =	sshll.u32 s30, $0x7;
	[tilespmem:s29+$0x18600] =	vst v3  }
0x1c8: {  	v3 =	vld [tilespmem:s31+$0x600]  }
0x1c9: {  	v60 =	vld [tilespmem:s31+$0x8600];
	_ =	sdelay $0x1  }
0x1ca: {  	v62 =	vld [tilespmem:s31+$0x10600]  }
0x1cb: {  	v61 =	vbroadcast v2, $0xC;
	v63 =	vbroadcast v1, $0xC  }
0x1cc: {  	v12 =	vbroadcast v0, $0xC  }
0x1cd: {  	v3 =	vmul.f32 v3, v61;
	v4 =	vmul.f32 v60, v63;
	_ =	sdelay $0x1  }
0x1ce: {  	v13 =	vmul.f32 v62, v12;
	v3 =	vadd.f32 v4, v3;
	_ =	sdelay $0x1  }
0x1cf: {  	s30 =	sshll.u32 s30, $0x6;
	v3 =	vadd.f32 v13, v3  }
0x1d0: {  	s30 =	sand.u32 $0x3FFFFF00, s30  }
0x1d1: {  	[tilespmem:s30+$0x18600] =	vst v3  }
0x1d2: {  	v3 =	vld [tilespmem:s31+$0x610]  }
0x1d3: {  	v14 =	vld [tilespmem:s31+$0x8610];
	_ =	sdelay $0x1  }
0x1d4: {  	v15 =	vld [tilespmem:s31+$0x10610];
	_ =	sdelay $0x2  }
0x1d5: {  	v3 =	vmul.f32 v3, v61;
	v4 =	vmul.f32 v14, v63;
	_ =	sdelay $0x1  }
0x1d6: {  	v16 =	vmul.f32 v15, v12;
	v3 =	vadd.f32 v4, v3;
	_ =	sdelay $0x1  }
0x1d7: {  	v3 =	vadd.f32 v16, v3;
	_ =	sdelay $0x1  }
0x1d8: {  	[tilespmem:s30+$0x18610] =	vst v3  }
0x1d9: {  	v3 =	vld [tilespmem:s31+$0x620]  }
0x1da: {  	v17 =	vld [tilespmem:s31+$0x8620];
	_ =	sdelay $0x1  }
0x1db: {  	v18 =	vld [tilespmem:s31+$0x10620];
	_ =	sdelay $0x2  }
0x1dc: {  	v3 =	vmul.f32 v3, v61;
	v4 =	vmul.f32 v17, v63;
	_ =	sdelay $0x1  }
0x1dd: {  	v19 =	vmul.f32 v18, v12;
	v3 =	vadd.f32 v4, v3;
	_ =	sdelay $0x1  }
0x1de: {  	v3 =	vadd.f32 v19, v3;
	_ =	sdelay $0x1  }
0x1df: {  	[tilespmem:s30+$0x18620] =	vst v3  }
0x1e0: {  	v3 =	vld [tilespmem:s31+$0x630]  }
0x1e1: {  	v20 =	vld [tilespmem:s31+$0x8630];
	_ =	sdelay $0x1  }
0x1e2: {  	v21 =	vld [tilespmem:s31+$0x10630];
	_ =	sdelay $0x2  }
0x1e3: {  	v3 =	vmul.f32 v3, v61;
	v4 =	vmul.f32 v20, v63;
	_ =	sdelay $0x1  }
0x1e4: {  	v22 =	vmul.f32 v21, v12;
	v3 =	vadd.f32 v4, v3;
	_ =	sdelay $0x1  }
0x1e5: {  	v3 =	vadd.f32 v22, v3  }
0x1e6: {  	s31 =	sor.u32 $0xD, s28  }
0x1e7: {  	[tilespmem:s30+$0x18630] =	vst v3;
	s30 =	sshll.u32 s31, $0x7  }
0x1e8: {  	v3 =	vld [tilespmem:s30+$0x600]  }
0x1e9: {  	v23 =	vld [tilespmem:s30+$0x8600];
	_ =	sdelay $0x1  }
0x1ea: {  	v25 =	vld [tilespmem:s30+$0x10600]  }
0x1eb: {  	v24 =	vbroadcast v2, $0xD;
	v26 =	vbroadcast v1, $0xD  }
0x1ec: {  	v27 =	vbroadcast v0, $0xD  }
0x1ed: {  	v3 =	vmul.f32 v3, v24;
	v4 =	vmul.f32 v23, v26;
	_ =	sdelay $0x1  }
0x1ee: {  	v28 =	vmul.f32 v25, v27;
	v3 =	vadd.f32 v4, v3;
	_ =	sdelay $0x1  }
0x1ef: {  	v3 =	vadd.f32 v28, v3  }
0x1f0: {  	s29 =	sshll.u32 s31, $0x6  }
0x1f1: {  	[tilespmem:s29+$0x18600] =	vst v3  }
0x1f2: {  	v3 =	vld [tilespmem:s30+$0x610]  }
0x1f3: {  	v29 =	vld [tilespmem:s30+$0x8610];
	_ =	sdelay $0x1  }
0x1f4: {  	v30 =	vld [tilespmem:s30+$0x10610];
	_ =	sdelay $0x2  }
0x1f5: {  	v3 =	vmul.f32 v3, v24;
	v4 =	vmul.f32 v29, v26;
	_ =	sdelay $0x1  }
0x1f6: {  	v31 =	vmul.f32 v30, v27;
	v3 =	vadd.f32 v4, v3;
	_ =	sdelay $0x1  }
0x1f7: {  	v3 =	vadd.f32 v31, v3  }
0x1f8: {  	s31 =	sor.u32 $0x50, s29  }
0x1f9: {  	[tilespmem:s31+$0x18600] =	vst v3  }
0x1fa: {  	v3 =	vld [tilespmem:s30+$0x620]  }
0x1fb: {  	v32 =	vld [tilespmem:s30+$0x8620];
	_ =	sdelay $0x1  }
0x1fc: {  	v33 =	vld [tilespmem:s30+$0x10620];
	_ =	sdelay $0x2  }
0x1fd: {  	v3 =	vmul.f32 v3, v24;
	v4 =	vmul.f32 v32, v26;
	_ =	sdelay $0x1  }
0x1fe: {  	v34 =	vmul.f32 v33, v27;
	v3 =	vadd.f32 v4, v3;
	_ =	sdelay $0x1  }
0x1ff: {  	v3 =	vadd.f32 v34, v3  }
0x200: {  	s31 =	sor.u32 $0x60, s29  }
0x201: {  	[tilespmem:s31+$0x18600] =	vst v3  }
0x202: {  	v3 =	vld [tilespmem:s30+$0x630]  }
0x203: {  	v35 =	vld [tilespmem:s30+$0x8630];
	_ =	sdelay $0x1  }
0x204: {  	v36 =	vld [tilespmem:s30+$0x10630];
	_ =	sdelay $0x2  }
0x205: {  	v3 =	vmul.f32 v3, v24;
	v4 =	vmul.f32 v35, v26;
	_ =	sdelay $0x1  }
0x206: {  	v37 =	vmul.f32 v36, v27;
	v3 =	vadd.f32 v4, v3;
	_ =	sdelay $0x1  }
0x207: {  	v3 =	vadd.f32 v37, v3  }
0x208: {  	s28 =	sor.u32 $0xE, s28;
	s29 =	sor.u32 $0x70, s29  }
0x209: {  	s31 =	sshll.u32 s28, $0x7;
	[tilespmem:s29+$0x18600] =	vst v3  }
0x20a: {  	v3 =	vld [tilespmem:s31+$0x600]  }
0x20b: {  	v38 =	vld [tilespmem:s31+$0x8600];
	_ =	sdelay $0x1  }
0x20c: {  	v40 =	vld [tilespmem:s31+$0x10600]  }
0x20d: {  	v39 =	vbroadcast v2, $0xE;
	v41 =	vbroadcast v1, $0xE  }
0x20e: {  	v42 =	vbroadcast v0, $0xE  }
0x20f: {  	v3 =	vmul.f32 v3, v39;
	v4 =	vmul.f32 v38, v41;
	_ =	sdelay $0x1  }
0x210: {  	v43 =	vmul.f32 v40, v42;
	v3 =	vadd.f32 v4, v3;
	_ =	sdelay $0x1  }
0x211: {  	s28 =	sshll.u32 s28, $0x6;
	v3 =	vadd.f32 v43, v3  }
0x212: {  	s28 =	sand.u32 $0x3FFFFF80, s28  }
0x213: {  	[tilespmem:s28+$0x18600] =	vst v3  }
0x214: {  	v3 =	vld [tilespmem:s31+$0x610]  }
0x215: {  	v44 =	vld [tilespmem:s31+$0x8610];
	_ =	sdelay $0x1  }
0x216: {  	v45 =	vld [tilespmem:s31+$0x10610];
	_ =	sdelay $0x2  }
0x217: {  	v3 =	vmul.f32 v3, v39;
	v4 =	vmul.f32 v44, v41;
	_ =	sdelay $0x1  }
0x218: {  	v46 =	vmul.f32 v45, v42;
	v3 =	vadd.f32 v4, v3;
	_ =	sdelay $0x1  }
0x219: {  	v3 =	vadd.f32 v46, v3;
	_ =	sdelay $0x1  }
0x21a: {  	[tilespmem:s28+$0x18610] =	vst v3  }
0x21b: {  	v3 =	vld [tilespmem:s31+$0x620]  }
0x21c: {  	v47 =	vld [tilespmem:s31+$0x8620];
	_ =	sdelay $0x1  }
0x21d: {  	v48 =	vld [tilespmem:s31+$0x10620];
	_ =	sdelay $0x2  }
0x21e: {  	v3 =	vmul.f32 v3, v39;
	v4 =	vmul.f32 v47, v41;
	_ =	sdelay $0x1  }
0x21f: {  	v49 =	vmul.f32 v48, v42;
	v3 =	vadd.f32 v4, v3;
	_ =	sdelay $0x1  }
0x220: {  	v3 =	vadd.f32 v49, v3;
	_ =	sdelay $0x1  }
0x221: {  	[tilespmem:s28+$0x18620] =	vst v3  }
0x222: {  	v3 =	vld [tilespmem:s31+$0x630]  }
0x223: {  	v50 =	vld [tilespmem:s31+$0x8630];
	_ =	sdelay $0x1  }
0x224: {  	v51 =	vld [tilespmem:s31+$0x10630];
	_ =	sdelay $0x2  }
0x225: {  	v3 =	vmul.f32 v3, v39;
	v4 =	vmul.f32 v50, v41;
	_ =	sdelay $0x1  }
0x226: {  	v52 =	vmul.f32 v51, v42;
	v3 =	vadd.f32 v4, v3;
	_ =	sdelay $0x1  }
0x227: {  	v3 =	vadd.f32 v52, v3  }
0x228: {  	s30 =	sshllo.u32 s26, $0x4  }
0x229: {  	[tilespmem:s28+$0x18630] =	vst v3;
	s28 =	sshll.u32 s30, $0x7  }
0x22a: {  	v3 =	vld [tilespmem:s28+$0x600]  }
0x22b: {  	v53 =	vld [tilespmem:s28+$0x8600];
	_ =	sdelay $0x1  }
0x22c: {  	v54 =	vld [tilespmem:s28+$0x10600]  }
0x22d: {  	v2 =	vbroadcast v2, $0xF;
	v1 =	vbroadcast v1, $0xF  }
0x22e: {  	v0 =	vbroadcast v0, $0xF  }
0x22f: {  	v3 =	vmul.f32 v3, v2;
	v4 =	vmul.f32 v53, v1;
	_ =	sdelay $0x1  }
0x230: {  	v55 =	vmul.f32 v54, v0;
	v3 =	vadd.f32 v4, v3;
	_ =	sdelay $0x1  }
0x231: {  	v3 =	vadd.f32 v55, v3  }
0x232: {  	s29 =	sshll.u32 s30, $0x6  }
0x233: {  	[tilespmem:s29+$0x18600] =	vst v3  }
0x234: {  	v3 =	vld [tilespmem:s28+$0x610]  }
0x235: {  	v56 =	vld [tilespmem:s28+$0x8610];
	_ =	sdelay $0x1  }
0x236: {  	v57 =	vld [tilespmem:s28+$0x10610];
	_ =	sdelay $0x2  }
0x237: {  	v3 =	vmul.f32 v3, v2;
	v4 =	vmul.f32 v56, v1;
	_ =	sdelay $0x1  }
0x238: {  	v58 =	vmul.f32 v57, v0;
	v3 =	vadd.f32 v4, v3;
	_ =	sdelay $0x1  }
0x239: {  	v3 =	vadd.f32 v58, v3  }
0x23a: {  	s31 =	sor.u32 $0x50, s29  }
0x23b: {  	[tilespmem:s31+$0x18600] =	vst v3  }
0x23c: {  	v3 =	vld [tilespmem:s28+$0x620]  }
0x23d: {  	v59 =	vld [tilespmem:s28+$0x8620];
	_ =	sdelay $0x1  }
0x23e: {  	v60 =	vld [tilespmem:s28+$0x10620];
	_ =	sdelay $0x2  }
0x23f: {  	v3 =	vmul.f32 v3, v2;
	v4 =	vmul.f32 v59, v1;
	_ =	sdelay $0x1  }
0x240: {  	v61 =	vmul.f32 v60, v0;
	v3 =	vadd.f32 v4, v3;
	_ =	sdelay $0x1  }
0x241: {  	v3 =	vadd.f32 v61, v3  }
0x242: {  	s31 =	sor.u32 $0x60, s29  }
0x243: {  	[tilespmem:s31+$0x18600] =	vst v3  }
0x244: {  	v3 =	vld [tilespmem:s28+$0x630]  }
0x245: {  	v62 =	vld [tilespmem:s28+$0x8630];
	_ =	sdelay $0x1  }
0x246: {  	v63 =	vld [tilespmem:s28+$0x10630];
	_ =	sdelay $0x2  }
0x247: {  	v2 =	vmul.f32 v3, v2;
	v1 =	vmul.f32 v62, v1  }
0x248: {  	p1 =	sne.s32 s26, $0xF  }
.Ltmp0:
0x249: {  	v0 =	vmul.f32 v63, v0;
	v1 =	vadd.f32 v1, v2;
	(pc) =	sbr.rel @p1 .LBB2_3-.Ltmp0, $4  }
0x24a: {  	_ = 	snop  }
0x24b: {  	v0 =	vadd.f32 v0, v1  }
0x24c: {  	s31 =	sor.u32 $0x70, s29  }
0x24d: {  	s26 =	sadd.s32 $0x1, s26;
	[tilespmem:s31+$0x18600] =	vst v0  }
0x24e: {  	s25 =	sshll.u32 s25, $0x3  }
.Ltmp1:
0x24f: {  	s25 =	sadd.s32 s3, s25;
	(pc) =	sbr.rel @p0 .LBB2_2-.Ltmp1, $4  }
0x250: {  	[hbm4b:s25+s4] =	stream.linear.scatter [tilespmem:s23], [sflag:$0x2], $0x4000, $0x38;
	[tilespmem:$0x1C600] =	vst v63  }
0x251: {  	_ =	swait.ge [sflag:s13], $0x4000  }
0x252: {  	[sflag:s13] =	ssyncset.done $0x0  }
0x253: {  	p1 =	por $0x0, $0x0;
	s25 =	simm.s32 $0x100;
	[sflag:s13] =	ssyncadd.s32 $0xFFFFC000  }
0x254: {  	s24 =	sadd.s32 $0x1, s24  }
0x255: {  	p0 =	sne.s32 s24, s12  }
.Ltmp2:
0x256: {  	_ = 	snop;
	(pc) =	sbr.rel @p0 .LBB2_1-.Ltmp2, $1  }
0x257: {  	_ =	sdelay $0x3  }
0x258: {  	_ =	sfence.sel $0x180000  }
0x259: {  	[bflag:$0x0] =	sbarrier.arrive $0xFFFF  }
0x25a: {  	p0 =	sne.s32 s6, $0x0;
	_ =	strace $0x90000047  }
0x25b: {  	s0 =	sadd.s32 @!p0 $0x100000, s0;
	[bflag:$0x2] =	sbarrier.arrive $0xFFFF  }
0x25c: {  	[sflag:s0] =	ssyncadd.tile.s32 @!p0 $0x1;
	_ =	shalt  }
.Lfunc_end2:
_tile_overlayer_lowered:
.L_overlay_start_2:
0x25d: {  	(tag) =	ssettag $0x2  }
0x25e: {  	s0 =	rddreg [dreg:$0x0];
	s2 =	stileid.u32  }
0x25f: {  	s1 =	rddreg [dreg:$0x1];
	p0 =	sne.s32 s2, $0x0  }
0x260: {  	s3 =	rddreg [dreg:$0x2];
	[bflag:$0x3] =	sbarrier.arrive $0xFFFF;
	s2 =	simm.s32 @!p0 $0x1C02  }
0x261: {  	[timem:s3], [sflag:s2] =	dma.local @!p0 [hbm:s0], s1  }
0x262: {  	s0 =	simm.s32 @!p0 $0x2  }
0x263: {  	_ =	swait.ge @!p0 [sflag:s0], s1  }
0x264: {  	s1 =	ssub.s32 @!p0 $0x0, s1;
	[sflag:s0] =	ssyncset.done @!p0 $0x0  }
0x265: {  	[sflag:s0] =	ssyncadd.s32 @!p0 s1  }
0x266: {  	[bflag:$0x3] =	sbarrier.arrive $0xFFFF  }
0x267: {  	_ =	shalt  }

</sc_bundles>
